<compile_context>
chip_gen: v7x
topology: tpu7x:2x2x1
jax: 0.10.2.dev20260603
libtpu: 0.0.44.dev20260713+nightly
codegen_flags: <defaults>
</compile_context>

<pallas_src>
import functools

import jax
import jax.numpy as jnp
from jax.experimental import pallas as pl

B, C, N, H = 256, 128, 2048, 64
M = 50
MP = 64
RP = 16
RM = 32


def _rowsum_sublanes(x):
    return jnp.sum(x, axis=0, keepdims=True)


def _rowsum_lanes(x):
    acc = x[:, 0:128]
    for c in range(1, 16):
        acc = acc + x[:, 128 * c:128 * c + 128]
    dsum = acc[:, 0:8]
    for j in range(1, 16):
        dsum = dsum + acc[:, 8 * j:8 * j + 8]
    t = dsum[:, 0:4] + dsum[:, 4:8]
    u = t[:, 0:2] + t[:, 2:4]
    return (u[:, 0:1] + u[:, 1:2])[0, 0]


def _prob_kernel(ft_ref, xy_ref, whi_ref, g_ref, b_ref, w2_ref,
                 probs_ref):
    w2b = w2_ref[...].astype(jnp.bfloat16).reshape(1, H)
    for r in range(RP):
        fcol = ft_ref[r]
        xy = xy_ref[r]
        fb = fcol.astype(jnp.bfloat16)
        xyb = xy.astype(jnp.bfloat16)
        featm = jnp.concatenate(
            [jnp.broadcast_to(fb, (C, N)), xyb], axis=0)
        h = jax.lax.dot_general(whi_ref[...], featm, (((1,), (0,)), ((), ())),
                                preferred_element_type=jnp.float32)
        hsum = _rowsum_sublanes(h)
        mu = hsum * jnp.float32(0.015625)
        d = h - mu
        vsum = _rowsum_sublanes(d * d)
        sd = jnp.sqrt(vsum * jnp.float32(0.015625) + jnp.float32(1e-5))
        z = (d / sd) * g_ref[...] + b_ref[...]
        zl = jnp.where(z >= 0, z, jnp.float32(0.01) * z)
        logits = jax.lax.dot_general(
            w2b, zl.astype(jnp.bfloat16), (((1,), (0,)), ((), ())),
            preferred_element_type=jnp.float32)
        lmax = jnp.max(logits)
        e = jnp.exp(logits - lmax)
        ssum = _rowsum_lanes(e)
        probs_ref[r] = e / ssum


def _compute_probs(feat_t, tc_t, whi, g1c, b1c, w2c):
    return pl.pallas_call(
        _prob_kernel,
        grid=(B // RP,),
        in_specs=[
            pl.BlockSpec((RP, C, 1), lambda b: (b, 0, 0)),
            pl.BlockSpec((RP, 2, N), lambda b: (b, 0, 0)),
            pl.BlockSpec((H, C + 2), lambda b: (0, 0)),
            pl.BlockSpec((H, 1), lambda b: (0, 0)),
            pl.BlockSpec((H, 1), lambda b: (0, 0)),
            pl.BlockSpec((H, 1), lambda b: (0, 0)),
        ],
        out_specs=pl.BlockSpec((RP, 1, N), lambda b: (b, 0, 0)),
        out_shape=jax.ShapeDtypeStruct((B, 1, N), jnp.float32),
    )(feat_t, tc_t, whi, g1c, b1c, w2c)


def _mean_kernel(ft_ref, cs_ref, ns_ref, wm1a_ref, wm1c_ref, g_ref, b_ref,
                 wm2_ref, out_ref):
    basem_all = jax.lax.dot_general(
        wm1a_ref[...], ft_ref[...].reshape(RM, C).T,
        (((1,), (0,)), ((), ())),
        preferred_element_type=jnp.float32)
    for r in range(RM):
        basem = basem_all[:, r:r + 1]
        cs = cs_ref[r]
        hm = jax.lax.dot_general(wm1c_ref[...], cs, (((1,), (0,)), ((), ())),
                                 preferred_element_type=jnp.float32) + basem
        mu = jnp.mean(hm, axis=0, keepdims=True)
        d = hm - mu
        var = jnp.mean(d * d, axis=0, keepdims=True)
        z = d / jnp.sqrt(var + jnp.float32(1e-5)) * g_ref[...] + b_ref[...]
        zl = jnp.where(z >= 0, z, jnp.float32(0.01) * z)
        out = jax.lax.dot_general(wm2_ref[...], zl, (((1,), (0,)), ((), ())),
                                  preferred_element_type=jnp.float32)
        out_ref[r] = out + ns_ref[r]


def _compute_mean(feat_t, cs_t, ns_t, wm1a, wm1c, g2c, b2c, wm2):
    return pl.pallas_call(
        _mean_kernel,
        grid=(B // RM,),
        in_specs=[
            pl.BlockSpec((RM, C, 1), lambda b: (b, 0, 0)),
            pl.BlockSpec((RM, 2, MP), lambda b: (b, 0, 0)),
            pl.BlockSpec((RM, 2, MP), lambda b: (b, 0, 0)),
            pl.BlockSpec((H, C), lambda b: (0, 0)),
            pl.BlockSpec((H, 2), lambda b: (0, 0)),
            pl.BlockSpec((H, 1), lambda b: (0, 0)),
            pl.BlockSpec((H, 1), lambda b: (0, 0)),
            pl.BlockSpec((2, H), lambda b: (0, 0)),
        ],
        out_specs=pl.BlockSpec((RM, 2, MP), lambda b: (b, 0, 0)),
        out_shape=jax.ShapeDtypeStruct((B, 2, MP), jnp.float32),
    )(feat_t, cs_t, ns_t, wm1a, wm1c, g2c, b2c, wm2)


@functools.lru_cache(maxsize=1)
def _noise_const():
    return jax.random.normal(jax.random.key(1234), (B, N, 2), jnp.float32)


@jax.jit
def _kernel_impl(feat_in, tar_candidate, Wp1, g1, b1, Wp2, Wm1, g2, b2, Wm2,
                 noise):
    feat_t = feat_in.reshape(B, C, 1)
    tc_t = tar_candidate.transpose(0, 2, 1)
    whi = Wp1.astype(jnp.bfloat16)
    g1c = g1.reshape(H, 1)
    b1c = b1.reshape(H, 1)
    w2c = Wp2.reshape(H, 1)

    probs = _compute_probs(feat_t, tc_t, whi, g1c, b1c, w2c).reshape(B, N)

    _, idx = jax.lax.top_k(probs, M)
    cand_sel = jnp.take_along_axis(tar_candidate, idx[:, :, None], axis=1)
    noise_sel = jnp.take_along_axis(noise, idx[:, :, None], axis=1)

    pad_cfg = ((0, 0), (0, 0), (0, MP - M))
    cs_t = jnp.pad(cand_sel.transpose(0, 2, 1), pad_cfg)
    ns_t = jnp.pad(noise_sel.transpose(0, 2, 1), pad_cfg)
    off_pad = _compute_mean(feat_t, cs_t, ns_t, Wm1[:, :C], Wm1[:, C:],
                            g2.reshape(H, 1), b2.reshape(H, 1), Wm2)
    off_sel = off_pad.transpose(0, 2, 1)[:, :M, :]
    return cand_sel, off_sel


def kernel(feat_in, tar_candidate, Wp1, g1, b1, Wp2, Wm1, g2, b2, Wm2):
    return _kernel_impl(feat_in, tar_candidate, Wp1, g1, b1, Wp2,
                        Wm1, g2, b2, Wm2, _noise_const())

# --- scband reference (transcript-rebuilt; emitter-appended) ---
"""Pipeline reference for scband-target-pred-70763881169563 (READ-ONLY COPY).

The authoritative reference and input builder live on the scoring server;
editing this copy changes nothing except your own understanding.
"""

import jax, jax.numpy as jnp
import numpy as np

M_TOPK = 50

def _layernorm(x, g, b, eps=1e-5):
    mu = jnp.mean(x, axis=-1, keepdims=True)
    var = jnp.mean((x - mu) ** 2, axis=-1, keepdims=True)
    return (x - mu) / jnp.sqrt(var + eps) * g + b

def _leaky_relu(x, slope=0.01):
    return jnp.where(x >= 0, x, slope * x)

def setup_inputs(seed: int = 0) -> dict:
    key = jax.random.key(seed)
    ks = [jax.random.fold_in(key, i) for i in range(12)]
    B, C, N, H = 256, 128, 2048, 64
    feat_in = jax.random.normal(ks[0], (B, C), dtype=jnp.float32)
    tar_candidate = jax.random.normal(ks[1], (B, N, 2), dtype=jnp.float32)
    # prob_mlp params: Linear(C+2->H, no bias), LayerNorm(H), Linear(H->1, no bias)
    s1 = 1.0 / np.sqrt(C + 2)
    s2 = 1.0 / np.sqrt(H)
    Wp1 = jax.random.uniform(ks[2], (H, C + 2), jnp.float32, -s1, s1)
    g1 = jnp.ones((H,), jnp.float32)
    b1 = jnp.zeros((H,), jnp.float32)
    Wp2 = jax.random.uniform(ks[3], (1, H), jnp.float32, -s2, s2)
    # mean_mlp params
    Wm1 = jax.random.uniform(ks[4], (H, C + 2), jnp.float32, -s1, s1)
    g2 = jnp.ones((H,), jnp.float32)
    b2 = jnp.zeros((H,), jnp.float32)
    Wm2 = jax.random.uniform(ks[5], (2, H), jnp.float32, -s2, s2)
    return {"feat_in": feat_in, "tar_candidate": tar_candidate,
            "Wp1": Wp1, "g1": g1, "b1": b1, "Wp2": Wp2,
            "Wm1": Wm1, "g2": g2, "b2": b2, "Wm2": Wm2}

def reference(feat_in, tar_candidate, Wp1, g1, b1, Wp2, Wm1, g2, b2, Wm2):
    B, C = feat_in.shape
    N = tar_candidate.shape[1]
    feat_rep = jnp.broadcast_to(feat_in[:, None, :], (B, N, C))
    feat = jnp.concatenate([feat_rep, tar_candidate.astype(jnp.float32)], axis=2)  # [B,N,C+2]
    # prob branch
    h = feat @ Wp1.T
    h = _leaky_relu(_layernorm(h, g1, b1))
    logits = (h @ Wp2.T)[..., 0]  # [B,N]
    tar_candit_prob = jax.nn.softmax(logits, axis=-1)
    # mean branch
    hm = feat @ Wm1.T
    hm = _leaky_relu(_layernorm(hm, g2, b2))
    tar_offset_mean = hm @ Wm2.T  # [B,N,2]
    noise = jax.random.normal(jax.random.key(1234), tar_offset_mean.shape, tar_offset_mean.dtype)
    offset = tar_offset_mean + noise  # torch.normal(mean, std=1.0)
    # top-M selection over candidates
    _, indices = jax.lax.top_k(tar_candit_prob, M_TOPK)  # [B,M]
    cand_sel = jnp.take_along_axis(tar_candidate, indices[:, :, None], axis=1)  # [B,M,2]
    off_sel = jnp.take_along_axis(offset, indices[:, :, None], axis=1)  # [B,M,2]
    return cand_sel, off_sel

if __name__ == "__main__":
    import jax
    _d = setup_inputs()
    print(jax.jit(kernel)(*tuple(_d.values())))

</pallas_src>

<mosaic_0001>
module attributes {stable_mosaic.version = 14 : i64} {
  func.func @_prob_kernel(%arg0: i32, %arg1: memref<16x128x1xf32, #tpu.memory_space<vmem>>, %arg2: memref<16x2x2048xf32, #tpu.memory_space<vmem>>, %arg3: memref<64x130xbf16, #tpu.memory_space<vmem>>, %arg4: memref<64x1xf32, #tpu.memory_space<vmem>>, %arg5: memref<64x1xf32, #tpu.memory_space<vmem>>, %arg6: memref<64x1xf32, #tpu.memory_space<vmem>>, %arg7: memref<16x1x2048xf32, #tpu.memory_space<vmem>>) attributes {dimension_semantics = [#tpu.dimension_semantics<arbitrary>], iteration_bounds = array<i64: 16>, scalar_prefetch = 0 : i64, scratch_operands = 0 : i64, tpu.core_type = #tpu.core_type<tc>, window_params = [{transform_indices = @transform_0, window_bounds = array<i64: 16, 128, 1>}, {transform_indices = @transform_1, window_bounds = array<i64: 16, 2, 2048>}, {pipeline_mode = #tpu.pipeline_mode<synchronous>, transform_indices = @transform_2, window_bounds = array<i64: 64, 130>}, {pipeline_mode = #tpu.pipeline_mode<synchronous>, transform_indices = @transform_3, window_bounds = array<i64: 64, 1>}, {pipeline_mode = #tpu.pipeline_mode<synchronous>, transform_indices = @transform_4, window_bounds = array<i64: 64, 1>}, {pipeline_mode = #tpu.pipeline_mode<synchronous>, transform_indices = @transform_5, window_bounds = array<i64: 64, 1>}, {transform_indices = @transform_6, window_bounds = array<i64: 16, 1, 2048>}]} {
    %get3A = arith.constant 0 : index
    %get3A_0 = arith.constant 0 : index
    %get3A_1 = vector.load %arg6[%get3A, %get3A_0] : memref<64x1xf32, #tpu.memory_space<vmem>>, vector<64x1xf32>
    %convert_element_type3A = arith.truncf %get3A_1 : vector<64x1xf32> to vector<64x1xbf16>
    %reshape3A = vector.shape_cast %convert_element_type3A : vector<64x1xbf16> to vector<1x64xbf16>
    %get3A_2 = arith.constant 0 : index
    %get3A_3 = arith.constant 0 : index
    %get3A_4 = arith.constant 0 : index
    %get3A_5 = vector.load %arg1[%get3A_2, %get3A_3, %get3A_4] : memref<16x128x1xf32, #tpu.memory_space<vmem>>, vector<1x128x1xf32>
    %get3A_6 = vector.shape_cast %get3A_5 : vector<1x128x1xf32> to vector<128x1xf32>
    %get3A_7 = arith.constant 0 : index
    %get3A_8 = arith.constant 0 : index
    %get3A_9 = arith.constant 0 : index
    %get3A_10 = vector.load %arg2[%get3A_7, %get3A_8, %get3A_9] : memref<16x2x2048xf32, #tpu.memory_space<vmem>>, vector<1x2x2048xf32>
    %get3A_11 = vector.shape_cast %get3A_10 : vector<1x2x2048xf32> to vector<2x2048xf32>
    %convert_element_type3A_12 = arith.truncf %get3A_6 : vector<128x1xf32> to vector<128x1xbf16>
    %convert_element_type3A_13 = arith.truncf %get3A_11 : vector<2x2048xf32> to vector<2x2048xbf16>
    %broadcast_in_dim3A = vector.shape_cast %convert_element_type3A_12 : vector<128x1xbf16> to vector<128x1xbf16>
    %broadcast_in_dim3A_14 = vector.broadcast %broadcast_in_dim3A : vector<128x1xbf16> to vector<128x2048xbf16>
    %concatenate3A = tpu.concatenate %broadcast_in_dim3A_14, %convert_element_type3A_13 in 0 : vector<128x2048xbf16>, vector<2x2048xbf16> -> vector<130x2048xbf16>
    %get3A_15 = arith.constant 0 : index
    %get3A_16 = arith.constant 0 : index
    %get3A_17 = vector.load %arg3[%get3A_15, %get3A_16] : memref<64x130xbf16, #tpu.memory_space<vmem>>, vector<64x130xbf16>
    %dot_general3A = arith.constant dense<0.000000e+00> : vector<64x2048xf32>
    %dot_general3A_18 = tpu.matmul %get3A_17, %concatenate3A, %dot_general3A {dimension_numbers = #tpu.dot_dimension_numbers<[1], [0], [0], [1], [0, 0, 1, 1], [], []>, transpose_lhs_hint = false} : vector<64x130xbf16>, vector<130x2048xbf16>, vector<64x2048xf32> -> vector<64x2048xf32>
    %reduce_sum3A = arith.constant dense<0.000000e+00> : vector<2048xf32>
    %reduce_sum3A_19 = vector.multi_reduction <add>, %dot_general3A_18, %reduce_sum3A [0] : vector<64x2048xf32> to vector<2048xf32>
    %broadcast_in_dim3A_20 = vector.shape_cast %reduce_sum3A_19 : vector<2048xf32> to vector<1x2048xf32>
    %mul3A = arith.constant 1.562500e-02 : f32
    %mul3A_21 = vector.broadcast %mul3A : f32 to vector<1x2048xf32>
    %mul3A_22 = arith.mulf %broadcast_in_dim3A_20, %mul3A_21 : vector<1x2048xf32>
    %sub3A = vector.broadcast %mul3A_22 : vector<1x2048xf32> to vector<64x2048xf32>
    %sub3A_23 = arith.subf %dot_general3A_18, %sub3A : vector<64x2048xf32>
    %mul3A_24 = arith.mulf %sub3A_23, %sub3A_23 : vector<64x2048xf32>
    %reduce_sum3A_25 = arith.constant dense<0.000000e+00> : vector<2048xf32>
    %reduce_sum3A_26 = vector.multi_reduction <add>, %mul3A_24, %reduce_sum3A_25 [0] : vector<64x2048xf32> to vector<2048xf32>
    %broadcast_in_dim3A_27 = vector.shape_cast %reduce_sum3A_26 : vector<2048xf32> to vector<1x2048xf32>
    %mul3A_28 = arith.constant 1.562500e-02 : f32
    %mul3A_29 = vector.broadcast %mul3A_28 : f32 to vector<1x2048xf32>
    %mul3A_30 = arith.mulf %broadcast_in_dim3A_27, %mul3A_29 : vector<1x2048xf32>
    %add3A = arith.constant 9.99999974E-6 : f32
    %add3A_31 = vector.broadcast %add3A : f32 to vector<1x2048xf32>
    %add3A_32 = arith.addf %mul3A_30, %add3A_31 : vector<1x2048xf32>
    %sqrt3A = math.sqrt %add3A_32 : vector<1x2048xf32>
    %div3A = vector.broadcast %sqrt3A : vector<1x2048xf32> to vector<64x2048xf32>
    %div3A_33 = arith.divf %sub3A_23, %div3A : vector<64x2048xf32>
    %get3A_34 = arith.constant 0 : index
    %get3A_35 = arith.constant 0 : index
    %get3A_36 = vector.load %arg4[%get3A_34, %get3A_35] : memref<64x1xf32, #tpu.memory_space<vmem>>, vector<64x1xf32>
    %mul3A_37 = vector.broadcast %get3A_36 : vector<64x1xf32> to vector<64x2048xf32>
    %mul3A_38 = arith.mulf %div3A_33, %mul3A_37 : vector<64x2048xf32>
    %get3A_39 = arith.constant 0 : index
    %get3A_40 = arith.constant 0 : index
    %get3A_41 = vector.load %arg5[%get3A_39, %get3A_40] : memref<64x1xf32, #tpu.memory_space<vmem>>, vector<64x1xf32>
    %add3A_42 = vector.broadcast %get3A_41 : vector<64x1xf32> to vector<64x2048xf32>
    %add3A_43 = arith.addf %mul3A_38, %add3A_42 : vector<64x2048xf32>
    %ge3A = arith.constant 0.000000e+00 : f32
    %ge3A_44 = vector.broadcast %ge3A : f32 to vector<64x2048xf32>
    %ge3A_45 = arith.cmpf oge, %add3A_43, %ge3A_44 : vector<64x2048xf32>
    %mul3A_46 = arith.constant 0.00999999977 : f32
    %mul3A_47 = vector.broadcast %mul3A_46 : f32 to vector<64x2048xf32>
    %mul3A_48 = arith.mulf %mul3A_47, %add3A_43 : vector<64x2048xf32>
    %select_n3A = arith.select %ge3A_45, %add3A_43, %mul3A_48 : vector<64x2048xi1>, vector<64x2048xf32>
    %convert_element_type3A_49 = arith.truncf %select_n3A : vector<64x2048xf32> to vector<64x2048xbf16>
    %dot_general3A_50 = arith.constant dense<0.000000e+00> : vector<1x2048xf32>
    %dot_general3A_51 = tpu.matmul %reshape3A, %convert_element_type3A_49, %dot_general3A_50 {dimension_numbers = #tpu.dot_dimension_numbers<[1], [0], [0], [1], [0, 0, 1, 1], [], []>, transpose_lhs_hint = false} : vector<1x64xbf16>, vector<64x2048xbf16>, vector<1x2048xf32> -> vector<1x2048xf32>
    %reduce_max3A = vector.shape_cast %dot_general3A_51 : vector<1x2048xf32> to vector<1x1x2048xf32>
    %reduce_max3A_52 = arith.constant dense<0xFF800000> : vector<1xf32>
    %reduce_max3A_53 = vector.multi_reduction <maximumf>, %reduce_max3A, %reduce_max3A_52 [1, 2] : vector<1x1x2048xf32> to vector<1xf32>
    %reduce_max3A_54 = vector.shape_cast %reduce_max3A_53 : vector<1xf32> to vector<1x1x1xf32>
    %reduce_max3A_55 = vector.extract %reduce_max3A_54[0, 0, 0] : f32 from vector<1x1x1xf32>
    %sub3A_56 = vector.broadcast %reduce_max3A_55 : f32 to vector<1x2048xf32>
    %sub3A_57 = arith.subf %dot_general3A_51, %sub3A_56 : vector<1x2048xf32>
    %exp3A = math.exp %sub3A_57 : vector<1x2048xf32>
    %slice3A = vector.extract_strided_slice %exp3A {offsets = [0, 0], sizes = [1, 128], strides = [1, 1]} : vector<1x2048xf32> to vector<1x128xf32>
    %slice3A_58 = vector.extract_strided_slice %exp3A {offsets = [0, 128], sizes = [1, 128], strides = [1, 1]} : vector<1x2048xf32> to vector<1x128xf32>
    %add3A_59 = arith.addf %slice3A, %slice3A_58 : vector<1x128xf32>
    %slice3A_60 = vector.extract_strided_slice %exp3A {offsets = [0, 256], sizes = [1, 128], strides = [1, 1]} : vector<1x2048xf32> to vector<1x128xf32>
    %add3A_61 = arith.addf %add3A_59, %slice3A_60 : vector<1x128xf32>
    %slice3A_62 = vector.extract_strided_slice %exp3A {offsets = [0, 384], sizes = [1, 128], strides = [1, 1]} : vector<1x2048xf32> to vector<1x128xf32>
    %add3A_63 = arith.addf %add3A_61, %slice3A_62 : vector<1x128xf32>
    %slice3A_64 = vector.extract_strided_slice %exp3A {offsets = [0, 512], sizes = [1, 128], strides = [1, 1]} : vector<1x2048xf32> to vector<1x128xf32>
    %add3A_65 = arith.addf %add3A_63, %slice3A_64 : vector<1x128xf32>
    %slice3A_66 = vector.extract_strided_slice %exp3A {offsets = [0, 640], sizes = [1, 128], strides = [1, 1]} : vector<1x2048xf32> to vector<1x128xf32>
    %add3A_67 = arith.addf %add3A_65, %slice3A_66 : vector<1x128xf32>
    %slice3A_68 = vector.extract_strided_slice %exp3A {offsets = [0, 768], sizes = [1, 128], strides = [1, 1]} : vector<1x2048xf32> to vector<1x128xf32>
    %add3A_69 = arith.addf %add3A_67, %slice3A_68 : vector<1x128xf32>
    %slice3A_70 = vector.extract_strided_slice %exp3A {offsets = [0, 896], sizes = [1, 128], strides = [1, 1]} : vector<1x2048xf32> to vector<1x128xf32>
    %add3A_71 = arith.addf %add3A_69, %slice3A_70 : vector<1x128xf32>
    %slice3A_72 = vector.extract_strided_slice %exp3A {offsets = [0, 1024], sizes = [1, 128], strides = [1, 1]} : vector<1x2048xf32> to vector<1x128xf32>
    %add3A_73 = arith.addf %add3A_71, %slice3A_72 : vector<1x128xf32>
    %slice3A_74 = vector.extract_strided_slice %exp3A {offsets = [0, 1152], sizes = [1, 128], strides = [1, 1]} : vector<1x2048xf32> to vector<1x128xf32>
    %add3A_75 = arith.addf %add3A_73, %slice3A_74 : vector<1x128xf32>
    %slice3A_76 = vector.extract_strided_slice %exp3A {offsets = [0, 1280], sizes = [1, 128], strides = [1, 1]} : vector<1x2048xf32> to vector<1x128xf32>
    %add3A_77 = arith.addf %add3A_75, %slice3A_76 : vector<1x128xf32>
    %slice3A_78 = vector.extract_strided_slice %exp3A {offsets = [0, 1408], sizes = [1, 128], strides = [1, 1]} : vector<1x2048xf32> to vector<1x128xf32>
    %add3A_79 = arith.addf %add3A_77, %slice3A_78 : vector<1x128xf32>
    %slice3A_80 = vector.extract_strided_slice %exp3A {offsets = [0, 1536], sizes = [1, 128], strides = [1, 1]} : vector<1x2048xf32> to vector<1x128xf32>
    %add3A_81 = arith.addf %add3A_79, %slice3A_80 : vector<1x128xf32>
    %slice3A_82 = vector.extract_strided_slice %exp3A {offsets = [0, 1664], sizes = [1, 128], strides = [1, 1]} : vector<1x2048xf32> to vector<1x128xf32>
    %add3A_83 = arith.addf %add3A_81, %slice3A_82 : vector<1x128xf32>
    %slice3A_84 = vector.extract_strided_slice %exp3A {offsets = [0, 1792], sizes = [1, 128], strides = [1, 1]} : vector<1x2048xf32> to vector<1x128xf32>
    %add3A_85 = arith.addf %add3A_83, %slice3A_84 : vector<1x128xf32>
    %slice3A_86 = vector.extract_strided_slice %exp3A {offsets = [0, 1920], sizes = [1, 128], strides = [1, 1]} : vector<1x2048xf32> to vector<1x128xf32>
    %add3A_87 = arith.addf %add3A_85, %slice3A_86 : vector<1x128xf32>
    %slice3A_88 = vector.extract_strided_slice %add3A_87 {offsets = [0, 0], sizes = [1, 8], strides = [1, 1]} : vector<1x128xf32> to vector<1x8xf32>
    %slice3A_89 = vector.extract_strided_slice %add3A_87 {offsets = [0, 8], sizes = [1, 8], strides = [1, 1]} : vector<1x128xf32> to vector<1x8xf32>
    %add3A_90 = arith.addf %slice3A_88, %slice3A_89 : vector<1x8xf32>
    %slice3A_91 = vector.extract_strided_slice %add3A_87 {offsets = [0, 16], sizes = [1, 8], strides = [1, 1]} : vector<1x128xf32> to vector<1x8xf32>
    %add3A_92 = arith.addf %add3A_90, %slice3A_91 : vector<1x8xf32>
    %slice3A_93 = vector.extract_strided_slice %add3A_87 {offsets = [0, 24], sizes = [1, 8], strides = [1, 1]} : vector<1x128xf32> to vector<1x8xf32>
    %add3A_94 = arith.addf %add3A_92, %slice3A_93 : vector<1x8xf32>
    %slice3A_95 = vector.extract_strided_slice %add3A_87 {offsets = [0, 32], sizes = [1, 8], strides = [1, 1]} : vector<1x128xf32> to vector<1x8xf32>
    %add3A_96 = arith.addf %add3A_94, %slice3A_95 : vector<1x8xf32>
    %slice3A_97 = vector.extract_strided_slice %add3A_87 {offsets = [0, 40], sizes = [1, 8], strides = [1, 1]} : vector<1x128xf32> to vector<1x8xf32>
    %add3A_98 = arith.addf %add3A_96, %slice3A_97 : vector<1x8xf32>
    %slice3A_99 = vector.extract_strided_slice %add3A_87 {offsets = [0, 48], sizes = [1, 8], strides = [1, 1]} : vector<1x128xf32> to vector<1x8xf32>
    %add3A_100 = arith.addf %add3A_98, %slice3A_99 : vector<1x8xf32>
    %slice3A_101 = vector.extract_strided_slice %add3A_87 {offsets = [0, 56], sizes = [1, 8], strides = [1, 1]} : vector<1x128xf32> to vector<1x8xf32>
    %add3A_102 = arith.addf %add3A_100, %slice3A_101 : vector<1x8xf32>
    %slice3A_103 = vector.extract_strided_slice %add3A_87 {offsets = [0, 64], sizes = [1, 8], strides = [1, 1]} : vector<1x128xf32> to vector<1x8xf32>
    %add3A_104 = arith.addf %add3A_102, %slice3A_103 : vector<1x8xf32>
    %slice3A_105 = vector.extract_strided_slice %add3A_87 {offsets = [0, 72], sizes = [1, 8], strides = [1, 1]} : vector<1x128xf32> to vector<1x8xf32>
    %add3A_106 = arith.addf %add3A_104, %slice3A_105 : vector<1x8xf32>
    %slice3A_107 = vector.extract_strided_slice %add3A_87 {offsets = [0, 80], sizes = [1, 8], strides = [1, 1]} : vector<1x128xf32> to vector<1x8xf32>
    %add3A_108 = arith.addf %add3A_106, %slice3A_107 : vector<1x8xf32>
    %slice3A_109 = vector.extract_strided_slice %add3A_87 {offsets = [0, 88], sizes = [1, 8], strides = [1, 1]} : vector<1x128xf32> to vector<1x8xf32>
    %add3A_110 = arith.addf %add3A_108, %slice3A_109 : vector<1x8xf32>
    %slice3A_111 = vector.extract_strided_slice %add3A_87 {offsets = [0, 96], sizes = [1, 8], strides = [1, 1]} : vector<1x128xf32> to vector<1x8xf32>
    %add3A_112 = arith.addf %add3A_110, %slice3A_111 : vector<1x8xf32>
    %slice3A_113 = vector.extract_strided_slice %add3A_87 {offsets = [0, 104], sizes = [1, 8], strides = [1, 1]} : vector<1x128xf32> to vector<1x8xf32>
    %add3A_114 = arith.addf %add3A_112, %slice3A_113 : vector<1x8xf32>
    %slice3A_115 = vector.extract_strided_slice %add3A_87 {offsets = [0, 112], sizes = [1, 8], strides = [1, 1]} : vector<1x128xf32> to vector<1x8xf32>
    %add3A_116 = arith.addf %add3A_114, %slice3A_115 : vector<1x8xf32>
    %slice3A_117 = vector.extract_strided_slice %add3A_87 {offsets = [0, 120], sizes = [1, 8], strides = [1, 1]} : vector<1x128xf32> to vector<1x8xf32>
    %add3A_118 = arith.addf %add3A_116, %slice3A_117 : vector<1x8xf32>
    %slice3A_119 = vector.extract_strided_slice %add3A_118 {offsets = [0, 0], sizes = [1, 4], strides = [1, 1]} : vector<1x8xf32> to vector<1x4xf32>
    %slice3A_120 = vector.extract_strided_slice %add3A_118 {offsets = [0, 4], sizes = [1, 4], strides = [1, 1]} : vector<1x8xf32> to vector<1x4xf32>
    %add3A_121 = arith.addf %slice3A_119, %slice3A_120 : vector<1x4xf32>
    %slice3A_122 = vector.extract_strided_slice %add3A_121 {offsets = [0, 0], sizes = [1, 2], strides = [1, 1]} : vector<1x4xf32> to vector<1x2xf32>
    %slice3A_123 = vector.extract_strided_slice %add3A_121 {offsets = [0, 2], sizes = [1, 2], strides = [1, 1]} : vector<1x4xf32> to vector<1x2xf32>
    %add3A_124 = arith.addf %slice3A_122, %slice3A_123 : vector<1x2xf32>
    %slice3A_125 = vector.extract_strided_slice %add3A_124 {offsets = [0, 0], sizes = [1, 1], strides = [1, 1]} : vector<1x2xf32> to vector<1x1xf32>
    %slice3A_126 = vector.extract_strided_slice %add3A_124 {offsets = [0, 1], sizes = [1, 1], strides = [1, 1]} : vector<1x2xf32> to vector<1x1xf32>
    %add3A_127 = arith.addf %slice3A_125, %slice3A_126 : vector<1x1xf32>
    %squeeze3A = vector.extract %add3A_127[0, 0] : f32 from vector<1x1xf32>
    %div3A_128 = vector.broadcast %squeeze3A : f32 to vector<1x2048xf32>
    %div3A_129 = arith.divf %exp3A, %div3A_128 : vector<1x2048xf32>
    %swap3A = arith.constant 0 : index
    %swap3A_130 = arith.constant 0 : index
    %swap3A_131 = arith.constant 0 : index
    %swap3A_132 = vector.load %arg7[%swap3A, %swap3A_130, %swap3A_131] : memref<16x1x2048xf32, #tpu.memory_space<vmem>>, vector<1x1x2048xf32>
    %swap3A_133 = vector.shape_cast %swap3A_132 : vector<1x1x2048xf32> to vector<1x2048xf32>
    %swap3A_134 = vector.shape_cast %div3A_129 : vector<1x2048xf32> to vector<1x1x2048xf32>
    tpu.vector_store %arg7[%swap3A, %swap3A_130, %swap3A_131], %swap3A_134 {strides = array<i32>} : memref<16x1x2048xf32, #tpu.memory_space<vmem>>, vector<1x1x2048xf32>,
    %get3A_135 = arith.constant 1 : index
    %get3A_136 = arith.constant 0 : index
    %get3A_137 = arith.constant 0 : index
    %get3A_138 = vector.load %arg1[%get3A_135, %get3A_136, %get3A_137] : memref<16x128x1xf32, #tpu.memory_space<vmem>>, vector<1x128x1xf32>
    %get3A_139 = vector.shape_cast %get3A_138 : vector<1x128x1xf32> to vector<128x1xf32>
    %get3A_140 = arith.constant 1 : index
    %get3A_141 = arith.constant 0 : index
    %get3A_142 = arith.constant 0 : index
    %get3A_143 = vector.load %arg2[%get3A_140, %get3A_141, %get3A_142] : memref<16x2x2048xf32, #tpu.memory_space<vmem>>, vector<1x2x2048xf32>
    %get3A_144 = vector.shape_cast %get3A_143 : vector<1x2x2048xf32> to vector<2x2048xf32>
    %convert_element_type3A_145 = arith.truncf %get3A_139 : vector<128x1xf32> to vector<128x1xbf16>
    %convert_element_type3A_146 = arith.truncf %get3A_144 : vector<2x2048xf32> to vector<2x2048xbf16>
    %broadcast_in_dim3A_147 = vector.shape_cast %convert_element_type3A_145 : vector<128x1xbf16> to vector<128x1xbf16>
    %broadcast_in_dim3A_148 = vector.broadcast %broadcast_in_dim3A_147 : vector<128x1xbf16> to vector<128x2048xbf16>
    %concatenate3A_149 = tpu.concatenate %broadcast_in_dim3A_148, %convert_element_type3A_146 in 0 : vector<128x2048xbf16>, vector<2x2048xbf16> -> vector<130x2048xbf16>
    %get3A_150 = arith.constant 0 : index
    %get3A_151 = arith.constant 0 : index
    %get3A_152 = vector.load %arg3[%get3A_150, %get3A_151] : memref<64x130xbf16, #tpu.memory_space<vmem>>, vector<64x130xbf16>
    %dot_general3A_153 = arith.constant dense<0.000000e+00> : vector<64x2048xf32>
    %dot_general3A_154 = tpu.matmul %get3A_152, %concatenate3A_149, %dot_general3A_153 {dimension_numbers = #tpu.dot_dimension_numbers<[1], [0], [0], [1], [0, 0, 1, 1], [], []>, transpose_lhs_hint = false} : vector<64x130xbf16>, vector<130x2048xbf16>, vector<64x2048xf32> -> vector<64x2048xf32>
    %reduce_sum3A_155 = arith.constant dense<0.000000e+00> : vector<2048xf32>
    %reduce_sum3A_156 = vector.multi_reduction <add>, %dot_general3A_154, %reduce_sum3A_155 [0] : vector<64x2048xf32> to vector<2048xf32>
    %broadcast_in_dim3A_157 = vector.shape_cast %reduce_sum3A_156 : vector<2048xf32> to vector<1x2048xf32>
    %mul3A_158 = arith.constant 1.562500e-02 : f32
    %mul3A_159 = vector.broadcast %mul3A_158 : f32 to vector<1x2048xf32>
    %mul3A_160 = arith.mulf %broadcast_in_dim3A_157, %mul3A_159 : vector<1x2048xf32>
    %sub3A_161 = vector.broadcast %mul3A_160 : vector<1x2048xf32> to vector<64x2048xf32>
    %sub3A_162 = arith.subf %dot_general3A_154, %sub3A_161 : vector<64x2048xf32>
    %mul3A_163 = arith.mulf %sub3A_162, %sub3A_162 : vector<64x2048xf32>
    %reduce_sum3A_164 = arith.constant dense<0.000000e+00> : vector<2048xf32>
    %reduce_sum3A_165 = vector.multi_reduction <add>, %mul3A_163, %reduce_sum3A_164 [0] : vector<64x2048xf32> to vector<2048xf32>
    %broadcast_in_dim3A_166 = vector.shape_cast %reduce_sum3A_165 : vector<2048xf32> to vector<1x2048xf32>
    %mul3A_167 = arith.constant 1.562500e-02 : f32
    %mul3A_168 = vector.broadcast %mul3A_167 : f32 to vector<1x2048xf32>
    %mul3A_169 = arith.mulf %broadcast_in_dim3A_166, %mul3A_168 : vector<1x2048xf32>
    %add3A_170 = arith.constant 9.99999974E-6 : f32
    %add3A_171 = vector.broadcast %add3A_170 : f32 to vector<1x2048xf32>
    %add3A_172 = arith.addf %mul3A_169, %add3A_171 : vector<1x2048xf32>
    %sqrt3A_173 = math.sqrt %add3A_172 : vector<1x2048xf32>
    %div3A_174 = vector.broadcast %sqrt3A_173 : vector<1x2048xf32> to vector<64x2048xf32>
    %div3A_175 = arith.divf %sub3A_162, %div3A_174 : vector<64x2048xf32>
    %get3A_176 = arith.constant 0 : index
    %get3A_177 = arith.constant 0 : index
    %get3A_178 = vector.load %arg4[%get3A_176, %get3A_177] : memref<64x1xf32, #tpu.memory_space<vmem>>, vector<64x1xf32>
    %mul3A_179 = vector.broadcast %get3A_178 : vector<64x1xf32> to vector<64x2048xf32>
    %mul3A_180 = arith.mulf %div3A_175, %mul3A_179 : vector<64x2048xf32>
    %get3A_181 = arith.constant 0 : index
    %get3A_182 = arith.constant 0 : index
    %get3A_183 = vector.load %arg5[%get3A_181, %get3A_182] : memref<64x1xf32, #tpu.memory_space<vmem>>, vector<64x1xf32>
    %add3A_184 = vector.broadcast %get3A_183 : vector<64x1xf32> to vector<64x2048xf32>
    %add3A_185 = arith.addf %mul3A_180, %add3A_184 : vector<64x2048xf32>
    %ge3A_186 = arith.constant 0.000000e+00 : f32
    %ge3A_187 = vector.broadcast %ge3A_186 : f32 to vector<64x2048xf32>
    %ge3A_188 = arith.cmpf oge, %add3A_185, %ge3A_187 : vector<64x2048xf32>
    %mul3A_189 = arith.constant 0.00999999977 : f32
    %mul3A_190 = vector.broadcast %mul3A_189 : f32 to vector<64x2048xf32>
    %mul3A_191 = arith.mulf %mul3A_190, %add3A_185 : vector<64x2048xf32>
    %select_n3A_192 = arith.select %ge3A_188, %add3A_185, %mul3A_191 : vector<64x2048xi1>, vector<64x2048xf32>
    %convert_element_type3A_193 = arith.truncf %select_n3A_192 : vector<64x2048xf32> to vector<64x2048xbf16>
    %dot_general3A_194 = arith.constant dense<0.000000e+00> : vector<1x2048xf32>
    %dot_general3A_195 = tpu.matmul %reshape3A, %convert_element_type3A_193, %dot_general3A_194 {dimension_numbers = #tpu.dot_dimension_numbers<[1], [0], [0], [1], [0, 0, 1, 1], [], []>, transpose_lhs_hint = false} : vector<1x64xbf16>, vector<64x2048xbf16>, vector<1x2048xf32> -> vector<1x2048xf32>
    %reduce_max3A_196 = vector.shape_cast %dot_general3A_195 : vector<1x2048xf32> to vector<1x1x2048xf32>
    %reduce_max3A_197 = arith.constant dense<0xFF800000> : vector<1xf32>
    %reduce_max3A_198 = vector.multi_reduction <maximumf>, %reduce_max3A_196, %reduce_max3A_197 [1, 2] : vector<1x1x2048xf32> to vector<1xf32>
    %reduce_max3A_199 = vector.shape_cast %reduce_max3A_198 : vector<1xf32> to vector<1x1x1xf32>
    %reduce_max3A_200 = vector.extract %reduce_max3A_199[0, 0, 0] : f32 from vector<1x1x1xf32>
    %sub3A_201 = vector.broadcast %reduce_max3A_200 : f32 to vector<1x2048xf32>
    %sub3A_202 = arith.subf %dot_general3A_195, %sub3A_201 : vector<1x2048xf32>
    %exp3A_203 = math.exp %sub3A_202 : vector<1x2048xf32>
    %slice3A_204 = vector.extract_strided_slice %exp3A_203 {offsets = [0, 0], sizes = [1, 128], strides = [1, 1]} : vector<1x2048xf32> to vector<1x128xf32>
    %slice3A_205 = vector.extract_strided_slice %exp3A_203 {offsets = [0, 128], sizes = [1, 128], strides = [1, 1]} : vector<1x2048xf32> to vector<1x128xf32>
    %add3A_206 = arith.addf %slice3A_204, %slice3A_205 : vector<1x128xf32>
    %slice3A_207 = vector.extract_strided_slice %exp3A_203 {offsets = [0, 256], sizes = [1, 128], strides = [1, 1]} : vector<1x2048xf32> to vector<1x128xf32>
    %add3A_208 = arith.addf %add3A_206, %slice3A_207 : vector<1x128xf32>
    %slice3A_209 = vector.extract_strided_slice %exp3A_203 {offsets = [0, 384], sizes = [1, 128], strides = [1, 1]} : vector<1x2048xf32> to vector<1x128xf32>
    %add3A_210 = arith.addf %add3A_208, %slice3A_209 : vector<1x128xf32>
    %slice3A_211 = vector.extract_strided_slice %exp3A_203 {offsets = [0, 512], sizes = [1, 128], strides = [1, 1]} : vector<1x2048xf32> to vector<1x128xf32>
    %add3A_212 = arith.addf %add3A_210, %slice3A_211 : vector<1x128xf32>
    %slice3A_213 = vector.extract_strided_slice %exp3A_203 {offsets = [0, 640], sizes = [1, 128], strides = [1, 1]} : vector<1x2048xf32> to vector<1x128xf32>
    %add3A_214 = arith.addf %add3A_212, %slice3A_213 : vector<1x128xf32>
    %slice3A_215 = vector.extract_strided_slice %exp3A_203 {offsets = [0, 768], sizes = [1, 128], strides = [1, 1]} : vector<1x2048xf32> to vector<1x128xf32>
    %add3A_216 = arith.addf %add3A_214, %slice3A_215 : vector<1x128xf32>
    %slice3A_217 = vector.extract_strided_slice %exp3A_203 {offsets = [0, 896], sizes = [1, 128], strides = [1, 1]} : vector<1x2048xf32> to vector<1x128xf32>
    %add3A_218 = arith.addf %add3A_216, %slice3A_217 : vector<1x128xf32>
    %slice3A_219 = vector.extract_strided_slice %exp3A_203 {offsets = [0, 1024], sizes = [1, 128], strides = [1, 1]} : vector<1x2048xf32> to vector<1x128xf32>
    %add3A_220 = arith.addf %add3A_218, %slice3A_219 : vector<1x128xf32>
    %slice3A_221 = vector.extract_strided_slice %exp3A_203 {offsets = [0, 1152], sizes = [1, 128], strides = [1, 1]} : vector<1x2048xf32> to vector<1x128xf32>
    %add3A_222 = arith.addf %add3A_220, %slice3A_221 : vector<1x128xf32>
    %slice3A_223 = vector.extract_strided_slice %exp3A_203 {offsets = [0, 1280], sizes = [1, 128], strides = [1, 1]} : vector<1x2048xf32> to vector<1x128xf32>
    %add3A_224 = arith.addf %add3A_222, %slice3A_223 : vector<1x128xf32>
    %slice3A_225 = vector.extract_strided_slice %exp3A_203 {offsets = [0, 1408], sizes = [1, 128], strides = [1, 1]} : vector<1x2048xf32> to vector<1x128xf32>
    %add3A_226 = arith.addf %add3A_224, %slice3A_225 : vector<1x128xf32>
    %slice3A_227 = vector.extract_strided_slice %exp3A_203 {offsets = [0, 1536], sizes = [1, 128], strides = [1, 1]} : vector<1x2048xf32> to vector<1x128xf32>
    %add3A_228 = arith.addf %add3A_226, %slice3A_227 : vector<1x128xf32>
    %slice3A_229 = vector.extract_strided_slice %exp3A_203 {offsets = [0, 1664], sizes = [1, 128], strides = [1, 1]} : vector<1x2048xf32> to vector<1x128xf32>
    %add3A_230 = arith.addf %add3A_228, %slice3A_229 : vector<1x128xf32>
    %slice3A_231 = vector.extract_strided_slice %exp3A_203 {offsets = [0, 1792], sizes = [1, 128], strides = [1, 1]} : vector<1x2048xf32> to vector<1x128xf32>
    %add3A_232 = arith.addf %add3A_230, %slice3A_231 : vector<1x128xf32>
    %slice3A_233 = vector.extract_strided_slice %exp3A_203 {offsets = [0, 1920], sizes = [1, 128], strides = [1, 1]} : vector<1x2048xf32> to vector<1x128xf32>
    %add3A_234 = arith.addf %add3A_232, %slice3A_233 : vector<1x128xf32>
    %slice3A_235 = vector.extract_strided_slice %add3A_234 {offsets = [0, 0], sizes = [1, 8], strides = [1, 1]} : vector<1x128xf32> to vector<1x8xf32>
    %slice3A_236 = vector.extract_strided_slice %add3A_234 {offsets = [0, 8], sizes = [1, 8], strides = [1, 1]} : vector<1x128xf32> to vector<1x8xf32>
    %add3A_237 = arith.addf %slice3A_235, %slice3A_236 : vector<1x8xf32>
    %slice3A_238 = vector.extract_strided_slice %add3A_234 {offsets = [0, 16], sizes = [1, 8], strides = [1, 1]} : vector<1x128xf32> to vector<1x8xf32>
    %add3A_239 = arith.addf %add3A_237, %slice3A_238 : vector<1x8xf32>
    %slice3A_240 = vector.extract_strided_slice %add3A_234 {offsets = [0, 24], sizes = [1, 8], strides = [1, 1]} : vector<1x128xf32> to vector<1x8xf32>
    %add3A_241 = arith.addf %add3A_239, %slice3A_240 : vector<1x8xf32>
    %slice3A_242 = vector.extract_strided_slice %add3A_234 {offsets = [0, 32], sizes = [1, 8], strides = [1, 1]} : vector<1x128xf32> to vector<1x8xf32>
    %add3A_243 = arith.addf %add3A_241, %slice3A_242 : vector<1x8xf32>
    %slice3A_244 = vector.extract_strided_slice %add3A_234 {offsets = [0, 40], sizes = [1, 8], strides = [1, 1]} : vector<1x128xf32> to vector<1x8xf32>
    %add3A_245 = arith.addf %add3A_243, %slice3A_244 : vector<1x8xf32>
    %slice3A_246 = vector.extract_strided_slice %add3A_234 {offsets = [0, 48], sizes = [1, 8], strides = [1, 1]} : vector<1x128xf32> to vector<1x8xf32>
    %add3A_247 = arith.addf %add3A_245, %slice3A_246 : vector<1x8xf32>
    %slice3A_248 = vector.extract_strided_slice %add3A_234 {offsets = [0, 56], sizes = [1, 8], strides = [1, 1]} : vector<1x128xf32> to vector<1x8xf32>
    %add3A_249 = arith.addf %add3A_247, %slice3A_248 : vector<1x8xf32>
    %slice3A_250 = vector.extract_strided_slice %add3A_234 {offsets = [0, 64], sizes = [1, 8], strides = [1, 1]} : vector<1x128xf32> to vector<1x8xf32>
    %add3A_251 = arith.addf %add3A_249, %slice3A_250 : vector<1x8xf32>
    %slice3A_252 = vector.extract_strided_slice %add3A_234 {offsets = [0, 72], sizes = [1, 8], strides = [1, 1]} : vector<1x128xf32> to vector<1x8xf32>
    %add3A_253 = arith.addf %add3A_251, %slice3A_252 : vector<1x8xf32>
    %slice3A_254 = vector.extract_strided_slice %add3A_234 {offsets = [0, 80], sizes = [1, 8], strides = [1, 1]} : vector<1x128xf32> to vector<1x8xf32>
    %add3A_255 = arith.addf %add3A_253, %slice3A_254 : vector<1x8xf32>
    %slice3A_256 = vector.extract_strided_slice %add3A_234 {offsets = [0, 88], sizes = [1, 8], strides = [1, 1]} : vector<1x128xf32> to vector<1x8xf32>
    %add3A_257 = arith.addf %add3A_255, %slice3A_256 : vector<1x8xf32>
    %slice3A_258 = vector.extract_strided_slice %add3A_234 {offsets = [0, 96], sizes = [1, 8], strides = [1, 1]} : vector<1x128xf32> to vector<1x8xf32>
    %add3A_259 = arith.addf %add3A_257, %slice3A_258 : vector<1x8xf32>
    %slice3A_260 = vector.extract_strided_slice %add3A_234 {offsets = [0, 104], sizes = [1, 8], strides = [1, 1]} : vector<1x128xf32> to vector<1x8xf32>
    %add3A_261 = arith.addf %add3A_259, %slice3A_260 : vector<1x8xf32>
    %slice3A_262 = vector.extract_strided_slice %add3A_234 {offsets = [0, 112], sizes = [1, 8], strides = [1, 1]} : vector<1x128xf32> to vector<1x8xf32>
    %add3A_263 = arith.addf %add3A_261, %slice3A_262 : vector<1x8xf32>
    %slice3A_264 = vector.extract_strided_slice %add3A_234 {offsets = [0, 120], sizes = [1, 8], strides = [1, 1]} : vector<1x128xf32> to vector<1x8xf32>
    %add3A_265 = arith.addf %add3A_263, %slice3A_264 : vector<1x8xf32>
    %slice3A_266 = vector.extract_strided_slice %add3A_265 {offsets = [0, 0], sizes = [1, 4], strides = [1, 1]} : vector<1x8xf32> to vector<1x4xf32>
    %slice3A_267 = vector.extract_strided_slice %add3A_265 {offsets = [0, 4], sizes = [1, 4], strides = [1, 1]} : vector<1x8xf32> to vector<1x4xf32>
    %add3A_268 = arith.addf %slice3A_266, %slice3A_267 : vector<1x4xf32>
    %slice3A_269 = vector.extract_strided_slice %add3A_268 {offsets = [0, 0], sizes = [1, 2], strides = [1, 1]} : vector<1x4xf32> to vector<1x2xf32>
    %slice3A_270 = vector.extract_strided_slice %add3A_268 {offsets = [0, 2], sizes = [1, 2], strides = [1, 1]} : vector<1x4xf32> to vector<1x2xf32>
    %add3A_271 = arith.addf %slice3A_269, %slice3A_270 : vector<1x2xf32>
    %slice3A_272 = vector.extract_strided_slice %add3A_271 {offsets = [0, 0], sizes = [1, 1], strides = [1, 1]} : vector<1x2xf32> to vector<1x1xf32>
    %slice3A_273 = vector.extract_strided_slice %add3A_271 {offsets = [0, 1], sizes = [1, 1], strides = [1, 1]} : vector<1x2xf32> to vector<1x1xf32>
    %add3A_274 = arith.addf %slice3A_272, %slice3A_273 : vector<1x1xf32>
    %squeeze3A_275 = vector.extract %add3A_274[0, 0] : f32 from vector<1x1xf32>
    %div3A_276 = vector.broadcast %squeeze3A_275 : f32 to vector<1x2048xf32>
    %div3A_277 = arith.divf %exp3A_203, %div3A_276 : vector<1x2048xf32>
    %swap3A_278 = arith.constant 1 : index
    %swap3A_279 = arith.constant 0 : index
    %swap3A_280 = arith.constant 0 : index
    %swap3A_281 = vector.load %arg7[%swap3A_278, %swap3A_279, %swap3A_280] : memref<16x1x2048xf32, #tpu.memory_space<vmem>>, vector<1x1x2048xf32>
    %swap3A_282 = vector.shape_cast %swap3A_281 : vector<1x1x2048xf32> to vector<1x2048xf32>
    %swap3A_283 = vector.shape_cast %div3A_277 : vector<1x2048xf32> to vector<1x1x2048xf32>
    tpu.vector_store %arg7[%swap3A_278, %swap3A_279, %swap3A_280], %swap3A_283 {strides = array<i32>} : memref<16x1x2048xf32, #tpu.memory_space<vmem>>, vector<1x1x2048xf32>,
    %get3A_284 = arith.constant 2 : index
    %get3A_285 = arith.constant 0 : index
    %get3A_286 = arith.constant 0 : index
    %get3A_287 = vector.load %arg1[%get3A_284, %get3A_285, %get3A_286] : memref<16x128x1xf32, #tpu.memory_space<vmem>>, vector<1x128x1xf32>
    %get3A_288 = vector.shape_cast %get3A_287 : vector<1x128x1xf32> to vector<128x1xf32>
    %get3A_289 = arith.constant 2 : index
    %get3A_290 = arith.constant 0 : index
    %get3A_291 = arith.constant 0 : index
    %get3A_292 = vector.load %arg2[%get3A_289, %get3A_290, %get3A_291] : memref<16x2x2048xf32, #tpu.memory_space<vmem>>, vector<1x2x2048xf32>
    %get3A_293 = vector.shape_cast %get3A_292 : vector<1x2x2048xf32> to vector<2x2048xf32>
    %convert_element_type3A_294 = arith.truncf %get3A_288 : vector<128x1xf32> to vector<128x1xbf16>
    %convert_element_type3A_295 = arith.truncf %get3A_293 : vector<2x2048xf32> to vector<2x2048xbf16>
    %broadcast_in_dim3A_296 = vector.shape_cast %convert_element_type3A_294 : vector<128x1xbf16> to vector<128x1xbf16>
    %broadcast_in_dim3A_297 = vector.broadcast %broadcast_in_dim3A_296 : vector<128x1xbf16> to vector<128x2048xbf16>
    %concatenate3A_298 = tpu.concatenate %broadcast_in_dim3A_297, %convert_element_type3A_295 in 0 : vector<128x2048xbf16>, vector<2x2048xbf16> -> vector<130x2048xbf16>
    %get3A_299 = arith.constant 0 : index
    %get3A_300 = arith.constant 0 : index
    %get3A_301 = vector.load %arg3[%get3A_299, %get3A_300] : memref<64x130xbf16, #tpu.memory_space<vmem>>, vector<64x130xbf16>
    %dot_general3A_302 = arith.constant dense<0.000000e+00> : vector<64x2048xf32>
    %dot_general3A_303 = tpu.matmul %get3A_301, %concatenate3A_298, %dot_general3A_302 {dimension_numbers = #tpu.dot_dimension_numbers<[1], [0], [0], [1], [0, 0, 1, 1], [], []>, transpose_lhs_hint = false} : vector<64x130xbf16>, vector<130x2048xbf16>, vector<64x2048xf32> -> vector<64x2048xf32>
    %reduce_sum3A_304 = arith.constant dense<0.000000e+00> : vector<2048xf32>
    %reduce_sum3A_305 = vector.multi_reduction <add>, %dot_general3A_303, %reduce_sum3A_304 [0] : vector<64x2048xf32> to vector<2048xf32>
    %broadcast_in_dim3A_306 = vector.shape_cast %reduce_sum3A_305 : vector<2048xf32> to vector<1x2048xf32>
    %mul3A_307 = arith.constant 1.562500e-02 : f32
    %mul3A_308 = vector.broadcast %mul3A_307 : f32 to vector<1x2048xf32>
    %mul3A_309 = arith.mulf %broadcast_in_dim3A_306, %mul3A_308 : vector<1x2048xf32>
    %sub3A_310 = vector.broadcast %mul3A_309 : vector<1x2048xf32> to vector<64x2048xf32>
    %sub3A_311 = arith.subf %dot_general3A_303, %sub3A_310 : vector<64x2048xf32>
    %mul3A_312 = arith.mulf %sub3A_311, %sub3A_311 : vector<64x2048xf32>
    %reduce_sum3A_313 = arith.constant dense<0.000000e+00> : vector<2048xf32>
    %reduce_sum3A_314 = vector.multi_reduction <add>, %mul3A_312, %reduce_sum3A_313 [0] : vector<64x2048xf32> to vector<2048xf32>
    %broadcast_in_dim3A_315 = vector.shape_cast %reduce_sum3A_314 : vector<2048xf32> to vector<1x2048xf32>
    %mul3A_316 = arith.constant 1.562500e-02 : f32
    %mul3A_317 = vector.broadcast %mul3A_316 : f32 to vector<1x2048xf32>
    %mul3A_318 = arith.mulf %broadcast_in_dim3A_315, %mul3A_317 : vector<1x2048xf32>
    %add3A_319 = arith.constant 9.99999974E-6 : f32
    %add3A_320 = vector.broadcast %add3A_319 : f32 to vector<1x2048xf32>
    %add3A_321 = arith.addf %mul3A_318, %add3A_320 : vector<1x2048xf32>
    %sqrt3A_322 = math.sqrt %add3A_321 : vector<1x2048xf32>
    %div3A_323 = vector.broadcast %sqrt3A_322 : vector<1x2048xf32> to vector<64x2048xf32>
    %div3A_324 = arith.divf %sub3A_311, %div3A_323 : vector<64x2048xf32>
    %get3A_325 = arith.constant 0 : index
    %get3A_326 = arith.constant 0 : index
    %get3A_327 = vector.load %arg4[%get3A_325, %get3A_326] : memref<64x1xf32, #tpu.memory_space<vmem>>, vector<64x1xf32>
    %mul3A_328 = vector.broadcast %get3A_327 : vector<64x1xf32> to vector<64x2048xf32>
    %mul3A_329 = arith.mulf %div3A_324, %mul3A_328 : vector<64x2048xf32>
    %get3A_330 = arith.constant 0 : index
    %get3A_331 = arith.constant 0 : index
    %get3A_332 = vector.load %arg5[%get3A_330, %get3A_331] : memref<64x1xf32, #tpu.memory_space<vmem>>, vector<64x1xf32>
    %add3A_333 = vector.broadcast %get3A_332 : vector<64x1xf32> to vector<64x2048xf32>
    %add3A_334 = arith.addf %mul3A_329, %add3A_333 : vector<64x2048xf32>
    %ge3A_335 = arith.constant 0.000000e+00 : f32
    %ge3A_336 = vector.broadcast %ge3A_335 : f32 to vector<64x2048xf32>
    %ge3A_337 = arith.cmpf oge, %add3A_334, %ge3A_336 : vector<64x2048xf32>
    %mul3A_338 = arith.constant 0.00999999977 : f32
    %mul3A_339 = vector.broadcast %mul3A_338 : f32 to vector<64x2048xf32>
    %mul3A_340 = arith.mulf %mul3A_339, %add3A_334 : vector<64x2048xf32>
    %select_n3A_341 = arith.select %ge3A_337, %add3A_334, %mul3A_340 : vector<64x2048xi1>, vector<64x2048xf32>
    %convert_element_type3A_342 = arith.truncf %select_n3A_341 : vector<64x2048xf32> to vector<64x2048xbf16>
    %dot_general3A_343 = arith.constant dense<0.000000e+00> : vector<1x2048xf32>
    %dot_general3A_344 = tpu.matmul %reshape3A, %convert_element_type3A_342, %dot_general3A_343 {dimension_numbers = #tpu.dot_dimension_numbers<[1], [0], [0], [1], [0, 0, 1, 1], [], []>, transpose_lhs_hint = false} : vector<1x64xbf16>, vector<64x2048xbf16>, vector<1x2048xf32> -> vector<1x2048xf32>
    %reduce_max3A_345 = vector.shape_cast %dot_general3A_344 : vector<1x2048xf32> to vector<1x1x2048xf32>
    %reduce_max3A_346 = arith.constant dense<0xFF800000> : vector<1xf32>
    %reduce_max3A_347 = vector.multi_reduction <maximumf>, %reduce_max3A_345, %reduce_max3A_346 [1, 2] : vector<1x1x2048xf32> to vector<1xf32>
    %reduce_max3A_348 = vector.shape_cast %reduce_max3A_347 : vector<1xf32> to vector<1x1x1xf32>
    %reduce_max3A_349 = vector.extract %reduce_max3A_348[0, 0, 0] : f32 from vector<1x1x1xf32>
    %sub3A_350 = vector.broadcast %reduce_max3A_349 : f32 to vector<1x2048xf32>
    %sub3A_351 = arith.subf %dot_general3A_344, %sub3A_350 : vector<1x2048xf32>
    %exp3A_352 = math.exp %sub3A_351 : vector<1x2048xf32>
    %slice3A_353 = vector.extract_strided_slice %exp3A_352 {offsets = [0, 0], sizes = [1, 128], strides = [1, 1]} : vector<1x2048xf32> to vector<1x128xf32>
    %slice3A_354 = vector.extract_strided_slice %exp3A_352 {offsets = [0, 128], sizes = [1, 128], strides = [1, 1]} : vector<1x2048xf32> to vector<1x128xf32>
    %add3A_355 = arith.addf %slice3A_353, %slice3A_354 : vector<1x128xf32>
    %slice3A_356 = vector.extract_strided_slice %exp3A_352 {offsets = [0, 256], sizes = [1, 128], strides = [1, 1]} : vector<1x2048xf32> to vector<1x128xf32>
    %add3A_357 = arith.addf %add3A_355, %slice3A_356 : vector<1x128xf32>
    %slice3A_358 = vector.extract_strided_slice %exp3A_352 {offsets = [0, 384], sizes = [1, 128], strides = [1, 1]} : vector<1x2048xf32> to vector<1x128xf32>
    %add3A_359 = arith.addf %add3A_357, %slice3A_358 : vector<1x128xf32>
    %slice3A_360 = vector.extract_strided_slice %exp3A_352 {offsets = [0, 512], sizes = [1, 128], strides = [1, 1]} : vector<1x2048xf32> to vector<1x128xf32>
    %add3A_361 = arith.addf %add3A_359, %slice3A_360 : vector<1x128xf32>
    %slice3A_362 = vector.extract_strided_slice %exp3A_352 {offsets = [0, 640], sizes = [1, 128], strides = [1, 1]} : vector<1x2048xf32> to vector<1x128xf32>
    %add3A_363 = arith.addf %add3A_361, %slice3A_362 : vector<1x128xf32>
    %slice3A_364 = vector.extract_strided_slice %exp3A_352 {offsets = [0, 768], sizes = [1, 128], strides = [1, 1]} : vector<1x2048xf32> to vector<1x128xf32>
    %add3A_365 = arith.addf %add3A_363, %slice3A_364 : vector<1x128xf32>
    %slice3A_366 = vector.extract_strided_slice %exp3A_352 {offsets = [0, 896], sizes = [1, 128], strides = [1, 1]} : vector<1x2048xf32> to vector<1x128xf32>
    %add3A_367 = arith.addf %add3A_365, %slice3A_366 : vector<1x128xf32>
    %slice3A_368 = vector.extract_strided_slice %exp3A_352 {offsets = [0, 1024], sizes = [1, 128], strides = [1, 1]} : vector<1x2048xf32> to vector<1x128xf32>
    %add3A_369 = arith.addf %add3A_367, %slice3A_368 : vector<1x128xf32>
    %slice3A_370 = vector.extract_strided_slice %exp3A_352 {offsets = [0, 1152], sizes = [1, 128], strides = [1, 1]} : vector<1x2048xf32> to vector<1x128xf32>
    %add3A_371 = arith.addf %add3A_369, %slice3A_370 : vector<1x128xf32>
    %slice3A_372 = vector.extract_strided_slice %exp3A_352 {offsets = [0, 1280], sizes = [1, 128], strides = [1, 1]} : vector<1x2048xf32> to vector<1x128xf32>
    %add3A_373 = arith.addf %add3A_371, %slice3A_372 : vector<1x128xf32>
    %slice3A_374 = vector.extract_strided_slice %exp3A_352 {offsets = [0, 1408], sizes = [1, 128], strides = [1, 1]} : vector<1x2048xf32> to vector<1x128xf32>
    %add3A_375 = arith.addf %add3A_373, %slice3A_374 : vector<1x128xf32>
    %slice3A_376 = vector.extract_strided_slice %exp3A_352 {offsets = [0, 1536], sizes = [1, 128], strides = [1, 1]} : vector<1x2048xf32> to vector<1x128xf32>
    %add3A_377 = arith.addf %add3A_375, %slice3A_376 : vector<1x128xf32>
    %slice3A_378 = vector.extract_strided_slice %exp3A_352 {offsets = [0, 1664], sizes = [1, 128], strides = [1, 1]} : vector<1x2048xf32> to vector<1x128xf32>
    %add3A_379 = arith.addf %add3A_377, %slice3A_378 : vector<1x128xf32>
    %slice3A_380 = vector.extract_strided_slice %exp3A_352 {offsets = [0, 1792], sizes = [1, 128], strides = [1, 1]} : vector<1x2048xf32> to vector<1x128xf32>
    %add3A_381 = arith.addf %add3A_379, %slice3A_380 : vector<1x128xf32>
    %slice3A_382 = vector.extract_strided_slice %exp3A_352 {offsets = [0, 1920], sizes = [1, 128], strides = [1, 1]} : vector<1x2048xf32> to vector<1x128xf32>
    %add3A_383 = arith.addf %add3A_381, %slice3A_382 : vector<1x128xf32>
    %slice3A_384 = vector.extract_strided_slice %add3A_383 {offsets = [0, 0], sizes = [1, 8], strides = [1, 1]} : vector<1x128xf32> to vector<1x8xf32>
    %slice3A_385 = vector.extract_strided_slice %add3A_383 {offsets = [0, 8], sizes = [1, 8], strides = [1, 1]} : vector<1x128xf32> to vector<1x8xf32>
    %add3A_386 = arith.addf %slice3A_384, %slice3A_385 : vector<1x8xf32>
    %slice3A_387 = vector.extract_strided_slice %add3A_383 {offsets = [0, 16], sizes = [1, 8], strides = [1, 1]} : vector<1x128xf32> to vector<1x8xf32>
    %add3A_388 = arith.addf %add3A_386, %slice3A_387 : vector<1x8xf32>
    %slice3A_389 = vector.extract_strided_slice %add3A_383 {offsets = [0, 24], sizes = [1, 8], strides = [1, 1]} : vector<1x128xf32> to vector<1x8xf32>
    %add3A_390 = arith.addf %add3A_388, %slice3A_389 : vector<1x8xf32>
    %slice3A_391 = vector.extract_strided_slice %add3A_383 {offsets = [0, 32], sizes = [1, 8], strides = [1, 1]} : vector<1x128xf32> to vector<1x8xf32>
    %add3A_392 = arith.addf %add3A_390, %slice3A_391 : vector<1x8xf32>
    %slice3A_393 = vector.extract_strided_slice %add3A_383 {offsets = [0, 40], sizes = [1, 8], strides = [1, 1]} : vector<1x128xf32> to vector<1x8xf32>
    %add3A_394 = arith.addf %add3A_392, %slice3A_393 : vector<1x8xf32>
    %slice3A_395 = vector.extract_strided_slice %add3A_383 {offsets = [0, 48], sizes = [1, 8], strides = [1, 1]} : vector<1x128xf32> to vector<1x8xf32>
    %add3A_396 = arith.addf %add3A_394, %slice3A_395 : vector<1x8xf32>
    %slice3A_397 = vector.extract_strided_slice %add3A_383 {offsets = [0, 56], sizes = [1, 8], strides = [1, 1]} : vector<1x128xf32> to vector<1x8xf32>
    %add3A_398 = arith.addf %add3A_396, %slice3A_397 : vector<1x8xf32>
    %slice3A_399 = vector.extract_strided_slice %add3A_383 {offsets = [0, 64], sizes = [1, 8], strides = [1, 1]} : vector<1x128xf32> to vector<1x8xf32>
    %add3A_400 = arith.addf %add3A_398, %slice3A_399 : vector<1x8xf32>
    %slice3A_401 = vector.extract_strided_slice %add3A_383 {offsets = [0, 72], sizes = [1, 8], strides = [1, 1]} : vector<1x128xf32> to vector<1x8xf32>
    %add3A_402 = arith.addf %add3A_400, %slice3A_401 : vector<1x8xf32>
    %slice3A_403 = vector.extract_strided_slice %add3A_383 {offsets = [0, 80], sizes = [1, 8], strides = [1, 1]} : vector<1x128xf32> to vector<1x8xf32>
    %add3A_404 = arith.addf %add3A_402, %slice3A_403 : vector<1x8xf32>
    %slice3A_405 = vector.extract_strided_slice %add3A_383 {offsets = [0, 88], sizes = [1, 8], strides = [1, 1]} : vector<1x128xf32> to vector<1x8xf32>
    %add3A_406 = arith.addf %add3A_404, %slice3A_405 : vector<1x8xf32>
    %slice3A_407 = vector.extract_strided_slice %add3A_383 {offsets = [0, 96], sizes = [1, 8], strides = [1, 1]} : vector<1x128xf32> to vector<1x8xf32>
    %add3A_408 = arith.addf %add3A_406, %slice3A_407 : vector<1x8xf32>
    %slice3A_409 = vector.extract_strided_slice %add3A_383 {offsets = [0, 104], sizes = [1, 8], strides = [1, 1]} : vector<1x128xf32> to vector<1x8xf32>
    %add3A_410 = arith.addf %add3A_408, %slice3A_409 : vector<1x8xf32>
    %slice3A_411 = vector.extract_strided_slice %add3A_383 {offsets = [0, 112], sizes = [1, 8], strides = [1, 1]} : vector<1x128xf32> to vector<1x8xf32>
    %add3A_412 = arith.addf %add3A_410, %slice3A_411 : vector<1x8xf32>
    %slice3A_413 = vector.extract_strided_slice %add3A_383 {offsets = [0, 120], sizes = [1, 8], strides = [1, 1]} : vector<1x128xf32> to vector<1x8xf32>
    %add3A_414 = arith.addf %add3A_412, %slice3A_413 : vector<1x8xf32>
    %slice3A_415 = vector.extract_strided_slice %add3A_414 {offsets = [0, 0], sizes = [1, 4], strides = [1, 1]} : vector<1x8xf32> to vector<1x4xf32>
    %slice3A_416 = vector.extract_strided_slice %add3A_414 {offsets = [0, 4], sizes = [1, 4], strides = [1, 1]} : vector<1x8xf32> to vector<1x4xf32>
    %add3A_417 = arith.addf %slice3A_415, %slice3A_416 : vector<1x4xf32>
    %slice3A_418 = vector.extract_strided_slice %add3A_417 {offsets = [0, 0], sizes = [1, 2], strides = [1, 1]} : vector<1x4xf32> to vector<1x2xf32>
    %slice3A_419 = vector.extract_strided_slice %add3A_417 {offsets = [0, 2], sizes = [1, 2], strides = [1, 1]} : vector<1x4xf32> to vector<1x2xf32>
    %add3A_420 = arith.addf %slice3A_418, %slice3A_419 : vector<1x2xf32>
    %slice3A_421 = vector.extract_strided_slice %add3A_420 {offsets = [0, 0], sizes = [1, 1], strides = [1, 1]} : vector<1x2xf32> to vector<1x1xf32>
    %slice3A_422 = vector.extract_strided_slice %add3A_420 {offsets = [0, 1], sizes = [1, 1], strides = [1, 1]} : vector<1x2xf32> to vector<1x1xf32>
    %add3A_423 = arith.addf %slice3A_421, %slice3A_422 : vector<1x1xf32>
    %squeeze3A_424 = vector.extract %add3A_423[0, 0] : f32 from vector<1x1xf32>
    %div3A_425 = vector.broadcast %squeeze3A_424 : f32 to vector<1x2048xf32>
    %div3A_426 = arith.divf %exp3A_352, %div3A_425 : vector<1x2048xf32>
    %swap3A_427 = arith.constant 2 : index
    %swap3A_428 = arith.constant 0 : index
    %swap3A_429 = arith.constant 0 : index
    %swap3A_430 = vector.load %arg7[%swap3A_427, %swap3A_428, %swap3A_429] : memref<16x1x2048xf32, #tpu.memory_space<vmem>>, vector<1x1x2048xf32>
    %swap3A_431 = vector.shape_cast %swap3A_430 : vector<1x1x2048xf32> to vector<1x2048xf32>
    %swap3A_432 = vector.shape_cast %div3A_426 : vector<1x2048xf32> to vector<1x1x2048xf32>
    tpu.vector_store %arg7[%swap3A_427, %swap3A_428, %swap3A_429], %swap3A_432 {strides = array<i32>} : memref<16x1x2048xf32, #tpu.memory_space<vmem>>, vector<1x1x2048xf32>,
    %get3A_433 = arith.constant 3 : index
    %get3A_434 = arith.constant 0 : index
    %get3A_435 = arith.constant 0 : index
    %get3A_436 = vector.load %arg1[%get3A_433, %get3A_434, %get3A_435] : memref<16x128x1xf32, #tpu.memory_space<vmem>>, vector<1x128x1xf32>
    %get3A_437 = vector.shape_cast %get3A_436 : vector<1x128x1xf32> to vector<128x1xf32>
    %get3A_438 = arith.constant 3 : index
    %get3A_439 = arith.constant 0 : index
    %get3A_440 = arith.constant 0 : index
    %get3A_441 = vector.load %arg2[%get3A_438, %get3A_439, %get3A_440] : memref<16x2x2048xf32, #tpu.memory_space<vmem>>, vector<1x2x2048xf32>
    %get3A_442 = vector.shape_cast %get3A_441 : vector<1x2x2048xf32> to vector<2x2048xf32>
    %convert_element_type3A_443 = arith.truncf %get3A_437 : vector<128x1xf32> to vector<128x1xbf16>
    %convert_element_type3A_444 = arith.truncf %get3A_442 : vector<2x2048xf32> to vector<2x2048xbf16>
    %broadcast_in_dim3A_445 = vector.shape_cast %convert_element_type3A_443 : vector<128x1xbf16> to vector<128x1xbf16>
    %broadcast_in_dim3A_446 = vector.broadcast %broadcast_in_dim3A_445 : vector<128x1xbf16> to vector<128x2048xbf16>
    %concatenate3A_447 = tpu.concatenate %broadcast_in_dim3A_446, %convert_element_type3A_444 in 0 : vector<128x2048xbf16>, vector<2x2048xbf16> -> vector<130x2048xbf16>
    %get3A_448 = arith.constant 0 : index
    %get3A_449 = arith.constant 0 : index
    %get3A_450 = vector.load %arg3[%get3A_448, %get3A_449] : memref<64x130xbf16, #tpu.memory_space<vmem>>, vector<64x130xbf16>
    %dot_general3A_451 = arith.constant dense<0.000000e+00> : vector<64x2048xf32>
    %dot_general3A_452 = tpu.matmul %get3A_450, %concatenate3A_447, %dot_general3A_451 {dimension_numbers = #tpu.dot_dimension_numbers<[1], [0], [0], [1], [0, 0, 1, 1], [], []>, transpose_lhs_hint = false} : vector<64x130xbf16>, vector<130x2048xbf16>, vector<64x2048xf32> -> vector<64x2048xf32>
    %reduce_sum3A_453 = arith.constant dense<0.000000e+00> : vector<2048xf32>
    %reduce_sum3A_454 = vector.multi_reduction <add>, %dot_general3A_452, %reduce_sum3A_453 [0] : vector<64x2048xf32> to vector<2048xf32>
    %broadcast_in_dim3A_455 = vector.shape_cast %reduce_sum3A_454 : vector<2048xf32> to vector<1x2048xf32>
    %mul3A_456 = arith.constant 1.562500e-02 : f32
    %mul3A_457 = vector.broadcast %mul3A_456 : f32 to vector<1x2048xf32>
    %mul3A_458 = arith.mulf %broadcast_in_dim3A_455, %mul3A_457 : vector<1x2048xf32>
    %sub3A_459 = vector.broadcast %mul3A_458 : vector<1x2048xf32> to vector<64x2048xf32>
    %sub3A_460 = arith.subf %dot_general3A_452, %sub3A_459 : vector<64x2048xf32>
    %mul3A_461 = arith.mulf %sub3A_460, %sub3A_460 : vector<64x2048xf32>
    %reduce_sum3A_462 = arith.constant dense<0.000000e+00> : vector<2048xf32>
    %reduce_sum3A_463 = vector.multi_reduction <add>, %mul3A_461, %reduce_sum3A_462 [0] : vector<64x2048xf32> to vector<2048xf32>
    %broadcast_in_dim3A_464 = vector.shape_cast %reduce_sum3A_463 : vector<2048xf32> to vector<1x2048xf32>
    %mul3A_465 = arith.constant 1.562500e-02 : f32
    %mul3A_466 = vector.broadcast %mul3A_465 : f32 to vector<1x2048xf32>
    %mul3A_467 = arith.mulf %broadcast_in_dim3A_464, %mul3A_466 : vector<1x2048xf32>
    %add3A_468 = arith.constant 9.99999974E-6 : f32
    %add3A_469 = vector.broadcast %add3A_468 : f32 to vector<1x2048xf32>
    %add3A_470 = arith.addf %mul3A_467, %add3A_469 : vector<1x2048xf32>
    %sqrt3A_471 = math.sqrt %add3A_470 : vector<1x2048xf32>
    %div3A_472 = vector.broadcast %sqrt3A_471 : vector<1x2048xf32> to vector<64x2048xf32>
    %div3A_473 = arith.divf %sub3A_460, %div3A_472 : vector<64x2048xf32>
    %get3A_474 = arith.constant 0 : index
    %get3A_475 = arith.constant 0 : index
    %get3A_476 = vector.load %arg4[%get3A_474, %get3A_475] : memref<64x1xf32, #tpu.memory_space<vmem>>, vector<64x1xf32>
    %mul3A_477 = vector.broadcast %get3A_476 : vector<64x1xf32> to vector<64x2048xf32>
    %mul3A_478 = arith.mulf %div3A_473, %mul3A_477 : vector<64x2048xf32>
    %get3A_479 = arith.constant 0 : index
    %get3A_480 = arith.constant 0 : index
    %get3A_481 = vector.load %arg5[%get3A_479, %get3A_480] : memref<64x1xf32, #tpu.memory_space<vmem>>, vector<64x1xf32>
    %add3A_482 = vector.broadcast %get3A_481 : vector<64x1xf32> to vector<64x2048xf32>
    %add3A_483 = arith.addf %mul3A_478, %add3A_482 : vector<64x2048xf32>
    %ge3A_484 = arith.constant 0.000000e+00 : f32
    %ge3A_485 = vector.broadcast %ge3A_484 : f32 to vector<64x2048xf32>
    %ge3A_486 = arith.cmpf oge, %add3A_483, %ge3A_485 : vector<64x2048xf32>
    %mul3A_487 = arith.constant 0.00999999977 : f32
    %mul3A_488 = vector.broadcast %mul3A_487 : f32 to vector<64x2048xf32>
    %mul3A_489 = arith.mulf %mul3A_488, %add3A_483 : vector<64x2048xf32>
    %select_n3A_490 = arith.select %ge3A_486, %add3A_483, %mul3A_489 : vector<64x2048xi1>, vector<64x2048xf32>
    %convert_element_type3A_491 = arith.truncf %select_n3A_490 : vector<64x2048xf32> to vector<64x2048xbf16>
    %dot_general3A_492 = arith.constant dense<0.000000e+00> : vector<1x2048xf32>
    %dot_general3A_493 = tpu.matmul %reshape3A, %convert_element_type3A_491, %dot_general3A_492 {dimension_numbers = #tpu.dot_dimension_numbers<[1], [0], [0], [1], [0, 0, 1, 1], [], []>, transpose_lhs_hint = false} : vector<1x64xbf16>, vector<64x2048xbf16>, vector<1x2048xf32> -> vector<1x2048xf32>
    %reduce_max3A_494 = vector.shape_cast %dot_general3A_493 : vector<1x2048xf32> to vector<1x1x2048xf32>
    %reduce_max3A_495 = arith.constant dense<0xFF800000> : vector<1xf32>
    %reduce_max3A_496 = vector.multi_reduction <maximumf>, %reduce_max3A_494, %reduce_max3A_495 [1, 2] : vector<1x1x2048xf32> to vector<1xf32>
    %reduce_max3A_497 = vector.shape_cast %reduce_max3A_496 : vector<1xf32> to vector<1x1x1xf32>
    %reduce_max3A_498 = vector.extract %reduce_max3A_497[0, 0, 0] : f32 from vector<1x1x1xf32>
    %sub3A_499 = vector.broadcast %reduce_max3A_498 : f32 to vector<1x2048xf32>
    %sub3A_500 = arith.subf %dot_general3A_493, %sub3A_499 : vector<1x2048xf32>
    %exp3A_501 = math.exp %sub3A_500 : vector<1x2048xf32>
    %slice3A_502 = vector.extract_strided_slice %exp3A_501 {offsets = [0, 0], sizes = [1, 128], strides = [1, 1]} : vector<1x2048xf32> to vector<1x128xf32>
    %slice3A_503 = vector.extract_strided_slice %exp3A_501 {offsets = [0, 128], sizes = [1, 128], strides = [1, 1]} : vector<1x2048xf32> to vector<1x128xf32>
    %add3A_504 = arith.addf %slice3A_502, %slice3A_503 : vector<1x128xf32>
    %slice3A_505 = vector.extract_strided_slice %exp3A_501 {offsets = [0, 256], sizes = [1, 128], strides = [1, 1]} : vector<1x2048xf32> to vector<1x128xf32>
    %add3A_506 = arith.addf %add3A_504, %slice3A_505 : vector<1x128xf32>
    %slice3A_507 = vector.extract_strided_slice %exp3A_501 {offsets = [0, 384], sizes = [1, 128], strides = [1, 1]} : vector<1x2048xf32> to vector<1x128xf32>
    %add3A_508 = arith.addf %add3A_506, %slice3A_507 : vector<1x128xf32>
    %slice3A_509 = vector.extract_strided_slice %exp3A_501 {offsets = [0, 512], sizes = [1, 128], strides = [1, 1]} : vector<1x2048xf32> to vector<1x128xf32>
    %add3A_510 = arith.addf %add3A_508, %slice3A_509 : vector<1x128xf32>
    %slice3A_511 = vector.extract_strided_slice %exp3A_501 {offsets = [0, 640], sizes = [1, 128], strides = [1, 1]} : vector<1x2048xf32> to vector<1x128xf32>
    %add3A_512 = arith.addf %add3A_510, %slice3A_511 : vector<1x128xf32>
    %slice3A_513 = vector.extract_strided_slice %exp3A_501 {offsets = [0, 768], sizes = [1, 128], strides = [1, 1]} : vector<1x2048xf32> to vector<1x128xf32>
    %add3A_514 = arith.addf %add3A_512, %slice3A_513 : vector<1x128xf32>
    %slice3A_515 = vector.extract_strided_slice %exp3A_501 {offsets = [0, 896], sizes = [1, 128], strides = [1, 1]} : vector<1x2048xf32> to vector<1x128xf32>
    %add3A_516 = arith.addf %add3A_514, %slice3A_515 : vector<1x128xf32>
    %slice3A_517 = vector.extract_strided_slice %exp3A_501 {offsets = [0, 1024], sizes = [1, 128], strides = [1, 1]} : vector<1x2048xf32> to vector<1x128xf32>
    %add3A_518 = arith.addf %add3A_516, %slice3A_517 : vector<1x128xf32>
    %slice3A_519 = vector.extract_strided_slice %exp3A_501 {offsets = [0, 1152], sizes = [1, 128], strides = [1, 1]} : vector<1x2048xf32> to vector<1x128xf32>
    %add3A_520 = arith.addf %add3A_518, %slice3A_519 : vector<1x128xf32>
    %slice3A_521 = vector.extract_strided_slice %exp3A_501 {offsets = [0, 1280], sizes = [1, 128], strides = [1, 1]} : vector<1x2048xf32> to vector<1x128xf32>
    %add3A_522 = arith.addf %add3A_520, %slice3A_521 : vector<1x128xf32>
    %slice3A_523 = vector.extract_strided_slice %exp3A_501 {offsets = [0, 1408], sizes = [1, 128], strides = [1, 1]} : vector<1x2048xf32> to vector<1x128xf32>
    %add3A_524 = arith.addf %add3A_522, %slice3A_523 : vector<1x128xf32>
    %slice3A_525 = vector.extract_strided_slice %exp3A_501 {offsets = [0, 1536], sizes = [1, 128], strides = [1, 1]} : vector<1x2048xf32> to vector<1x128xf32>
    %add3A_526 = arith.addf %add3A_524, %slice3A_525 : vector<1x128xf32>
    %slice3A_527 = vector.extract_strided_slice %exp3A_501 {offsets = [0, 1664], sizes = [1, 128], strides = [1, 1]} : vector<1x2048xf32> to vector<1x128xf32>
    %add3A_528 = arith.addf %add3A_526, %slice3A_527 : vector<1x128xf32>
    %slice3A_529 = vector.extract_strided_slice %exp3A_501 {offsets = [0, 1792], sizes = [1, 128], strides = [1, 1]} : vector<1x2048xf32> to vector<1x128xf32>
    %add3A_530 = arith.addf %add3A_528, %slice3A_529 : vector<1x128xf32>
    %slice3A_531 = vector.extract_strided_slice %exp3A_501 {offsets = [0, 1920], sizes = [1, 128], strides = [1, 1]} : vector<1x2048xf32> to vector<1x128xf32>
    %add3A_532 = arith.addf %add3A_530, %slice3A_531 : vector<1x128xf32>
    %slice3A_533 = vector.extract_strided_slice %add3A_532 {offsets = [0, 0], sizes = [1, 8], strides = [1, 1]} : vector<1x128xf32> to vector<1x8xf32>
    %slice3A_534 = vector.extract_strided_slice %add3A_532 {offsets = [0, 8], sizes = [1, 8], strides = [1, 1]} : vector<1x128xf32> to vector<1x8xf32>
    %add3A_535 = arith.addf %slice3A_533, %slice3A_534 : vector<1x8xf32>
    %slice3A_536 = vector.extract_strided_slice %add3A_532 {offsets = [0, 16], sizes = [1, 8], strides = [1, 1]} : vector<1x128xf32> to vector<1x8xf32>
    %add3A_537 = arith.addf %add3A_535, %slice3A_536 : vector<1x8xf32>
    %slice3A_538 = vector.extract_strided_slice %add3A_532 {offsets = [0, 24], sizes = [1, 8], strides = [1, 1]} : vector<1x128xf32> to vector<1x8xf32>
    %add3A_539 = arith.addf %add3A_537, %slice3A_538 : vector<1x8xf32>
    %slice3A_540 = vector.extract_strided_slice %add3A_532 {offsets = [0, 32], sizes = [1, 8], strides = [1, 1]} : vector<1x128xf32> to vector<1x8xf32>
    %add3A_541 = arith.addf %add3A_539, %slice3A_540 : vector<1x8xf32>
    %slice3A_542 = vector.extract_strided_slice %add3A_532 {offsets = [0, 40], sizes = [1, 8], strides = [1, 1]} : vector<1x128xf32> to vector<1x8xf32>
    %add3A_543 = arith.addf %add3A_541, %slice3A_542 : vector<1x8xf32>
    %slice3A_544 = vector.extract_strided_slice %add3A_532 {offsets = [0, 48], sizes = [1, 8], strides = [1, 1]} : vector<1x128xf32> to vector<1x8xf32>
    %add3A_545 = arith.addf %add3A_543, %slice3A_544 : vector<1x8xf32>
    %slice3A_546 = vector.extract_strided_slice %add3A_532 {offsets = [0, 56], sizes = [1, 8], strides = [1, 1]} : vector<1x128xf32> to vector<1x8xf32>
    %add3A_547 = arith.addf %add3A_545, %slice3A_546 : vector<1x8xf32>
    %slice3A_548 = vector.extract_strided_slice %add3A_532 {offsets = [0, 64], sizes = [1, 8], strides = [1, 1]} : vector<1x128xf32> to vector<1x8xf32>
    %add3A_549 = arith.addf %add3A_547, %slice3A_548 : vector<1x8xf32>
    %slice3A_550 = vector.extract_strided_slice %add3A_532 {offsets = [0, 72], sizes = [1, 8], strides = [1, 1]} : vector<1x128xf32> to vector<1x8xf32>
    %add3A_551 = arith.addf %add3A_549, %slice3A_550 : vector<1x8xf32>
    %slice3A_552 = vector.extract_strided_slice %add3A_532 {offsets = [0, 80], sizes = [1, 8], strides = [1, 1]} : vector<1x128xf32> to vector<1x8xf32>
    %add3A_553 = arith.addf %add3A_551, %slice3A_552 : vector<1x8xf32>
    %slice3A_554 = vector.extract_strided_slice %add3A_532 {offsets = [0, 88], sizes = [1, 8], strides = [1, 1]} : vector<1x128xf32> to vector<1x8xf32>
    %add3A_555 = arith.addf %add3A_553, %slice3A_554 : vector<1x8xf32>
    %slice3A_556 = vector.extract_strided_slice %add3A_532 {offsets = [0, 96], sizes = [1, 8], strides = [1, 1]} : vector<1x128xf32> to vector<1x8xf32>
    %add3A_557 = arith.addf %add3A_555, %slice3A_556 : vector<1x8xf32>
    %slice3A_558 = vector.extract_strided_slice %add3A_532 {offsets = [0, 104], sizes = [1, 8], strides = [1, 1]} : vector<1x128xf32> to vector<1x8xf32>
    %add3A_559 = arith.addf %add3A_557, %slice3A_558 : vector<1x8xf32>
    %slice3A_560 = vector.extract_strided_slice %add3A_532 {offsets = [0, 112], sizes = [1, 8], strides = [1, 1]} : vector<1x128xf32> to vector<1x8xf32>
    %add3A_561 = arith.addf %add3A_559, %slice3A_560 : vector<1x8xf32>
    %slice3A_562 = vector.extract_strided_slice %add3A_532 {offsets = [0, 120], sizes = [1, 8], strides = [1, 1]} : vector<1x128xf32> to vector<1x8xf32>
    %add3A_563 = arith.addf %add3A_561, %slice3A_562 : vector<1x8xf32>
    %slice3A_564 = vector.extract_strided_slice %add3A_563 {offsets = [0, 0], sizes = [1, 4], strides = [1, 1]} : vector<1x8xf32> to vector<1x4xf32>
    %slice3A_565 = vector.extract_strided_slice %add3A_563 {offsets = [0, 4], sizes = [1, 4], strides = [1, 1]} : vector<1x8xf32> to vector<1x4xf32>
    %add3A_566 = arith.addf %slice3A_564, %slice3A_565 : vector<1x4xf32>
    %slice3A_567 = vector.extract_strided_slice %add3A_566 {offsets = [0, 0], sizes = [1, 2], strides = [1, 1]} : vector<1x4xf32> to vector<1x2xf32>
    %slice3A_568 = vector.extract_strided_slice %add3A_566 {offsets = [0, 2], sizes = [1, 2], strides = [1, 1]} : vector<1x4xf32> to vector<1x2xf32>
    %add3A_569 = arith.addf %slice3A_567, %slice3A_568 : vector<1x2xf32>
    %slice3A_570 = vector.extract_strided_slice %add3A_569 {offsets = [0, 0], sizes = [1, 1], strides = [1, 1]} : vector<1x2xf32> to vector<1x1xf32>
    %slice3A_571 = vector.extract_strided_slice %add3A_569 {offsets = [0, 1], sizes = [1, 1], strides = [1, 1]} : vector<1x2xf32> to vector<1x1xf32>
    %add3A_572 = arith.addf %slice3A_570, %slice3A_571 : vector<1x1xf32>
    %squeeze3A_573 = vector.extract %add3A_572[0, 0] : f32 from vector<1x1xf32>
    %div3A_574 = vector.broadcast %squeeze3A_573 : f32 to vector<1x2048xf32>
    %div3A_575 = arith.divf %exp3A_501, %div3A_574 : vector<1x2048xf32>
    %swap3A_576 = arith.constant 3 : index
    %swap3A_577 = arith.constant 0 : index
    %swap3A_578 = arith.constant 0 : index
    %swap3A_579 = vector.load %arg7[%swap3A_576, %swap3A_577, %swap3A_578] : memref<16x1x2048xf32, #tpu.memory_space<vmem>>, vector<1x1x2048xf32>
    %swap3A_580 = vector.shape_cast %swap3A_579 : vector<1x1x2048xf32> to vector<1x2048xf32>
    %swap3A_581 = vector.shape_cast %div3A_575 : vector<1x2048xf32> to vector<1x1x2048xf32>
    tpu.vector_store %arg7[%swap3A_576, %swap3A_577, %swap3A_578], %swap3A_581 {strides = array<i32>} : memref<16x1x2048xf32, #tpu.memory_space<vmem>>, vector<1x1x2048xf32>,
    %get3A_582 = arith.constant 4 : index
    %get3A_583 = arith.constant 0 : index
    %get3A_584 = arith.constant 0 : index
    %get3A_585 = vector.load %arg1[%get3A_582, %get3A_583, %get3A_584] : memref<16x128x1xf32, #tpu.memory_space<vmem>>, vector<1x128x1xf32>
    %get3A_586 = vector.shape_cast %get3A_585 : vector<1x128x1xf32> to vector<128x1xf32>
    %get3A_587 = arith.constant 4 : index
    %get3A_588 = arith.constant 0 : index
    %get3A_589 = arith.constant 0 : index
    %get3A_590 = vector.load %arg2[%get3A_587, %get3A_588, %get3A_589] : memref<16x2x2048xf32, #tpu.memory_space<vmem>>, vector<1x2x2048xf32>
    %get3A_591 = vector.shape_cast %get3A_590 : vector<1x2x2048xf32> to vector<2x2048xf32>
    %convert_element_type3A_592 = arith.truncf %get3A_586 : vector<128x1xf32> to vector<128x1xbf16>
    %convert_element_type3A_593 = arith.truncf %get3A_591 : vector<2x2048xf32> to vector<2x2048xbf16>
    %broadcast_in_dim3A_594 = vector.shape_cast %convert_element_type3A_592 : vector<128x1xbf16> to vector<128x1xbf16>
    %broadcast_in_dim3A_595 = vector.broadcast %broadcast_in_dim3A_594 : vector<128x1xbf16> to vector<128x2048xbf16>
    %concatenate3A_596 = tpu.concatenate %broadcast_in_dim3A_595, %convert_element_type3A_593 in 0 : vector<128x2048xbf16>, vector<2x2048xbf16> -> vector<130x2048xbf16>
    %get3A_597 = arith.constant 0 : index
    %get3A_598 = arith.constant 0 : index
    %get3A_599 = vector.load %arg3[%get3A_597, %get3A_598] : memref<64x130xbf16, #tpu.memory_space<vmem>>, vector<64x130xbf16>
    %dot_general3A_600 = arith.constant dense<0.000000e+00> : vector<64x2048xf32>
    %dot_general3A_601 = tpu.matmul %get3A_599, %concatenate3A_596, %dot_general3A_600 {dimension_numbers = #tpu.dot_dimension_numbers<[1], [0], [0], [1], [0, 0, 1, 1], [], []>, transpose_lhs_hint = false} : vector<64x130xbf16>, vector<130x2048xbf16>, vector<64x2048xf32> -> vector<64x2048xf32>
    %reduce_sum3A_602 = arith.constant dense<0.000000e+00> : vector<2048xf32>
    %reduce_sum3A_603 = vector.multi_reduction <add>, %dot_general3A_601, %reduce_sum3A_602 [0] : vector<64x2048xf32> to vector<2048xf32>
    %broadcast_in_dim3A_604 = vector.shape_cast %reduce_sum3A_603 : vector<2048xf32> to vector<1x2048xf32>
    %mul3A_605 = arith.constant 1.562500e-02 : f32
    %mul3A_606 = vector.broadcast %mul3A_605 : f32 to vector<1x2048xf32>
    %mul3A_607 = arith.mulf %broadcast_in_dim3A_604, %mul3A_606 : vector<1x2048xf32>
    %sub3A_608 = vector.broadcast %mul3A_607 : vector<1x2048xf32> to vector<64x2048xf32>
    %sub3A_609 = arith.subf %dot_general3A_601, %sub3A_608 : vector<64x2048xf32>
    %mul3A_610 = arith.mulf %sub3A_609, %sub3A_609 : vector<64x2048xf32>
    %reduce_sum3A_611 = arith.constant dense<0.000000e+00> : vector<2048xf32>
    %reduce_sum3A_612 = vector.multi_reduction <add>, %mul3A_610, %reduce_sum3A_611 [0] : vector<64x2048xf32> to vector<2048xf32>
    %broadcast_in_dim3A_613 = vector.shape_cast %reduce_sum3A_612 : vector<2048xf32> to vector<1x2048xf32>
    %mul3A_614 = arith.constant 1.562500e-02 : f32
    %mul3A_615 = vector.broadcast %mul3A_614 : f32 to vector<1x2048xf32>
    %mul3A_616 = arith.mulf %broadcast_in_dim3A_613, %mul3A_615 : vector<1x2048xf32>
    %add3A_617 = arith.constant 9.99999974E-6 : f32
    %add3A_618 = vector.broadcast %add3A_617 : f32 to vector<1x2048xf32>
    %add3A_619 = arith.addf %mul3A_616, %add3A_618 : vector<1x2048xf32>
    %sqrt3A_620 = math.sqrt %add3A_619 : vector<1x2048xf32>
    %div3A_621 = vector.broadcast %sqrt3A_620 : vector<1x2048xf32> to vector<64x2048xf32>
    %div3A_622 = arith.divf %sub3A_609, %div3A_621 : vector<64x2048xf32>
    %get3A_623 = arith.constant 0 : index
    %get3A_624 = arith.constant 0 : index
    %get3A_625 = vector.load %arg4[%get3A_623, %get3A_624] : memref<64x1xf32, #tpu.memory_space<vmem>>, vector<64x1xf32>
    %mul3A_626 = vector.broadcast %get3A_625 : vector<64x1xf32> to vector<64x2048xf32>
    %mul3A_627 = arith.mulf %div3A_622, %mul3A_626 : vector<64x2048xf32>
    %get3A_628 = arith.constant 0 : index
    %get3A_629 = arith.constant 0 : index
    %get3A_630 = vector.load %arg5[%get3A_628, %get3A_629] : memref<64x1xf32, #tpu.memory_space<vmem>>, vector<64x1xf32>
    %add3A_631 = vector.broadcast %get3A_630 : vector<64x1xf32> to vector<64x2048xf32>
    %add3A_632 = arith.addf %mul3A_627, %add3A_631 : vector<64x2048xf32>
    %ge3A_633 = arith.constant 0.000000e+00 : f32
    %ge3A_634 = vector.broadcast %ge3A_633 : f32 to vector<64x2048xf32>
    %ge3A_635 = arith.cmpf oge, %add3A_632, %ge3A_634 : vector<64x2048xf32>
    %mul3A_636 = arith.constant 0.00999999977 : f32
    %mul3A_637 = vector.broadcast %mul3A_636 : f32 to vector<64x2048xf32>
    %mul3A_638 = arith.mulf %mul3A_637, %add3A_632 : vector<64x2048xf32>
    %select_n3A_639 = arith.select %ge3A_635, %add3A_632, %mul3A_638 : vector<64x2048xi1>, vector<64x2048xf32>
    %convert_element_type3A_640 = arith.truncf %select_n3A_639 : vector<64x2048xf32> to vector<64x2048xbf16>
    %dot_general3A_641 = arith.constant dense<0.000000e+00> : vector<1x2048xf32>
    %dot_general3A_642 = tpu.matmul %reshape3A, %convert_element_type3A_640, %dot_general3A_641 {dimension_numbers = #tpu.dot_dimension_numbers<[1], [0], [0], [1], [0, 0, 1, 1], [], []>, transpose_lhs_hint = false} : vector<1x64xbf16>, vector<64x2048xbf16>, vector<1x2048xf32> -> vector<1x2048xf32>
    %reduce_max3A_643 = vector.shape_cast %dot_general3A_642 : vector<1x2048xf32> to vector<1x1x2048xf32>
    %reduce_max3A_644 = arith.constant dense<0xFF800000> : vector<1xf32>
    %reduce_max3A_645 = vector.multi_reduction <maximumf>, %reduce_max3A_643, %reduce_max3A_644 [1, 2] : vector<1x1x2048xf32> to vector<1xf32>
    %reduce_max3A_646 = vector.shape_cast %reduce_max3A_645 : vector<1xf32> to vector<1x1x1xf32>
    %reduce_max3A_647 = vector.extract %reduce_max3A_646[0, 0, 0] : f32 from vector<1x1x1xf32>
    %sub3A_648 = vector.broadcast %reduce_max3A_647 : f32 to vector<1x2048xf32>
    %sub3A_649 = arith.subf %dot_general3A_642, %sub3A_648 : vector<1x2048xf32>
    %exp3A_650 = math.exp %sub3A_649 : vector<1x2048xf32>
    %slice3A_651 = vector.extract_strided_slice %exp3A_650 {offsets = [0, 0], sizes = [1, 128], strides = [1, 1]} : vector<1x2048xf32> to vector<1x128xf32>
    %slice3A_652 = vector.extract_strided_slice %exp3A_650 {offsets = [0, 128], sizes = [1, 128], strides = [1, 1]} : vector<1x2048xf32> to vector<1x128xf32>
    %add3A_653 = arith.addf %slice3A_651, %slice3A_652 : vector<1x128xf32>
    %slice3A_654 = vector.extract_strided_slice %exp3A_650 {offsets = [0, 256], sizes = [1, 128], strides = [1, 1]} : vector<1x2048xf32> to vector<1x128xf32>
    %add3A_655 = arith.addf %add3A_653, %slice3A_654 : vector<1x128xf32>
    %slice3A_656 = vector.extract_strided_slice %exp3A_650 {offsets = [0, 384], sizes = [1, 128], strides = [1, 1]} : vector<1x2048xf32> to vector<1x128xf32>
    %add3A_657 = arith.addf %add3A_655, %slice3A_656 : vector<1x128xf32>
    %slice3A_658 = vector.extract_strided_slice %exp3A_650 {offsets = [0, 512], sizes = [1, 128], strides = [1, 1]} : vector<1x2048xf32> to vector<1x128xf32>
    %add3A_659 = arith.addf %add3A_657, %slice3A_658 : vector<1x128xf32>
    %slice3A_660 = vector.extract_strided_slice %exp3A_650 {offsets = [0, 640], sizes = [1, 128], strides = [1, 1]} : vector<1x2048xf32> to vector<1x128xf32>
    %add3A_661 = arith.addf %add3A_659, %slice3A_660 : vector<1x128xf32>
    %slice3A_662 = vector.extract_strided_slice %exp3A_650 {offsets = [0, 768], sizes = [1, 128], strides = [1, 1]} : vector<1x2048xf32> to vector<1x128xf32>
    %add3A_663 = arith.addf %add3A_661, %slice3A_662 : vector<1x128xf32>
    %slice3A_664 = vector.extract_strided_slice %exp3A_650 {offsets = [0, 896], sizes = [1, 128], strides = [1, 1]} : vector<1x2048xf32> to vector<1x128xf32>
    %add3A_665 = arith.addf %add3A_663, %slice3A_664 : vector<1x128xf32>
    %slice3A_666 = vector.extract_strided_slice %exp3A_650 {offsets = [0, 1024], sizes = [1, 128], strides = [1, 1]} : vector<1x2048xf32> to vector<1x128xf32>
    %add3A_667 = arith.addf %add3A_665, %slice3A_666 : vector<1x128xf32>
    %slice3A_668 = vector.extract_strided_slice %exp3A_650 {offsets = [0, 1152], sizes = [1, 128], strides = [1, 1]} : vector<1x2048xf32> to vector<1x128xf32>
    %add3A_669 = arith.addf %add3A_667, %slice3A_668 : vector<1x128xf32>
    %slice3A_670 = vector.extract_strided_slice %exp3A_650 {offsets = [0, 1280], sizes = [1, 128], strides = [1, 1]} : vector<1x2048xf32> to vector<1x128xf32>
    %add3A_671 = arith.addf %add3A_669, %slice3A_670 : vector<1x128xf32>
    %slice3A_672 = vector.extract_strided_slice %exp3A_650 {offsets = [0, 1408], sizes = [1, 128], strides = [1, 1]} : vector<1x2048xf32> to vector<1x128xf32>
    %add3A_673 = arith.addf %add3A_671, %slice3A_672 : vector<1x128xf32>
    %slice3A_674 = vector.extract_strided_slice %exp3A_650 {offsets = [0, 1536], sizes = [1, 128], strides = [1, 1]} : vector<1x2048xf32> to vector<1x128xf32>
    %add3A_675 = arith.addf %add3A_673, %slice3A_674 : vector<1x128xf32>
    %slice3A_676 = vector.extract_strided_slice %exp3A_650 {offsets = [0, 1664], sizes = [1, 128], strides = [1, 1]} : vector<1x2048xf32> to vector<1x128xf32>
    %add3A_677 = arith.addf %add3A_675, %slice3A_676 : vector<1x128xf32>
    %slice3A_678 = vector.extract_strided_slice %exp3A_650 {offsets = [0, 1792], sizes = [1, 128], strides = [1, 1]} : vector<1x2048xf32> to vector<1x128xf32>
    %add3A_679 = arith.addf %add3A_677, %slice3A_678 : vector<1x128xf32>
    %slice3A_680 = vector.extract_strided_slice %exp3A_650 {offsets = [0, 1920], sizes = [1, 128], strides = [1, 1]} : vector<1x2048xf32> to vector<1x128xf32>
    %add3A_681 = arith.addf %add3A_679, %slice3A_680 : vector<1x128xf32>
    %slice3A_682 = vector.extract_strided_slice %add3A_681 {offsets = [0, 0], sizes = [1, 8], strides = [1, 1]} : vector<1x128xf32> to vector<1x8xf32>
    %slice3A_683 = vector.extract_strided_slice %add3A_681 {offsets = [0, 8], sizes = [1, 8], strides = [1, 1]} : vector<1x128xf32> to vector<1x8xf32>
    %add3A_684 = arith.addf %slice3A_682, %slice3A_683 : vector<1x8xf32>
    %slice3A_685 = vector.extract_strided_slice %add3A_681 {offsets = [0, 16], sizes = [1, 8], strides = [1, 1]} : vector<1x128xf32> to vector<1x8xf32>
    %add3A_686 = arith.addf %add3A_684, %slice3A_685 : vector<1x8xf32>
    %slice3A_687 = vector.extract_strided_slice %add3A_681 {offsets = [0, 24], sizes = [1, 8], strides = [1, 1]} : vector<1x128xf32> to vector<1x8xf32>
    %add3A_688 = arith.addf %add3A_686, %slice3A_687 : vector<1x8xf32>
    %slice3A_689 = vector.extract_strided_slice %add3A_681 {offsets = [0, 32], sizes = [1, 8], strides = [1, 1]} : vector<1x128xf32> to vector<1x8xf32>
    %add3A_690 = arith.addf %add3A_688, %slice3A_689 : vector<1x8xf32>
    %slice3A_691 = vector.extract_strided_slice %add3A_681 {offsets = [0, 40], sizes = [1, 8], strides = [1, 1]} : vector<1x128xf32> to vector<1x8xf32>
    %add3A_692 = arith.addf %add3A_690, %slice3A_691 : vector<1x8xf32>
    %slice3A_693 = vector.extract_strided_slice %add3A_681 {offsets = [0, 48], sizes = [1, 8], strides = [1, 1]} : vector<1x128xf32> to vector<1x8xf32>
    %add3A_694 = arith.addf %add3A_692, %slice3A_693 : vector<1x8xf32>
    %slice3A_695 = vector.extract_strided_slice %add3A_681 {offsets = [0, 56], sizes = [1, 8], strides = [1, 1]} : vector<1x128xf32> to vector<1x8xf32>
    %add3A_696 = arith.addf %add3A_694, %slice3A_695 : vector<1x8xf32>
    %slice3A_697 = vector.extract_strided_slice %add3A_681 {offsets = [0, 64], sizes = [1, 8], strides = [1, 1]} : vector<1x128xf32> to vector<1x8xf32>
    %add3A_698 = arith.addf %add3A_696, %slice3A_697 : vector<1x8xf32>
    %slice3A_699 = vector.extract_strided_slice %add3A_681 {offsets = [0, 72], sizes = [1, 8], strides = [1, 1]} : vector<1x128xf32> to vector<1x8xf32>
    %add3A_700 = arith.addf %add3A_698, %slice3A_699 : vector<1x8xf32>
    %slice3A_701 = vector.extract_strided_slice %add3A_681 {offsets = [0, 80], sizes = [1, 8], strides = [1, 1]} : vector<1x128xf32> to vector<1x8xf32>
    %add3A_702 = arith.addf %add3A_700, %slice3A_701 : vector<1x8xf32>
    %slice3A_703 = vector.extract_strided_slice %add3A_681 {offsets = [0, 88], sizes = [1, 8], strides = [1, 1]} : vector<1x128xf32> to vector<1x8xf32>
    %add3A_704 = arith.addf %add3A_702, %slice3A_703 : vector<1x8xf32>
    %slice3A_705 = vector.extract_strided_slice %add3A_681 {offsets = [0, 96], sizes = [1, 8], strides = [1, 1]} : vector<1x128xf32> to vector<1x8xf32>
    %add3A_706 = arith.addf %add3A_704, %slice3A_705 : vector<1x8xf32>
    %slice3A_707 = vector.extract_strided_slice %add3A_681 {offsets = [0, 104], sizes = [1, 8], strides = [1, 1]} : vector<1x128xf32> to vector<1x8xf32>
    %add3A_708 = arith.addf %add3A_706, %slice3A_707 : vector<1x8xf32>
    %slice3A_709 = vector.extract_strided_slice %add3A_681 {offsets = [0, 112], sizes = [1, 8], strides = [1, 1]} : vector<1x128xf32> to vector<1x8xf32>
    %add3A_710 = arith.addf %add3A_708, %slice3A_709 : vector<1x8xf32>
    %slice3A_711 = vector.extract_strided_slice %add3A_681 {offsets = [0, 120], sizes = [1, 8], strides = [1, 1]} : vector<1x128xf32> to vector<1x8xf32>
    %add3A_712 = arith.addf %add3A_710, %slice3A_711 : vector<1x8xf32>
    %slice3A_713 = vector.extract_strided_slice %add3A_712 {offsets = [0, 0], sizes = [1, 4], strides = [1, 1]} : vector<1x8xf32> to vector<1x4xf32>
    %slice3A_714 = vector.extract_strided_slice %add3A_712 {offsets = [0, 4], sizes = [1, 4], strides = [1, 1]} : vector<1x8xf32> to vector<1x4xf32>
    %add3A_715 = arith.addf %slice3A_713, %slice3A_714 : vector<1x4xf32>
    %slice3A_716 = vector.extract_strided_slice %add3A_715 {offsets = [0, 0], sizes = [1, 2], strides = [1, 1]} : vector<1x4xf32> to vector<1x2xf32>
    %slice3A_717 = vector.extract_strided_slice %add3A_715 {offsets = [0, 2], sizes = [1, 2], strides = [1, 1]} : vector<1x4xf32> to vector<1x2xf32>
    %add3A_718 = arith.addf %slice3A_716, %slice3A_717 : vector<1x2xf32>
    %slice3A_719 = vector.extract_strided_slice %add3A_718 {offsets = [0, 0], sizes = [1, 1], strides = [1, 1]} : vector<1x2xf32> to vector<1x1xf32>
    %slice3A_720 = vector.extract_strided_slice %add3A_718 {offsets = [0, 1], sizes = [1, 1], strides = [1, 1]} : vector<1x2xf32> to vector<1x1xf32>
    %add3A_721 = arith.addf %slice3A_719, %slice3A_720 : vector<1x1xf32>
    %squeeze3A_722 = vector.extract %add3A_721[0, 0] : f32 from vector<1x1xf32>
    %div3A_723 = vector.broadcast %squeeze3A_722 : f32 to vector<1x2048xf32>
    %div3A_724 = arith.divf %exp3A_650, %div3A_723 : vector<1x2048xf32>
    %swap3A_725 = arith.constant 4 : index
    %swap3A_726 = arith.constant 0 : index
    %swap3A_727 = arith.constant 0 : index
    %swap3A_728 = vector.load %arg7[%swap3A_725, %swap3A_726, %swap3A_727] : memref<16x1x2048xf32, #tpu.memory_space<vmem>>, vector<1x1x2048xf32>
    %swap3A_729 = vector.shape_cast %swap3A_728 : vector<1x1x2048xf32> to vector<1x2048xf32>
    %swap3A_730 = vector.shape_cast %div3A_724 : vector<1x2048xf32> to vector<1x1x2048xf32>
    tpu.vector_store %arg7[%swap3A_725, %swap3A_726, %swap3A_727], %swap3A_730 {strides = array<i32>} : memref<16x1x2048xf32, #tpu.memory_space<vmem>>, vector<1x1x2048xf32>,
    %get3A_731 = arith.constant 5 : index
    %get3A_732 = arith.constant 0 : index
    %get3A_733 = arith.constant 0 : index
    %get3A_734 = vector.load %arg1[%get3A_731, %get3A_732, %get3A_733] : memref<16x128x1xf32, #tpu.memory_space<vmem>>, vector<1x128x1xf32>
    %get3A_735 = vector.shape_cast %get3A_734 : vector<1x128x1xf32> to vector<128x1xf32>
    %get3A_736 = arith.constant 5 : index
    %get3A_737 = arith.constant 0 : index
    %get3A_738 = arith.constant 0 : index
    %get3A_739 = vector.load %arg2[%get3A_736, %get3A_737, %get3A_738] : memref<16x2x2048xf32, #tpu.memory_space<vmem>>, vector<1x2x2048xf32>
    %get3A_740 = vector.shape_cast %get3A_739 : vector<1x2x2048xf32> to vector<2x2048xf32>
    %convert_element_type3A_741 = arith.truncf %get3A_735 : vector<128x1xf32> to vector<128x1xbf16>
    %convert_element_type3A_742 = arith.truncf %get3A_740 : vector<2x2048xf32> to vector<2x2048xbf16>
    %broadcast_in_dim3A_743 = vector.shape_cast %convert_element_type3A_741 : vector<128x1xbf16> to vector<128x1xbf16>
    %broadcast_in_dim3A_744 = vector.broadcast %broadcast_in_dim3A_743 : vector<128x1xbf16> to vector<128x2048xbf16>
    %concatenate3A_745 = tpu.concatenate %broadcast_in_dim3A_744, %convert_element_type3A_742 in 0 : vector<128x2048xbf16>, vector<2x2048xbf16> -> vector<130x2048xbf16>
    %get3A_746 = arith.constant 0 : index
    %get3A_747 = arith.constant 0 : index
    %get3A_748 = vector.load %arg3[%get3A_746, %get3A_747] : memref<64x130xbf16, #tpu.memory_space<vmem>>, vector<64x130xbf16>
    %dot_general3A_749 = arith.constant dense<0.000000e+00> : vector<64x2048xf32>
    %dot_general3A_750 = tpu.matmul %get3A_748, %concatenate3A_745, %dot_general3A_749 {dimension_numbers = #tpu.dot_dimension_numbers<[1], [0], [0], [1], [0, 0, 1, 1], [], []>, transpose_lhs_hint = false} : vector<64x130xbf16>, vector<130x2048xbf16>, vector<64x2048xf32> -> vector<64x2048xf32>
    %reduce_sum3A_751 = arith.constant dense<0.000000e+00> : vector<2048xf32>
    %reduce_sum3A_752 = vector.multi_reduction <add>, %dot_general3A_750, %reduce_sum3A_751 [0] : vector<64x2048xf32> to vector<2048xf32>
    %broadcast_in_dim3A_753 = vector.shape_cast %reduce_sum3A_752 : vector<2048xf32> to vector<1x2048xf32>
    %mul3A_754 = arith.constant 1.562500e-02 : f32
    %mul3A_755 = vector.broadcast %mul3A_754 : f32 to vector<1x2048xf32>
    %mul3A_756 = arith.mulf %broadcast_in_dim3A_753, %mul3A_755 : vector<1x2048xf32>
    %sub3A_757 = vector.broadcast %mul3A_756 : vector<1x2048xf32> to vector<64x2048xf32>
    %sub3A_758 = arith.subf %dot_general3A_750, %sub3A_757 : vector<64x2048xf32>
    %mul3A_759 = arith.mulf %sub3A_758, %sub3A_758 : vector<64x2048xf32>
    %reduce_sum3A_760 = arith.constant dense<0.000000e+00> : vector<2048xf32>
    %reduce_sum3A_761 = vector.multi_reduction <add>, %mul3A_759, %reduce_sum3A_760 [0] : vector<64x2048xf32> to vector<2048xf32>
    %broadcast_in_dim3A_762 = vector.shape_cast %reduce_sum3A_761 : vector<2048xf32> to vector<1x2048xf32>
    %mul3A_763 = arith.constant 1.562500e-02 : f32
    %mul3A_764 = vector.broadcast %mul3A_763 : f32 to vector<1x2048xf32>
    %mul3A_765 = arith.mulf %broadcast_in_dim3A_762, %mul3A_764 : vector<1x2048xf32>
    %add3A_766 = arith.constant 9.99999974E-6 : f32
    %add3A_767 = vector.broadcast %add3A_766 : f32 to vector<1x2048xf32>
    %add3A_768 = arith.addf %mul3A_765, %add3A_767 : vector<1x2048xf32>
    %sqrt3A_769 = math.sqrt %add3A_768 : vector<1x2048xf32>
    %div3A_770 = vector.broadcast %sqrt3A_769 : vector<1x2048xf32> to vector<64x2048xf32>
    %div3A_771 = arith.divf %sub3A_758, %div3A_770 : vector<64x2048xf32>
    %get3A_772 = arith.constant 0 : index
    %get3A_773 = arith.constant 0 : index
    %get3A_774 = vector.load %arg4[%get3A_772, %get3A_773] : memref<64x1xf32, #tpu.memory_space<vmem>>, vector<64x1xf32>
    %mul3A_775 = vector.broadcast %get3A_774 : vector<64x1xf32> to vector<64x2048xf32>
    %mul3A_776 = arith.mulf %div3A_771, %mul3A_775 : vector<64x2048xf32>
    %get3A_777 = arith.constant 0 : index
    %get3A_778 = arith.constant 0 : index
    %get3A_779 = vector.load %arg5[%get3A_777, %get3A_778] : memref<64x1xf32, #tpu.memory_space<vmem>>, vector<64x1xf32>
    %add3A_780 = vector.broadcast %get3A_779 : vector<64x1xf32> to vector<64x2048xf32>
    %add3A_781 = arith.addf %mul3A_776, %add3A_780 : vector<64x2048xf32>
    %ge3A_782 = arith.constant 0.000000e+00 : f32
    %ge3A_783 = vector.broadcast %ge3A_782 : f32 to vector<64x2048xf32>
    %ge3A_784 = arith.cmpf oge, %add3A_781, %ge3A_783 : vector<64x2048xf32>
    %mul3A_785 = arith.constant 0.00999999977 : f32
    %mul3A_786 = vector.broadcast %mul3A_785 : f32 to vector<64x2048xf32>
    %mul3A_787 = arith.mulf %mul3A_786, %add3A_781 : vector<64x2048xf32>
    %select_n3A_788 = arith.select %ge3A_784, %add3A_781, %mul3A_787 : vector<64x2048xi1>, vector<64x2048xf32>
    %convert_element_type3A_789 = arith.truncf %select_n3A_788 : vector<64x2048xf32> to vector<64x2048xbf16>
    %dot_general3A_790 = arith.constant dense<0.000000e+00> : vector<1x2048xf32>
    %dot_general3A_791 = tpu.matmul %reshape3A, %convert_element_type3A_789, %dot_general3A_790 {dimension_numbers = #tpu.dot_dimension_numbers<[1], [0], [0], [1], [0, 0, 1, 1], [], []>, transpose_lhs_hint = false} : vector<1x64xbf16>, vector<64x2048xbf16>, vector<1x2048xf32> -> vector<1x2048xf32>
    %reduce_max3A_792 = vector.shape_cast %dot_general3A_791 : vector<1x2048xf32> to vector<1x1x2048xf32>
    %reduce_max3A_793 = arith.constant dense<0xFF800000> : vector<1xf32>
    %reduce_max3A_794 = vector.multi_reduction <maximumf>, %reduce_max3A_792, %reduce_max3A_793 [1, 2] : vector<1x1x2048xf32> to vector<1xf32>
    %reduce_max3A_795 = vector.shape_cast %reduce_max3A_794 : vector<1xf32> to vector<1x1x1xf32>
    %reduce_max3A_796 = vector.extract %reduce_max3A_795[0, 0, 0] : f32 from vector<1x1x1xf32>
    %sub3A_797 = vector.broadcast %reduce_max3A_796 : f32 to vector<1x2048xf32>
    %sub3A_798 = arith.subf %dot_general3A_791, %sub3A_797 : vector<1x2048xf32>
    %exp3A_799 = math.exp %sub3A_798 : vector<1x2048xf32>
    %slice3A_800 = vector.extract_strided_slice %exp3A_799 {offsets = [0, 0], sizes = [1, 128], strides = [1, 1]} : vector<1x2048xf32> to vector<1x128xf32>
    %slice3A_801 = vector.extract_strided_slice %exp3A_799 {offsets = [0, 128], sizes = [1, 128], strides = [1, 1]} : vector<1x2048xf32> to vector<1x128xf32>
    %add3A_802 = arith.addf %slice3A_800, %slice3A_801 : vector<1x128xf32>
    %slice3A_803 = vector.extract_strided_slice %exp3A_799 {offsets = [0, 256], sizes = [1, 128], strides = [1, 1]} : vector<1x2048xf32> to vector<1x128xf32>
    %add3A_804 = arith.addf %add3A_802, %slice3A_803 : vector<1x128xf32>
    %slice3A_805 = vector.extract_strided_slice %exp3A_799 {offsets = [0, 384], sizes = [1, 128], strides = [1, 1]} : vector<1x2048xf32> to vector<1x128xf32>
    %add3A_806 = arith.addf %add3A_804, %slice3A_805 : vector<1x128xf32>
    %slice3A_807 = vector.extract_strided_slice %exp3A_799 {offsets = [0, 512], sizes = [1, 128], strides = [1, 1]} : vector<1x2048xf32> to vector<1x128xf32>
    %add3A_808 = arith.addf %add3A_806, %slice3A_807 : vector<1x128xf32>
    %slice3A_809 = vector.extract_strided_slice %exp3A_799 {offsets = [0, 640], sizes = [1, 128], strides = [1, 1]} : vector<1x2048xf32> to vector<1x128xf32>
    %add3A_810 = arith.addf %add3A_808, %slice3A_809 : vector<1x128xf32>
    %slice3A_811 = vector.extract_strided_slice %exp3A_799 {offsets = [0, 768], sizes = [1, 128], strides = [1, 1]} : vector<1x2048xf32> to vector<1x128xf32>
    %add3A_812 = arith.addf %add3A_810, %slice3A_811 : vector<1x128xf32>
    %slice3A_813 = vector.extract_strided_slice %exp3A_799 {offsets = [0, 896], sizes = [1, 128], strides = [1, 1]} : vector<1x2048xf32> to vector<1x128xf32>
    %add3A_814 = arith.addf %add3A_812, %slice3A_813 : vector<1x128xf32>
    %slice3A_815 = vector.extract_strided_slice %exp3A_799 {offsets = [0, 1024], sizes = [1, 128], strides = [1, 1]} : vector<1x2048xf32> to vector<1x128xf32>
    %add3A_816 = arith.addf %add3A_814, %slice3A_815 : vector<1x128xf32>
    %slice3A_817 = vector.extract_strided_slice %exp3A_799 {offsets = [0, 1152], sizes = [1, 128], strides = [1, 1]} : vector<1x2048xf32> to vector<1x128xf32>
    %add3A_818 = arith.addf %add3A_816, %slice3A_817 : vector<1x128xf32>
    %slice3A_819 = vector.extract_strided_slice %exp3A_799 {offsets = [0, 1280], sizes = [1, 128], strides = [1, 1]} : vector<1x2048xf32> to vector<1x128xf32>
    %add3A_820 = arith.addf %add3A_818, %slice3A_819 : vector<1x128xf32>
    %slice3A_821 = vector.extract_strided_slice %exp3A_799 {offsets = [0, 1408], sizes = [1, 128], strides = [1, 1]} : vector<1x2048xf32> to vector<1x128xf32>
    %add3A_822 = arith.addf %add3A_820, %slice3A_821 : vector<1x128xf32>
    %slice3A_823 = vector.extract_strided_slice %exp3A_799 {offsets = [0, 1536], sizes = [1, 128], strides = [1, 1]} : vector<1x2048xf32> to vector<1x128xf32>
    %add3A_824 = arith.addf %add3A_822, %slice3A_823 : vector<1x128xf32>
    %slice3A_825 = vector.extract_strided_slice %exp3A_799 {offsets = [0, 1664], sizes = [1, 128], strides = [1, 1]} : vector<1x2048xf32> to vector<1x128xf32>
    %add3A_826 = arith.addf %add3A_824, %slice3A_825 : vector<1x128xf32>
    %slice3A_827 = vector.extract_strided_slice %exp3A_799 {offsets = [0, 1792], sizes = [1, 128], strides = [1, 1]} : vector<1x2048xf32> to vector<1x128xf32>
    %add3A_828 = arith.addf %add3A_826, %slice3A_827 : vector<1x128xf32>
    %slice3A_829 = vector.extract_strided_slice %exp3A_799 {offsets = [0, 1920], sizes = [1, 128], strides = [1, 1]} : vector<1x2048xf32> to vector<1x128xf32>
    %add3A_830 = arith.addf %add3A_828, %slice3A_829 : vector<1x128xf32>
    %slice3A_831 = vector.extract_strided_slice %add3A_830 {offsets = [0, 0], sizes = [1, 8], strides = [1, 1]} : vector<1x128xf32> to vector<1x8xf32>
    %slice3A_832 = vector.extract_strided_slice %add3A_830 {offsets = [0, 8], sizes = [1, 8], strides = [1, 1]} : vector<1x128xf32> to vector<1x8xf32>
    %add3A_833 = arith.addf %slice3A_831, %slice3A_832 : vector<1x8xf32>
    %slice3A_834 = vector.extract_strided_slice %add3A_830 {offsets = [0, 16], sizes = [1, 8], strides = [1, 1]} : vector<1x128xf32> to vector<1x8xf32>
    %add3A_835 = arith.addf %add3A_833, %slice3A_834 : vector<1x8xf32>
    %slice3A_836 = vector.extract_strided_slice %add3A_830 {offsets = [0, 24], sizes = [1, 8], strides = [1, 1]} : vector<1x128xf32> to vector<1x8xf32>
    %add3A_837 = arith.addf %add3A_835, %slice3A_836 : vector<1x8xf32>
    %slice3A_838 = vector.extract_strided_slice %add3A_830 {offsets = [0, 32], sizes = [1, 8], strides = [1, 1]} : vector<1x128xf32> to vector<1x8xf32>
    %add3A_839 = arith.addf %add3A_837, %slice3A_838 : vector<1x8xf32>
    %slice3A_840 = vector.extract_strided_slice %add3A_830 {offsets = [0, 40], sizes = [1, 8], strides = [1, 1]} : vector<1x128xf32> to vector<1x8xf32>
    %add3A_841 = arith.addf %add3A_839, %slice3A_840 : vector<1x8xf32>
    %slice3A_842 = vector.extract_strided_slice %add3A_830 {offsets = [0, 48], sizes = [1, 8], strides = [1, 1]} : vector<1x128xf32> to vector<1x8xf32>
    %add3A_843 = arith.addf %add3A_841, %slice3A_842 : vector<1x8xf32>
    %slice3A_844 = vector.extract_strided_slice %add3A_830 {offsets = [0, 56], sizes = [1, 8], strides = [1, 1]} : vector<1x128xf32> to vector<1x8xf32>
    %add3A_845 = arith.addf %add3A_843, %slice3A_844 : vector<1x8xf32>
    %slice3A_846 = vector.extract_strided_slice %add3A_830 {offsets = [0, 64], sizes = [1, 8], strides = [1, 1]} : vector<1x128xf32> to vector<1x8xf32>
    %add3A_847 = arith.addf %add3A_845, %slice3A_846 : vector<1x8xf32>
    %slice3A_848 = vector.extract_strided_slice %add3A_830 {offsets = [0, 72], sizes = [1, 8], strides = [1, 1]} : vector<1x128xf32> to vector<1x8xf32>
    %add3A_849 = arith.addf %add3A_847, %slice3A_848 : vector<1x8xf32>
    %slice3A_850 = vector.extract_strided_slice %add3A_830 {offsets = [0, 80], sizes = [1, 8], strides = [1, 1]} : vector<1x128xf32> to vector<1x8xf32>
    %add3A_851 = arith.addf %add3A_849, %slice3A_850 : vector<1x8xf32>
    %slice3A_852 = vector.extract_strided_slice %add3A_830 {offsets = [0, 88], sizes = [1, 8], strides = [1, 1]} : vector<1x128xf32> to vector<1x8xf32>
    %add3A_853 = arith.addf %add3A_851, %slice3A_852 : vector<1x8xf32>
    %slice3A_854 = vector.extract_strided_slice %add3A_830 {offsets = [0, 96], sizes = [1, 8], strides = [1, 1]} : vector<1x128xf32> to vector<1x8xf32>
    %add3A_855 = arith.addf %add3A_853, %slice3A_854 : vector<1x8xf32>
    %slice3A_856 = vector.extract_strided_slice %add3A_830 {offsets = [0, 104], sizes = [1, 8], strides = [1, 1]} : vector<1x128xf32> to vector<1x8xf32>
    %add3A_857 = arith.addf %add3A_855, %slice3A_856 : vector<1x8xf32>
    %slice3A_858 = vector.extract_strided_slice %add3A_830 {offsets = [0, 112], sizes = [1, 8], strides = [1, 1]} : vector<1x128xf32> to vector<1x8xf32>
    %add3A_859 = arith.addf %add3A_857, %slice3A_858 : vector<1x8xf32>
    %slice3A_860 = vector.extract_strided_slice %add3A_830 {offsets = [0, 120], sizes = [1, 8], strides = [1, 1]} : vector<1x128xf32> to vector<1x8xf32>
    %add3A_861 = arith.addf %add3A_859, %slice3A_860 : vector<1x8xf32>
    %slice3A_862 = vector.extract_strided_slice %add3A_861 {offsets = [0, 0], sizes = [1, 4], strides = [1, 1]} : vector<1x8xf32> to vector<1x4xf32>
    %slice3A_863 = vector.extract_strided_slice %add3A_861 {offsets = [0, 4], sizes = [1, 4], strides = [1, 1]} : vector<1x8xf32> to vector<1x4xf32>
    %add3A_864 = arith.addf %slice3A_862, %slice3A_863 : vector<1x4xf32>
    %slice3A_865 = vector.extract_strided_slice %add3A_864 {offsets = [0, 0], sizes = [1, 2], strides = [1, 1]} : vector<1x4xf32> to vector<1x2xf32>
    %slice3A_866 = vector.extract_strided_slice %add3A_864 {offsets = [0, 2], sizes = [1, 2], strides = [1, 1]} : vector<1x4xf32> to vector<1x2xf32>
    %add3A_867 = arith.addf %slice3A_865, %slice3A_866 : vector<1x2xf32>
    %slice3A_868 = vector.extract_strided_slice %add3A_867 {offsets = [0, 0], sizes = [1, 1], strides = [1, 1]} : vector<1x2xf32> to vector<1x1xf32>
    %slice3A_869 = vector.extract_strided_slice %add3A_867 {offsets = [0, 1], sizes = [1, 1], strides = [1, 1]} : vector<1x2xf32> to vector<1x1xf32>
    %add3A_870 = arith.addf %slice3A_868, %slice3A_869 : vector<1x1xf32>
    %squeeze3A_871 = vector.extract %add3A_870[0, 0] : f32 from vector<1x1xf32>
    %div3A_872 = vector.broadcast %squeeze3A_871 : f32 to vector<1x2048xf32>
    %div3A_873 = arith.divf %exp3A_799, %div3A_872 : vector<1x2048xf32>
    %swap3A_874 = arith.constant 5 : index
    %swap3A_875 = arith.constant 0 : index
    %swap3A_876 = arith.constant 0 : index
    %swap3A_877 = vector.load %arg7[%swap3A_874, %swap3A_875, %swap3A_876] : memref<16x1x2048xf32, #tpu.memory_space<vmem>>, vector<1x1x2048xf32>
    %swap3A_878 = vector.shape_cast %swap3A_877 : vector<1x1x2048xf32> to vector<1x2048xf32>
    %swap3A_879 = vector.shape_cast %div3A_873 : vector<1x2048xf32> to vector<1x1x2048xf32>
    tpu.vector_store %arg7[%swap3A_874, %swap3A_875, %swap3A_876], %swap3A_879 {strides = array<i32>} : memref<16x1x2048xf32, #tpu.memory_space<vmem>>, vector<1x1x2048xf32>,
    %get3A_880 = arith.constant 6 : index
    %get3A_881 = arith.constant 0 : index
    %get3A_882 = arith.constant 0 : index
    %get3A_883 = vector.load %arg1[%get3A_880, %get3A_881, %get3A_882] : memref<16x128x1xf32, #tpu.memory_space<vmem>>, vector<1x128x1xf32>
    %get3A_884 = vector.shape_cast %get3A_883 : vector<1x128x1xf32> to vector<128x1xf32>
    %get3A_885 = arith.constant 6 : index
    %get3A_886 = arith.constant 0 : index
    %get3A_887 = arith.constant 0 : index
    %get3A_888 = vector.load %arg2[%get3A_885, %get3A_886, %get3A_887] : memref<16x2x2048xf32, #tpu.memory_space<vmem>>, vector<1x2x2048xf32>
    %get3A_889 = vector.shape_cast %get3A_888 : vector<1x2x2048xf32> to vector<2x2048xf32>
    %convert_element_type3A_890 = arith.truncf %get3A_884 : vector<128x1xf32> to vector<128x1xbf16>
    %convert_element_type3A_891 = arith.truncf %get3A_889 : vector<2x2048xf32> to vector<2x2048xbf16>
    %broadcast_in_dim3A_892 = vector.shape_cast %convert_element_type3A_890 : vector<128x1xbf16> to vector<128x1xbf16>
    %broadcast_in_dim3A_893 = vector.broadcast %broadcast_in_dim3A_892 : vector<128x1xbf16> to vector<128x2048xbf16>
    %concatenate3A_894 = tpu.concatenate %broadcast_in_dim3A_893, %convert_element_type3A_891 in 0 : vector<128x2048xbf16>, vector<2x2048xbf16> -> vector<130x2048xbf16>
    %get3A_895 = arith.constant 0 : index
    %get3A_896 = arith.constant 0 : index
    %get3A_897 = vector.load %arg3[%get3A_895, %get3A_896] : memref<64x130xbf16, #tpu.memory_space<vmem>>, vector<64x130xbf16>
    %dot_general3A_898 = arith.constant dense<0.000000e+00> : vector<64x2048xf32>
    %dot_general3A_899 = tpu.matmul %get3A_897, %concatenate3A_894, %dot_general3A_898 {dimension_numbers = #tpu.dot_dimension_numbers<[1], [0], [0], [1], [0, 0, 1, 1], [], []>, transpose_lhs_hint = false} : vector<64x130xbf16>, vector<130x2048xbf16>, vector<64x2048xf32> -> vector<64x2048xf32>
    %reduce_sum3A_900 = arith.constant dense<0.000000e+00> : vector<2048xf32>
    %reduce_sum3A_901 = vector.multi_reduction <add>, %dot_general3A_899, %reduce_sum3A_900 [0] : vector<64x2048xf32> to vector<2048xf32>
    %broadcast_in_dim3A_902 = vector.shape_cast %reduce_sum3A_901 : vector<2048xf32> to vector<1x2048xf32>
    %mul3A_903 = arith.constant 1.562500e-02 : f32
    %mul3A_904 = vector.broadcast %mul3A_903 : f32 to vector<1x2048xf32>
    %mul3A_905 = arith.mulf %broadcast_in_dim3A_902, %mul3A_904 : vector<1x2048xf32>
    %sub3A_906 = vector.broadcast %mul3A_905 : vector<1x2048xf32> to vector<64x2048xf32>
    %sub3A_907 = arith.subf %dot_general3A_899, %sub3A_906 : vector<64x2048xf32>
    %mul3A_908 = arith.mulf %sub3A_907, %sub3A_907 : vector<64x2048xf32>
    %reduce_sum3A_909 = arith.constant dense<0.000000e+00> : vector<2048xf32>
    %reduce_sum3A_910 = vector.multi_reduction <add>, %mul3A_908, %reduce_sum3A_909 [0] : vector<64x2048xf32> to vector<2048xf32>
    %broadcast_in_dim3A_911 = vector.shape_cast %reduce_sum3A_910 : vector<2048xf32> to vector<1x2048xf32>
    %mul3A_912 = arith.constant 1.562500e-02 : f32
    %mul3A_913 = vector.broadcast %mul3A_912 : f32 to vector<1x2048xf32>
    %mul3A_914 = arith.mulf %broadcast_in_dim3A_911, %mul3A_913 : vector<1x2048xf32>
    %add3A_915 = arith.constant 9.99999974E-6 : f32
    %add3A_916 = vector.broadcast %add3A_915 : f32 to vector<1x2048xf32>
    %add3A_917 = arith.addf %mul3A_914, %add3A_916 : vector<1x2048xf32>
    %sqrt3A_918 = math.sqrt %add3A_917 : vector<1x2048xf32>
    %div3A_919 = vector.broadcast %sqrt3A_918 : vector<1x2048xf32> to vector<64x2048xf32>
    %div3A_920 = arith.divf %sub3A_907, %div3A_919 : vector<64x2048xf32>
    %get3A_921 = arith.constant 0 : index
    %get3A_922 = arith.constant 0 : index
    %get3A_923 = vector.load %arg4[%get3A_921, %get3A_922] : memref<64x1xf32, #tpu.memory_space<vmem>>, vector<64x1xf32>
    %mul3A_924 = vector.broadcast %get3A_923 : vector<64x1xf32> to vector<64x2048xf32>
    %mul3A_925 = arith.mulf %div3A_920, %mul3A_924 : vector<64x2048xf32>
    %get3A_926 = arith.constant 0 : index
    %get3A_927 = arith.constant 0 : index
    %get3A_928 = vector.load %arg5[%get3A_926, %get3A_927] : memref<64x1xf32, #tpu.memory_space<vmem>>, vector<64x1xf32>
    %add3A_929 = vector.broadcast %get3A_928 : vector<64x1xf32> to vector<64x2048xf32>
    %add3A_930 = arith.addf %mul3A_925, %add3A_929 : vector<64x2048xf32>
    %ge3A_931 = arith.constant 0.000000e+00 : f32
    %ge3A_932 = vector.broadcast %ge3A_931 : f32 to vector<64x2048xf32>
    %ge3A_933 = arith.cmpf oge, %add3A_930, %ge3A_932 : vector<64x2048xf32>
    %mul3A_934 = arith.constant 0.00999999977 : f32
    %mul3A_935 = vector.broadcast %mul3A_934 : f32 to vector<64x2048xf32>
    %mul3A_936 = arith.mulf %mul3A_935, %add3A_930 : vector<64x2048xf32>
    %select_n3A_937 = arith.select %ge3A_933, %add3A_930, %mul3A_936 : vector<64x2048xi1>, vector<64x2048xf32>
    %convert_element_type3A_938 = arith.truncf %select_n3A_937 : vector<64x2048xf32> to vector<64x2048xbf16>
    %dot_general3A_939 = arith.constant dense<0.000000e+00> : vector<1x2048xf32>
    %dot_general3A_940 = tpu.matmul %reshape3A, %convert_element_type3A_938, %dot_general3A_939 {dimension_numbers = #tpu.dot_dimension_numbers<[1], [0], [0], [1], [0, 0, 1, 1], [], []>, transpose_lhs_hint = false} : vector<1x64xbf16>, vector<64x2048xbf16>, vector<1x2048xf32> -> vector<1x2048xf32>
    %reduce_max3A_941 = vector.shape_cast %dot_general3A_940 : vector<1x2048xf32> to vector<1x1x2048xf32>
    %reduce_max3A_942 = arith.constant dense<0xFF800000> : vector<1xf32>
    %reduce_max3A_943 = vector.multi_reduction <maximumf>, %reduce_max3A_941, %reduce_max3A_942 [1, 2] : vector<1x1x2048xf32> to vector<1xf32>
    %reduce_max3A_944 = vector.shape_cast %reduce_max3A_943 : vector<1xf32> to vector<1x1x1xf32>
    %reduce_max3A_945 = vector.extract %reduce_max3A_944[0, 0, 0] : f32 from vector<1x1x1xf32>
    %sub3A_946 = vector.broadcast %reduce_max3A_945 : f32 to vector<1x2048xf32>
    %sub3A_947 = arith.subf %dot_general3A_940, %sub3A_946 : vector<1x2048xf32>
    %exp3A_948 = math.exp %sub3A_947 : vector<1x2048xf32>
    %slice3A_949 = vector.extract_strided_slice %exp3A_948 {offsets = [0, 0], sizes = [1, 128], strides = [1, 1]} : vector<1x2048xf32> to vector<1x128xf32>
    %slice3A_950 = vector.extract_strided_slice %exp3A_948 {offsets = [0, 128], sizes = [1, 128], strides = [1, 1]} : vector<1x2048xf32> to vector<1x128xf32>
    %add3A_951 = arith.addf %slice3A_949, %slice3A_950 : vector<1x128xf32>
    %slice3A_952 = vector.extract_strided_slice %exp3A_948 {offsets = [0, 256], sizes = [1, 128], strides = [1, 1]} : vector<1x2048xf32> to vector<1x128xf32>
    %add3A_953 = arith.addf %add3A_951, %slice3A_952 : vector<1x128xf32>
    %slice3A_954 = vector.extract_strided_slice %exp3A_948 {offsets = [0, 384], sizes = [1, 128], strides = [1, 1]} : vector<1x2048xf32> to vector<1x128xf32>
    %add3A_955 = arith.addf %add3A_953, %slice3A_954 : vector<1x128xf32>
    %slice3A_956 = vector.extract_strided_slice %exp3A_948 {offsets = [0, 512], sizes = [1, 128], strides = [1, 1]} : vector<1x2048xf32> to vector<1x128xf32>
    %add3A_957 = arith.addf %add3A_955, %slice3A_956 : vector<1x128xf32>
    %slice3A_958 = vector.extract_strided_slice %exp3A_948 {offsets = [0, 640], sizes = [1, 128], strides = [1, 1]} : vector<1x2048xf32> to vector<1x128xf32>
    %add3A_959 = arith.addf %add3A_957, %slice3A_958 : vector<1x128xf32>
    %slice3A_960 = vector.extract_strided_slice %exp3A_948 {offsets = [0, 768], sizes = [1, 128], strides = [1, 1]} : vector<1x2048xf32> to vector<1x128xf32>
    %add3A_961 = arith.addf %add3A_959, %slice3A_960 : vector<1x128xf32>
    %slice3A_962 = vector.extract_strided_slice %exp3A_948 {offsets = [0, 896], sizes = [1, 128], strides = [1, 1]} : vector<1x2048xf32> to vector<1x128xf32>
    %add3A_963 = arith.addf %add3A_961, %slice3A_962 : vector<1x128xf32>
    %slice3A_964 = vector.extract_strided_slice %exp3A_948 {offsets = [0, 1024], sizes = [1, 128], strides = [1, 1]} : vector<1x2048xf32> to vector<1x128xf32>
    %add3A_965 = arith.addf %add3A_963, %slice3A_964 : vector<1x128xf32>
    %slice3A_966 = vector.extract_strided_slice %exp3A_948 {offsets = [0, 1152], sizes = [1, 128], strides = [1, 1]} : vector<1x2048xf32> to vector<1x128xf32>
    %add3A_967 = arith.addf %add3A_965, %slice3A_966 : vector<1x128xf32>
    %slice3A_968 = vector.extract_strided_slice %exp3A_948 {offsets = [0, 1280], sizes = [1, 128], strides = [1, 1]} : vector<1x2048xf32> to vector<1x128xf32>
    %add3A_969 = arith.addf %add3A_967, %slice3A_968 : vector<1x128xf32>
    %slice3A_970 = vector.extract_strided_slice %exp3A_948 {offsets = [0, 1408], sizes = [1, 128], strides = [1, 1]} : vector<1x2048xf32> to vector<1x128xf32>
    %add3A_971 = arith.addf %add3A_969, %slice3A_970 : vector<1x128xf32>
    %slice3A_972 = vector.extract_strided_slice %exp3A_948 {offsets = [0, 1536], sizes = [1, 128], strides = [1, 1]} : vector<1x2048xf32> to vector<1x128xf32>
    %add3A_973 = arith.addf %add3A_971, %slice3A_972 : vector<1x128xf32>
    %slice3A_974 = vector.extract_strided_slice %exp3A_948 {offsets = [0, 1664], sizes = [1, 128], strides = [1, 1]} : vector<1x2048xf32> to vector<1x128xf32>
    %add3A_975 = arith.addf %add3A_973, %slice3A_974 : vector<1x128xf32>
    %slice3A_976 = vector.extract_strided_slice %exp3A_948 {offsets = [0, 1792], sizes = [1, 128], strides = [1, 1]} : vector<1x2048xf32> to vector<1x128xf32>
    %add3A_977 = arith.addf %add3A_975, %slice3A_976 : vector<1x128xf32>
    %slice3A_978 = vector.extract_strided_slice %exp3A_948 {offsets = [0, 1920], sizes = [1, 128], strides = [1, 1]} : vector<1x2048xf32> to vector<1x128xf32>
    %add3A_979 = arith.addf %add3A_977, %slice3A_978 : vector<1x128xf32>
    %slice3A_980 = vector.extract_strided_slice %add3A_979 {offsets = [0, 0], sizes = [1, 8], strides = [1, 1]} : vector<1x128xf32> to vector<1x8xf32>
    %slice3A_981 = vector.extract_strided_slice %add3A_979 {offsets = [0, 8], sizes = [1, 8], strides = [1, 1]} : vector<1x128xf32> to vector<1x8xf32>
    %add3A_982 = arith.addf %slice3A_980, %slice3A_981 : vector<1x8xf32>
    %slice3A_983 = vector.extract_strided_slice %add3A_979 {offsets = [0, 16], sizes = [1, 8], strides = [1, 1]} : vector<1x128xf32> to vector<1x8xf32>
    %add3A_984 = arith.addf %add3A_982, %slice3A_983 : vector<1x8xf32>
    %slice3A_985 = vector.extract_strided_slice %add3A_979 {offsets = [0, 24], sizes = [1, 8], strides = [1, 1]} : vector<1x128xf32> to vector<1x8xf32>
    %add3A_986 = arith.addf %add3A_984, %slice3A_985 : vector<1x8xf32>
    %slice3A_987 = vector.extract_strided_slice %add3A_979 {offsets = [0, 32], sizes = [1, 8], strides = [1, 1]} : vector<1x128xf32> to vector<1x8xf32>
    %add3A_988 = arith.addf %add3A_986, %slice3A_987 : vector<1x8xf32>
    %slice3A_989 = vector.extract_strided_slice %add3A_979 {offsets = [0, 40], sizes = [1, 8], strides = [1, 1]} : vector<1x128xf32> to vector<1x8xf32>
    %add3A_990 = arith.addf %add3A_988, %slice3A_989 : vector<1x8xf32>
    %slice3A_991 = vector.extract_strided_slice %add3A_979 {offsets = [0, 48], sizes = [1, 8], strides = [1, 1]} : vector<1x128xf32> to vector<1x8xf32>
    %add3A_992 = arith.addf %add3A_990, %slice3A_991 : vector<1x8xf32>
    %slice3A_993 = vector.extract_strided_slice %add3A_979 {offsets = [0, 56], sizes = [1, 8], strides = [1, 1]} : vector<1x128xf32> to vector<1x8xf32>
    %add3A_994 = arith.addf %add3A_992, %slice3A_993 : vector<1x8xf32>
    %slice3A_995 = vector.extract_strided_slice %add3A_979 {offsets = [0, 64], sizes = [1, 8], strides = [1, 1]} : vector<1x128xf32> to vector<1x8xf32>
    %add3A_996 = arith.addf %add3A_994, %slice3A_995 : vector<1x8xf32>
    %slice3A_997 = vector.extract_strided_slice %add3A_979 {offsets = [0, 72], sizes = [1, 8], strides = [1, 1]} : vector<1x128xf32> to vector<1x8xf32>
    %add3A_998 = arith.addf %add3A_996, %slice3A_997 : vector<1x8xf32>
    %slice3A_999 = vector.extract_strided_slice %add3A_979 {offsets = [0, 80], sizes = [1, 8], strides = [1, 1]} : vector<1x128xf32> to vector<1x8xf32>
    %add3A_1000 = arith.addf %add3A_998, %slice3A_999 : vector<1x8xf32>
    %slice3A_1001 = vector.extract_strided_slice %add3A_979 {offsets = [0, 88], sizes = [1, 8], strides = [1, 1]} : vector<1x128xf32> to vector<1x8xf32>
    %add3A_1002 = arith.addf %add3A_1000, %slice3A_1001 : vector<1x8xf32>
    %slice3A_1003 = vector.extract_strided_slice %add3A_979 {offsets = [0, 96], sizes = [1, 8], strides = [1, 1]} : vector<1x128xf32> to vector<1x8xf32>
    %add3A_1004 = arith.addf %add3A_1002, %slice3A_1003 : vector<1x8xf32>
    %slice3A_1005 = vector.extract_strided_slice %add3A_979 {offsets = [0, 104], sizes = [1, 8], strides = [1, 1]} : vector<1x128xf32> to vector<1x8xf32>
    %add3A_1006 = arith.addf %add3A_1004, %slice3A_1005 : vector<1x8xf32>
    %slice3A_1007 = vector.extract_strided_slice %add3A_979 {offsets = [0, 112], sizes = [1, 8], strides = [1, 1]} : vector<1x128xf32> to vector<1x8xf32>
    %add3A_1008 = arith.addf %add3A_1006, %slice3A_1007 : vector<1x8xf32>
    %slice3A_1009 = vector.extract_strided_slice %add3A_979 {offsets = [0, 120], sizes = [1, 8], strides = [1, 1]} : vector<1x128xf32> to vector<1x8xf32>
    %add3A_1010 = arith.addf %add3A_1008, %slice3A_1009 : vector<1x8xf32>
    %slice3A_1011 = vector.extract_strided_slice %add3A_1010 {offsets = [0, 0], sizes = [1, 4], strides = [1, 1]} : vector<1x8xf32> to vector<1x4xf32>
    %slice3A_1012 = vector.extract_strided_slice %add3A_1010 {offsets = [0, 4], sizes = [1, 4], strides = [1, 1]} : vector<1x8xf32> to vector<1x4xf32>
    %add3A_1013 = arith.addf %slice3A_1011, %slice3A_1012 : vector<1x4xf32>
    %slice3A_1014 = vector.extract_strided_slice %add3A_1013 {offsets = [0, 0], sizes = [1, 2], strides = [1, 1]} : vector<1x4xf32> to vector<1x2xf32>
    %slice3A_1015 = vector.extract_strided_slice %add3A_1013 {offsets = [0, 2], sizes = [1, 2], strides = [1, 1]} : vector<1x4xf32> to vector<1x2xf32>
    %add3A_1016 = arith.addf %slice3A_1014, %slice3A_1015 : vector<1x2xf32>
    %slice3A_1017 = vector.extract_strided_slice %add3A_1016 {offsets = [0, 0], sizes = [1, 1], strides = [1, 1]} : vector<1x2xf32> to vector<1x1xf32>
    %slice3A_1018 = vector.extract_strided_slice %add3A_1016 {offsets = [0, 1], sizes = [1, 1], strides = [1, 1]} : vector<1x2xf32> to vector<1x1xf32>
    %add3A_1019 = arith.addf %slice3A_1017, %slice3A_1018 : vector<1x1xf32>
    %squeeze3A_1020 = vector.extract %add3A_1019[0, 0] : f32 from vector<1x1xf32>
    %div3A_1021 = vector.broadcast %squeeze3A_1020 : f32 to vector<1x2048xf32>
    %div3A_1022 = arith.divf %exp3A_948, %div3A_1021 : vector<1x2048xf32>
    %swap3A_1023 = arith.constant 6 : index
    %swap3A_1024 = arith.constant 0 : index
    %swap3A_1025 = arith.constant 0 : index
    %swap3A_1026 = vector.load %arg7[%swap3A_1023, %swap3A_1024, %swap3A_1025] : memref<16x1x2048xf32, #tpu.memory_space<vmem>>, vector<1x1x2048xf32>
    %swap3A_1027 = vector.shape_cast %swap3A_1026 : vector<1x1x2048xf32> to vector<1x2048xf32>
    %swap3A_1028 = vector.shape_cast %div3A_1022 : vector<1x2048xf32> to vector<1x1x2048xf32>
    tpu.vector_store %arg7[%swap3A_1023, %swap3A_1024, %swap3A_1025], %swap3A_1028 {strides = array<i32>} : memref<16x1x2048xf32, #tpu.memory_space<vmem>>, vector<1x1x2048xf32>,
    %get3A_1029 = arith.constant 7 : index
    %get3A_1030 = arith.constant 0 : index
    %get3A_1031 = arith.constant 0 : index
    %get3A_1032 = vector.load %arg1[%get3A_1029, %get3A_1030, %get3A_1031] : memref<16x128x1xf32, #tpu.memory_space<vmem>>, vector<1x128x1xf32>
    %get3A_1033 = vector.shape_cast %get3A_1032 : vector<1x128x1xf32> to vector<128x1xf32>
    %get3A_1034 = arith.constant 7 : index
    %get3A_1035 = arith.constant 0 : index
    %get3A_1036 = arith.constant 0 : index
    %get3A_1037 = vector.load %arg2[%get3A_1034, %get3A_1035, %get3A_1036] : memref<16x2x2048xf32, #tpu.memory_space<vmem>>, vector<1x2x2048xf32>
    %get3A_1038 = vector.shape_cast %get3A_1037 : vector<1x2x2048xf32> to vector<2x2048xf32>
    %convert_element_type3A_1039 = arith.truncf %get3A_1033 : vector<128x1xf32> to vector<128x1xbf16>
    %convert_element_type3A_1040 = arith.truncf %get3A_1038 : vector<2x2048xf32> to vector<2x2048xbf16>
    %broadcast_in_dim3A_1041 = vector.shape_cast %convert_element_type3A_1039 : vector<128x1xbf16> to vector<128x1xbf16>
    %broadcast_in_dim3A_1042 = vector.broadcast %broadcast_in_dim3A_1041 : vector<128x1xbf16> to vector<128x2048xbf16>
    %concatenate3A_1043 = tpu.concatenate %broadcast_in_dim3A_1042, %convert_element_type3A_1040 in 0 : vector<128x2048xbf16>, vector<2x2048xbf16> -> vector<130x2048xbf16>
    %get3A_1044 = arith.constant 0 : index
    %get3A_1045 = arith.constant 0 : index
    %get3A_1046 = vector.load %arg3[%get3A_1044, %get3A_1045] : memref<64x130xbf16, #tpu.memory_space<vmem>>, vector<64x130xbf16>
    %dot_general3A_1047 = arith.constant dense<0.000000e+00> : vector<64x2048xf32>
    %dot_general3A_1048 = tpu.matmul %get3A_1046, %concatenate3A_1043, %dot_general3A_1047 {dimension_numbers = #tpu.dot_dimension_numbers<[1], [0], [0], [1], [0, 0, 1, 1], [], []>, transpose_lhs_hint = false} : vector<64x130xbf16>, vector<130x2048xbf16>, vector<64x2048xf32> -> vector<64x2048xf32>
    %reduce_sum3A_1049 = arith.constant dense<0.000000e+00> : vector<2048xf32>
    %reduce_sum3A_1050 = vector.multi_reduction <add>, %dot_general3A_1048, %reduce_sum3A_1049 [0] : vector<64x2048xf32> to vector<2048xf32>
    %broadcast_in_dim3A_1051 = vector.shape_cast %reduce_sum3A_1050 : vector<2048xf32> to vector<1x2048xf32>
    %mul3A_1052 = arith.constant 1.562500e-02 : f32
    %mul3A_1053 = vector.broadcast %mul3A_1052 : f32 to vector<1x2048xf32>
    %mul3A_1054 = arith.mulf %broadcast_in_dim3A_1051, %mul3A_1053 : vector<1x2048xf32>
    %sub3A_1055 = vector.broadcast %mul3A_1054 : vector<1x2048xf32> to vector<64x2048xf32>
    %sub3A_1056 = arith.subf %dot_general3A_1048, %sub3A_1055 : vector<64x2048xf32>
    %mul3A_1057 = arith.mulf %sub3A_1056, %sub3A_1056 : vector<64x2048xf32>
    %reduce_sum3A_1058 = arith.constant dense<0.000000e+00> : vector<2048xf32>
    %reduce_sum3A_1059 = vector.multi_reduction <add>, %mul3A_1057, %reduce_sum3A_1058 [0] : vector<64x2048xf32> to vector<2048xf32>
    %broadcast_in_dim3A_1060 = vector.shape_cast %reduce_sum3A_1059 : vector<2048xf32> to vector<1x2048xf32>
    %mul3A_1061 = arith.constant 1.562500e-02 : f32
    %mul3A_1062 = vector.broadcast %mul3A_1061 : f32 to vector<1x2048xf32>
    %mul3A_1063 = arith.mulf %broadcast_in_dim3A_1060, %mul3A_1062 : vector<1x2048xf32>
    %add3A_1064 = arith.constant 9.99999974E-6 : f32
    %add3A_1065 = vector.broadcast %add3A_1064 : f32 to vector<1x2048xf32>
    %add3A_1066 = arith.addf %mul3A_1063, %add3A_1065 : vector<1x2048xf32>
    %sqrt3A_1067 = math.sqrt %add3A_1066 : vector<1x2048xf32>
    %div3A_1068 = vector.broadcast %sqrt3A_1067 : vector<1x2048xf32> to vector<64x2048xf32>
    %div3A_1069 = arith.divf %sub3A_1056, %div3A_1068 : vector<64x2048xf32>
    %get3A_1070 = arith.constant 0 : index
    %get3A_1071 = arith.constant 0 : index
    %get3A_1072 = vector.load %arg4[%get3A_1070, %get3A_1071] : memref<64x1xf32, #tpu.memory_space<vmem>>, vector<64x1xf32>
    %mul3A_1073 = vector.broadcast %get3A_1072 : vector<64x1xf32> to vector<64x2048xf32>
    %mul3A_1074 = arith.mulf %div3A_1069, %mul3A_1073 : vector<64x2048xf32>
    %get3A_1075 = arith.constant 0 : index
    %get3A_1076 = arith.constant 0 : index
    %get3A_1077 = vector.load %arg5[%get3A_1075, %get3A_1076] : memref<64x1xf32, #tpu.memory_space<vmem>>, vector<64x1xf32>
    %add3A_1078 = vector.broadcast %get3A_1077 : vector<64x1xf32> to vector<64x2048xf32>
    %add3A_1079 = arith.addf %mul3A_1074, %add3A_1078 : vector<64x2048xf32>
    %ge3A_1080 = arith.constant 0.000000e+00 : f32
    %ge3A_1081 = vector.broadcast %ge3A_1080 : f32 to vector<64x2048xf32>
    %ge3A_1082 = arith.cmpf oge, %add3A_1079, %ge3A_1081 : vector<64x2048xf32>
    %mul3A_1083 = arith.constant 0.00999999977 : f32
    %mul3A_1084 = vector.broadcast %mul3A_1083 : f32 to vector<64x2048xf32>
    %mul3A_1085 = arith.mulf %mul3A_1084, %add3A_1079 : vector<64x2048xf32>
    %select_n3A_1086 = arith.select %ge3A_1082, %add3A_1079, %mul3A_1085 : vector<64x2048xi1>, vector<64x2048xf32>
    %convert_element_type3A_1087 = arith.truncf %select_n3A_1086 : vector<64x2048xf32> to vector<64x2048xbf16>
    %dot_general3A_1088 = arith.constant dense<0.000000e+00> : vector<1x2048xf32>
    %dot_general3A_1089 = tpu.matmul %reshape3A, %convert_element_type3A_1087, %dot_general3A_1088 {dimension_numbers = #tpu.dot_dimension_numbers<[1], [0], [0], [1], [0, 0, 1, 1], [], []>, transpose_lhs_hint = false} : vector<1x64xbf16>, vector<64x2048xbf16>, vector<1x2048xf32> -> vector<1x2048xf32>
    %reduce_max3A_1090 = vector.shape_cast %dot_general3A_1089 : vector<1x2048xf32> to vector<1x1x2048xf32>
    %reduce_max3A_1091 = arith.constant dense<0xFF800000> : vector<1xf32>
    %reduce_max3A_1092 = vector.multi_reduction <maximumf>, %reduce_max3A_1090, %reduce_max3A_1091 [1, 2] : vector<1x1x2048xf32> to vector<1xf32>
    %reduce_max3A_1093 = vector.shape_cast %reduce_max3A_1092 : vector<1xf32> to vector<1x1x1xf32>
    %reduce_max3A_1094 = vector.extract %reduce_max3A_1093[0, 0, 0] : f32 from vector<1x1x1xf32>
    %sub3A_1095 = vector.broadcast %reduce_max3A_1094 : f32 to vector<1x2048xf32>
    %sub3A_1096 = arith.subf %dot_general3A_1089, %sub3A_1095 : vector<1x2048xf32>
    %exp3A_1097 = math.exp %sub3A_1096 : vector<1x2048xf32>
    %slice3A_1098 = vector.extract_strided_slice %exp3A_1097 {offsets = [0, 0], sizes = [1, 128], strides = [1, 1]} : vector<1x2048xf32> to vector<1x128xf32>
    %slice3A_1099 = vector.extract_strided_slice %exp3A_1097 {offsets = [0, 128], sizes = [1, 128], strides = [1, 1]} : vector<1x2048xf32> to vector<1x128xf32>
    %add3A_1100 = arith.addf %slice3A_1098, %slice3A_1099 : vector<1x128xf32>
    %slice3A_1101 = vector.extract_strided_slice %exp3A_1097 {offsets = [0, 256], sizes = [1, 128], strides = [1, 1]} : vector<1x2048xf32> to vector<1x128xf32>
    %add3A_1102 = arith.addf %add3A_1100, %slice3A_1101 : vector<1x128xf32>
    %slice3A_1103 = vector.extract_strided_slice %exp3A_1097 {offsets = [0, 384], sizes = [1, 128], strides = [1, 1]} : vector<1x2048xf32> to vector<1x128xf32>
    %add3A_1104 = arith.addf %add3A_1102, %slice3A_1103 : vector<1x128xf32>
    %slice3A_1105 = vector.extract_strided_slice %exp3A_1097 {offsets = [0, 512], sizes = [1, 128], strides = [1, 1]} : vector<1x2048xf32> to vector<1x128xf32>
    %add3A_1106 = arith.addf %add3A_1104, %slice3A_1105 : vector<1x128xf32>
    %slice3A_1107 = vector.extract_strided_slice %exp3A_1097 {offsets = [0, 640], sizes = [1, 128], strides = [1, 1]} : vector<1x2048xf32> to vector<1x128xf32>
    %add3A_1108 = arith.addf %add3A_1106, %slice3A_1107 : vector<1x128xf32>
    %slice3A_1109 = vector.extract_strided_slice %exp3A_1097 {offsets = [0, 768], sizes = [1, 128], strides = [1, 1]} : vector<1x2048xf32> to vector<1x128xf32>
    %add3A_1110 = arith.addf %add3A_1108, %slice3A_1109 : vector<1x128xf32>
    %slice3A_1111 = vector.extract_strided_slice %exp3A_1097 {offsets = [0, 896], sizes = [1, 128], strides = [1, 1]} : vector<1x2048xf32> to vector<1x128xf32>
    %add3A_1112 = arith.addf %add3A_1110, %slice3A_1111 : vector<1x128xf32>
    %slice3A_1113 = vector.extract_strided_slice %exp3A_1097 {offsets = [0, 1024], sizes = [1, 128], strides = [1, 1]} : vector<1x2048xf32> to vector<1x128xf32>
    %add3A_1114 = arith.addf %add3A_1112, %slice3A_1113 : vector<1x128xf32>
    %slice3A_1115 = vector.extract_strided_slice %exp3A_1097 {offsets = [0, 1152], sizes = [1, 128], strides = [1, 1]} : vector<1x2048xf32> to vector<1x128xf32>
    %add3A_1116 = arith.addf %add3A_1114, %slice3A_1115 : vector<1x128xf32>
    %slice3A_1117 = vector.extract_strided_slice %exp3A_1097 {offsets = [0, 1280], sizes = [1, 128], strides = [1, 1]} : vector<1x2048xf32> to vector<1x128xf32>
    %add3A_1118 = arith.addf %add3A_1116, %slice3A_1117 : vector<1x128xf32>
    %slice3A_1119 = vector.extract_strided_slice %exp3A_1097 {offsets = [0, 1408], sizes = [1, 128], strides = [1, 1]} : vector<1x2048xf32> to vector<1x128xf32>
    %add3A_1120 = arith.addf %add3A_1118, %slice3A_1119 : vector<1x128xf32>
    %slice3A_1121 = vector.extract_strided_slice %exp3A_1097 {offsets = [0, 1536], sizes = [1, 128], strides = [1, 1]} : vector<1x2048xf32> to vector<1x128xf32>
    %add3A_1122 = arith.addf %add3A_1120, %slice3A_1121 : vector<1x128xf32>
    %slice3A_1123 = vector.extract_strided_slice %exp3A_1097 {offsets = [0, 1664], sizes = [1, 128], strides = [1, 1]} : vector<1x2048xf32> to vector<1x128xf32>
    %add3A_1124 = arith.addf %add3A_1122, %slice3A_1123 : vector<1x128xf32>
    %slice3A_1125 = vector.extract_strided_slice %exp3A_1097 {offsets = [0, 1792], sizes = [1, 128], strides = [1, 1]} : vector<1x2048xf32> to vector<1x128xf32>
    %add3A_1126 = arith.addf %add3A_1124, %slice3A_1125 : vector<1x128xf32>
    %slice3A_1127 = vector.extract_strided_slice %exp3A_1097 {offsets = [0, 1920], sizes = [1, 128], strides = [1, 1]} : vector<1x2048xf32> to vector<1x128xf32>
    %add3A_1128 = arith.addf %add3A_1126, %slice3A_1127 : vector<1x128xf32>
    %slice3A_1129 = vector.extract_strided_slice %add3A_1128 {offsets = [0, 0], sizes = [1, 8], strides = [1, 1]} : vector<1x128xf32> to vector<1x8xf32>
    %slice3A_1130 = vector.extract_strided_slice %add3A_1128 {offsets = [0, 8], sizes = [1, 8], strides = [1, 1]} : vector<1x128xf32> to vector<1x8xf32>
    %add3A_1131 = arith.addf %slice3A_1129, %slice3A_1130 : vector<1x8xf32>
    %slice3A_1132 = vector.extract_strided_slice %add3A_1128 {offsets = [0, 16], sizes = [1, 8], strides = [1, 1]} : vector<1x128xf32> to vector<1x8xf32>
    %add3A_1133 = arith.addf %add3A_1131, %slice3A_1132 : vector<1x8xf32>
    %slice3A_1134 = vector.extract_strided_slice %add3A_1128 {offsets = [0, 24], sizes = [1, 8], strides = [1, 1]} : vector<1x128xf32> to vector<1x8xf32>
    %add3A_1135 = arith.addf %add3A_1133, %slice3A_1134 : vector<1x8xf32>
    %slice3A_1136 = vector.extract_strided_slice %add3A_1128 {offsets = [0, 32], sizes = [1, 8], strides = [1, 1]} : vector<1x128xf32> to vector<1x8xf32>
    %add3A_1137 = arith.addf %add3A_1135, %slice3A_1136 : vector<1x8xf32>
    %slice3A_1138 = vector.extract_strided_slice %add3A_1128 {offsets = [0, 40], sizes = [1, 8], strides = [1, 1]} : vector<1x128xf32> to vector<1x8xf32>
    %add3A_1139 = arith.addf %add3A_1137, %slice3A_1138 : vector<1x8xf32>
    %slice3A_1140 = vector.extract_strided_slice %add3A_1128 {offsets = [0, 48], sizes = [1, 8], strides = [1, 1]} : vector<1x128xf32> to vector<1x8xf32>
    %add3A_1141 = arith.addf %add3A_1139, %slice3A_1140 : vector<1x8xf32>
    %slice3A_1142 = vector.extract_strided_slice %add3A_1128 {offsets = [0, 56], sizes = [1, 8], strides = [1, 1]} : vector<1x128xf32> to vector<1x8xf32>
    %add3A_1143 = arith.addf %add3A_1141, %slice3A_1142 : vector<1x8xf32>
    %slice3A_1144 = vector.extract_strided_slice %add3A_1128 {offsets = [0, 64], sizes = [1, 8], strides = [1, 1]} : vector<1x128xf32> to vector<1x8xf32>
    %add3A_1145 = arith.addf %add3A_1143, %slice3A_1144 : vector<1x8xf32>
    %slice3A_1146 = vector.extract_strided_slice %add3A_1128 {offsets = [0, 72], sizes = [1, 8], strides = [1, 1]} : vector<1x128xf32> to vector<1x8xf32>
    %add3A_1147 = arith.addf %add3A_1145, %slice3A_1146 : vector<1x8xf32>
    %slice3A_1148 = vector.extract_strided_slice %add3A_1128 {offsets = [0, 80], sizes = [1, 8], strides = [1, 1]} : vector<1x128xf32> to vector<1x8xf32>
    %add3A_1149 = arith.addf %add3A_1147, %slice3A_1148 : vector<1x8xf32>
    %slice3A_1150 = vector.extract_strided_slice %add3A_1128 {offsets = [0, 88], sizes = [1, 8], strides = [1, 1]} : vector<1x128xf32> to vector<1x8xf32>
    %add3A_1151 = arith.addf %add3A_1149, %slice3A_1150 : vector<1x8xf32>
    %slice3A_1152 = vector.extract_strided_slice %add3A_1128 {offsets = [0, 96], sizes = [1, 8], strides = [1, 1]} : vector<1x128xf32> to vector<1x8xf32>
    %add3A_1153 = arith.addf %add3A_1151, %slice3A_1152 : vector<1x8xf32>
    %slice3A_1154 = vector.extract_strided_slice %add3A_1128 {offsets = [0, 104], sizes = [1, 8], strides = [1, 1]} : vector<1x128xf32> to vector<1x8xf32>
    %add3A_1155 = arith.addf %add3A_1153, %slice3A_1154 : vector<1x8xf32>
    %slice3A_1156 = vector.extract_strided_slice %add3A_1128 {offsets = [0, 112], sizes = [1, 8], strides = [1, 1]} : vector<1x128xf32> to vector<1x8xf32>
    %add3A_1157 = arith.addf %add3A_1155, %slice3A_1156 : vector<1x8xf32>
    %slice3A_1158 = vector.extract_strided_slice %add3A_1128 {offsets = [0, 120], sizes = [1, 8], strides = [1, 1]} : vector<1x128xf32> to vector<1x8xf32>
    %add3A_1159 = arith.addf %add3A_1157, %slice3A_1158 : vector<1x8xf32>
    %slice3A_1160 = vector.extract_strided_slice %add3A_1159 {offsets = [0, 0], sizes = [1, 4], strides = [1, 1]} : vector<1x8xf32> to vector<1x4xf32>
    %slice3A_1161 = vector.extract_strided_slice %add3A_1159 {offsets = [0, 4], sizes = [1, 4], strides = [1, 1]} : vector<1x8xf32> to vector<1x4xf32>
    %add3A_1162 = arith.addf %slice3A_1160, %slice3A_1161 : vector<1x4xf32>
    %slice3A_1163 = vector.extract_strided_slice %add3A_1162 {offsets = [0, 0], sizes = [1, 2], strides = [1, 1]} : vector<1x4xf32> to vector<1x2xf32>
    %slice3A_1164 = vector.extract_strided_slice %add3A_1162 {offsets = [0, 2], sizes = [1, 2], strides = [1, 1]} : vector<1x4xf32> to vector<1x2xf32>
    %add3A_1165 = arith.addf %slice3A_1163, %slice3A_1164 : vector<1x2xf32>
    %slice3A_1166 = vector.extract_strided_slice %add3A_1165 {offsets = [0, 0], sizes = [1, 1], strides = [1, 1]} : vector<1x2xf32> to vector<1x1xf32>
    %slice3A_1167 = vector.extract_strided_slice %add3A_1165 {offsets = [0, 1], sizes = [1, 1], strides = [1, 1]} : vector<1x2xf32> to vector<1x1xf32>
    %add3A_1168 = arith.addf %slice3A_1166, %slice3A_1167 : vector<1x1xf32>
    %squeeze3A_1169 = vector.extract %add3A_1168[0, 0] : f32 from vector<1x1xf32>
    %div3A_1170 = vector.broadcast %squeeze3A_1169 : f32 to vector<1x2048xf32>
    %div3A_1171 = arith.divf %exp3A_1097, %div3A_1170 : vector<1x2048xf32>
    %swap3A_1172 = arith.constant 7 : index
    %swap3A_1173 = arith.constant 0 : index
    %swap3A_1174 = arith.constant 0 : index
    %swap3A_1175 = vector.load %arg7[%swap3A_1172, %swap3A_1173, %swap3A_1174] : memref<16x1x2048xf32, #tpu.memory_space<vmem>>, vector<1x1x2048xf32>
    %swap3A_1176 = vector.shape_cast %swap3A_1175 : vector<1x1x2048xf32> to vector<1x2048xf32>
    %swap3A_1177 = vector.shape_cast %div3A_1171 : vector<1x2048xf32> to vector<1x1x2048xf32>
    tpu.vector_store %arg7[%swap3A_1172, %swap3A_1173, %swap3A_1174], %swap3A_1177 {strides = array<i32>} : memref<16x1x2048xf32, #tpu.memory_space<vmem>>, vector<1x1x2048xf32>,
    %get3A_1178 = arith.constant 8 : index
    %get3A_1179 = arith.constant 0 : index
    %get3A_1180 = arith.constant 0 : index
    %get3A_1181 = vector.load %arg1[%get3A_1178, %get3A_1179, %get3A_1180] : memref<16x128x1xf32, #tpu.memory_space<vmem>>, vector<1x128x1xf32>
    %get3A_1182 = vector.shape_cast %get3A_1181 : vector<1x128x1xf32> to vector<128x1xf32>
    %get3A_1183 = arith.constant 8 : index
    %get3A_1184 = arith.constant 0 : index
    %get3A_1185 = arith.constant 0 : index
    %get3A_1186 = vector.load %arg2[%get3A_1183, %get3A_1184, %get3A_1185] : memref<16x2x2048xf32, #tpu.memory_space<vmem>>, vector<1x2x2048xf32>
    %get3A_1187 = vector.shape_cast %get3A_1186 : vector<1x2x2048xf32> to vector<2x2048xf32>
    %convert_element_type3A_1188 = arith.truncf %get3A_1182 : vector<128x1xf32> to vector<128x1xbf16>
    %convert_element_type3A_1189 = arith.truncf %get3A_1187 : vector<2x2048xf32> to vector<2x2048xbf16>
    %broadcast_in_dim3A_1190 = vector.shape_cast %convert_element_type3A_1188 : vector<128x1xbf16> to vector<128x1xbf16>
    %broadcast_in_dim3A_1191 = vector.broadcast %broadcast_in_dim3A_1190 : vector<128x1xbf16> to vector<128x2048xbf16>
    %concatenate3A_1192 = tpu.concatenate %broadcast_in_dim3A_1191, %convert_element_type3A_1189 in 0 : vector<128x2048xbf16>, vector<2x2048xbf16> -> vector<130x2048xbf16>
    %get3A_1193 = arith.constant 0 : index
    %get3A_1194 = arith.constant 0 : index
    %get3A_1195 = vector.load %arg3[%get3A_1193, %get3A_1194] : memref<64x130xbf16, #tpu.memory_space<vmem>>, vector<64x130xbf16>
    %dot_general3A_1196 = arith.constant dense<0.000000e+00> : vector<64x2048xf32>
    %dot_general3A_1197 = tpu.matmul %get3A_1195, %concatenate3A_1192, %dot_general3A_1196 {dimension_numbers = #tpu.dot_dimension_numbers<[1], [0], [0], [1], [0, 0, 1, 1], [], []>, transpose_lhs_hint = false} : vector<64x130xbf16>, vector<130x2048xbf16>, vector<64x2048xf32> -> vector<64x2048xf32>
    %reduce_sum3A_1198 = arith.constant dense<0.000000e+00> : vector<2048xf32>
    %reduce_sum3A_1199 = vector.multi_reduction <add>, %dot_general3A_1197, %reduce_sum3A_1198 [0] : vector<64x2048xf32> to vector<2048xf32>
    %broadcast_in_dim3A_1200 = vector.shape_cast %reduce_sum3A_1199 : vector<2048xf32> to vector<1x2048xf32>
    %mul3A_1201 = arith.constant 1.562500e-02 : f32
    %mul3A_1202 = vector.broadcast %mul3A_1201 : f32 to vector<1x2048xf32>
    %mul3A_1203 = arith.mulf %broadcast_in_dim3A_1200, %mul3A_1202 : vector<1x2048xf32>
    %sub3A_1204 = vector.broadcast %mul3A_1203 : vector<1x2048xf32> to vector<64x2048xf32>
    %sub3A_1205 = arith.subf %dot_general3A_1197, %sub3A_1204 : vector<64x2048xf32>
    %mul3A_1206 = arith.mulf %sub3A_1205, %sub3A_1205 : vector<64x2048xf32>
    %reduce_sum3A_1207 = arith.constant dense<0.000000e+00> : vector<2048xf32>
    %reduce_sum3A_1208 = vector.multi_reduction <add>, %mul3A_1206, %reduce_sum3A_1207 [0] : vector<64x2048xf32> to vector<2048xf32>
    %broadcast_in_dim3A_1209 = vector.shape_cast %reduce_sum3A_1208 : vector<2048xf32> to vector<1x2048xf32>
    %mul3A_1210 = arith.constant 1.562500e-02 : f32
    %mul3A_1211 = vector.broadcast %mul3A_1210 : f32 to vector<1x2048xf32>
    %mul3A_1212 = arith.mulf %broadcast_in_dim3A_1209, %mul3A_1211 : vector<1x2048xf32>
    %add3A_1213 = arith.constant 9.99999974E-6 : f32
    %add3A_1214 = vector.broadcast %add3A_1213 : f32 to vector<1x2048xf32>
    %add3A_1215 = arith.addf %mul3A_1212, %add3A_1214 : vector<1x2048xf32>
    %sqrt3A_1216 = math.sqrt %add3A_1215 : vector<1x2048xf32>
    %div3A_1217 = vector.broadcast %sqrt3A_1216 : vector<1x2048xf32> to vector<64x2048xf32>
    %div3A_1218 = arith.divf %sub3A_1205, %div3A_1217 : vector<64x2048xf32>
    %get3A_1219 = arith.constant 0 : index
    %get3A_1220 = arith.constant 0 : index
    %get3A_1221 = vector.load %arg4[%get3A_1219, %get3A_1220] : memref<64x1xf32, #tpu.memory_space<vmem>>, vector<64x1xf32>
    %mul3A_1222 = vector.broadcast %get3A_1221 : vector<64x1xf32> to vector<64x2048xf32>
    %mul3A_1223 = arith.mulf %div3A_1218, %mul3A_1222 : vector<64x2048xf32>
    %get3A_1224 = arith.constant 0 : index
    %get3A_1225 = arith.constant 0 : index
    %get3A_1226 = vector.load %arg5[%get3A_1224, %get3A_1225] : memref<64x1xf32, #tpu.memory_space<vmem>>, vector<64x1xf32>
    %add3A_1227 = vector.broadcast %get3A_1226 : vector<64x1xf32> to vector<64x2048xf32>
    %add3A_1228 = arith.addf %mul3A_1223, %add3A_1227 : vector<64x2048xf32>
    %ge3A_1229 = arith.constant 0.000000e+00 : f32
    %ge3A_1230 = vector.broadcast %ge3A_1229 : f32 to vector<64x2048xf32>
    %ge3A_1231 = arith.cmpf oge, %add3A_1228, %ge3A_1230 : vector<64x2048xf32>
    %mul3A_1232 = arith.constant 0.00999999977 : f32
    %mul3A_1233 = vector.broadcast %mul3A_1232 : f32 to vector<64x2048xf32>
    %mul3A_1234 = arith.mulf %mul3A_1233, %add3A_1228 : vector<64x2048xf32>
    %select_n3A_1235 = arith.select %ge3A_1231, %add3A_1228, %mul3A_1234 : vector<64x2048xi1>, vector<64x2048xf32>
    %convert_element_type3A_1236 = arith.truncf %select_n3A_1235 : vector<64x2048xf32> to vector<64x2048xbf16>
    %dot_general3A_1237 = arith.constant dense<0.000000e+00> : vector<1x2048xf32>
    %dot_general3A_1238 = tpu.matmul %reshape3A, %convert_element_type3A_1236, %dot_general3A_1237 {dimension_numbers = #tpu.dot_dimension_numbers<[1], [0], [0], [1], [0, 0, 1, 1], [], []>, transpose_lhs_hint = false} : vector<1x64xbf16>, vector<64x2048xbf16>, vector<1x2048xf32> -> vector<1x2048xf32>
    %reduce_max3A_1239 = vector.shape_cast %dot_general3A_1238 : vector<1x2048xf32> to vector<1x1x2048xf32>
    %reduce_max3A_1240 = arith.constant dense<0xFF800000> : vector<1xf32>
    %reduce_max3A_1241 = vector.multi_reduction <maximumf>, %reduce_max3A_1239, %reduce_max3A_1240 [1, 2] : vector<1x1x2048xf32> to vector<1xf32>
    %reduce_max3A_1242 = vector.shape_cast %reduce_max3A_1241 : vector<1xf32> to vector<1x1x1xf32>
    %reduce_max3A_1243 = vector.extract %reduce_max3A_1242[0, 0, 0] : f32 from vector<1x1x1xf32>
    %sub3A_1244 = vector.broadcast %reduce_max3A_1243 : f32 to vector<1x2048xf32>
    %sub3A_1245 = arith.subf %dot_general3A_1238, %sub3A_1244 : vector<1x2048xf32>
    %exp3A_1246 = math.exp %sub3A_1245 : vector<1x2048xf32>
    %slice3A_1247 = vector.extract_strided_slice %exp3A_1246 {offsets = [0, 0], sizes = [1, 128], strides = [1, 1]} : vector<1x2048xf32> to vector<1x128xf32>
    %slice3A_1248 = vector.extract_strided_slice %exp3A_1246 {offsets = [0, 128], sizes = [1, 128], strides = [1, 1]} : vector<1x2048xf32> to vector<1x128xf32>
    %add3A_1249 = arith.addf %slice3A_1247, %slice3A_1248 : vector<1x128xf32>
    %slice3A_1250 = vector.extract_strided_slice %exp3A_1246 {offsets = [0, 256], sizes = [1, 128], strides = [1, 1]} : vector<1x2048xf32> to vector<1x128xf32>
    %add3A_1251 = arith.addf %add3A_1249, %slice3A_1250 : vector<1x128xf32>
    %slice3A_1252 = vector.extract_strided_slice %exp3A_1246 {offsets = [0, 384], sizes = [1, 128], strides = [1, 1]} : vector<1x2048xf32> to vector<1x128xf32>
    %add3A_1253 = arith.addf %add3A_1251, %slice3A_1252 : vector<1x128xf32>
    %slice3A_1254 = vector.extract_strided_slice %exp3A_1246 {offsets = [0, 512], sizes = [1, 128], strides = [1, 1]} : vector<1x2048xf32> to vector<1x128xf32>
    %add3A_1255 = arith.addf %add3A_1253, %slice3A_1254 : vector<1x128xf32>
    %slice3A_1256 = vector.extract_strided_slice %exp3A_1246 {offsets = [0, 640], sizes = [1, 128], strides = [1, 1]} : vector<1x2048xf32> to vector<1x128xf32>
    %add3A_1257 = arith.addf %add3A_1255, %slice3A_1256 : vector<1x128xf32>
    %slice3A_1258 = vector.extract_strided_slice %exp3A_1246 {offsets = [0, 768], sizes = [1, 128], strides = [1, 1]} : vector<1x2048xf32> to vector<1x128xf32>
    %add3A_1259 = arith.addf %add3A_1257, %slice3A_1258 : vector<1x128xf32>
    %slice3A_1260 = vector.extract_strided_slice %exp3A_1246 {offsets = [0, 896], sizes = [1, 128], strides = [1, 1]} : vector<1x2048xf32> to vector<1x128xf32>
    %add3A_1261 = arith.addf %add3A_1259, %slice3A_1260 : vector<1x128xf32>
    %slice3A_1262 = vector.extract_strided_slice %exp3A_1246 {offsets = [0, 1024], sizes = [1, 128], strides = [1, 1]} : vector<1x2048xf32> to vector<1x128xf32>
    %add3A_1263 = arith.addf %add3A_1261, %slice3A_1262 : vector<1x128xf32>
    %slice3A_1264 = vector.extract_strided_slice %exp3A_1246 {offsets = [0, 1152], sizes = [1, 128], strides = [1, 1]} : vector<1x2048xf32> to vector<1x128xf32>
    %add3A_1265 = arith.addf %add3A_1263, %slice3A_1264 : vector<1x128xf32>
    %slice3A_1266 = vector.extract_strided_slice %exp3A_1246 {offsets = [0, 1280], sizes = [1, 128], strides = [1, 1]} : vector<1x2048xf32> to vector<1x128xf32>
    %add3A_1267 = arith.addf %add3A_1265, %slice3A_1266 : vector<1x128xf32>
    %slice3A_1268 = vector.extract_strided_slice %exp3A_1246 {offsets = [0, 1408], sizes = [1, 128], strides = [1, 1]} : vector<1x2048xf32> to vector<1x128xf32>
    %add3A_1269 = arith.addf %add3A_1267, %slice3A_1268 : vector<1x128xf32>
    %slice3A_1270 = vector.extract_strided_slice %exp3A_1246 {offsets = [0, 1536], sizes = [1, 128], strides = [1, 1]} : vector<1x2048xf32> to vector<1x128xf32>
    %add3A_1271 = arith.addf %add3A_1269, %slice3A_1270 : vector<1x128xf32>
    %slice3A_1272 = vector.extract_strided_slice %exp3A_1246 {offsets = [0, 1664], sizes = [1, 128], strides = [1, 1]} : vector<1x2048xf32> to vector<1x128xf32>
    %add3A_1273 = arith.addf %add3A_1271, %slice3A_1272 : vector<1x128xf32>
    %slice3A_1274 = vector.extract_strided_slice %exp3A_1246 {offsets = [0, 1792], sizes = [1, 128], strides = [1, 1]} : vector<1x2048xf32> to vector<1x128xf32>
    %add3A_1275 = arith.addf %add3A_1273, %slice3A_1274 : vector<1x128xf32>
    %slice3A_1276 = vector.extract_strided_slice %exp3A_1246 {offsets = [0, 1920], sizes = [1, 128], strides = [1, 1]} : vector<1x2048xf32> to vector<1x128xf32>
    %add3A_1277 = arith.addf %add3A_1275, %slice3A_1276 : vector<1x128xf32>
    %slice3A_1278 = vector.extract_strided_slice %add3A_1277 {offsets = [0, 0], sizes = [1, 8], strides = [1, 1]} : vector<1x128xf32> to vector<1x8xf32>
    %slice3A_1279 = vector.extract_strided_slice %add3A_1277 {offsets = [0, 8], sizes = [1, 8], strides = [1, 1]} : vector<1x128xf32> to vector<1x8xf32>
    %add3A_1280 = arith.addf %slice3A_1278, %slice3A_1279 : vector<1x8xf32>
    %slice3A_1281 = vector.extract_strided_slice %add3A_1277 {offsets = [0, 16], sizes = [1, 8], strides = [1, 1]} : vector<1x128xf32> to vector<1x8xf32>
    %add3A_1282 = arith.addf %add3A_1280, %slice3A_1281 : vector<1x8xf32>
    %slice3A_1283 = vector.extract_strided_slice %add3A_1277 {offsets = [0, 24], sizes = [1, 8], strides = [1, 1]} : vector<1x128xf32> to vector<1x8xf32>
    %add3A_1284 = arith.addf %add3A_1282, %slice3A_1283 : vector<1x8xf32>
    %slice3A_1285 = vector.extract_strided_slice %add3A_1277 {offsets = [0, 32], sizes = [1, 8], strides = [1, 1]} : vector<1x128xf32> to vector<1x8xf32>
    %add3A_1286 = arith.addf %add3A_1284, %slice3A_1285 : vector<1x8xf32>
    %slice3A_1287 = vector.extract_strided_slice %add3A_1277 {offsets = [0, 40], sizes = [1, 8], strides = [1, 1]} : vector<1x128xf32> to vector<1x8xf32>
    %add3A_1288 = arith.addf %add3A_1286, %slice3A_1287 : vector<1x8xf32>
    %slice3A_1289 = vector.extract_strided_slice %add3A_1277 {offsets = [0, 48], sizes = [1, 8], strides = [1, 1]} : vector<1x128xf32> to vector<1x8xf32>
    %add3A_1290 = arith.addf %add3A_1288, %slice3A_1289 : vector<1x8xf32>
    %slice3A_1291 = vector.extract_strided_slice %add3A_1277 {offsets = [0, 56], sizes = [1, 8], strides = [1, 1]} : vector<1x128xf32> to vector<1x8xf32>
    %add3A_1292 = arith.addf %add3A_1290, %slice3A_1291 : vector<1x8xf32>
    %slice3A_1293 = vector.extract_strided_slice %add3A_1277 {offsets = [0, 64], sizes = [1, 8], strides = [1, 1]} : vector<1x128xf32> to vector<1x8xf32>
    %add3A_1294 = arith.addf %add3A_1292, %slice3A_1293 : vector<1x8xf32>
    %slice3A_1295 = vector.extract_strided_slice %add3A_1277 {offsets = [0, 72], sizes = [1, 8], strides = [1, 1]} : vector<1x128xf32> to vector<1x8xf32>
    %add3A_1296 = arith.addf %add3A_1294, %slice3A_1295 : vector<1x8xf32>
    %slice3A_1297 = vector.extract_strided_slice %add3A_1277 {offsets = [0, 80], sizes = [1, 8], strides = [1, 1]} : vector<1x128xf32> to vector<1x8xf32>
    %add3A_1298 = arith.addf %add3A_1296, %slice3A_1297 : vector<1x8xf32>
    %slice3A_1299 = vector.extract_strided_slice %add3A_1277 {offsets = [0, 88], sizes = [1, 8], strides = [1, 1]} : vector<1x128xf32> to vector<1x8xf32>
    %add3A_1300 = arith.addf %add3A_1298, %slice3A_1299 : vector<1x8xf32>
    %slice3A_1301 = vector.extract_strided_slice %add3A_1277 {offsets = [0, 96], sizes = [1, 8], strides = [1, 1]} : vector<1x128xf32> to vector<1x8xf32>
    %add3A_1302 = arith.addf %add3A_1300, %slice3A_1301 : vector<1x8xf32>
    %slice3A_1303 = vector.extract_strided_slice %add3A_1277 {offsets = [0, 104], sizes = [1, 8], strides = [1, 1]} : vector<1x128xf32> to vector<1x8xf32>
    %add3A_1304 = arith.addf %add3A_1302, %slice3A_1303 : vector<1x8xf32>
    %slice3A_1305 = vector.extract_strided_slice %add3A_1277 {offsets = [0, 112], sizes = [1, 8], strides = [1, 1]} : vector<1x128xf32> to vector<1x8xf32>
    %add3A_1306 = arith.addf %add3A_1304, %slice3A_1305 : vector<1x8xf32>
    %slice3A_1307 = vector.extract_strided_slice %add3A_1277 {offsets = [0, 120], sizes = [1, 8], strides = [1, 1]} : vector<1x128xf32> to vector<1x8xf32>
    %add3A_1308 = arith.addf %add3A_1306, %slice3A_1307 : vector<1x8xf32>
    %slice3A_1309 = vector.extract_strided_slice %add3A_1308 {offsets = [0, 0], sizes = [1, 4], strides = [1, 1]} : vector<1x8xf32> to vector<1x4xf32>
    %slice3A_1310 = vector.extract_strided_slice %add3A_1308 {offsets = [0, 4], sizes = [1, 4], strides = [1, 1]} : vector<1x8xf32> to vector<1x4xf32>
    %add3A_1311 = arith.addf %slice3A_1309, %slice3A_1310 : vector<1x4xf32>
    %slice3A_1312 = vector.extract_strided_slice %add3A_1311 {offsets = [0, 0], sizes = [1, 2], strides = [1, 1]} : vector<1x4xf32> to vector<1x2xf32>
    %slice3A_1313 = vector.extract_strided_slice %add3A_1311 {offsets = [0, 2], sizes = [1, 2], strides = [1, 1]} : vector<1x4xf32> to vector<1x2xf32>
    %add3A_1314 = arith.addf %slice3A_1312, %slice3A_1313 : vector<1x2xf32>
    %slice3A_1315 = vector.extract_strided_slice %add3A_1314 {offsets = [0, 0], sizes = [1, 1], strides = [1, 1]} : vector<1x2xf32> to vector<1x1xf32>
    %slice3A_1316 = vector.extract_strided_slice %add3A_1314 {offsets = [0, 1], sizes = [1, 1], strides = [1, 1]} : vector<1x2xf32> to vector<1x1xf32>
    %add3A_1317 = arith.addf %slice3A_1315, %slice3A_1316 : vector<1x1xf32>
    %squeeze3A_1318 = vector.extract %add3A_1317[0, 0] : f32 from vector<1x1xf32>
    %div3A_1319 = vector.broadcast %squeeze3A_1318 : f32 to vector<1x2048xf32>
    %div3A_1320 = arith.divf %exp3A_1246, %div3A_1319 : vector<1x2048xf32>
    %swap3A_1321 = arith.constant 8 : index
    %swap3A_1322 = arith.constant 0 : index
    %swap3A_1323 = arith.constant 0 : index
    %swap3A_1324 = vector.load %arg7[%swap3A_1321, %swap3A_1322, %swap3A_1323] : memref<16x1x2048xf32, #tpu.memory_space<vmem>>, vector<1x1x2048xf32>
    %swap3A_1325 = vector.shape_cast %swap3A_1324 : vector<1x1x2048xf32> to vector<1x2048xf32>
    %swap3A_1326 = vector.shape_cast %div3A_1320 : vector<1x2048xf32> to vector<1x1x2048xf32>
    tpu.vector_store %arg7[%swap3A_1321, %swap3A_1322, %swap3A_1323], %swap3A_1326 {strides = array<i32>} : memref<16x1x2048xf32, #tpu.memory_space<vmem>>, vector<1x1x2048xf32>,
    %get3A_1327 = arith.constant 9 : index
    %get3A_1328 = arith.constant 0 : index
    %get3A_1329 = arith.constant 0 : index
    %get3A_1330 = vector.load %arg1[%get3A_1327, %get3A_1328, %get3A_1329] : memref<16x128x1xf32, #tpu.memory_space<vmem>>, vector<1x128x1xf32>
    %get3A_1331 = vector.shape_cast %get3A_1330 : vector<1x128x1xf32> to vector<128x1xf32>
    %get3A_1332 = arith.constant 9 : index
    %get3A_1333 = arith.constant 0 : index
    %get3A_1334 = arith.constant 0 : index
    %get3A_1335 = vector.load %arg2[%get3A_1332, %get3A_1333, %get3A_1334] : memref<16x2x2048xf32, #tpu.memory_space<vmem>>, vector<1x2x2048xf32>
    %get3A_1336 = vector.shape_cast %get3A_1335 : vector<1x2x2048xf32> to vector<2x2048xf32>
    %convert_element_type3A_1337 = arith.truncf %get3A_1331 : vector<128x1xf32> to vector<128x1xbf16>
    %convert_element_type3A_1338 = arith.truncf %get3A_1336 : vector<2x2048xf32> to vector<2x2048xbf16>
    %broadcast_in_dim3A_1339 = vector.shape_cast %convert_element_type3A_1337 : vector<128x1xbf16> to vector<128x1xbf16>
    %broadcast_in_dim3A_1340 = vector.broadcast %broadcast_in_dim3A_1339 : vector<128x1xbf16> to vector<128x2048xbf16>
    %concatenate3A_1341 = tpu.concatenate %broadcast_in_dim3A_1340, %convert_element_type3A_1338 in 0 : vector<128x2048xbf16>, vector<2x2048xbf16> -> vector<130x2048xbf16>
    %get3A_1342 = arith.constant 0 : index
    %get3A_1343 = arith.constant 0 : index
    %get3A_1344 = vector.load %arg3[%get3A_1342, %get3A_1343] : memref<64x130xbf16, #tpu.memory_space<vmem>>, vector<64x130xbf16>
    %dot_general3A_1345 = arith.constant dense<0.000000e+00> : vector<64x2048xf32>
    %dot_general3A_1346 = tpu.matmul %get3A_1344, %concatenate3A_1341, %dot_general3A_1345 {dimension_numbers = #tpu.dot_dimension_numbers<[1], [0], [0], [1], [0, 0, 1, 1], [], []>, transpose_lhs_hint = false} : vector<64x130xbf16>, vector<130x2048xbf16>, vector<64x2048xf32> -> vector<64x2048xf32>
    %reduce_sum3A_1347 = arith.constant dense<0.000000e+00> : vector<2048xf32>
    %reduce_sum3A_1348 = vector.multi_reduction <add>, %dot_general3A_1346, %reduce_sum3A_1347 [0] : vector<64x2048xf32> to vector<2048xf32>
    %broadcast_in_dim3A_1349 = vector.shape_cast %reduce_sum3A_1348 : vector<2048xf32> to vector<1x2048xf32>
    %mul3A_1350 = arith.constant 1.562500e-02 : f32
    %mul3A_1351 = vector.broadcast %mul3A_1350 : f32 to vector<1x2048xf32>
    %mul3A_1352 = arith.mulf %broadcast_in_dim3A_1349, %mul3A_1351 : vector<1x2048xf32>
    %sub3A_1353 = vector.broadcast %mul3A_1352 : vector<1x2048xf32> to vector<64x2048xf32>
    %sub3A_1354 = arith.subf %dot_general3A_1346, %sub3A_1353 : vector<64x2048xf32>
    %mul3A_1355 = arith.mulf %sub3A_1354, %sub3A_1354 : vector<64x2048xf32>
    %reduce_sum3A_1356 = arith.constant dense<0.000000e+00> : vector<2048xf32>
    %reduce_sum3A_1357 = vector.multi_reduction <add>, %mul3A_1355, %reduce_sum3A_1356 [0] : vector<64x2048xf32> to vector<2048xf32>
    %broadcast_in_dim3A_1358 = vector.shape_cast %reduce_sum3A_1357 : vector<2048xf32> to vector<1x2048xf32>
    %mul3A_1359 = arith.constant 1.562500e-02 : f32
    %mul3A_1360 = vector.broadcast %mul3A_1359 : f32 to vector<1x2048xf32>
    %mul3A_1361 = arith.mulf %broadcast_in_dim3A_1358, %mul3A_1360 : vector<1x2048xf32>
    %add3A_1362 = arith.constant 9.99999974E-6 : f32
    %add3A_1363 = vector.broadcast %add3A_1362 : f32 to vector<1x2048xf32>
    %add3A_1364 = arith.addf %mul3A_1361, %add3A_1363 : vector<1x2048xf32>
    %sqrt3A_1365 = math.sqrt %add3A_1364 : vector<1x2048xf32>
    %div3A_1366 = vector.broadcast %sqrt3A_1365 : vector<1x2048xf32> to vector<64x2048xf32>
    %div3A_1367 = arith.divf %sub3A_1354, %div3A_1366 : vector<64x2048xf32>
    %get3A_1368 = arith.constant 0 : index
    %get3A_1369 = arith.constant 0 : index
    %get3A_1370 = vector.load %arg4[%get3A_1368, %get3A_1369] : memref<64x1xf32, #tpu.memory_space<vmem>>, vector<64x1xf32>
    %mul3A_1371 = vector.broadcast %get3A_1370 : vector<64x1xf32> to vector<64x2048xf32>
    %mul3A_1372 = arith.mulf %div3A_1367, %mul3A_1371 : vector<64x2048xf32>
    %get3A_1373 = arith.constant 0 : index
    %get3A_1374 = arith.constant 0 : index
    %get3A_1375 = vector.load %arg5[%get3A_1373, %get3A_1374] : memref<64x1xf32, #tpu.memory_space<vmem>>, vector<64x1xf32>
    %add3A_1376 = vector.broadcast %get3A_1375 : vector<64x1xf32> to vector<64x2048xf32>
    %add3A_1377 = arith.addf %mul3A_1372, %add3A_1376 : vector<64x2048xf32>
    %ge3A_1378 = arith.constant 0.000000e+00 : f32
    %ge3A_1379 = vector.broadcast %ge3A_1378 : f32 to vector<64x2048xf32>
    %ge3A_1380 = arith.cmpf oge, %add3A_1377, %ge3A_1379 : vector<64x2048xf32>
    %mul3A_1381 = arith.constant 0.00999999977 : f32
    %mul3A_1382 = vector.broadcast %mul3A_1381 : f32 to vector<64x2048xf32>
    %mul3A_1383 = arith.mulf %mul3A_1382, %add3A_1377 : vector<64x2048xf32>
    %select_n3A_1384 = arith.select %ge3A_1380, %add3A_1377, %mul3A_1383 : vector<64x2048xi1>, vector<64x2048xf32>
    %convert_element_type3A_1385 = arith.truncf %select_n3A_1384 : vector<64x2048xf32> to vector<64x2048xbf16>
    %dot_general3A_1386 = arith.constant dense<0.000000e+00> : vector<1x2048xf32>
    %dot_general3A_1387 = tpu.matmul %reshape3A, %convert_element_type3A_1385, %dot_general3A_1386 {dimension_numbers = #tpu.dot_dimension_numbers<[1], [0], [0], [1], [0, 0, 1, 1], [], []>, transpose_lhs_hint = false} : vector<1x64xbf16>, vector<64x2048xbf16>, vector<1x2048xf32> -> vector<1x2048xf32>
    %reduce_max3A_1388 = vector.shape_cast %dot_general3A_1387 : vector<1x2048xf32> to vector<1x1x2048xf32>
    %reduce_max3A_1389 = arith.constant dense<0xFF800000> : vector<1xf32>
    %reduce_max3A_1390 = vector.multi_reduction <maximumf>, %reduce_max3A_1388, %reduce_max3A_1389 [1, 2] : vector<1x1x2048xf32> to vector<1xf32>
    %reduce_max3A_1391 = vector.shape_cast %reduce_max3A_1390 : vector<1xf32> to vector<1x1x1xf32>
    %reduce_max3A_1392 = vector.extract %reduce_max3A_1391[0, 0, 0] : f32 from vector<1x1x1xf32>
    %sub3A_1393 = vector.broadcast %reduce_max3A_1392 : f32 to vector<1x2048xf32>
    %sub3A_1394 = arith.subf %dot_general3A_1387, %sub3A_1393 : vector<1x2048xf32>
    %exp3A_1395 = math.exp %sub3A_1394 : vector<1x2048xf32>
    %slice3A_1396 = vector.extract_strided_slice %exp3A_1395 {offsets = [0, 0], sizes = [1, 128], strides = [1, 1]} : vector<1x2048xf32> to vector<1x128xf32>
    %slice3A_1397 = vector.extract_strided_slice %exp3A_1395 {offsets = [0, 128], sizes = [1, 128], strides = [1, 1]} : vector<1x2048xf32> to vector<1x128xf32>
    %add3A_1398 = arith.addf %slice3A_1396, %slice3A_1397 : vector<1x128xf32>
    %slice3A_1399 = vector.extract_strided_slice %exp3A_1395 {offsets = [0, 256], sizes = [1, 128], strides = [1, 1]} : vector<1x2048xf32> to vector<1x128xf32>
    %add3A_1400 = arith.addf %add3A_1398, %slice3A_1399 : vector<1x128xf32>
    %slice3A_1401 = vector.extract_strided_slice %exp3A_1395 {offsets = [0, 384], sizes = [1, 128], strides = [1, 1]} : vector<1x2048xf32> to vector<1x128xf32>
    %add3A_1402 = arith.addf %add3A_1400, %slice3A_1401 : vector<1x128xf32>
    %slice3A_1403 = vector.extract_strided_slice %exp3A_1395 {offsets = [0, 512], sizes = [1, 128], strides = [1, 1]} : vector<1x2048xf32> to vector<1x128xf32>
    %add3A_1404 = arith.addf %add3A_1402, %slice3A_1403 : vector<1x128xf32>
    %slice3A_1405 = vector.extract_strided_slice %exp3A_1395 {offsets = [0, 640], sizes = [1, 128], strides = [1, 1]} : vector<1x2048xf32> to vector<1x128xf32>
    %add3A_1406 = arith.addf %add3A_1404, %slice3A_1405 : vector<1x128xf32>
    %slice3A_1407 = vector.extract_strided_slice %exp3A_1395 {offsets = [0, 768], sizes = [1, 128], strides = [1, 1]} : vector<1x2048xf32> to vector<1x128xf32>
    %add3A_1408 = arith.addf %add3A_1406, %slice3A_1407 : vector<1x128xf32>
    %slice3A_1409 = vector.extract_strided_slice %exp3A_1395 {offsets = [0, 896], sizes = [1, 128], strides = [1, 1]} : vector<1x2048xf32> to vector<1x128xf32>
    %add3A_1410 = arith.addf %add3A_1408, %slice3A_1409 : vector<1x128xf32>
    %slice3A_1411 = vector.extract_strided_slice %exp3A_1395 {offsets = [0, 1024], sizes = [1, 128], strides = [1, 1]} : vector<1x2048xf32> to vector<1x128xf32>
    %add3A_1412 = arith.addf %add3A_1410, %slice3A_1411 : vector<1x128xf32>
    %slice3A_1413 = vector.extract_strided_slice %exp3A_1395 {offsets = [0, 1152], sizes = [1, 128], strides = [1, 1]} : vector<1x2048xf32> to vector<1x128xf32>
    %add3A_1414 = arith.addf %add3A_1412, %slice3A_1413 : vector<1x128xf32>
    %slice3A_1415 = vector.extract_strided_slice %exp3A_1395 {offsets = [0, 1280], sizes = [1, 128], strides = [1, 1]} : vector<1x2048xf32> to vector<1x128xf32>
    %add3A_1416 = arith.addf %add3A_1414, %slice3A_1415 : vector<1x128xf32>
    %slice3A_1417 = vector.extract_strided_slice %exp3A_1395 {offsets = [0, 1408], sizes = [1, 128], strides = [1, 1]} : vector<1x2048xf32> to vector<1x128xf32>
    %add3A_1418 = arith.addf %add3A_1416, %slice3A_1417 : vector<1x128xf32>
    %slice3A_1419 = vector.extract_strided_slice %exp3A_1395 {offsets = [0, 1536], sizes = [1, 128], strides = [1, 1]} : vector<1x2048xf32> to vector<1x128xf32>
    %add3A_1420 = arith.addf %add3A_1418, %slice3A_1419 : vector<1x128xf32>
    %slice3A_1421 = vector.extract_strided_slice %exp3A_1395 {offsets = [0, 1664], sizes = [1, 128], strides = [1, 1]} : vector<1x2048xf32> to vector<1x128xf32>
    %add3A_1422 = arith.addf %add3A_1420, %slice3A_1421 : vector<1x128xf32>
    %slice3A_1423 = vector.extract_strided_slice %exp3A_1395 {offsets = [0, 1792], sizes = [1, 128], strides = [1, 1]} : vector<1x2048xf32> to vector<1x128xf32>
    %add3A_1424 = arith.addf %add3A_1422, %slice3A_1423 : vector<1x128xf32>
    %slice3A_1425 = vector.extract_strided_slice %exp3A_1395 {offsets = [0, 1920], sizes = [1, 128], strides = [1, 1]} : vector<1x2048xf32> to vector<1x128xf32>
    %add3A_1426 = arith.addf %add3A_1424, %slice3A_1425 : vector<1x128xf32>
    %slice3A_1427 = vector.extract_strided_slice %add3A_1426 {offsets = [0, 0], sizes = [1, 8], strides = [1, 1]} : vector<1x128xf32> to vector<1x8xf32>
    %slice3A_1428 = vector.extract_strided_slice %add3A_1426 {offsets = [0, 8], sizes = [1, 8], strides = [1, 1]} : vector<1x128xf32> to vector<1x8xf32>
    %add3A_1429 = arith.addf %slice3A_1427, %slice3A_1428 : vector<1x8xf32>
    %slice3A_1430 = vector.extract_strided_slice %add3A_1426 {offsets = [0, 16], sizes = [1, 8], strides = [1, 1]} : vector<1x128xf32> to vector<1x8xf32>
    %add3A_1431 = arith.addf %add3A_1429, %slice3A_1430 : vector<1x8xf32>
    %slice3A_1432 = vector.extract_strided_slice %add3A_1426 {offsets = [0, 24], sizes = [1, 8], strides = [1, 1]} : vector<1x128xf32> to vector<1x8xf32>
    %add3A_1433 = arith.addf %add3A_1431, %slice3A_1432 : vector<1x8xf32>
    %slice3A_1434 = vector.extract_strided_slice %add3A_1426 {offsets = [0, 32], sizes = [1, 8], strides = [1, 1]} : vector<1x128xf32> to vector<1x8xf32>
    %add3A_1435 = arith.addf %add3A_1433, %slice3A_1434 : vector<1x8xf32>
    %slice3A_1436 = vector.extract_strided_slice %add3A_1426 {offsets = [0, 40], sizes = [1, 8], strides = [1, 1]} : vector<1x128xf32> to vector<1x8xf32>
    %add3A_1437 = arith.addf %add3A_1435, %slice3A_1436 : vector<1x8xf32>
    %slice3A_1438 = vector.extract_strided_slice %add3A_1426 {offsets = [0, 48], sizes = [1, 8], strides = [1, 1]} : vector<1x128xf32> to vector<1x8xf32>
    %add3A_1439 = arith.addf %add3A_1437, %slice3A_1438 : vector<1x8xf32>
    %slice3A_1440 = vector.extract_strided_slice %add3A_1426 {offsets = [0, 56], sizes = [1, 8], strides = [1, 1]} : vector<1x128xf32> to vector<1x8xf32>
    %add3A_1441 = arith.addf %add3A_1439, %slice3A_1440 : vector<1x8xf32>
    %slice3A_1442 = vector.extract_strided_slice %add3A_1426 {offsets = [0, 64], sizes = [1, 8], strides = [1, 1]} : vector<1x128xf32> to vector<1x8xf32>
    %add3A_1443 = arith.addf %add3A_1441, %slice3A_1442 : vector<1x8xf32>
    %slice3A_1444 = vector.extract_strided_slice %add3A_1426 {offsets = [0, 72], sizes = [1, 8], strides = [1, 1]} : vector<1x128xf32> to vector<1x8xf32>
    %add3A_1445 = arith.addf %add3A_1443, %slice3A_1444 : vector<1x8xf32>
    %slice3A_1446 = vector.extract_strided_slice %add3A_1426 {offsets = [0, 80], sizes = [1, 8], strides = [1, 1]} : vector<1x128xf32> to vector<1x8xf32>
    %add3A_1447 = arith.addf %add3A_1445, %slice3A_1446 : vector<1x8xf32>
    %slice3A_1448 = vector.extract_strided_slice %add3A_1426 {offsets = [0, 88], sizes = [1, 8], strides = [1, 1]} : vector<1x128xf32> to vector<1x8xf32>
    %add3A_1449 = arith.addf %add3A_1447, %slice3A_1448 : vector<1x8xf32>
    %slice3A_1450 = vector.extract_strided_slice %add3A_1426 {offsets = [0, 96], sizes = [1, 8], strides = [1, 1]} : vector<1x128xf32> to vector<1x8xf32>
    %add3A_1451 = arith.addf %add3A_1449, %slice3A_1450 : vector<1x8xf32>
    %slice3A_1452 = vector.extract_strided_slice %add3A_1426 {offsets = [0, 104], sizes = [1, 8], strides = [1, 1]} : vector<1x128xf32> to vector<1x8xf32>
    %add3A_1453 = arith.addf %add3A_1451, %slice3A_1452 : vector<1x8xf32>
    %slice3A_1454 = vector.extract_strided_slice %add3A_1426 {offsets = [0, 112], sizes = [1, 8], strides = [1, 1]} : vector<1x128xf32> to vector<1x8xf32>
    %add3A_1455 = arith.addf %add3A_1453, %slice3A_1454 : vector<1x8xf32>
    %slice3A_1456 = vector.extract_strided_slice %add3A_1426 {offsets = [0, 120], sizes = [1, 8], strides = [1, 1]} : vector<1x128xf32> to vector<1x8xf32>
    %add3A_1457 = arith.addf %add3A_1455, %slice3A_1456 : vector<1x8xf32>
    %slice3A_1458 = vector.extract_strided_slice %add3A_1457 {offsets = [0, 0], sizes = [1, 4], strides = [1, 1]} : vector<1x8xf32> to vector<1x4xf32>
    %slice3A_1459 = vector.extract_strided_slice %add3A_1457 {offsets = [0, 4], sizes = [1, 4], strides = [1, 1]} : vector<1x8xf32> to vector<1x4xf32>
    %add3A_1460 = arith.addf %slice3A_1458, %slice3A_1459 : vector<1x4xf32>
    %slice3A_1461 = vector.extract_strided_slice %add3A_1460 {offsets = [0, 0], sizes = [1, 2], strides = [1, 1]} : vector<1x4xf32> to vector<1x2xf32>
    %slice3A_1462 = vector.extract_strided_slice %add3A_1460 {offsets = [0, 2], sizes = [1, 2], strides = [1, 1]} : vector<1x4xf32> to vector<1x2xf32>
    %add3A_1463 = arith.addf %slice3A_1461, %slice3A_1462 : vector<1x2xf32>
    %slice3A_1464 = vector.extract_strided_slice %add3A_1463 {offsets = [0, 0], sizes = [1, 1], strides = [1, 1]} : vector<1x2xf32> to vector<1x1xf32>
    %slice3A_1465 = vector.extract_strided_slice %add3A_1463 {offsets = [0, 1], sizes = [1, 1], strides = [1, 1]} : vector<1x2xf32> to vector<1x1xf32>
    %add3A_1466 = arith.addf %slice3A_1464, %slice3A_1465 : vector<1x1xf32>
    %squeeze3A_1467 = vector.extract %add3A_1466[0, 0] : f32 from vector<1x1xf32>
    %div3A_1468 = vector.broadcast %squeeze3A_1467 : f32 to vector<1x2048xf32>
    %div3A_1469 = arith.divf %exp3A_1395, %div3A_1468 : vector<1x2048xf32>
    %swap3A_1470 = arith.constant 9 : index
    %swap3A_1471 = arith.constant 0 : index
    %swap3A_1472 = arith.constant 0 : index
    %swap3A_1473 = vector.load %arg7[%swap3A_1470, %swap3A_1471, %swap3A_1472] : memref<16x1x2048xf32, #tpu.memory_space<vmem>>, vector<1x1x2048xf32>
    %swap3A_1474 = vector.shape_cast %swap3A_1473 : vector<1x1x2048xf32> to vector<1x2048xf32>
    %swap3A_1475 = vector.shape_cast %div3A_1469 : vector<1x2048xf32> to vector<1x1x2048xf32>
    tpu.vector_store %arg7[%swap3A_1470, %swap3A_1471, %swap3A_1472], %swap3A_1475 {strides = array<i32>} : memref<16x1x2048xf32, #tpu.memory_space<vmem>>, vector<1x1x2048xf32>,
    %get3A_1476 = arith.constant 10 : index
    %get3A_1477 = arith.constant 0 : index
    %get3A_1478 = arith.constant 0 : index
    %get3A_1479 = vector.load %arg1[%get3A_1476, %get3A_1477, %get3A_1478] : memref<16x128x1xf32, #tpu.memory_space<vmem>>, vector<1x128x1xf32>
    %get3A_1480 = vector.shape_cast %get3A_1479 : vector<1x128x1xf32> to vector<128x1xf32>
    %get3A_1481 = arith.constant 10 : index
    %get3A_1482 = arith.constant 0 : index
    %get3A_1483 = arith.constant 0 : index
    %get3A_1484 = vector.load %arg2[%get3A_1481, %get3A_1482, %get3A_1483] : memref<16x2x2048xf32, #tpu.memory_space<vmem>>, vector<1x2x2048xf32>
    %get3A_1485 = vector.shape_cast %get3A_1484 : vector<1x2x2048xf32> to vector<2x2048xf32>
    %convert_element_type3A_1486 = arith.truncf %get3A_1480 : vector<128x1xf32> to vector<128x1xbf16>
    %convert_element_type3A_1487 = arith.truncf %get3A_1485 : vector<2x2048xf32> to vector<2x2048xbf16>
    %broadcast_in_dim3A_1488 = vector.shape_cast %convert_element_type3A_1486 : vector<128x1xbf16> to vector<128x1xbf16>
    %broadcast_in_dim3A_1489 = vector.broadcast %broadcast_in_dim3A_1488 : vector<128x1xbf16> to vector<128x2048xbf16>
    %concatenate3A_1490 = tpu.concatenate %broadcast_in_dim3A_1489, %convert_element_type3A_1487 in 0 : vector<128x2048xbf16>, vector<2x2048xbf16> -> vector<130x2048xbf16>
    %get3A_1491 = arith.constant 0 : index
    %get3A_1492 = arith.constant 0 : index
    %get3A_1493 = vector.load %arg3[%get3A_1491, %get3A_1492] : memref<64x130xbf16, #tpu.memory_space<vmem>>, vector<64x130xbf16>
    %dot_general3A_1494 = arith.constant dense<0.000000e+00> : vector<64x2048xf32>
    %dot_general3A_1495 = tpu.matmul %get3A_1493, %concatenate3A_1490, %dot_general3A_1494 {dimension_numbers = #tpu.dot_dimension_numbers<[1], [0], [0], [1], [0, 0, 1, 1], [], []>, transpose_lhs_hint = false} : vector<64x130xbf16>, vector<130x2048xbf16>, vector<64x2048xf32> -> vector<64x2048xf32>
    %reduce_sum3A_1496 = arith.constant dense<0.000000e+00> : vector<2048xf32>
    %reduce_sum3A_1497 = vector.multi_reduction <add>, %dot_general3A_1495, %reduce_sum3A_1496 [0] : vector<64x2048xf32> to vector<2048xf32>
    %broadcast_in_dim3A_1498 = vector.shape_cast %reduce_sum3A_1497 : vector<2048xf32> to vector<1x2048xf32>
    %mul3A_1499 = arith.constant 1.562500e-02 : f32
    %mul3A_1500 = vector.broadcast %mul3A_1499 : f32 to vector<1x2048xf32>
    %mul3A_1501 = arith.mulf %broadcast_in_dim3A_1498, %mul3A_1500 : vector<1x2048xf32>
    %sub3A_1502 = vector.broadcast %mul3A_1501 : vector<1x2048xf32> to vector<64x2048xf32>
    %sub3A_1503 = arith.subf %dot_general3A_1495, %sub3A_1502 : vector<64x2048xf32>
    %mul3A_1504 = arith.mulf %sub3A_1503, %sub3A_1503 : vector<64x2048xf32>
    %reduce_sum3A_1505 = arith.constant dense<0.000000e+00> : vector<2048xf32>
    %reduce_sum3A_1506 = vector.multi_reduction <add>, %mul3A_1504, %reduce_sum3A_1505 [0] : vector<64x2048xf32> to vector<2048xf32>
    %broadcast_in_dim3A_1507 = vector.shape_cast %reduce_sum3A_1506 : vector<2048xf32> to vector<1x2048xf32>
    %mul3A_1508 = arith.constant 1.562500e-02 : f32
    %mul3A_1509 = vector.broadcast %mul3A_1508 : f32 to vector<1x2048xf32>
    %mul3A_1510 = arith.mulf %broadcast_in_dim3A_1507, %mul3A_1509 : vector<1x2048xf32>
    %add3A_1511 = arith.constant 9.99999974E-6 : f32
    %add3A_1512 = vector.broadcast %add3A_1511 : f32 to vector<1x2048xf32>
    %add3A_1513 = arith.addf %mul3A_1510, %add3A_1512 : vector<1x2048xf32>
    %sqrt3A_1514 = math.sqrt %add3A_1513 : vector<1x2048xf32>
    %div3A_1515 = vector.broadcast %sqrt3A_1514 : vector<1x2048xf32> to vector<64x2048xf32>
    %div3A_1516 = arith.divf %sub3A_1503, %div3A_1515 : vector<64x2048xf32>
    %get3A_1517 = arith.constant 0 : index
    %get3A_1518 = arith.constant 0 : index
    %get3A_1519 = vector.load %arg4[%get3A_1517, %get3A_1518] : memref<64x1xf32, #tpu.memory_space<vmem>>, vector<64x1xf32>
    %mul3A_1520 = vector.broadcast %get3A_1519 : vector<64x1xf32> to vector<64x2048xf32>
    %mul3A_1521 = arith.mulf %div3A_1516, %mul3A_1520 : vector<64x2048xf32>
    %get3A_1522 = arith.constant 0 : index
    %get3A_1523 = arith.constant 0 : index
    %get3A_1524 = vector.load %arg5[%get3A_1522, %get3A_1523] : memref<64x1xf32, #tpu.memory_space<vmem>>, vector<64x1xf32>
    %add3A_1525 = vector.broadcast %get3A_1524 : vector<64x1xf32> to vector<64x2048xf32>
    %add3A_1526 = arith.addf %mul3A_1521, %add3A_1525 : vector<64x2048xf32>
    %ge3A_1527 = arith.constant 0.000000e+00 : f32
    %ge3A_1528 = vector.broadcast %ge3A_1527 : f32 to vector<64x2048xf32>
    %ge3A_1529 = arith.cmpf oge, %add3A_1526, %ge3A_1528 : vector<64x2048xf32>
    %mul3A_1530 = arith.constant 0.00999999977 : f32
    %mul3A_1531 = vector.broadcast %mul3A_1530 : f32 to vector<64x2048xf32>
    %mul3A_1532 = arith.mulf %mul3A_1531, %add3A_1526 : vector<64x2048xf32>
    %select_n3A_1533 = arith.select %ge3A_1529, %add3A_1526, %mul3A_1532 : vector<64x2048xi1>, vector<64x2048xf32>
    %convert_element_type3A_1534 = arith.truncf %select_n3A_1533 : vector<64x2048xf32> to vector<64x2048xbf16>
    %dot_general3A_1535 = arith.constant dense<0.000000e+00> : vector<1x2048xf32>
    %dot_general3A_1536 = tpu.matmul %reshape3A, %convert_element_type3A_1534, %dot_general3A_1535 {dimension_numbers = #tpu.dot_dimension_numbers<[1], [0], [0], [1], [0, 0, 1, 1], [], []>, transpose_lhs_hint = false} : vector<1x64xbf16>, vector<64x2048xbf16>, vector<1x2048xf32> -> vector<1x2048xf32>
    %reduce_max3A_1537 = vector.shape_cast %dot_general3A_1536 : vector<1x2048xf32> to vector<1x1x2048xf32>
    %reduce_max3A_1538 = arith.constant dense<0xFF800000> : vector<1xf32>
    %reduce_max3A_1539 = vector.multi_reduction <maximumf>, %reduce_max3A_1537, %reduce_max3A_1538 [1, 2] : vector<1x1x2048xf32> to vector<1xf32>
    %reduce_max3A_1540 = vector.shape_cast %reduce_max3A_1539 : vector<1xf32> to vector<1x1x1xf32>
    %reduce_max3A_1541 = vector.extract %reduce_max3A_1540[0, 0, 0] : f32 from vector<1x1x1xf32>
    %sub3A_1542 = vector.broadcast %reduce_max3A_1541 : f32 to vector<1x2048xf32>
    %sub3A_1543 = arith.subf %dot_general3A_1536, %sub3A_1542 : vector<1x2048xf32>
    %exp3A_1544 = math.exp %sub3A_1543 : vector<1x2048xf32>
    %slice3A_1545 = vector.extract_strided_slice %exp3A_1544 {offsets = [0, 0], sizes = [1, 128], strides = [1, 1]} : vector<1x2048xf32> to vector<1x128xf32>
    %slice3A_1546 = vector.extract_strided_slice %exp3A_1544 {offsets = [0, 128], sizes = [1, 128], strides = [1, 1]} : vector<1x2048xf32> to vector<1x128xf32>
    %add3A_1547 = arith.addf %slice3A_1545, %slice3A_1546 : vector<1x128xf32>
    %slice3A_1548 = vector.extract_strided_slice %exp3A_1544 {offsets = [0, 256], sizes = [1, 128], strides = [1, 1]} : vector<1x2048xf32> to vector<1x128xf32>
    %add3A_1549 = arith.addf %add3A_1547, %slice3A_1548 : vector<1x128xf32>
    %slice3A_1550 = vector.extract_strided_slice %exp3A_1544 {offsets = [0, 384], sizes = [1, 128], strides = [1, 1]} : vector<1x2048xf32> to vector<1x128xf32>
    %add3A_1551 = arith.addf %add3A_1549, %slice3A_1550 : vector<1x128xf32>
    %slice3A_1552 = vector.extract_strided_slice %exp3A_1544 {offsets = [0, 512], sizes = [1, 128], strides = [1, 1]} : vector<1x2048xf32> to vector<1x128xf32>
    %add3A_1553 = arith.addf %add3A_1551, %slice3A_1552 : vector<1x128xf32>
    %slice3A_1554 = vector.extract_strided_slice %exp3A_1544 {offsets = [0, 640], sizes = [1, 128], strides = [1, 1]} : vector<1x2048xf32> to vector<1x128xf32>
    %add3A_1555 = arith.addf %add3A_1553, %slice3A_1554 : vector<1x128xf32>
    %slice3A_1556 = vector.extract_strided_slice %exp3A_1544 {offsets = [0, 768], sizes = [1, 128], strides = [1, 1]} : vector<1x2048xf32> to vector<1x128xf32>
    %add3A_1557 = arith.addf %add3A_1555, %slice3A_1556 : vector<1x128xf32>
    %slice3A_1558 = vector.extract_strided_slice %exp3A_1544 {offsets = [0, 896], sizes = [1, 128], strides = [1, 1]} : vector<1x2048xf32> to vector<1x128xf32>
    %add3A_1559 = arith.addf %add3A_1557, %slice3A_1558 : vector<1x128xf32>
    %slice3A_1560 = vector.extract_strided_slice %exp3A_1544 {offsets = [0, 1024], sizes = [1, 128], strides = [1, 1]} : vector<1x2048xf32> to vector<1x128xf32>
    %add3A_1561 = arith.addf %add3A_1559, %slice3A_1560 : vector<1x128xf32>
    %slice3A_1562 = vector.extract_strided_slice %exp3A_1544 {offsets = [0, 1152], sizes = [1, 128], strides = [1, 1]} : vector<1x2048xf32> to vector<1x128xf32>
    %add3A_1563 = arith.addf %add3A_1561, %slice3A_1562 : vector<1x128xf32>
    %slice3A_1564 = vector.extract_strided_slice %exp3A_1544 {offsets = [0, 1280], sizes = [1, 128], strides = [1, 1]} : vector<1x2048xf32> to vector<1x128xf32>
    %add3A_1565 = arith.addf %add3A_1563, %slice3A_1564 : vector<1x128xf32>
    %slice3A_1566 = vector.extract_strided_slice %exp3A_1544 {offsets = [0, 1408], sizes = [1, 128], strides = [1, 1]} : vector<1x2048xf32> to vector<1x128xf32>
    %add3A_1567 = arith.addf %add3A_1565, %slice3A_1566 : vector<1x128xf32>
    %slice3A_1568 = vector.extract_strided_slice %exp3A_1544 {offsets = [0, 1536], sizes = [1, 128], strides = [1, 1]} : vector<1x2048xf32> to vector<1x128xf32>
    %add3A_1569 = arith.addf %add3A_1567, %slice3A_1568 : vector<1x128xf32>
    %slice3A_1570 = vector.extract_strided_slice %exp3A_1544 {offsets = [0, 1664], sizes = [1, 128], strides = [1, 1]} : vector<1x2048xf32> to vector<1x128xf32>
    %add3A_1571 = arith.addf %add3A_1569, %slice3A_1570 : vector<1x128xf32>
    %slice3A_1572 = vector.extract_strided_slice %exp3A_1544 {offsets = [0, 1792], sizes = [1, 128], strides = [1, 1]} : vector<1x2048xf32> to vector<1x128xf32>
    %add3A_1573 = arith.addf %add3A_1571, %slice3A_1572 : vector<1x128xf32>
    %slice3A_1574 = vector.extract_strided_slice %exp3A_1544 {offsets = [0, 1920], sizes = [1, 128], strides = [1, 1]} : vector<1x2048xf32> to vector<1x128xf32>
    %add3A_1575 = arith.addf %add3A_1573, %slice3A_1574 : vector<1x128xf32>
    %slice3A_1576 = vector.extract_strided_slice %add3A_1575 {offsets = [0, 0], sizes = [1, 8], strides = [1, 1]} : vector<1x128xf32> to vector<1x8xf32>
    %slice3A_1577 = vector.extract_strided_slice %add3A_1575 {offsets = [0, 8], sizes = [1, 8], strides = [1, 1]} : vector<1x128xf32> to vector<1x8xf32>
    %add3A_1578 = arith.addf %slice3A_1576, %slice3A_1577 : vector<1x8xf32>
    %slice3A_1579 = vector.extract_strided_slice %add3A_1575 {offsets = [0, 16], sizes = [1, 8], strides = [1, 1]} : vector<1x128xf32> to vector<1x8xf32>
    %add3A_1580 = arith.addf %add3A_1578, %slice3A_1579 : vector<1x8xf32>
    %slice3A_1581 = vector.extract_strided_slice %add3A_1575 {offsets = [0, 24], sizes = [1, 8], strides = [1, 1]} : vector<1x128xf32> to vector<1x8xf32>
    %add3A_1582 = arith.addf %add3A_1580, %slice3A_1581 : vector<1x8xf32>
    %slice3A_1583 = vector.extract_strided_slice %add3A_1575 {offsets = [0, 32], sizes = [1, 8], strides = [1, 1]} : vector<1x128xf32> to vector<1x8xf32>
    %add3A_1584 = arith.addf %add3A_1582, %slice3A_1583 : vector<1x8xf32>
    %slice3A_1585 = vector.extract_strided_slice %add3A_1575 {offsets = [0, 40], sizes = [1, 8], strides = [1, 1]} : vector<1x128xf32> to vector<1x8xf32>
    %add3A_1586 = arith.addf %add3A_1584, %slice3A_1585 : vector<1x8xf32>
    %slice3A_1587 = vector.extract_strided_slice %add3A_1575 {offsets = [0, 48], sizes = [1, 8], strides = [1, 1]} : vector<1x128xf32> to vector<1x8xf32>
    %add3A_1588 = arith.addf %add3A_1586, %slice3A_1587 : vector<1x8xf32>
    %slice3A_1589 = vector.extract_strided_slice %add3A_1575 {offsets = [0, 56], sizes = [1, 8], strides = [1, 1]} : vector<1x128xf32> to vector<1x8xf32>
    %add3A_1590 = arith.addf %add3A_1588, %slice3A_1589 : vector<1x8xf32>
    %slice3A_1591 = vector.extract_strided_slice %add3A_1575 {offsets = [0, 64], sizes = [1, 8], strides = [1, 1]} : vector<1x128xf32> to vector<1x8xf32>
    %add3A_1592 = arith.addf %add3A_1590, %slice3A_1591 : vector<1x8xf32>
    %slice3A_1593 = vector.extract_strided_slice %add3A_1575 {offsets = [0, 72], sizes = [1, 8], strides = [1, 1]} : vector<1x128xf32> to vector<1x8xf32>
    %add3A_1594 = arith.addf %add3A_1592, %slice3A_1593 : vector<1x8xf32>
    %slice3A_1595 = vector.extract_strided_slice %add3A_1575 {offsets = [0, 80], sizes = [1, 8], strides = [1, 1]} : vector<1x128xf32> to vector<1x8xf32>
    %add3A_1596 = arith.addf %add3A_1594, %slice3A_1595 : vector<1x8xf32>
    %slice3A_1597 = vector.extract_strided_slice %add3A_1575 {offsets = [0, 88], sizes = [1, 8], strides = [1, 1]} : vector<1x128xf32> to vector<1x8xf32>
    %add3A_1598 = arith.addf %add3A_1596, %slice3A_1597 : vector<1x8xf32>
    %slice3A_1599 = vector.extract_strided_slice %add3A_1575 {offsets = [0, 96], sizes = [1, 8], strides = [1, 1]} : vector<1x128xf32> to vector<1x8xf32>
    %add3A_1600 = arith.addf %add3A_1598, %slice3A_1599 : vector<1x8xf32>
    %slice3A_1601 = vector.extract_strided_slice %add3A_1575 {offsets = [0, 104], sizes = [1, 8], strides = [1, 1]} : vector<1x128xf32> to vector<1x8xf32>
    %add3A_1602 = arith.addf %add3A_1600, %slice3A_1601 : vector<1x8xf32>
    %slice3A_1603 = vector.extract_strided_slice %add3A_1575 {offsets = [0, 112], sizes = [1, 8], strides = [1, 1]} : vector<1x128xf32> to vector<1x8xf32>
    %add3A_1604 = arith.addf %add3A_1602, %slice3A_1603 : vector<1x8xf32>
    %slice3A_1605 = vector.extract_strided_slice %add3A_1575 {offsets = [0, 120], sizes = [1, 8], strides = [1, 1]} : vector<1x128xf32> to vector<1x8xf32>
    %add3A_1606 = arith.addf %add3A_1604, %slice3A_1605 : vector<1x8xf32>
    %slice3A_1607 = vector.extract_strided_slice %add3A_1606 {offsets = [0, 0], sizes = [1, 4], strides = [1, 1]} : vector<1x8xf32> to vector<1x4xf32>
    %slice3A_1608 = vector.extract_strided_slice %add3A_1606 {offsets = [0, 4], sizes = [1, 4], strides = [1, 1]} : vector<1x8xf32> to vector<1x4xf32>
    %add3A_1609 = arith.addf %slice3A_1607, %slice3A_1608 : vector<1x4xf32>
    %slice3A_1610 = vector.extract_strided_slice %add3A_1609 {offsets = [0, 0], sizes = [1, 2], strides = [1, 1]} : vector<1x4xf32> to vector<1x2xf32>
    %slice3A_1611 = vector.extract_strided_slice %add3A_1609 {offsets = [0, 2], sizes = [1, 2], strides = [1, 1]} : vector<1x4xf32> to vector<1x2xf32>
    %add3A_1612 = arith.addf %slice3A_1610, %slice3A_1611 : vector<1x2xf32>
    %slice3A_1613 = vector.extract_strided_slice %add3A_1612 {offsets = [0, 0], sizes = [1, 1], strides = [1, 1]} : vector<1x2xf32> to vector<1x1xf32>
    %slice3A_1614 = vector.extract_strided_slice %add3A_1612 {offsets = [0, 1], sizes = [1, 1], strides = [1, 1]} : vector<1x2xf32> to vector<1x1xf32>
    %add3A_1615 = arith.addf %slice3A_1613, %slice3A_1614 : vector<1x1xf32>
    %squeeze3A_1616 = vector.extract %add3A_1615[0, 0] : f32 from vector<1x1xf32>
    %div3A_1617 = vector.broadcast %squeeze3A_1616 : f32 to vector<1x2048xf32>
    %div3A_1618 = arith.divf %exp3A_1544, %div3A_1617 : vector<1x2048xf32>
    %swap3A_1619 = arith.constant 10 : index
    %swap3A_1620 = arith.constant 0 : index
    %swap3A_1621 = arith.constant 0 : index
    %swap3A_1622 = vector.load %arg7[%swap3A_1619, %swap3A_1620, %swap3A_1621] : memref<16x1x2048xf32, #tpu.memory_space<vmem>>, vector<1x1x2048xf32>
    %swap3A_1623 = vector.shape_cast %swap3A_1622 : vector<1x1x2048xf32> to vector<1x2048xf32>
    %swap3A_1624 = vector.shape_cast %div3A_1618 : vector<1x2048xf32> to vector<1x1x2048xf32>
    tpu.vector_store %arg7[%swap3A_1619, %swap3A_1620, %swap3A_1621], %swap3A_1624 {strides = array<i32>} : memref<16x1x2048xf32, #tpu.memory_space<vmem>>, vector<1x1x2048xf32>,
    %get3A_1625 = arith.constant 11 : index
    %get3A_1626 = arith.constant 0 : index
    %get3A_1627 = arith.constant 0 : index
    %get3A_1628 = vector.load %arg1[%get3A_1625, %get3A_1626, %get3A_1627] : memref<16x128x1xf32, #tpu.memory_space<vmem>>, vector<1x128x1xf32>
    %get3A_1629 = vector.shape_cast %get3A_1628 : vector<1x128x1xf32> to vector<128x1xf32>
    %get3A_1630 = arith.constant 11 : index
    %get3A_1631 = arith.constant 0 : index
    %get3A_1632 = arith.constant 0 : index
    %get3A_1633 = vector.load %arg2[%get3A_1630, %get3A_1631, %get3A_1632] : memref<16x2x2048xf32, #tpu.memory_space<vmem>>, vector<1x2x2048xf32>
    %get3A_1634 = vector.shape_cast %get3A_1633 : vector<1x2x2048xf32> to vector<2x2048xf32>
    %convert_element_type3A_1635 = arith.truncf %get3A_1629 : vector<128x1xf32> to vector<128x1xbf16>
    %convert_element_type3A_1636 = arith.truncf %get3A_1634 : vector<2x2048xf32> to vector<2x2048xbf16>
    %broadcast_in_dim3A_1637 = vector.shape_cast %convert_element_type3A_1635 : vector<128x1xbf16> to vector<128x1xbf16>
    %broadcast_in_dim3A_1638 = vector.broadcast %broadcast_in_dim3A_1637 : vector<128x1xbf16> to vector<128x2048xbf16>
    %concatenate3A_1639 = tpu.concatenate %broadcast_in_dim3A_1638, %convert_element_type3A_1636 in 0 : vector<128x2048xbf16>, vector<2x2048xbf16> -> vector<130x2048xbf16>
    %get3A_1640 = arith.constant 0 : index
    %get3A_1641 = arith.constant 0 : index
    %get3A_1642 = vector.load %arg3[%get3A_1640, %get3A_1641] : memref<64x130xbf16, #tpu.memory_space<vmem>>, vector<64x130xbf16>
    %dot_general3A_1643 = arith.constant dense<0.000000e+00> : vector<64x2048xf32>
    %dot_general3A_1644 = tpu.matmul %get3A_1642, %concatenate3A_1639, %dot_general3A_1643 {dimension_numbers = #tpu.dot_dimension_numbers<[1], [0], [0], [1], [0, 0, 1, 1], [], []>, transpose_lhs_hint = false} : vector<64x130xbf16>, vector<130x2048xbf16>, vector<64x2048xf32> -> vector<64x2048xf32>
    %reduce_sum3A_1645 = arith.constant dense<0.000000e+00> : vector<2048xf32>
    %reduce_sum3A_1646 = vector.multi_reduction <add>, %dot_general3A_1644, %reduce_sum3A_1645 [0] : vector<64x2048xf32> to vector<2048xf32>
    %broadcast_in_dim3A_1647 = vector.shape_cast %reduce_sum3A_1646 : vector<2048xf32> to vector<1x2048xf32>
    %mul3A_1648 = arith.constant 1.562500e-02 : f32
    %mul3A_1649 = vector.broadcast %mul3A_1648 : f32 to vector<1x2048xf32>
    %mul3A_1650 = arith.mulf %broadcast_in_dim3A_1647, %mul3A_1649 : vector<1x2048xf32>
    %sub3A_1651 = vector.broadcast %mul3A_1650 : vector<1x2048xf32> to vector<64x2048xf32>
    %sub3A_1652 = arith.subf %dot_general3A_1644, %sub3A_1651 : vector<64x2048xf32>
    %mul3A_1653 = arith.mulf %sub3A_1652, %sub3A_1652 : vector<64x2048xf32>
    %reduce_sum3A_1654 = arith.constant dense<0.000000e+00> : vector<2048xf32>
    %reduce_sum3A_1655 = vector.multi_reduction <add>, %mul3A_1653, %reduce_sum3A_1654 [0] : vector<64x2048xf32> to vector<2048xf32>
    %broadcast_in_dim3A_1656 = vector.shape_cast %reduce_sum3A_1655 : vector<2048xf32> to vector<1x2048xf32>
    %mul3A_1657 = arith.constant 1.562500e-02 : f32
    %mul3A_1658 = vector.broadcast %mul3A_1657 : f32 to vector<1x2048xf32>
    %mul3A_1659 = arith.mulf %broadcast_in_dim3A_1656, %mul3A_1658 : vector<1x2048xf32>
    %add3A_1660 = arith.constant 9.99999974E-6 : f32
    %add3A_1661 = vector.broadcast %add3A_1660 : f32 to vector<1x2048xf32>
    %add3A_1662 = arith.addf %mul3A_1659, %add3A_1661 : vector<1x2048xf32>
    %sqrt3A_1663 = math.sqrt %add3A_1662 : vector<1x2048xf32>
    %div3A_1664 = vector.broadcast %sqrt3A_1663 : vector<1x2048xf32> to vector<64x2048xf32>
    %div3A_1665 = arith.divf %sub3A_1652, %div3A_1664 : vector<64x2048xf32>
    %get3A_1666 = arith.constant 0 : index
    %get3A_1667 = arith.constant 0 : index
    %get3A_1668 = vector.load %arg4[%get3A_1666, %get3A_1667] : memref<64x1xf32, #tpu.memory_space<vmem>>, vector<64x1xf32>
    %mul3A_1669 = vector.broadcast %get3A_1668 : vector<64x1xf32> to vector<64x2048xf32>
    %mul3A_1670 = arith.mulf %div3A_1665, %mul3A_1669 : vector<64x2048xf32>
    %get3A_1671 = arith.constant 0 : index
    %get3A_1672 = arith.constant 0 : index
    %get3A_1673 = vector.load %arg5[%get3A_1671, %get3A_1672] : memref<64x1xf32, #tpu.memory_space<vmem>>, vector<64x1xf32>
    %add3A_1674 = vector.broadcast %get3A_1673 : vector<64x1xf32> to vector<64x2048xf32>
    %add3A_1675 = arith.addf %mul3A_1670, %add3A_1674 : vector<64x2048xf32>
    %ge3A_1676 = arith.constant 0.000000e+00 : f32
    %ge3A_1677 = vector.broadcast %ge3A_1676 : f32 to vector<64x2048xf32>
    %ge3A_1678 = arith.cmpf oge, %add3A_1675, %ge3A_1677 : vector<64x2048xf32>
    %mul3A_1679 = arith.constant 0.00999999977 : f32
    %mul3A_1680 = vector.broadcast %mul3A_1679 : f32 to vector<64x2048xf32>
    %mul3A_1681 = arith.mulf %mul3A_1680, %add3A_1675 : vector<64x2048xf32>
    %select_n3A_1682 = arith.select %ge3A_1678, %add3A_1675, %mul3A_1681 : vector<64x2048xi1>, vector<64x2048xf32>
    %convert_element_type3A_1683 = arith.truncf %select_n3A_1682 : vector<64x2048xf32> to vector<64x2048xbf16>
    %dot_general3A_1684 = arith.constant dense<0.000000e+00> : vector<1x2048xf32>
    %dot_general3A_1685 = tpu.matmul %reshape3A, %convert_element_type3A_1683, %dot_general3A_1684 {dimension_numbers = #tpu.dot_dimension_numbers<[1], [0], [0], [1], [0, 0, 1, 1], [], []>, transpose_lhs_hint = false} : vector<1x64xbf16>, vector<64x2048xbf16>, vector<1x2048xf32> -> vector<1x2048xf32>
    %reduce_max3A_1686 = vector.shape_cast %dot_general3A_1685 : vector<1x2048xf32> to vector<1x1x2048xf32>
    %reduce_max3A_1687 = arith.constant dense<0xFF800000> : vector<1xf32>
    %reduce_max3A_1688 = vector.multi_reduction <maximumf>, %reduce_max3A_1686, %reduce_max3A_1687 [1, 2] : vector<1x1x2048xf32> to vector<1xf32>
    %reduce_max3A_1689 = vector.shape_cast %reduce_max3A_1688 : vector<1xf32> to vector<1x1x1xf32>
    %reduce_max3A_1690 = vector.extract %reduce_max3A_1689[0, 0, 0] : f32 from vector<1x1x1xf32>
    %sub3A_1691 = vector.broadcast %reduce_max3A_1690 : f32 to vector<1x2048xf32>
    %sub3A_1692 = arith.subf %dot_general3A_1685, %sub3A_1691 : vector<1x2048xf32>
    %exp3A_1693 = math.exp %sub3A_1692 : vector<1x2048xf32>
    %slice3A_1694 = vector.extract_strided_slice %exp3A_1693 {offsets = [0, 0], sizes = [1, 128], strides = [1, 1]} : vector<1x2048xf32> to vector<1x128xf32>
    %slice3A_1695 = vector.extract_strided_slice %exp3A_1693 {offsets = [0, 128], sizes = [1, 128], strides = [1, 1]} : vector<1x2048xf32> to vector<1x128xf32>
    %add3A_1696 = arith.addf %slice3A_1694, %slice3A_1695 : vector<1x128xf32>
    %slice3A_1697 = vector.extract_strided_slice %exp3A_1693 {offsets = [0, 256], sizes = [1, 128], strides = [1, 1]} : vector<1x2048xf32> to vector<1x128xf32>
    %add3A_1698 = arith.addf %add3A_1696, %slice3A_1697 : vector<1x128xf32>
    %slice3A_1699 = vector.extract_strided_slice %exp3A_1693 {offsets = [0, 384], sizes = [1, 128], strides = [1, 1]} : vector<1x2048xf32> to vector<1x128xf32>
    %add3A_1700 = arith.addf %add3A_1698, %slice3A_1699 : vector<1x128xf32>
    %slice3A_1701 = vector.extract_strided_slice %exp3A_1693 {offsets = [0, 512], sizes = [1, 128], strides = [1, 1]} : vector<1x2048xf32> to vector<1x128xf32>
    %add3A_1702 = arith.addf %add3A_1700, %slice3A_1701 : vector<1x128xf32>
    %slice3A_1703 = vector.extract_strided_slice %exp3A_1693 {offsets = [0, 640], sizes = [1, 128], strides = [1, 1]} : vector<1x2048xf32> to vector<1x128xf32>
    %add3A_1704 = arith.addf %add3A_1702, %slice3A_1703 : vector<1x128xf32>
    %slice3A_1705 = vector.extract_strided_slice %exp3A_1693 {offsets = [0, 768], sizes = [1, 128], strides = [1, 1]} : vector<1x2048xf32> to vector<1x128xf32>
    %add3A_1706 = arith.addf %add3A_1704, %slice3A_1705 : vector<1x128xf32>
    %slice3A_1707 = vector.extract_strided_slice %exp3A_1693 {offsets = [0, 896], sizes = [1, 128], strides = [1, 1]} : vector<1x2048xf32> to vector<1x128xf32>
    %add3A_1708 = arith.addf %add3A_1706, %slice3A_1707 : vector<1x128xf32>
    %slice3A_1709 = vector.extract_strided_slice %exp3A_1693 {offsets = [0, 1024], sizes = [1, 128], strides = [1, 1]} : vector<1x2048xf32> to vector<1x128xf32>
    %add3A_1710 = arith.addf %add3A_1708, %slice3A_1709 : vector<1x128xf32>
    %slice3A_1711 = vector.extract_strided_slice %exp3A_1693 {offsets = [0, 1152], sizes = [1, 128], strides = [1, 1]} : vector<1x2048xf32> to vector<1x128xf32>
    %add3A_1712 = arith.addf %add3A_1710, %slice3A_1711 : vector<1x128xf32>
    %slice3A_1713 = vector.extract_strided_slice %exp3A_1693 {offsets = [0, 1280], sizes = [1, 128], strides = [1, 1]} : vector<1x2048xf32> to vector<1x128xf32>
    %add3A_1714 = arith.addf %add3A_1712, %slice3A_1713 : vector<1x128xf32>
    %slice3A_1715 = vector.extract_strided_slice %exp3A_1693 {offsets = [0, 1408], sizes = [1, 128], strides = [1, 1]} : vector<1x2048xf32> to vector<1x128xf32>
    %add3A_1716 = arith.addf %add3A_1714, %slice3A_1715 : vector<1x128xf32>
    %slice3A_1717 = vector.extract_strided_slice %exp3A_1693 {offsets = [0, 1536], sizes = [1, 128], strides = [1, 1]} : vector<1x2048xf32> to vector<1x128xf32>
    %add3A_1718 = arith.addf %add3A_1716, %slice3A_1717 : vector<1x128xf32>
    %slice3A_1719 = vector.extract_strided_slice %exp3A_1693 {offsets = [0, 1664], sizes = [1, 128], strides = [1, 1]} : vector<1x2048xf32> to vector<1x128xf32>
    %add3A_1720 = arith.addf %add3A_1718, %slice3A_1719 : vector<1x128xf32>
    %slice3A_1721 = vector.extract_strided_slice %exp3A_1693 {offsets = [0, 1792], sizes = [1, 128], strides = [1, 1]} : vector<1x2048xf32> to vector<1x128xf32>
    %add3A_1722 = arith.addf %add3A_1720, %slice3A_1721 : vector<1x128xf32>
    %slice3A_1723 = vector.extract_strided_slice %exp3A_1693 {offsets = [0, 1920], sizes = [1, 128], strides = [1, 1]} : vector<1x2048xf32> to vector<1x128xf32>
    %add3A_1724 = arith.addf %add3A_1722, %slice3A_1723 : vector<1x128xf32>
    %slice3A_1725 = vector.extract_strided_slice %add3A_1724 {offsets = [0, 0], sizes = [1, 8], strides = [1, 1]} : vector<1x128xf32> to vector<1x8xf32>
    %slice3A_1726 = vector.extract_strided_slice %add3A_1724 {offsets = [0, 8], sizes = [1, 8], strides = [1, 1]} : vector<1x128xf32> to vector<1x8xf32>
    %add3A_1727 = arith.addf %slice3A_1725, %slice3A_1726 : vector<1x8xf32>
    %slice3A_1728 = vector.extract_strided_slice %add3A_1724 {offsets = [0, 16], sizes = [1, 8], strides = [1, 1]} : vector<1x128xf32> to vector<1x8xf32>
    %add3A_1729 = arith.addf %add3A_1727, %slice3A_1728 : vector<1x8xf32>
    %slice3A_1730 = vector.extract_strided_slice %add3A_1724 {offsets = [0, 24], sizes = [1, 8], strides = [1, 1]} : vector<1x128xf32> to vector<1x8xf32>
    %add3A_1731 = arith.addf %add3A_1729, %slice3A_1730 : vector<1x8xf32>
    %slice3A_1732 = vector.extract_strided_slice %add3A_1724 {offsets = [0, 32], sizes = [1, 8], strides = [1, 1]} : vector<1x128xf32> to vector<1x8xf32>
    %add3A_1733 = arith.addf %add3A_1731, %slice3A_1732 : vector<1x8xf32>
    %slice3A_1734 = vector.extract_strided_slice %add3A_1724 {offsets = [0, 40], sizes = [1, 8], strides = [1, 1]} : vector<1x128xf32> to vector<1x8xf32>
    %add3A_1735 = arith.addf %add3A_1733, %slice3A_1734 : vector<1x8xf32>
    %slice3A_1736 = vector.extract_strided_slice %add3A_1724 {offsets = [0, 48], sizes = [1, 8], strides = [1, 1]} : vector<1x128xf32> to vector<1x8xf32>
    %add3A_1737 = arith.addf %add3A_1735, %slice3A_1736 : vector<1x8xf32>
    %slice3A_1738 = vector.extract_strided_slice %add3A_1724 {offsets = [0, 56], sizes = [1, 8], strides = [1, 1]} : vector<1x128xf32> to vector<1x8xf32>
    %add3A_1739 = arith.addf %add3A_1737, %slice3A_1738 : vector<1x8xf32>
    %slice3A_1740 = vector.extract_strided_slice %add3A_1724 {offsets = [0, 64], sizes = [1, 8], strides = [1, 1]} : vector<1x128xf32> to vector<1x8xf32>
    %add3A_1741 = arith.addf %add3A_1739, %slice3A_1740 : vector<1x8xf32>
    %slice3A_1742 = vector.extract_strided_slice %add3A_1724 {offsets = [0, 72], sizes = [1, 8], strides = [1, 1]} : vector<1x128xf32> to vector<1x8xf32>
    %add3A_1743 = arith.addf %add3A_1741, %slice3A_1742 : vector<1x8xf32>
    %slice3A_1744 = vector.extract_strided_slice %add3A_1724 {offsets = [0, 80], sizes = [1, 8], strides = [1, 1]} : vector<1x128xf32> to vector<1x8xf32>
    %add3A_1745 = arith.addf %add3A_1743, %slice3A_1744 : vector<1x8xf32>
    %slice3A_1746 = vector.extract_strided_slice %add3A_1724 {offsets = [0, 88], sizes = [1, 8], strides = [1, 1]} : vector<1x128xf32> to vector<1x8xf32>
    %add3A_1747 = arith.addf %add3A_1745, %slice3A_1746 : vector<1x8xf32>
    %slice3A_1748 = vector.extract_strided_slice %add3A_1724 {offsets = [0, 96], sizes = [1, 8], strides = [1, 1]} : vector<1x128xf32> to vector<1x8xf32>
    %add3A_1749 = arith.addf %add3A_1747, %slice3A_1748 : vector<1x8xf32>
    %slice3A_1750 = vector.extract_strided_slice %add3A_1724 {offsets = [0, 104], sizes = [1, 8], strides = [1, 1]} : vector<1x128xf32> to vector<1x8xf32>
    %add3A_1751 = arith.addf %add3A_1749, %slice3A_1750 : vector<1x8xf32>
    %slice3A_1752 = vector.extract_strided_slice %add3A_1724 {offsets = [0, 112], sizes = [1, 8], strides = [1, 1]} : vector<1x128xf32> to vector<1x8xf32>
    %add3A_1753 = arith.addf %add3A_1751, %slice3A_1752 : vector<1x8xf32>
    %slice3A_1754 = vector.extract_strided_slice %add3A_1724 {offsets = [0, 120], sizes = [1, 8], strides = [1, 1]} : vector<1x128xf32> to vector<1x8xf32>
    %add3A_1755 = arith.addf %add3A_1753, %slice3A_1754 : vector<1x8xf32>
    %slice3A_1756 = vector.extract_strided_slice %add3A_1755 {offsets = [0, 0], sizes = [1, 4], strides = [1, 1]} : vector<1x8xf32> to vector<1x4xf32>
    %slice3A_1757 = vector.extract_strided_slice %add3A_1755 {offsets = [0, 4], sizes = [1, 4], strides = [1, 1]} : vector<1x8xf32> to vector<1x4xf32>
    %add3A_1758 = arith.addf %slice3A_1756, %slice3A_1757 : vector<1x4xf32>
    %slice3A_1759 = vector.extract_strided_slice %add3A_1758 {offsets = [0, 0], sizes = [1, 2], strides = [1, 1]} : vector<1x4xf32> to vector<1x2xf32>
    %slice3A_1760 = vector.extract_strided_slice %add3A_1758 {offsets = [0, 2], sizes = [1, 2], strides = [1, 1]} : vector<1x4xf32> to vector<1x2xf32>
    %add3A_1761 = arith.addf %slice3A_1759, %slice3A_1760 : vector<1x2xf32>
    %slice3A_1762 = vector.extract_strided_slice %add3A_1761 {offsets = [0, 0], sizes = [1, 1], strides = [1, 1]} : vector<1x2xf32> to vector<1x1xf32>
    %slice3A_1763 = vector.extract_strided_slice %add3A_1761 {offsets = [0, 1], sizes = [1, 1], strides = [1, 1]} : vector<1x2xf32> to vector<1x1xf32>
    %add3A_1764 = arith.addf %slice3A_1762, %slice3A_1763 : vector<1x1xf32>
    %squeeze3A_1765 = vector.extract %add3A_1764[0, 0] : f32 from vector<1x1xf32>
    %div3A_1766 = vector.broadcast %squeeze3A_1765 : f32 to vector<1x2048xf32>
    %div3A_1767 = arith.divf %exp3A_1693, %div3A_1766 : vector<1x2048xf32>
    %swap3A_1768 = arith.constant 11 : index
    %swap3A_1769 = arith.constant 0 : index
    %swap3A_1770 = arith.constant 0 : index
    %swap3A_1771 = vector.load %arg7[%swap3A_1768, %swap3A_1769, %swap3A_1770] : memref<16x1x2048xf32, #tpu.memory_space<vmem>>, vector<1x1x2048xf32>
    %swap3A_1772 = vector.shape_cast %swap3A_1771 : vector<1x1x2048xf32> to vector<1x2048xf32>
    %swap3A_1773 = vector.shape_cast %div3A_1767 : vector<1x2048xf32> to vector<1x1x2048xf32>
    tpu.vector_store %arg7[%swap3A_1768, %swap3A_1769, %swap3A_1770], %swap3A_1773 {strides = array<i32>} : memref<16x1x2048xf32, #tpu.memory_space<vmem>>, vector<1x1x2048xf32>,
    %get3A_1774 = arith.constant 12 : index
    %get3A_1775 = arith.constant 0 : index
    %get3A_1776 = arith.constant 0 : index
    %get3A_1777 = vector.load %arg1[%get3A_1774, %get3A_1775, %get3A_1776] : memref<16x128x1xf32, #tpu.memory_space<vmem>>, vector<1x128x1xf32>
    %get3A_1778 = vector.shape_cast %get3A_1777 : vector<1x128x1xf32> to vector<128x1xf32>
    %get3A_1779 = arith.constant 12 : index
    %get3A_1780 = arith.constant 0 : index
    %get3A_1781 = arith.constant 0 : index
    %get3A_1782 = vector.load %arg2[%get3A_1779, %get3A_1780, %get3A_1781] : memref<16x2x2048xf32, #tpu.memory_space<vmem>>, vector<1x2x2048xf32>
    %get3A_1783 = vector.shape_cast %get3A_1782 : vector<1x2x2048xf32> to vector<2x2048xf32>
    %convert_element_type3A_1784 = arith.truncf %get3A_1778 : vector<128x1xf32> to vector<128x1xbf16>
    %convert_element_type3A_1785 = arith.truncf %get3A_1783 : vector<2x2048xf32> to vector<2x2048xbf16>
    %broadcast_in_dim3A_1786 = vector.shape_cast %convert_element_type3A_1784 : vector<128x1xbf16> to vector<128x1xbf16>
    %broadcast_in_dim3A_1787 = vector.broadcast %broadcast_in_dim3A_1786 : vector<128x1xbf16> to vector<128x2048xbf16>
    %concatenate3A_1788 = tpu.concatenate %broadcast_in_dim3A_1787, %convert_element_type3A_1785 in 0 : vector<128x2048xbf16>, vector<2x2048xbf16> -> vector<130x2048xbf16>
    %get3A_1789 = arith.constant 0 : index
    %get3A_1790 = arith.constant 0 : index
    %get3A_1791 = vector.load %arg3[%get3A_1789, %get3A_1790] : memref<64x130xbf16, #tpu.memory_space<vmem>>, vector<64x130xbf16>
    %dot_general3A_1792 = arith.constant dense<0.000000e+00> : vector<64x2048xf32>
    %dot_general3A_1793 = tpu.matmul %get3A_1791, %concatenate3A_1788, %dot_general3A_1792 {dimension_numbers = #tpu.dot_dimension_numbers<[1], [0], [0], [1], [0, 0, 1, 1], [], []>, transpose_lhs_hint = false} : vector<64x130xbf16>, vector<130x2048xbf16>, vector<64x2048xf32> -> vector<64x2048xf32>
    %reduce_sum3A_1794 = arith.constant dense<0.000000e+00> : vector<2048xf32>
    %reduce_sum3A_1795 = vector.multi_reduction <add>, %dot_general3A_1793, %reduce_sum3A_1794 [0] : vector<64x2048xf32> to vector<2048xf32>
    %broadcast_in_dim3A_1796 = vector.shape_cast %reduce_sum3A_1795 : vector<2048xf32> to vector<1x2048xf32>
    %mul3A_1797 = arith.constant 1.562500e-02 : f32
    %mul3A_1798 = vector.broadcast %mul3A_1797 : f32 to vector<1x2048xf32>
    %mul3A_1799 = arith.mulf %broadcast_in_dim3A_1796, %mul3A_1798 : vector<1x2048xf32>
    %sub3A_1800 = vector.broadcast %mul3A_1799 : vector<1x2048xf32> to vector<64x2048xf32>
    %sub3A_1801 = arith.subf %dot_general3A_1793, %sub3A_1800 : vector<64x2048xf32>
    %mul3A_1802 = arith.mulf %sub3A_1801, %sub3A_1801 : vector<64x2048xf32>
    %reduce_sum3A_1803 = arith.constant dense<0.000000e+00> : vector<2048xf32>
    %reduce_sum3A_1804 = vector.multi_reduction <add>, %mul3A_1802, %reduce_sum3A_1803 [0] : vector<64x2048xf32> to vector<2048xf32>
    %broadcast_in_dim3A_1805 = vector.shape_cast %reduce_sum3A_1804 : vector<2048xf32> to vector<1x2048xf32>
    %mul3A_1806 = arith.constant 1.562500e-02 : f32
    %mul3A_1807 = vector.broadcast %mul3A_1806 : f32 to vector<1x2048xf32>
    %mul3A_1808 = arith.mulf %broadcast_in_dim3A_1805, %mul3A_1807 : vector<1x2048xf32>
    %add3A_1809 = arith.constant 9.99999974E-6 : f32
    %add3A_1810 = vector.broadcast %add3A_1809 : f32 to vector<1x2048xf32>
    %add3A_1811 = arith.addf %mul3A_1808, %add3A_1810 : vector<1x2048xf32>
    %sqrt3A_1812 = math.sqrt %add3A_1811 : vector<1x2048xf32>
    %div3A_1813 = vector.broadcast %sqrt3A_1812 : vector<1x2048xf32> to vector<64x2048xf32>
    %div3A_1814 = arith.divf %sub3A_1801, %div3A_1813 : vector<64x2048xf32>
    %get3A_1815 = arith.constant 0 : index
    %get3A_1816 = arith.constant 0 : index
    %get3A_1817 = vector.load %arg4[%get3A_1815, %get3A_1816] : memref<64x1xf32, #tpu.memory_space<vmem>>, vector<64x1xf32>
    %mul3A_1818 = vector.broadcast %get3A_1817 : vector<64x1xf32> to vector<64x2048xf32>
    %mul3A_1819 = arith.mulf %div3A_1814, %mul3A_1818 : vector<64x2048xf32>
    %get3A_1820 = arith.constant 0 : index
    %get3A_1821 = arith.constant 0 : index
    %get3A_1822 = vector.load %arg5[%get3A_1820, %get3A_1821] : memref<64x1xf32, #tpu.memory_space<vmem>>, vector<64x1xf32>
    %add3A_1823 = vector.broadcast %get3A_1822 : vector<64x1xf32> to vector<64x2048xf32>
    %add3A_1824 = arith.addf %mul3A_1819, %add3A_1823 : vector<64x2048xf32>
    %ge3A_1825 = arith.constant 0.000000e+00 : f32
    %ge3A_1826 = vector.broadcast %ge3A_1825 : f32 to vector<64x2048xf32>
    %ge3A_1827 = arith.cmpf oge, %add3A_1824, %ge3A_1826 : vector<64x2048xf32>
    %mul3A_1828 = arith.constant 0.00999999977 : f32
    %mul3A_1829 = vector.broadcast %mul3A_1828 : f32 to vector<64x2048xf32>
    %mul3A_1830 = arith.mulf %mul3A_1829, %add3A_1824 : vector<64x2048xf32>
    %select_n3A_1831 = arith.select %ge3A_1827, %add3A_1824, %mul3A_1830 : vector<64x2048xi1>, vector<64x2048xf32>
    %convert_element_type3A_1832 = arith.truncf %select_n3A_1831 : vector<64x2048xf32> to vector<64x2048xbf16>
    %dot_general3A_1833 = arith.constant dense<0.000000e+00> : vector<1x2048xf32>
    %dot_general3A_1834 = tpu.matmul %reshape3A, %convert_element_type3A_1832, %dot_general3A_1833 {dimension_numbers = #tpu.dot_dimension_numbers<[1], [0], [0], [1], [0, 0, 1, 1], [], []>, transpose_lhs_hint = false} : vector<1x64xbf16>, vector<64x2048xbf16>, vector<1x2048xf32> -> vector<1x2048xf32>
    %reduce_max3A_1835 = vector.shape_cast %dot_general3A_1834 : vector<1x2048xf32> to vector<1x1x2048xf32>
    %reduce_max3A_1836 = arith.constant dense<0xFF800000> : vector<1xf32>
    %reduce_max3A_1837 = vector.multi_reduction <maximumf>, %reduce_max3A_1835, %reduce_max3A_1836 [1, 2] : vector<1x1x2048xf32> to vector<1xf32>
    %reduce_max3A_1838 = vector.shape_cast %reduce_max3A_1837 : vector<1xf32> to vector<1x1x1xf32>
    %reduce_max3A_1839 = vector.extract %reduce_max3A_1838[0, 0, 0] : f32 from vector<1x1x1xf32>
    %sub3A_1840 = vector.broadcast %reduce_max3A_1839 : f32 to vector<1x2048xf32>
    %sub3A_1841 = arith.subf %dot_general3A_1834, %sub3A_1840 : vector<1x2048xf32>
    %exp3A_1842 = math.exp %sub3A_1841 : vector<1x2048xf32>
    %slice3A_1843 = vector.extract_strided_slice %exp3A_1842 {offsets = [0, 0], sizes = [1, 128], strides = [1, 1]} : vector<1x2048xf32> to vector<1x128xf32>
    %slice3A_1844 = vector.extract_strided_slice %exp3A_1842 {offsets = [0, 128], sizes = [1, 128], strides = [1, 1]} : vector<1x2048xf32> to vector<1x128xf32>
    %add3A_1845 = arith.addf %slice3A_1843, %slice3A_1844 : vector<1x128xf32>
    %slice3A_1846 = vector.extract_strided_slice %exp3A_1842 {offsets = [0, 256], sizes = [1, 128], strides = [1, 1]} : vector<1x2048xf32> to vector<1x128xf32>
    %add3A_1847 = arith.addf %add3A_1845, %slice3A_1846 : vector<1x128xf32>
    %slice3A_1848 = vector.extract_strided_slice %exp3A_1842 {offsets = [0, 384], sizes = [1, 128], strides = [1, 1]} : vector<1x2048xf32> to vector<1x128xf32>
    %add3A_1849 = arith.addf %add3A_1847, %slice3A_1848 : vector<1x128xf32>
    %slice3A_1850 = vector.extract_strided_slice %exp3A_1842 {offsets = [0, 512], sizes = [1, 128], strides = [1, 1]} : vector<1x2048xf32> to vector<1x128xf32>
    %add3A_1851 = arith.addf %add3A_1849, %slice3A_1850 : vector<1x128xf32>
    %slice3A_1852 = vector.extract_strided_slice %exp3A_1842 {offsets = [0, 640], sizes = [1, 128], strides = [1, 1]} : vector<1x2048xf32> to vector<1x128xf32>
    %add3A_1853 = arith.addf %add3A_1851, %slice3A_1852 : vector<1x128xf32>
    %slice3A_1854 = vector.extract_strided_slice %exp3A_1842 {offsets = [0, 768], sizes = [1, 128], strides = [1, 1]} : vector<1x2048xf32> to vector<1x128xf32>
    %add3A_1855 = arith.addf %add3A_1853, %slice3A_1854 : vector<1x128xf32>
    %slice3A_1856 = vector.extract_strided_slice %exp3A_1842 {offsets = [0, 896], sizes = [1, 128], strides = [1, 1]} : vector<1x2048xf32> to vector<1x128xf32>
    %add3A_1857 = arith.addf %add3A_1855, %slice3A_1856 : vector<1x128xf32>
    %slice3A_1858 = vector.extract_strided_slice %exp3A_1842 {offsets = [0, 1024], sizes = [1, 128], strides = [1, 1]} : vector<1x2048xf32> to vector<1x128xf32>
    %add3A_1859 = arith.addf %add3A_1857, %slice3A_1858 : vector<1x128xf32>
    %slice3A_1860 = vector.extract_strided_slice %exp3A_1842 {offsets = [0, 1152], sizes = [1, 128], strides = [1, 1]} : vector<1x2048xf32> to vector<1x128xf32>
    %add3A_1861 = arith.addf %add3A_1859, %slice3A_1860 : vector<1x128xf32>
    %slice3A_1862 = vector.extract_strided_slice %exp3A_1842 {offsets = [0, 1280], sizes = [1, 128], strides = [1, 1]} : vector<1x2048xf32> to vector<1x128xf32>
    %add3A_1863 = arith.addf %add3A_1861, %slice3A_1862 : vector<1x128xf32>
    %slice3A_1864 = vector.extract_strided_slice %exp3A_1842 {offsets = [0, 1408], sizes = [1, 128], strides = [1, 1]} : vector<1x2048xf32> to vector<1x128xf32>
    %add3A_1865 = arith.addf %add3A_1863, %slice3A_1864 : vector<1x128xf32>
    %slice3A_1866 = vector.extract_strided_slice %exp3A_1842 {offsets = [0, 1536], sizes = [1, 128], strides = [1, 1]} : vector<1x2048xf32> to vector<1x128xf32>
    %add3A_1867 = arith.addf %add3A_1865, %slice3A_1866 : vector<1x128xf32>
    %slice3A_1868 = vector.extract_strided_slice %exp3A_1842 {offsets = [0, 1664], sizes = [1, 128], strides = [1, 1]} : vector<1x2048xf32> to vector<1x128xf32>
    %add3A_1869 = arith.addf %add3A_1867, %slice3A_1868 : vector<1x128xf32>
    %slice3A_1870 = vector.extract_strided_slice %exp3A_1842 {offsets = [0, 1792], sizes = [1, 128], strides = [1, 1]} : vector<1x2048xf32> to vector<1x128xf32>
    %add3A_1871 = arith.addf %add3A_1869, %slice3A_1870 : vector<1x128xf32>
    %slice3A_1872 = vector.extract_strided_slice %exp3A_1842 {offsets = [0, 1920], sizes = [1, 128], strides = [1, 1]} : vector<1x2048xf32> to vector<1x128xf32>
    %add3A_1873 = arith.addf %add3A_1871, %slice3A_1872 : vector<1x128xf32>
    %slice3A_1874 = vector.extract_strided_slice %add3A_1873 {offsets = [0, 0], sizes = [1, 8], strides = [1, 1]} : vector<1x128xf32> to vector<1x8xf32>
    %slice3A_1875 = vector.extract_strided_slice %add3A_1873 {offsets = [0, 8], sizes = [1, 8], strides = [1, 1]} : vector<1x128xf32> to vector<1x8xf32>
    %add3A_1876 = arith.addf %slice3A_1874, %slice3A_1875 : vector<1x8xf32>
    %slice3A_1877 = vector.extract_strided_slice %add3A_1873 {offsets = [0, 16], sizes = [1, 8], strides = [1, 1]} : vector<1x128xf32> to vector<1x8xf32>
    %add3A_1878 = arith.addf %add3A_1876, %slice3A_1877 : vector<1x8xf32>
    %slice3A_1879 = vector.extract_strided_slice %add3A_1873 {offsets = [0, 24], sizes = [1, 8], strides = [1, 1]} : vector<1x128xf32> to vector<1x8xf32>
    %add3A_1880 = arith.addf %add3A_1878, %slice3A_1879 : vector<1x8xf32>
    %slice3A_1881 = vector.extract_strided_slice %add3A_1873 {offsets = [0, 32], sizes = [1, 8], strides = [1, 1]} : vector<1x128xf32> to vector<1x8xf32>
    %add3A_1882 = arith.addf %add3A_1880, %slice3A_1881 : vector<1x8xf32>
    %slice3A_1883 = vector.extract_strided_slice %add3A_1873 {offsets = [0, 40], sizes = [1, 8], strides = [1, 1]} : vector<1x128xf32> to vector<1x8xf32>
    %add3A_1884 = arith.addf %add3A_1882, %slice3A_1883 : vector<1x8xf32>
    %slice3A_1885 = vector.extract_strided_slice %add3A_1873 {offsets = [0, 48], sizes = [1, 8], strides = [1, 1]} : vector<1x128xf32> to vector<1x8xf32>
    %add3A_1886 = arith.addf %add3A_1884, %slice3A_1885 : vector<1x8xf32>
    %slice3A_1887 = vector.extract_strided_slice %add3A_1873 {offsets = [0, 56], sizes = [1, 8], strides = [1, 1]} : vector<1x128xf32> to vector<1x8xf32>
    %add3A_1888 = arith.addf %add3A_1886, %slice3A_1887 : vector<1x8xf32>
    %slice3A_1889 = vector.extract_strided_slice %add3A_1873 {offsets = [0, 64], sizes = [1, 8], strides = [1, 1]} : vector<1x128xf32> to vector<1x8xf32>
    %add3A_1890 = arith.addf %add3A_1888, %slice3A_1889 : vector<1x8xf32>
    %slice3A_1891 = vector.extract_strided_slice %add3A_1873 {offsets = [0, 72], sizes = [1, 8], strides = [1, 1]} : vector<1x128xf32> to vector<1x8xf32>
    %add3A_1892 = arith.addf %add3A_1890, %slice3A_1891 : vector<1x8xf32>
    %slice3A_1893 = vector.extract_strided_slice %add3A_1873 {offsets = [0, 80], sizes = [1, 8], strides = [1, 1]} : vector<1x128xf32> to vector<1x8xf32>
    %add3A_1894 = arith.addf %add3A_1892, %slice3A_1893 : vector<1x8xf32>
    %slice3A_1895 = vector.extract_strided_slice %add3A_1873 {offsets = [0, 88], sizes = [1, 8], strides = [1, 1]} : vector<1x128xf32> to vector<1x8xf32>
    %add3A_1896 = arith.addf %add3A_1894, %slice3A_1895 : vector<1x8xf32>
    %slice3A_1897 = vector.extract_strided_slice %add3A_1873 {offsets = [0, 96], sizes = [1, 8], strides = [1, 1]} : vector<1x128xf32> to vector<1x8xf32>
    %add3A_1898 = arith.addf %add3A_1896, %slice3A_1897 : vector<1x8xf32>
    %slice3A_1899 = vector.extract_strided_slice %add3A_1873 {offsets = [0, 104], sizes = [1, 8], strides = [1, 1]} : vector<1x128xf32> to vector<1x8xf32>
    %add3A_1900 = arith.addf %add3A_1898, %slice3A_1899 : vector<1x8xf32>
    %slice3A_1901 = vector.extract_strided_slice %add3A_1873 {offsets = [0, 112], sizes = [1, 8], strides = [1, 1]} : vector<1x128xf32> to vector<1x8xf32>
    %add3A_1902 = arith.addf %add3A_1900, %slice3A_1901 : vector<1x8xf32>
    %slice3A_1903 = vector.extract_strided_slice %add3A_1873 {offsets = [0, 120], sizes = [1, 8], strides = [1, 1]} : vector<1x128xf32> to vector<1x8xf32>
    %add3A_1904 = arith.addf %add3A_1902, %slice3A_1903 : vector<1x8xf32>
    %slice3A_1905 = vector.extract_strided_slice %add3A_1904 {offsets = [0, 0], sizes = [1, 4], strides = [1, 1]} : vector<1x8xf32> to vector<1x4xf32>
    %slice3A_1906 = vector.extract_strided_slice %add3A_1904 {offsets = [0, 4], sizes = [1, 4], strides = [1, 1]} : vector<1x8xf32> to vector<1x4xf32>
    %add3A_1907 = arith.addf %slice3A_1905, %slice3A_1906 : vector<1x4xf32>
    %slice3A_1908 = vector.extract_strided_slice %add3A_1907 {offsets = [0, 0], sizes = [1, 2], strides = [1, 1]} : vector<1x4xf32> to vector<1x2xf32>
    %slice3A_1909 = vector.extract_strided_slice %add3A_1907 {offsets = [0, 2], sizes = [1, 2], strides = [1, 1]} : vector<1x4xf32> to vector<1x2xf32>
    %add3A_1910 = arith.addf %slice3A_1908, %slice3A_1909 : vector<1x2xf32>
    %slice3A_1911 = vector.extract_strided_slice %add3A_1910 {offsets = [0, 0], sizes = [1, 1], strides = [1, 1]} : vector<1x2xf32> to vector<1x1xf32>
    %slice3A_1912 = vector.extract_strided_slice %add3A_1910 {offsets = [0, 1], sizes = [1, 1], strides = [1, 1]} : vector<1x2xf32> to vector<1x1xf32>
    %add3A_1913 = arith.addf %slice3A_1911, %slice3A_1912 : vector<1x1xf32>
    %squeeze3A_1914 = vector.extract %add3A_1913[0, 0] : f32 from vector<1x1xf32>
    %div3A_1915 = vector.broadcast %squeeze3A_1914 : f32 to vector<1x2048xf32>
    %div3A_1916 = arith.divf %exp3A_1842, %div3A_1915 : vector<1x2048xf32>
    %swap3A_1917 = arith.constant 12 : index
    %swap3A_1918 = arith.constant 0 : index
    %swap3A_1919 = arith.constant 0 : index
    %swap3A_1920 = vector.load %arg7[%swap3A_1917, %swap3A_1918, %swap3A_1919] : memref<16x1x2048xf32, #tpu.memory_space<vmem>>, vector<1x1x2048xf32>
    %swap3A_1921 = vector.shape_cast %swap3A_1920 : vector<1x1x2048xf32> to vector<1x2048xf32>
    %swap3A_1922 = vector.shape_cast %div3A_1916 : vector<1x2048xf32> to vector<1x1x2048xf32>
    tpu.vector_store %arg7[%swap3A_1917, %swap3A_1918, %swap3A_1919], %swap3A_1922 {strides = array<i32>} : memref<16x1x2048xf32, #tpu.memory_space<vmem>>, vector<1x1x2048xf32>,
    %get3A_1923 = arith.constant 13 : index
    %get3A_1924 = arith.constant 0 : index
    %get3A_1925 = arith.constant 0 : index
    %get3A_1926 = vector.load %arg1[%get3A_1923, %get3A_1924, %get3A_1925] : memref<16x128x1xf32, #tpu.memory_space<vmem>>, vector<1x128x1xf32>
    %get3A_1927 = vector.shape_cast %get3A_1926 : vector<1x128x1xf32> to vector<128x1xf32>
    %get3A_1928 = arith.constant 13 : index
    %get3A_1929 = arith.constant 0 : index
    %get3A_1930 = arith.constant 0 : index
    %get3A_1931 = vector.load %arg2[%get3A_1928, %get3A_1929, %get3A_1930] : memref<16x2x2048xf32, #tpu.memory_space<vmem>>, vector<1x2x2048xf32>
    %get3A_1932 = vector.shape_cast %get3A_1931 : vector<1x2x2048xf32> to vector<2x2048xf32>
    %convert_element_type3A_1933 = arith.truncf %get3A_1927 : vector<128x1xf32> to vector<128x1xbf16>
    %convert_element_type3A_1934 = arith.truncf %get3A_1932 : vector<2x2048xf32> to vector<2x2048xbf16>
    %broadcast_in_dim3A_1935 = vector.shape_cast %convert_element_type3A_1933 : vector<128x1xbf16> to vector<128x1xbf16>
    %broadcast_in_dim3A_1936 = vector.broadcast %broadcast_in_dim3A_1935 : vector<128x1xbf16> to vector<128x2048xbf16>
    %concatenate3A_1937 = tpu.concatenate %broadcast_in_dim3A_1936, %convert_element_type3A_1934 in 0 : vector<128x2048xbf16>, vector<2x2048xbf16> -> vector<130x2048xbf16>
    %get3A_1938 = arith.constant 0 : index
    %get3A_1939 = arith.constant 0 : index
    %get3A_1940 = vector.load %arg3[%get3A_1938, %get3A_1939] : memref<64x130xbf16, #tpu.memory_space<vmem>>, vector<64x130xbf16>
    %dot_general3A_1941 = arith.constant dense<0.000000e+00> : vector<64x2048xf32>
    %dot_general3A_1942 = tpu.matmul %get3A_1940, %concatenate3A_1937, %dot_general3A_1941 {dimension_numbers = #tpu.dot_dimension_numbers<[1], [0], [0], [1], [0, 0, 1, 1], [], []>, transpose_lhs_hint = false} : vector<64x130xbf16>, vector<130x2048xbf16>, vector<64x2048xf32> -> vector<64x2048xf32>
    %reduce_sum3A_1943 = arith.constant dense<0.000000e+00> : vector<2048xf32>
    %reduce_sum3A_1944 = vector.multi_reduction <add>, %dot_general3A_1942, %reduce_sum3A_1943 [0] : vector<64x2048xf32> to vector<2048xf32>
    %broadcast_in_dim3A_1945 = vector.shape_cast %reduce_sum3A_1944 : vector<2048xf32> to vector<1x2048xf32>
    %mul3A_1946 = arith.constant 1.562500e-02 : f32
    %mul3A_1947 = vector.broadcast %mul3A_1946 : f32 to vector<1x2048xf32>
    %mul3A_1948 = arith.mulf %broadcast_in_dim3A_1945, %mul3A_1947 : vector<1x2048xf32>
    %sub3A_1949 = vector.broadcast %mul3A_1948 : vector<1x2048xf32> to vector<64x2048xf32>
    %sub3A_1950 = arith.subf %dot_general3A_1942, %sub3A_1949 : vector<64x2048xf32>
    %mul3A_1951 = arith.mulf %sub3A_1950, %sub3A_1950 : vector<64x2048xf32>
    %reduce_sum3A_1952 = arith.constant dense<0.000000e+00> : vector<2048xf32>
    %reduce_sum3A_1953 = vector.multi_reduction <add>, %mul3A_1951, %reduce_sum3A_1952 [0] : vector<64x2048xf32> to vector<2048xf32>
    %broadcast_in_dim3A_1954 = vector.shape_cast %reduce_sum3A_1953 : vector<2048xf32> to vector<1x2048xf32>
    %mul3A_1955 = arith.constant 1.562500e-02 : f32
    %mul3A_1956 = vector.broadcast %mul3A_1955 : f32 to vector<1x2048xf32>
    %mul3A_1957 = arith.mulf %broadcast_in_dim3A_1954, %mul3A_1956 : vector<1x2048xf32>
    %add3A_1958 = arith.constant 9.99999974E-6 : f32
    %add3A_1959 = vector.broadcast %add3A_1958 : f32 to vector<1x2048xf32>
    %add3A_1960 = arith.addf %mul3A_1957, %add3A_1959 : vector<1x2048xf32>
    %sqrt3A_1961 = math.sqrt %add3A_1960 : vector<1x2048xf32>
    %div3A_1962 = vector.broadcast %sqrt3A_1961 : vector<1x2048xf32> to vector<64x2048xf32>
    %div3A_1963 = arith.divf %sub3A_1950, %div3A_1962 : vector<64x2048xf32>
    %get3A_1964 = arith.constant 0 : index
    %get3A_1965 = arith.constant 0 : index
    %get3A_1966 = vector.load %arg4[%get3A_1964, %get3A_1965] : memref<64x1xf32, #tpu.memory_space<vmem>>, vector<64x1xf32>
    %mul3A_1967 = vector.broadcast %get3A_1966 : vector<64x1xf32> to vector<64x2048xf32>
    %mul3A_1968 = arith.mulf %div3A_1963, %mul3A_1967 : vector<64x2048xf32>
    %get3A_1969 = arith.constant 0 : index
    %get3A_1970 = arith.constant 0 : index
    %get3A_1971 = vector.load %arg5[%get3A_1969, %get3A_1970] : memref<64x1xf32, #tpu.memory_space<vmem>>, vector<64x1xf32>
    %add3A_1972 = vector.broadcast %get3A_1971 : vector<64x1xf32> to vector<64x2048xf32>
    %add3A_1973 = arith.addf %mul3A_1968, %add3A_1972 : vector<64x2048xf32>
    %ge3A_1974 = arith.constant 0.000000e+00 : f32
    %ge3A_1975 = vector.broadcast %ge3A_1974 : f32 to vector<64x2048xf32>
    %ge3A_1976 = arith.cmpf oge, %add3A_1973, %ge3A_1975 : vector<64x2048xf32>
    %mul3A_1977 = arith.constant 0.00999999977 : f32
    %mul3A_1978 = vector.broadcast %mul3A_1977 : f32 to vector<64x2048xf32>
    %mul3A_1979 = arith.mulf %mul3A_1978, %add3A_1973 : vector<64x2048xf32>
    %select_n3A_1980 = arith.select %ge3A_1976, %add3A_1973, %mul3A_1979 : vector<64x2048xi1>, vector<64x2048xf32>
    %convert_element_type3A_1981 = arith.truncf %select_n3A_1980 : vector<64x2048xf32> to vector<64x2048xbf16>
    %dot_general3A_1982 = arith.constant dense<0.000000e+00> : vector<1x2048xf32>
    %dot_general3A_1983 = tpu.matmul %reshape3A, %convert_element_type3A_1981, %dot_general3A_1982 {dimension_numbers = #tpu.dot_dimension_numbers<[1], [0], [0], [1], [0, 0, 1, 1], [], []>, transpose_lhs_hint = false} : vector<1x64xbf16>, vector<64x2048xbf16>, vector<1x2048xf32> -> vector<1x2048xf32>
    %reduce_max3A_1984 = vector.shape_cast %dot_general3A_1983 : vector<1x2048xf32> to vector<1x1x2048xf32>
    %reduce_max3A_1985 = arith.constant dense<0xFF800000> : vector<1xf32>
    %reduce_max3A_1986 = vector.multi_reduction <maximumf>, %reduce_max3A_1984, %reduce_max3A_1985 [1, 2] : vector<1x1x2048xf32> to vector<1xf32>
    %reduce_max3A_1987 = vector.shape_cast %reduce_max3A_1986 : vector<1xf32> to vector<1x1x1xf32>
    %reduce_max3A_1988 = vector.extract %reduce_max3A_1987[0, 0, 0] : f32 from vector<1x1x1xf32>
    %sub3A_1989 = vector.broadcast %reduce_max3A_1988 : f32 to vector<1x2048xf32>
    %sub3A_1990 = arith.subf %dot_general3A_1983, %sub3A_1989 : vector<1x2048xf32>
    %exp3A_1991 = math.exp %sub3A_1990 : vector<1x2048xf32>
    %slice3A_1992 = vector.extract_strided_slice %exp3A_1991 {offsets = [0, 0], sizes = [1, 128], strides = [1, 1]} : vector<1x2048xf32> to vector<1x128xf32>
    %slice3A_1993 = vector.extract_strided_slice %exp3A_1991 {offsets = [0, 128], sizes = [1, 128], strides = [1, 1]} : vector<1x2048xf32> to vector<1x128xf32>
    %add3A_1994 = arith.addf %slice3A_1992, %slice3A_1993 : vector<1x128xf32>
    %slice3A_1995 = vector.extract_strided_slice %exp3A_1991 {offsets = [0, 256], sizes = [1, 128], strides = [1, 1]} : vector<1x2048xf32> to vector<1x128xf32>
    %add3A_1996 = arith.addf %add3A_1994, %slice3A_1995 : vector<1x128xf32>
    %slice3A_1997 = vector.extract_strided_slice %exp3A_1991 {offsets = [0, 384], sizes = [1, 128], strides = [1, 1]} : vector<1x2048xf32> to vector<1x128xf32>
    %add3A_1998 = arith.addf %add3A_1996, %slice3A_1997 : vector<1x128xf32>
    %slice3A_1999 = vector.extract_strided_slice %exp3A_1991 {offsets = [0, 512], sizes = [1, 128], strides = [1, 1]} : vector<1x2048xf32> to vector<1x128xf32>
    %add3A_2000 = arith.addf %add3A_1998, %slice3A_1999 : vector<1x128xf32>
    %slice3A_2001 = vector.extract_strided_slice %exp3A_1991 {offsets = [0, 640], sizes = [1, 128], strides = [1, 1]} : vector<1x2048xf32> to vector<1x128xf32>
    %add3A_2002 = arith.addf %add3A_2000, %slice3A_2001 : vector<1x128xf32>
    %slice3A_2003 = vector.extract_strided_slice %exp3A_1991 {offsets = [0, 768], sizes = [1, 128], strides = [1, 1]} : vector<1x2048xf32> to vector<1x128xf32>
    %add3A_2004 = arith.addf %add3A_2002, %slice3A_2003 : vector<1x128xf32>
    %slice3A_2005 = vector.extract_strided_slice %exp3A_1991 {offsets = [0, 896], sizes = [1, 128], strides = [1, 1]} : vector<1x2048xf32> to vector<1x128xf32>
    %add3A_2006 = arith.addf %add3A_2004, %slice3A_2005 : vector<1x128xf32>
    %slice3A_2007 = vector.extract_strided_slice %exp3A_1991 {offsets = [0, 1024], sizes = [1, 128], strides = [1, 1]} : vector<1x2048xf32> to vector<1x128xf32>
    %add3A_2008 = arith.addf %add3A_2006, %slice3A_2007 : vector<1x128xf32>
    %slice3A_2009 = vector.extract_strided_slice %exp3A_1991 {offsets = [0, 1152], sizes = [1, 128], strides = [1, 1]} : vector<1x2048xf32> to vector<1x128xf32>
    %add3A_2010 = arith.addf %add3A_2008, %slice3A_2009 : vector<1x128xf32>
    %slice3A_2011 = vector.extract_strided_slice %exp3A_1991 {offsets = [0, 1280], sizes = [1, 128], strides = [1, 1]} : vector<1x2048xf32> to vector<1x128xf32>
    %add3A_2012 = arith.addf %add3A_2010, %slice3A_2011 : vector<1x128xf32>
    %slice3A_2013 = vector.extract_strided_slice %exp3A_1991 {offsets = [0, 1408], sizes = [1, 128], strides = [1, 1]} : vector<1x2048xf32> to vector<1x128xf32>
    %add3A_2014 = arith.addf %add3A_2012, %slice3A_2013 : vector<1x128xf32>
    %slice3A_2015 = vector.extract_strided_slice %exp3A_1991 {offsets = [0, 1536], sizes = [1, 128], strides = [1, 1]} : vector<1x2048xf32> to vector<1x128xf32>
    %add3A_2016 = arith.addf %add3A_2014, %slice3A_2015 : vector<1x128xf32>
    %slice3A_2017 = vector.extract_strided_slice %exp3A_1991 {offsets = [0, 1664], sizes = [1, 128], strides = [1, 1]} : vector<1x2048xf32> to vector<1x128xf32>
    %add3A_2018 = arith.addf %add3A_2016, %slice3A_2017 : vector<1x128xf32>
    %slice3A_2019 = vector.extract_strided_slice %exp3A_1991 {offsets = [0, 1792], sizes = [1, 128], strides = [1, 1]} : vector<1x2048xf32> to vector<1x128xf32>
    %add3A_2020 = arith.addf %add3A_2018, %slice3A_2019 : vector<1x128xf32>
    %slice3A_2021 = vector.extract_strided_slice %exp3A_1991 {offsets = [0, 1920], sizes = [1, 128], strides = [1, 1]} : vector<1x2048xf32> to vector<1x128xf32>
    %add3A_2022 = arith.addf %add3A_2020, %slice3A_2021 : vector<1x128xf32>
    %slice3A_2023 = vector.extract_strided_slice %add3A_2022 {offsets = [0, 0], sizes = [1, 8], strides = [1, 1]} : vector<1x128xf32> to vector<1x8xf32>
    %slice3A_2024 = vector.extract_strided_slice %add3A_2022 {offsets = [0, 8], sizes = [1, 8], strides = [1, 1]} : vector<1x128xf32> to vector<1x8xf32>
    %add3A_2025 = arith.addf %slice3A_2023, %slice3A_2024 : vector<1x8xf32>
    %slice3A_2026 = vector.extract_strided_slice %add3A_2022 {offsets = [0, 16], sizes = [1, 8], strides = [1, 1]} : vector<1x128xf32> to vector<1x8xf32>
    %add3A_2027 = arith.addf %add3A_2025, %slice3A_2026 : vector<1x8xf32>
    %slice3A_2028 = vector.extract_strided_slice %add3A_2022 {offsets = [0, 24], sizes = [1, 8], strides = [1, 1]} : vector<1x128xf32> to vector<1x8xf32>
    %add3A_2029 = arith.addf %add3A_2027, %slice3A_2028 : vector<1x8xf32>
    %slice3A_2030 = vector.extract_strided_slice %add3A_2022 {offsets = [0, 32], sizes = [1, 8], strides = [1, 1]} : vector<1x128xf32> to vector<1x8xf32>
    %add3A_2031 = arith.addf %add3A_2029, %slice3A_2030 : vector<1x8xf32>
    %slice3A_2032 = vector.extract_strided_slice %add3A_2022 {offsets = [0, 40], sizes = [1, 8], strides = [1, 1]} : vector<1x128xf32> to vector<1x8xf32>
    %add3A_2033 = arith.addf %add3A_2031, %slice3A_2032 : vector<1x8xf32>
    %slice3A_2034 = vector.extract_strided_slice %add3A_2022 {offsets = [0, 48], sizes = [1, 8], strides = [1, 1]} : vector<1x128xf32> to vector<1x8xf32>
    %add3A_2035 = arith.addf %add3A_2033, %slice3A_2034 : vector<1x8xf32>
    %slice3A_2036 = vector.extract_strided_slice %add3A_2022 {offsets = [0, 56], sizes = [1, 8], strides = [1, 1]} : vector<1x128xf32> to vector<1x8xf32>
    %add3A_2037 = arith.addf %add3A_2035, %slice3A_2036 : vector<1x8xf32>
    %slice3A_2038 = vector.extract_strided_slice %add3A_2022 {offsets = [0, 64], sizes = [1, 8], strides = [1, 1]} : vector<1x128xf32> to vector<1x8xf32>
    %add3A_2039 = arith.addf %add3A_2037, %slice3A_2038 : vector<1x8xf32>
    %slice3A_2040 = vector.extract_strided_slice %add3A_2022 {offsets = [0, 72], sizes = [1, 8], strides = [1, 1]} : vector<1x128xf32> to vector<1x8xf32>
    %add3A_2041 = arith.addf %add3A_2039, %slice3A_2040 : vector<1x8xf32>
    %slice3A_2042 = vector.extract_strided_slice %add3A_2022 {offsets = [0, 80], sizes = [1, 8], strides = [1, 1]} : vector<1x128xf32> to vector<1x8xf32>
    %add3A_2043 = arith.addf %add3A_2041, %slice3A_2042 : vector<1x8xf32>
    %slice3A_2044 = vector.extract_strided_slice %add3A_2022 {offsets = [0, 88], sizes = [1, 8], strides = [1, 1]} : vector<1x128xf32> to vector<1x8xf32>
    %add3A_2045 = arith.addf %add3A_2043, %slice3A_2044 : vector<1x8xf32>
    %slice3A_2046 = vector.extract_strided_slice %add3A_2022 {offsets = [0, 96], sizes = [1, 8], strides = [1, 1]} : vector<1x128xf32> to vector<1x8xf32>
    %add3A_2047 = arith.addf %add3A_2045, %slice3A_2046 : vector<1x8xf32>
    %slice3A_2048 = vector.extract_strided_slice %add3A_2022 {offsets = [0, 104], sizes = [1, 8], strides = [1, 1]} : vector<1x128xf32> to vector<1x8xf32>
    %add3A_2049 = arith.addf %add3A_2047, %slice3A_2048 : vector<1x8xf32>
    %slice3A_2050 = vector.extract_strided_slice %add3A_2022 {offsets = [0, 112], sizes = [1, 8], strides = [1, 1]} : vector<1x128xf32> to vector<1x8xf32>
    %add3A_2051 = arith.addf %add3A_2049, %slice3A_2050 : vector<1x8xf32>
    %slice3A_2052 = vector.extract_strided_slice %add3A_2022 {offsets = [0, 120], sizes = [1, 8], strides = [1, 1]} : vector<1x128xf32> to vector<1x8xf32>
    %add3A_2053 = arith.addf %add3A_2051, %slice3A_2052 : vector<1x8xf32>
    %slice3A_2054 = vector.extract_strided_slice %add3A_2053 {offsets = [0, 0], sizes = [1, 4], strides = [1, 1]} : vector<1x8xf32> to vector<1x4xf32>
    %slice3A_2055 = vector.extract_strided_slice %add3A_2053 {offsets = [0, 4], sizes = [1, 4], strides = [1, 1]} : vector<1x8xf32> to vector<1x4xf32>
    %add3A_2056 = arith.addf %slice3A_2054, %slice3A_2055 : vector<1x4xf32>
    %slice3A_2057 = vector.extract_strided_slice %add3A_2056 {offsets = [0, 0], sizes = [1, 2], strides = [1, 1]} : vector<1x4xf32> to vector<1x2xf32>
    %slice3A_2058 = vector.extract_strided_slice %add3A_2056 {offsets = [0, 2], sizes = [1, 2], strides = [1, 1]} : vector<1x4xf32> to vector<1x2xf32>
    %add3A_2059 = arith.addf %slice3A_2057, %slice3A_2058 : vector<1x2xf32>
    %slice3A_2060 = vector.extract_strided_slice %add3A_2059 {offsets = [0, 0], sizes = [1, 1], strides = [1, 1]} : vector<1x2xf32> to vector<1x1xf32>
    %slice3A_2061 = vector.extract_strided_slice %add3A_2059 {offsets = [0, 1], sizes = [1, 1], strides = [1, 1]} : vector<1x2xf32> to vector<1x1xf32>
    %add3A_2062 = arith.addf %slice3A_2060, %slice3A_2061 : vector<1x1xf32>
    %squeeze3A_2063 = vector.extract %add3A_2062[0, 0] : f32 from vector<1x1xf32>
    %div3A_2064 = vector.broadcast %squeeze3A_2063 : f32 to vector<1x2048xf32>
    %div3A_2065 = arith.divf %exp3A_1991, %div3A_2064 : vector<1x2048xf32>
    %swap3A_2066 = arith.constant 13 : index
    %swap3A_2067 = arith.constant 0 : index
    %swap3A_2068 = arith.constant 0 : index
    %swap3A_2069 = vector.load %arg7[%swap3A_2066, %swap3A_2067, %swap3A_2068] : memref<16x1x2048xf32, #tpu.memory_space<vmem>>, vector<1x1x2048xf32>
    %swap3A_2070 = vector.shape_cast %swap3A_2069 : vector<1x1x2048xf32> to vector<1x2048xf32>
    %swap3A_2071 = vector.shape_cast %div3A_2065 : vector<1x2048xf32> to vector<1x1x2048xf32>
    tpu.vector_store %arg7[%swap3A_2066, %swap3A_2067, %swap3A_2068], %swap3A_2071 {strides = array<i32>} : memref<16x1x2048xf32, #tpu.memory_space<vmem>>, vector<1x1x2048xf32>,
    %get3A_2072 = arith.constant 14 : index
    %get3A_2073 = arith.constant 0 : index
    %get3A_2074 = arith.constant 0 : index
    %get3A_2075 = vector.load %arg1[%get3A_2072, %get3A_2073, %get3A_2074] : memref<16x128x1xf32, #tpu.memory_space<vmem>>, vector<1x128x1xf32>
    %get3A_2076 = vector.shape_cast %get3A_2075 : vector<1x128x1xf32> to vector<128x1xf32>
    %get3A_2077 = arith.constant 14 : index
    %get3A_2078 = arith.constant 0 : index
    %get3A_2079 = arith.constant 0 : index
    %get3A_2080 = vector.load %arg2[%get3A_2077, %get3A_2078, %get3A_2079] : memref<16x2x2048xf32, #tpu.memory_space<vmem>>, vector<1x2x2048xf32>
    %get3A_2081 = vector.shape_cast %get3A_2080 : vector<1x2x2048xf32> to vector<2x2048xf32>
    %convert_element_type3A_2082 = arith.truncf %get3A_2076 : vector<128x1xf32> to vector<128x1xbf16>
    %convert_element_type3A_2083 = arith.truncf %get3A_2081 : vector<2x2048xf32> to vector<2x2048xbf16>
    %broadcast_in_dim3A_2084 = vector.shape_cast %convert_element_type3A_2082 : vector<128x1xbf16> to vector<128x1xbf16>
    %broadcast_in_dim3A_2085 = vector.broadcast %broadcast_in_dim3A_2084 : vector<128x1xbf16> to vector<128x2048xbf16>
    %concatenate3A_2086 = tpu.concatenate %broadcast_in_dim3A_2085, %convert_element_type3A_2083 in 0 : vector<128x2048xbf16>, vector<2x2048xbf16> -> vector<130x2048xbf16>
    %get3A_2087 = arith.constant 0 : index
    %get3A_2088 = arith.constant 0 : index
    %get3A_2089 = vector.load %arg3[%get3A_2087, %get3A_2088] : memref<64x130xbf16, #tpu.memory_space<vmem>>, vector<64x130xbf16>
    %dot_general3A_2090 = arith.constant dense<0.000000e+00> : vector<64x2048xf32>
    %dot_general3A_2091 = tpu.matmul %get3A_2089, %concatenate3A_2086, %dot_general3A_2090 {dimension_numbers = #tpu.dot_dimension_numbers<[1], [0], [0], [1], [0, 0, 1, 1], [], []>, transpose_lhs_hint = false} : vector<64x130xbf16>, vector<130x2048xbf16>, vector<64x2048xf32> -> vector<64x2048xf32>
    %reduce_sum3A_2092 = arith.constant dense<0.000000e+00> : vector<2048xf32>
    %reduce_sum3A_2093 = vector.multi_reduction <add>, %dot_general3A_2091, %reduce_sum3A_2092 [0] : vector<64x2048xf32> to vector<2048xf32>
    %broadcast_in_dim3A_2094 = vector.shape_cast %reduce_sum3A_2093 : vector<2048xf32> to vector<1x2048xf32>
    %mul3A_2095 = arith.constant 1.562500e-02 : f32
    %mul3A_2096 = vector.broadcast %mul3A_2095 : f32 to vector<1x2048xf32>
    %mul3A_2097 = arith.mulf %broadcast_in_dim3A_2094, %mul3A_2096 : vector<1x2048xf32>
    %sub3A_2098 = vector.broadcast %mul3A_2097 : vector<1x2048xf32> to vector<64x2048xf32>
    %sub3A_2099 = arith.subf %dot_general3A_2091, %sub3A_2098 : vector<64x2048xf32>
    %mul3A_2100 = arith.mulf %sub3A_2099, %sub3A_2099 : vector<64x2048xf32>
    %reduce_sum3A_2101 = arith.constant dense<0.000000e+00> : vector<2048xf32>
    %reduce_sum3A_2102 = vector.multi_reduction <add>, %mul3A_2100, %reduce_sum3A_2101 [0] : vector<64x2048xf32> to vector<2048xf32>
    %broadcast_in_dim3A_2103 = vector.shape_cast %reduce_sum3A_2102 : vector<2048xf32> to vector<1x2048xf32>
    %mul3A_2104 = arith.constant 1.562500e-02 : f32
    %mul3A_2105 = vector.broadcast %mul3A_2104 : f32 to vector<1x2048xf32>
    %mul3A_2106 = arith.mulf %broadcast_in_dim3A_2103, %mul3A_2105 : vector<1x2048xf32>
    %add3A_2107 = arith.constant 9.99999974E-6 : f32
    %add3A_2108 = vector.broadcast %add3A_2107 : f32 to vector<1x2048xf32>
    %add3A_2109 = arith.addf %mul3A_2106, %add3A_2108 : vector<1x2048xf32>
    %sqrt3A_2110 = math.sqrt %add3A_2109 : vector<1x2048xf32>
    %div3A_2111 = vector.broadcast %sqrt3A_2110 : vector<1x2048xf32> to vector<64x2048xf32>
    %div3A_2112 = arith.divf %sub3A_2099, %div3A_2111 : vector<64x2048xf32>
    %get3A_2113 = arith.constant 0 : index
    %get3A_2114 = arith.constant 0 : index
    %get3A_2115 = vector.load %arg4[%get3A_2113, %get3A_2114] : memref<64x1xf32, #tpu.memory_space<vmem>>, vector<64x1xf32>
    %mul3A_2116 = vector.broadcast %get3A_2115 : vector<64x1xf32> to vector<64x2048xf32>
    %mul3A_2117 = arith.mulf %div3A_2112, %mul3A_2116 : vector<64x2048xf32>
    %get3A_2118 = arith.constant 0 : index
    %get3A_2119 = arith.constant 0 : index
    %get3A_2120 = vector.load %arg5[%get3A_2118, %get3A_2119] : memref<64x1xf32, #tpu.memory_space<vmem>>, vector<64x1xf32>
    %add3A_2121 = vector.broadcast %get3A_2120 : vector<64x1xf32> to vector<64x2048xf32>
    %add3A_2122 = arith.addf %mul3A_2117, %add3A_2121 : vector<64x2048xf32>
    %ge3A_2123 = arith.constant 0.000000e+00 : f32
    %ge3A_2124 = vector.broadcast %ge3A_2123 : f32 to vector<64x2048xf32>
    %ge3A_2125 = arith.cmpf oge, %add3A_2122, %ge3A_2124 : vector<64x2048xf32>
    %mul3A_2126 = arith.constant 0.00999999977 : f32
    %mul3A_2127 = vector.broadcast %mul3A_2126 : f32 to vector<64x2048xf32>
    %mul3A_2128 = arith.mulf %mul3A_2127, %add3A_2122 : vector<64x2048xf32>
    %select_n3A_2129 = arith.select %ge3A_2125, %add3A_2122, %mul3A_2128 : vector<64x2048xi1>, vector<64x2048xf32>
    %convert_element_type3A_2130 = arith.truncf %select_n3A_2129 : vector<64x2048xf32> to vector<64x2048xbf16>
    %dot_general3A_2131 = arith.constant dense<0.000000e+00> : vector<1x2048xf32>
    %dot_general3A_2132 = tpu.matmul %reshape3A, %convert_element_type3A_2130, %dot_general3A_2131 {dimension_numbers = #tpu.dot_dimension_numbers<[1], [0], [0], [1], [0, 0, 1, 1], [], []>, transpose_lhs_hint = false} : vector<1x64xbf16>, vector<64x2048xbf16>, vector<1x2048xf32> -> vector<1x2048xf32>
    %reduce_max3A_2133 = vector.shape_cast %dot_general3A_2132 : vector<1x2048xf32> to vector<1x1x2048xf32>
    %reduce_max3A_2134 = arith.constant dense<0xFF800000> : vector<1xf32>
    %reduce_max3A_2135 = vector.multi_reduction <maximumf>, %reduce_max3A_2133, %reduce_max3A_2134 [1, 2] : vector<1x1x2048xf32> to vector<1xf32>
    %reduce_max3A_2136 = vector.shape_cast %reduce_max3A_2135 : vector<1xf32> to vector<1x1x1xf32>
    %reduce_max3A_2137 = vector.extract %reduce_max3A_2136[0, 0, 0] : f32 from vector<1x1x1xf32>
    %sub3A_2138 = vector.broadcast %reduce_max3A_2137 : f32 to vector<1x2048xf32>
    %sub3A_2139 = arith.subf %dot_general3A_2132, %sub3A_2138 : vector<1x2048xf32>
    %exp3A_2140 = math.exp %sub3A_2139 : vector<1x2048xf32>
    %slice3A_2141 = vector.extract_strided_slice %exp3A_2140 {offsets = [0, 0], sizes = [1, 128], strides = [1, 1]} : vector<1x2048xf32> to vector<1x128xf32>
    %slice3A_2142 = vector.extract_strided_slice %exp3A_2140 {offsets = [0, 128], sizes = [1, 128], strides = [1, 1]} : vector<1x2048xf32> to vector<1x128xf32>
    %add3A_2143 = arith.addf %slice3A_2141, %slice3A_2142 : vector<1x128xf32>
    %slice3A_2144 = vector.extract_strided_slice %exp3A_2140 {offsets = [0, 256], sizes = [1, 128], strides = [1, 1]} : vector<1x2048xf32> to vector<1x128xf32>
    %add3A_2145 = arith.addf %add3A_2143, %slice3A_2144 : vector<1x128xf32>
    %slice3A_2146 = vector.extract_strided_slice %exp3A_2140 {offsets = [0, 384], sizes = [1, 128], strides = [1, 1]} : vector<1x2048xf32> to vector<1x128xf32>
    %add3A_2147 = arith.addf %add3A_2145, %slice3A_2146 : vector<1x128xf32>
    %slice3A_2148 = vector.extract_strided_slice %exp3A_2140 {offsets = [0, 512], sizes = [1, 128], strides = [1, 1]} : vector<1x2048xf32> to vector<1x128xf32>
    %add3A_2149 = arith.addf %add3A_2147, %slice3A_2148 : vector<1x128xf32>
    %slice3A_2150 = vector.extract_strided_slice %exp3A_2140 {offsets = [0, 640], sizes = [1, 128], strides = [1, 1]} : vector<1x2048xf32> to vector<1x128xf32>
    %add3A_2151 = arith.addf %add3A_2149, %slice3A_2150 : vector<1x128xf32>
    %slice3A_2152 = vector.extract_strided_slice %exp3A_2140 {offsets = [0, 768], sizes = [1, 128], strides = [1, 1]} : vector<1x2048xf32> to vector<1x128xf32>
    %add3A_2153 = arith.addf %add3A_2151, %slice3A_2152 : vector<1x128xf32>
    %slice3A_2154 = vector.extract_strided_slice %exp3A_2140 {offsets = [0, 896], sizes = [1, 128], strides = [1, 1]} : vector<1x2048xf32> to vector<1x128xf32>
    %add3A_2155 = arith.addf %add3A_2153, %slice3A_2154 : vector<1x128xf32>
    %slice3A_2156 = vector.extract_strided_slice %exp3A_2140 {offsets = [0, 1024], sizes = [1, 128], strides = [1, 1]} : vector<1x2048xf32> to vector<1x128xf32>
    %add3A_2157 = arith.addf %add3A_2155, %slice3A_2156 : vector<1x128xf32>
    %slice3A_2158 = vector.extract_strided_slice %exp3A_2140 {offsets = [0, 1152], sizes = [1, 128], strides = [1, 1]} : vector<1x2048xf32> to vector<1x128xf32>
    %add3A_2159 = arith.addf %add3A_2157, %slice3A_2158 : vector<1x128xf32>
    %slice3A_2160 = vector.extract_strided_slice %exp3A_2140 {offsets = [0, 1280], sizes = [1, 128], strides = [1, 1]} : vector<1x2048xf32> to vector<1x128xf32>
    %add3A_2161 = arith.addf %add3A_2159, %slice3A_2160 : vector<1x128xf32>
    %slice3A_2162 = vector.extract_strided_slice %exp3A_2140 {offsets = [0, 1408], sizes = [1, 128], strides = [1, 1]} : vector<1x2048xf32> to vector<1x128xf32>
    %add3A_2163 = arith.addf %add3A_2161, %slice3A_2162 : vector<1x128xf32>
    %slice3A_2164 = vector.extract_strided_slice %exp3A_2140 {offsets = [0, 1536], sizes = [1, 128], strides = [1, 1]} : vector<1x2048xf32> to vector<1x128xf32>
    %add3A_2165 = arith.addf %add3A_2163, %slice3A_2164 : vector<1x128xf32>
    %slice3A_2166 = vector.extract_strided_slice %exp3A_2140 {offsets = [0, 1664], sizes = [1, 128], strides = [1, 1]} : vector<1x2048xf32> to vector<1x128xf32>
    %add3A_2167 = arith.addf %add3A_2165, %slice3A_2166 : vector<1x128xf32>
    %slice3A_2168 = vector.extract_strided_slice %exp3A_2140 {offsets = [0, 1792], sizes = [1, 128], strides = [1, 1]} : vector<1x2048xf32> to vector<1x128xf32>
    %add3A_2169 = arith.addf %add3A_2167, %slice3A_2168 : vector<1x128xf32>
    %slice3A_2170 = vector.extract_strided_slice %exp3A_2140 {offsets = [0, 1920], sizes = [1, 128], strides = [1, 1]} : vector<1x2048xf32> to vector<1x128xf32>
    %add3A_2171 = arith.addf %add3A_2169, %slice3A_2170 : vector<1x128xf32>
    %slice3A_2172 = vector.extract_strided_slice %add3A_2171 {offsets = [0, 0], sizes = [1, 8], strides = [1, 1]} : vector<1x128xf32> to vector<1x8xf32>
    %slice3A_2173 = vector.extract_strided_slice %add3A_2171 {offsets = [0, 8], sizes = [1, 8], strides = [1, 1]} : vector<1x128xf32> to vector<1x8xf32>
    %add3A_2174 = arith.addf %slice3A_2172, %slice3A_2173 : vector<1x8xf32>
    %slice3A_2175 = vector.extract_strided_slice %add3A_2171 {offsets = [0, 16], sizes = [1, 8], strides = [1, 1]} : vector<1x128xf32> to vector<1x8xf32>
    %add3A_2176 = arith.addf %add3A_2174, %slice3A_2175 : vector<1x8xf32>
    %slice3A_2177 = vector.extract_strided_slice %add3A_2171 {offsets = [0, 24], sizes = [1, 8], strides = [1, 1]} : vector<1x128xf32> to vector<1x8xf32>
    %add3A_2178 = arith.addf %add3A_2176, %slice3A_2177 : vector<1x8xf32>
    %slice3A_2179 = vector.extract_strided_slice %add3A_2171 {offsets = [0, 32], sizes = [1, 8], strides = [1, 1]} : vector<1x128xf32> to vector<1x8xf32>
    %add3A_2180 = arith.addf %add3A_2178, %slice3A_2179 : vector<1x8xf32>
    %slice3A_2181 = vector.extract_strided_slice %add3A_2171 {offsets = [0, 40], sizes = [1, 8], strides = [1, 1]} : vector<1x128xf32> to vector<1x8xf32>
    %add3A_2182 = arith.addf %add3A_2180, %slice3A_2181 : vector<1x8xf32>
    %slice3A_2183 = vector.extract_strided_slice %add3A_2171 {offsets = [0, 48], sizes = [1, 8], strides = [1, 1]} : vector<1x128xf32> to vector<1x8xf32>
    %add3A_2184 = arith.addf %add3A_2182, %slice3A_2183 : vector<1x8xf32>
    %slice3A_2185 = vector.extract_strided_slice %add3A_2171 {offsets = [0, 56], sizes = [1, 8], strides = [1, 1]} : vector<1x128xf32> to vector<1x8xf32>
    %add3A_2186 = arith.addf %add3A_2184, %slice3A_2185 : vector<1x8xf32>
    %slice3A_2187 = vector.extract_strided_slice %add3A_2171 {offsets = [0, 64], sizes = [1, 8], strides = [1, 1]} : vector<1x128xf32> to vector<1x8xf32>
    %add3A_2188 = arith.addf %add3A_2186, %slice3A_2187 : vector<1x8xf32>
    %slice3A_2189 = vector.extract_strided_slice %add3A_2171 {offsets = [0, 72], sizes = [1, 8], strides = [1, 1]} : vector<1x128xf32> to vector<1x8xf32>
    %add3A_2190 = arith.addf %add3A_2188, %slice3A_2189 : vector<1x8xf32>
    %slice3A_2191 = vector.extract_strided_slice %add3A_2171 {offsets = [0, 80], sizes = [1, 8], strides = [1, 1]} : vector<1x128xf32> to vector<1x8xf32>
    %add3A_2192 = arith.addf %add3A_2190, %slice3A_2191 : vector<1x8xf32>
    %slice3A_2193 = vector.extract_strided_slice %add3A_2171 {offsets = [0, 88], sizes = [1, 8], strides = [1, 1]} : vector<1x128xf32> to vector<1x8xf32>
    %add3A_2194 = arith.addf %add3A_2192, %slice3A_2193 : vector<1x8xf32>
    %slice3A_2195 = vector.extract_strided_slice %add3A_2171 {offsets = [0, 96], sizes = [1, 8], strides = [1, 1]} : vector<1x128xf32> to vector<1x8xf32>
    %add3A_2196 = arith.addf %add3A_2194, %slice3A_2195 : vector<1x8xf32>
    %slice3A_2197 = vector.extract_strided_slice %add3A_2171 {offsets = [0, 104], sizes = [1, 8], strides = [1, 1]} : vector<1x128xf32> to vector<1x8xf32>
    %add3A_2198 = arith.addf %add3A_2196, %slice3A_2197 : vector<1x8xf32>
    %slice3A_2199 = vector.extract_strided_slice %add3A_2171 {offsets = [0, 112], sizes = [1, 8], strides = [1, 1]} : vector<1x128xf32> to vector<1x8xf32>
    %add3A_2200 = arith.addf %add3A_2198, %slice3A_2199 : vector<1x8xf32>
    %slice3A_2201 = vector.extract_strided_slice %add3A_2171 {offsets = [0, 120], sizes = [1, 8], strides = [1, 1]} : vector<1x128xf32> to vector<1x8xf32>
    %add3A_2202 = arith.addf %add3A_2200, %slice3A_2201 : vector<1x8xf32>
    %slice3A_2203 = vector.extract_strided_slice %add3A_2202 {offsets = [0, 0], sizes = [1, 4], strides = [1, 1]} : vector<1x8xf32> to vector<1x4xf32>
    %slice3A_2204 = vector.extract_strided_slice %add3A_2202 {offsets = [0, 4], sizes = [1, 4], strides = [1, 1]} : vector<1x8xf32> to vector<1x4xf32>
    %add3A_2205 = arith.addf %slice3A_2203, %slice3A_2204 : vector<1x4xf32>
    %slice3A_2206 = vector.extract_strided_slice %add3A_2205 {offsets = [0, 0], sizes = [1, 2], strides = [1, 1]} : vector<1x4xf32> to vector<1x2xf32>
    %slice3A_2207 = vector.extract_strided_slice %add3A_2205 {offsets = [0, 2], sizes = [1, 2], strides = [1, 1]} : vector<1x4xf32> to vector<1x2xf32>
    %add3A_2208 = arith.addf %slice3A_2206, %slice3A_2207 : vector<1x2xf32>
    %slice3A_2209 = vector.extract_strided_slice %add3A_2208 {offsets = [0, 0], sizes = [1, 1], strides = [1, 1]} : vector<1x2xf32> to vector<1x1xf32>
    %slice3A_2210 = vector.extract_strided_slice %add3A_2208 {offsets = [0, 1], sizes = [1, 1], strides = [1, 1]} : vector<1x2xf32> to vector<1x1xf32>
    %add3A_2211 = arith.addf %slice3A_2209, %slice3A_2210 : vector<1x1xf32>
    %squeeze3A_2212 = vector.extract %add3A_2211[0, 0] : f32 from vector<1x1xf32>
    %div3A_2213 = vector.broadcast %squeeze3A_2212 : f32 to vector<1x2048xf32>
    %div3A_2214 = arith.divf %exp3A_2140, %div3A_2213 : vector<1x2048xf32>
    %swap3A_2215 = arith.constant 14 : index
    %swap3A_2216 = arith.constant 0 : index
    %swap3A_2217 = arith.constant 0 : index
    %swap3A_2218 = vector.load %arg7[%swap3A_2215, %swap3A_2216, %swap3A_2217] : memref<16x1x2048xf32, #tpu.memory_space<vmem>>, vector<1x1x2048xf32>
    %swap3A_2219 = vector.shape_cast %swap3A_2218 : vector<1x1x2048xf32> to vector<1x2048xf32>
    %swap3A_2220 = vector.shape_cast %div3A_2214 : vector<1x2048xf32> to vector<1x1x2048xf32>
    tpu.vector_store %arg7[%swap3A_2215, %swap3A_2216, %swap3A_2217], %swap3A_2220 {strides = array<i32>} : memref<16x1x2048xf32, #tpu.memory_space<vmem>>, vector<1x1x2048xf32>,
    %get3A_2221 = arith.constant 15 : index
    %get3A_2222 = arith.constant 0 : index
    %get3A_2223 = arith.constant 0 : index
    %get3A_2224 = vector.load %arg1[%get3A_2221, %get3A_2222, %get3A_2223] : memref<16x128x1xf32, #tpu.memory_space<vmem>>, vector<1x128x1xf32>
    %get3A_2225 = vector.shape_cast %get3A_2224 : vector<1x128x1xf32> to vector<128x1xf32>
    %get3A_2226 = arith.constant 15 : index
    %get3A_2227 = arith.constant 0 : index
    %get3A_2228 = arith.constant 0 : index
    %get3A_2229 = vector.load %arg2[%get3A_2226, %get3A_2227, %get3A_2228] : memref<16x2x2048xf32, #tpu.memory_space<vmem>>, vector<1x2x2048xf32>
    %get3A_2230 = vector.shape_cast %get3A_2229 : vector<1x2x2048xf32> to vector<2x2048xf32>
    %convert_element_type3A_2231 = arith.truncf %get3A_2225 : vector<128x1xf32> to vector<128x1xbf16>
    %convert_element_type3A_2232 = arith.truncf %get3A_2230 : vector<2x2048xf32> to vector<2x2048xbf16>
    %broadcast_in_dim3A_2233 = vector.shape_cast %convert_element_type3A_2231 : vector<128x1xbf16> to vector<128x1xbf16>
    %broadcast_in_dim3A_2234 = vector.broadcast %broadcast_in_dim3A_2233 : vector<128x1xbf16> to vector<128x2048xbf16>
    %concatenate3A_2235 = tpu.concatenate %broadcast_in_dim3A_2234, %convert_element_type3A_2232 in 0 : vector<128x2048xbf16>, vector<2x2048xbf16> -> vector<130x2048xbf16>
    %get3A_2236 = arith.constant 0 : index
    %get3A_2237 = arith.constant 0 : index
    %get3A_2238 = vector.load %arg3[%get3A_2236, %get3A_2237] : memref<64x130xbf16, #tpu.memory_space<vmem>>, vector<64x130xbf16>
    %dot_general3A_2239 = arith.constant dense<0.000000e+00> : vector<64x2048xf32>
    %dot_general3A_2240 = tpu.matmul %get3A_2238, %concatenate3A_2235, %dot_general3A_2239 {dimension_numbers = #tpu.dot_dimension_numbers<[1], [0], [0], [1], [0, 0, 1, 1], [], []>, transpose_lhs_hint = false} : vector<64x130xbf16>, vector<130x2048xbf16>, vector<64x2048xf32> -> vector<64x2048xf32>
    %reduce_sum3A_2241 = arith.constant dense<0.000000e+00> : vector<2048xf32>
    %reduce_sum3A_2242 = vector.multi_reduction <add>, %dot_general3A_2240, %reduce_sum3A_2241 [0] : vector<64x2048xf32> to vector<2048xf32>
    %broadcast_in_dim3A_2243 = vector.shape_cast %reduce_sum3A_2242 : vector<2048xf32> to vector<1x2048xf32>
    %mul3A_2244 = arith.constant 1.562500e-02 : f32
    %mul3A_2245 = vector.broadcast %mul3A_2244 : f32 to vector<1x2048xf32>
    %mul3A_2246 = arith.mulf %broadcast_in_dim3A_2243, %mul3A_2245 : vector<1x2048xf32>
    %sub3A_2247 = vector.broadcast %mul3A_2246 : vector<1x2048xf32> to vector<64x2048xf32>
    %sub3A_2248 = arith.subf %dot_general3A_2240, %sub3A_2247 : vector<64x2048xf32>
    %mul3A_2249 = arith.mulf %sub3A_2248, %sub3A_2248 : vector<64x2048xf32>
    %reduce_sum3A_2250 = arith.constant dense<0.000000e+00> : vector<2048xf32>
    %reduce_sum3A_2251 = vector.multi_reduction <add>, %mul3A_2249, %reduce_sum3A_2250 [0] : vector<64x2048xf32> to vector<2048xf32>
    %broadcast_in_dim3A_2252 = vector.shape_cast %reduce_sum3A_2251 : vector<2048xf32> to vector<1x2048xf32>
    %mul3A_2253 = arith.constant 1.562500e-02 : f32
    %mul3A_2254 = vector.broadcast %mul3A_2253 : f32 to vector<1x2048xf32>
    %mul3A_2255 = arith.mulf %broadcast_in_dim3A_2252, %mul3A_2254 : vector<1x2048xf32>
    %add3A_2256 = arith.constant 9.99999974E-6 : f32
    %add3A_2257 = vector.broadcast %add3A_2256 : f32 to vector<1x2048xf32>
    %add3A_2258 = arith.addf %mul3A_2255, %add3A_2257 : vector<1x2048xf32>
    %sqrt3A_2259 = math.sqrt %add3A_2258 : vector<1x2048xf32>
    %div3A_2260 = vector.broadcast %sqrt3A_2259 : vector<1x2048xf32> to vector<64x2048xf32>
    %div3A_2261 = arith.divf %sub3A_2248, %div3A_2260 : vector<64x2048xf32>
    %get3A_2262 = arith.constant 0 : index
    %get3A_2263 = arith.constant 0 : index
    %get3A_2264 = vector.load %arg4[%get3A_2262, %get3A_2263] : memref<64x1xf32, #tpu.memory_space<vmem>>, vector<64x1xf32>
    %mul3A_2265 = vector.broadcast %get3A_2264 : vector<64x1xf32> to vector<64x2048xf32>
    %mul3A_2266 = arith.mulf %div3A_2261, %mul3A_2265 : vector<64x2048xf32>
    %get3A_2267 = arith.constant 0 : index
    %get3A_2268 = arith.constant 0 : index
    %get3A_2269 = vector.load %arg5[%get3A_2267, %get3A_2268] : memref<64x1xf32, #tpu.memory_space<vmem>>, vector<64x1xf32>
    %add3A_2270 = vector.broadcast %get3A_2269 : vector<64x1xf32> to vector<64x2048xf32>
    %add3A_2271 = arith.addf %mul3A_2266, %add3A_2270 : vector<64x2048xf32>
    %ge3A_2272 = arith.constant 0.000000e+00 : f32
    %ge3A_2273 = vector.broadcast %ge3A_2272 : f32 to vector<64x2048xf32>
    %ge3A_2274 = arith.cmpf oge, %add3A_2271, %ge3A_2273 : vector<64x2048xf32>
    %mul3A_2275 = arith.constant 0.00999999977 : f32
    %mul3A_2276 = vector.broadcast %mul3A_2275 : f32 to vector<64x2048xf32>
    %mul3A_2277 = arith.mulf %mul3A_2276, %add3A_2271 : vector<64x2048xf32>
    %select_n3A_2278 = arith.select %ge3A_2274, %add3A_2271, %mul3A_2277 : vector<64x2048xi1>, vector<64x2048xf32>
    %convert_element_type3A_2279 = arith.truncf %select_n3A_2278 : vector<64x2048xf32> to vector<64x2048xbf16>
    %dot_general3A_2280 = arith.constant dense<0.000000e+00> : vector<1x2048xf32>
    %dot_general3A_2281 = tpu.matmul %reshape3A, %convert_element_type3A_2279, %dot_general3A_2280 {dimension_numbers = #tpu.dot_dimension_numbers<[1], [0], [0], [1], [0, 0, 1, 1], [], []>, transpose_lhs_hint = false} : vector<1x64xbf16>, vector<64x2048xbf16>, vector<1x2048xf32> -> vector<1x2048xf32>
    %reduce_max3A_2282 = vector.shape_cast %dot_general3A_2281 : vector<1x2048xf32> to vector<1x1x2048xf32>
    %reduce_max3A_2283 = arith.constant dense<0xFF800000> : vector<1xf32>
    %reduce_max3A_2284 = vector.multi_reduction <maximumf>, %reduce_max3A_2282, %reduce_max3A_2283 [1, 2] : vector<1x1x2048xf32> to vector<1xf32>
    %reduce_max3A_2285 = vector.shape_cast %reduce_max3A_2284 : vector<1xf32> to vector<1x1x1xf32>
    %reduce_max3A_2286 = vector.extract %reduce_max3A_2285[0, 0, 0] : f32 from vector<1x1x1xf32>
    %sub3A_2287 = vector.broadcast %reduce_max3A_2286 : f32 to vector<1x2048xf32>
    %sub3A_2288 = arith.subf %dot_general3A_2281, %sub3A_2287 : vector<1x2048xf32>
    %exp3A_2289 = math.exp %sub3A_2288 : vector<1x2048xf32>
    %slice3A_2290 = vector.extract_strided_slice %exp3A_2289 {offsets = [0, 0], sizes = [1, 128], strides = [1, 1]} : vector<1x2048xf32> to vector<1x128xf32>
    %slice3A_2291 = vector.extract_strided_slice %exp3A_2289 {offsets = [0, 128], sizes = [1, 128], strides = [1, 1]} : vector<1x2048xf32> to vector<1x128xf32>
    %add3A_2292 = arith.addf %slice3A_2290, %slice3A_2291 : vector<1x128xf32>
    %slice3A_2293 = vector.extract_strided_slice %exp3A_2289 {offsets = [0, 256], sizes = [1, 128], strides = [1, 1]} : vector<1x2048xf32> to vector<1x128xf32>
    %add3A_2294 = arith.addf %add3A_2292, %slice3A_2293 : vector<1x128xf32>
    %slice3A_2295 = vector.extract_strided_slice %exp3A_2289 {offsets = [0, 384], sizes = [1, 128], strides = [1, 1]} : vector<1x2048xf32> to vector<1x128xf32>
    %add3A_2296 = arith.addf %add3A_2294, %slice3A_2295 : vector<1x128xf32>
    %slice3A_2297 = vector.extract_strided_slice %exp3A_2289 {offsets = [0, 512], sizes = [1, 128], strides = [1, 1]} : vector<1x2048xf32> to vector<1x128xf32>
    %add3A_2298 = arith.addf %add3A_2296, %slice3A_2297 : vector<1x128xf32>
    %slice3A_2299 = vector.extract_strided_slice %exp3A_2289 {offsets = [0, 640], sizes = [1, 128], strides = [1, 1]} : vector<1x2048xf32> to vector<1x128xf32>
    %add3A_2300 = arith.addf %add3A_2298, %slice3A_2299 : vector<1x128xf32>
    %slice3A_2301 = vector.extract_strided_slice %exp3A_2289 {offsets = [0, 768], sizes = [1, 128], strides = [1, 1]} : vector<1x2048xf32> to vector<1x128xf32>
    %add3A_2302 = arith.addf %add3A_2300, %slice3A_2301 : vector<1x128xf32>
    %slice3A_2303 = vector.extract_strided_slice %exp3A_2289 {offsets = [0, 896], sizes = [1, 128], strides = [1, 1]} : vector<1x2048xf32> to vector<1x128xf32>
    %add3A_2304 = arith.addf %add3A_2302, %slice3A_2303 : vector<1x128xf32>
    %slice3A_2305 = vector.extract_strided_slice %exp3A_2289 {offsets = [0, 1024], sizes = [1, 128], strides = [1, 1]} : vector<1x2048xf32> to vector<1x128xf32>
    %add3A_2306 = arith.addf %add3A_2304, %slice3A_2305 : vector<1x128xf32>
    %slice3A_2307 = vector.extract_strided_slice %exp3A_2289 {offsets = [0, 1152], sizes = [1, 128], strides = [1, 1]} : vector<1x2048xf32> to vector<1x128xf32>
    %add3A_2308 = arith.addf %add3A_2306, %slice3A_2307 : vector<1x128xf32>
    %slice3A_2309 = vector.extract_strided_slice %exp3A_2289 {offsets = [0, 1280], sizes = [1, 128], strides = [1, 1]} : vector<1x2048xf32> to vector<1x128xf32>
    %add3A_2310 = arith.addf %add3A_2308, %slice3A_2309 : vector<1x128xf32>
    %slice3A_2311 = vector.extract_strided_slice %exp3A_2289 {offsets = [0, 1408], sizes = [1, 128], strides = [1, 1]} : vector<1x2048xf32> to vector<1x128xf32>
    %add3A_2312 = arith.addf %add3A_2310, %slice3A_2311 : vector<1x128xf32>
    %slice3A_2313 = vector.extract_strided_slice %exp3A_2289 {offsets = [0, 1536], sizes = [1, 128], strides = [1, 1]} : vector<1x2048xf32> to vector<1x128xf32>
    %add3A_2314 = arith.addf %add3A_2312, %slice3A_2313 : vector<1x128xf32>
    %slice3A_2315 = vector.extract_strided_slice %exp3A_2289 {offsets = [0, 1664], sizes = [1, 128], strides = [1, 1]} : vector<1x2048xf32> to vector<1x128xf32>
    %add3A_2316 = arith.addf %add3A_2314, %slice3A_2315 : vector<1x128xf32>
    %slice3A_2317 = vector.extract_strided_slice %exp3A_2289 {offsets = [0, 1792], sizes = [1, 128], strides = [1, 1]} : vector<1x2048xf32> to vector<1x128xf32>
    %add3A_2318 = arith.addf %add3A_2316, %slice3A_2317 : vector<1x128xf32>
    %slice3A_2319 = vector.extract_strided_slice %exp3A_2289 {offsets = [0, 1920], sizes = [1, 128], strides = [1, 1]} : vector<1x2048xf32> to vector<1x128xf32>
    %add3A_2320 = arith.addf %add3A_2318, %slice3A_2319 : vector<1x128xf32>
    %slice3A_2321 = vector.extract_strided_slice %add3A_2320 {offsets = [0, 0], sizes = [1, 8], strides = [1, 1]} : vector<1x128xf32> to vector<1x8xf32>
    %slice3A_2322 = vector.extract_strided_slice %add3A_2320 {offsets = [0, 8], sizes = [1, 8], strides = [1, 1]} : vector<1x128xf32> to vector<1x8xf32>
    %add3A_2323 = arith.addf %slice3A_2321, %slice3A_2322 : vector<1x8xf32>
    %slice3A_2324 = vector.extract_strided_slice %add3A_2320 {offsets = [0, 16], sizes = [1, 8], strides = [1, 1]} : vector<1x128xf32> to vector<1x8xf32>
    %add3A_2325 = arith.addf %add3A_2323, %slice3A_2324 : vector<1x8xf32>
    %slice3A_2326 = vector.extract_strided_slice %add3A_2320 {offsets = [0, 24], sizes = [1, 8], strides = [1, 1]} : vector<1x128xf32> to vector<1x8xf32>
    %add3A_2327 = arith.addf %add3A_2325, %slice3A_2326 : vector<1x8xf32>
    %slice3A_2328 = vector.extract_strided_slice %add3A_2320 {offsets = [0, 32], sizes = [1, 8], strides = [1, 1]} : vector<1x128xf32> to vector<1x8xf32>
    %add3A_2329 = arith.addf %add3A_2327, %slice3A_2328 : vector<1x8xf32>
    %slice3A_2330 = vector.extract_strided_slice %add3A_2320 {offsets = [0, 40], sizes = [1, 8], strides = [1, 1]} : vector<1x128xf32> to vector<1x8xf32>
    %add3A_2331 = arith.addf %add3A_2329, %slice3A_2330 : vector<1x8xf32>
    %slice3A_2332 = vector.extract_strided_slice %add3A_2320 {offsets = [0, 48], sizes = [1, 8], strides = [1, 1]} : vector<1x128xf32> to vector<1x8xf32>
    %add3A_2333 = arith.addf %add3A_2331, %slice3A_2332 : vector<1x8xf32>
    %slice3A_2334 = vector.extract_strided_slice %add3A_2320 {offsets = [0, 56], sizes = [1, 8], strides = [1, 1]} : vector<1x128xf32> to vector<1x8xf32>
    %add3A_2335 = arith.addf %add3A_2333, %slice3A_2334 : vector<1x8xf32>
    %slice3A_2336 = vector.extract_strided_slice %add3A_2320 {offsets = [0, 64], sizes = [1, 8], strides = [1, 1]} : vector<1x128xf32> to vector<1x8xf32>
    %add3A_2337 = arith.addf %add3A_2335, %slice3A_2336 : vector<1x8xf32>
    %slice3A_2338 = vector.extract_strided_slice %add3A_2320 {offsets = [0, 72], sizes = [1, 8], strides = [1, 1]} : vector<1x128xf32> to vector<1x8xf32>
    %add3A_2339 = arith.addf %add3A_2337, %slice3A_2338 : vector<1x8xf32>
    %slice3A_2340 = vector.extract_strided_slice %add3A_2320 {offsets = [0, 80], sizes = [1, 8], strides = [1, 1]} : vector<1x128xf32> to vector<1x8xf32>
    %add3A_2341 = arith.addf %add3A_2339, %slice3A_2340 : vector<1x8xf32>
    %slice3A_2342 = vector.extract_strided_slice %add3A_2320 {offsets = [0, 88], sizes = [1, 8], strides = [1, 1]} : vector<1x128xf32> to vector<1x8xf32>
    %add3A_2343 = arith.addf %add3A_2341, %slice3A_2342 : vector<1x8xf32>
    %slice3A_2344 = vector.extract_strided_slice %add3A_2320 {offsets = [0, 96], sizes = [1, 8], strides = [1, 1]} : vector<1x128xf32> to vector<1x8xf32>
    %add3A_2345 = arith.addf %add3A_2343, %slice3A_2344 : vector<1x8xf32>
    %slice3A_2346 = vector.extract_strided_slice %add3A_2320 {offsets = [0, 104], sizes = [1, 8], strides = [1, 1]} : vector<1x128xf32> to vector<1x8xf32>
    %add3A_2347 = arith.addf %add3A_2345, %slice3A_2346 : vector<1x8xf32>
    %slice3A_2348 = vector.extract_strided_slice %add3A_2320 {offsets = [0, 112], sizes = [1, 8], strides = [1, 1]} : vector<1x128xf32> to vector<1x8xf32>
    %add3A_2349 = arith.addf %add3A_2347, %slice3A_2348 : vector<1x8xf32>
    %slice3A_2350 = vector.extract_strided_slice %add3A_2320 {offsets = [0, 120], sizes = [1, 8], strides = [1, 1]} : vector<1x128xf32> to vector<1x8xf32>
    %add3A_2351 = arith.addf %add3A_2349, %slice3A_2350 : vector<1x8xf32>
    %slice3A_2352 = vector.extract_strided_slice %add3A_2351 {offsets = [0, 0], sizes = [1, 4], strides = [1, 1]} : vector<1x8xf32> to vector<1x4xf32>
    %slice3A_2353 = vector.extract_strided_slice %add3A_2351 {offsets = [0, 4], sizes = [1, 4], strides = [1, 1]} : vector<1x8xf32> to vector<1x4xf32>
    %add3A_2354 = arith.addf %slice3A_2352, %slice3A_2353 : vector<1x4xf32>
    %slice3A_2355 = vector.extract_strided_slice %add3A_2354 {offsets = [0, 0], sizes = [1, 2], strides = [1, 1]} : vector<1x4xf32> to vector<1x2xf32>
    %slice3A_2356 = vector.extract_strided_slice %add3A_2354 {offsets = [0, 2], sizes = [1, 2], strides = [1, 1]} : vector<1x4xf32> to vector<1x2xf32>
    %add3A_2357 = arith.addf %slice3A_2355, %slice3A_2356 : vector<1x2xf32>
    %slice3A_2358 = vector.extract_strided_slice %add3A_2357 {offsets = [0, 0], sizes = [1, 1], strides = [1, 1]} : vector<1x2xf32> to vector<1x1xf32>
    %slice3A_2359 = vector.extract_strided_slice %add3A_2357 {offsets = [0, 1], sizes = [1, 1], strides = [1, 1]} : vector<1x2xf32> to vector<1x1xf32>
    %add3A_2360 = arith.addf %slice3A_2358, %slice3A_2359 : vector<1x1xf32>
    %squeeze3A_2361 = vector.extract %add3A_2360[0, 0] : f32 from vector<1x1xf32>
    %div3A_2362 = vector.broadcast %squeeze3A_2361 : f32 to vector<1x2048xf32>
    %div3A_2363 = arith.divf %exp3A_2289, %div3A_2362 : vector<1x2048xf32>
    %swap3A_2364 = arith.constant 15 : index
    %swap3A_2365 = arith.constant 0 : index
    %swap3A_2366 = arith.constant 0 : index
    %swap3A_2367 = vector.load %arg7[%swap3A_2364, %swap3A_2365, %swap3A_2366] : memref<16x1x2048xf32, #tpu.memory_space<vmem>>, vector<1x1x2048xf32>
    %swap3A_2368 = vector.shape_cast %swap3A_2367 : vector<1x1x2048xf32> to vector<1x2048xf32>
    %swap3A_2369 = vector.shape_cast %div3A_2363 : vector<1x2048xf32> to vector<1x1x2048xf32>
    tpu.vector_store %arg7[%swap3A_2364, %swap3A_2365, %swap3A_2366], %swap3A_2369 {strides = array<i32>} : memref<16x1x2048xf32, #tpu.memory_space<vmem>>, vector<1x1x2048xf32>,
    return
  }
  func.func @transform_0(%arg0: i32) -> (i32, i32, i32) {
    %c0_i32 = arith.constant 0 : i32
    %c0_i32_0 = arith.constant 0 : i32
    %c0_i32_1 = arith.constant 0 : i32
    return %arg0, %c0_i32, %c0_i32_0 : i32, i32, i32
  }
  func.func @transform_1(%arg0: i32) -> (i32, i32, i32) {
    %c0_i32 = arith.constant 0 : i32
    %c0_i32_0 = arith.constant 0 : i32
    %c0_i32_1 = arith.constant 0 : i32
    return %arg0, %c0_i32, %c0_i32_0 : i32, i32, i32
  }
  func.func @transform_2(%arg0: i32) -> (i32, i32) {
    %c0_i32 = arith.constant 0 : i32
    %c0_i32_0 = arith.constant 0 : i32
    %c0_i32_1 = arith.constant 0 : i32
    return %c0_i32, %c0_i32_0 : i32, i32
  }
  func.func @transform_3(%arg0: i32) -> (i32, i32) {
    %c0_i32 = arith.constant 0 : i32
    %c0_i32_0 = arith.constant 0 : i32
    %c0_i32_1 = arith.constant 0 : i32
    return %c0_i32, %c0_i32_0 : i32, i32
  }
  func.func @transform_4(%arg0: i32) -> (i32, i32) {
    %c0_i32 = arith.constant 0 : i32
    %c0_i32_0 = arith.constant 0 : i32
    %c0_i32_1 = arith.constant 0 : i32
    return %c0_i32, %c0_i32_0 : i32, i32
  }
  func.func @transform_5(%arg0: i32) -> (i32, i32) {
    %c0_i32 = arith.constant 0 : i32
    %c0_i32_0 = arith.constant 0 : i32
    %c0_i32_1 = arith.constant 0 : i32
    return %c0_i32, %c0_i32_0 : i32, i32
  }
  func.func @transform_6(%arg0: i32) -> (i32, i32, i32) {
    %c0_i32 = arith.constant 0 : i32
    %c0_i32_0 = arith.constant 0 : i32
    %c0_i32_1 = arith.constant 0 : i32
    return %arg0, %c0_i32, %c0_i32_0 : i32, i32, i32
  }
}

module attributes {stable_mosaic.version = 14 : i64} {
  func.func @_mean_kernel(%arg0: i32, %arg1: memref<32x128x1xf32, #tpu.memory_space<vmem>>, %arg2: memref<32x2x64xf32, #tpu.memory_space<vmem>>, %arg3: memref<32x2x64xf32, #tpu.memory_space<vmem>>, %arg4: memref<64x128xf32, #tpu.memory_space<vmem>>, %arg5: memref<64x2xf32, #tpu.memory_space<vmem>>, %arg6: memref<64x1xf32, #tpu.memory_space<vmem>>, %arg7: memref<64x1xf32, #tpu.memory_space<vmem>>, %arg8: memref<2x64xf32, #tpu.memory_space<vmem>>, %arg9: memref<32x2x64xf32, #tpu.memory_space<vmem>>) attributes {dimension_semantics = [#tpu.dimension_semantics<arbitrary>], iteration_bounds = array<i64: 8>, scalar_prefetch = 0 : i64, scratch_operands = 0 : i64, tpu.core_type = #tpu.core_type<tc>, window_params = [{transform_indices = @transform_0, window_bounds = array<i64: 32, 128, 1>}, {transform_indices = @transform_1, window_bounds = array<i64: 32, 2, 64>}, {transform_indices = @transform_2, window_bounds = array<i64: 32, 2, 64>}, {pipeline_mode = #tpu.pipeline_mode<synchronous>, transform_indices = @transform_3, window_bounds = array<i64: 64, 128>}, {pipeline_mode = #tpu.pipeline_mode<synchronous>, transform_indices = @transform_4, window_bounds = array<i64: 64, 2>}, {pipeline_mode = #tpu.pipeline_mode<synchronous>, transform_indices = @transform_5, window_bounds = array<i64: 64, 1>}, {pipeline_mode = #tpu.pipeline_mode<synchronous>, transform_indices = @transform_6, window_bounds = array<i64: 64, 1>}, {pipeline_mode = #tpu.pipeline_mode<synchronous>, transform_indices = @transform_7, window_bounds = array<i64: 2, 64>}, {transform_indices = @transform_8, window_bounds = array<i64: 32, 2, 64>}]} {
    %get3A = arith.constant 0 : index
    %get3A_0 = arith.constant 0 : index
    %get3A_1 = vector.load %arg4[%get3A, %get3A_0] : memref<64x128xf32, #tpu.memory_space<vmem>>, vector<64x128xf32>
    %get3A_2 = arith.constant 0 : index
    %get3A_3 = arith.constant 0 : index
    %get3A_4 = arith.constant 0 : index
    %get3A_5 = vector.load %arg1[%get3A_2, %get3A_3, %get3A_4] : memref<32x128x1xf32, #tpu.memory_space<vmem>>, vector<32x128x1xf32>
    %reshape3A = vector.shape_cast %get3A_5 : vector<32x128x1xf32> to vector<32x128xf32>
    %transpose3A = tpu.transpose %reshape3A, [1, 0] : vector<32x128xf32> -> vector<128x32xf32>
    %dot_general3A = arith.constant dense<0.000000e+00> : vector<64x32xf32>
    %dot_general3A_6 = tpu.matmul %get3A_1, %transpose3A, %dot_general3A {dimension_numbers = #tpu.dot_dimension_numbers<[1], [0], [0], [1], [0, 0, 1, 1], [], []>, transpose_lhs_hint = false} : vector<64x128xf32>, vector<128x32xf32>, vector<64x32xf32> -> vector<64x32xf32>
    %slice3A = vector.extract_strided_slice %dot_general3A_6 {offsets = [0, 0], sizes = [64, 1], strides = [1, 1]} : vector<64x32xf32> to vector<64x1xf32>
    %get3A_7 = arith.constant 0 : index
    %get3A_8 = arith.constant 0 : index
    %get3A_9 = arith.constant 0 : index
    %get3A_10 = vector.load %arg2[%get3A_7, %get3A_8, %get3A_9] : memref<32x2x64xf32, #tpu.memory_space<vmem>>, vector<1x2x64xf32>
    %get3A_11 = vector.shape_cast %get3A_10 : vector<1x2x64xf32> to vector<2x64xf32>
    %get3A_12 = arith.constant 0 : index
    %get3A_13 = arith.constant 0 : index
    %get3A_14 = vector.load %arg5[%get3A_12, %get3A_13] : memref<64x2xf32, #tpu.memory_space<vmem>>, vector<64x2xf32>
    %dot_general3A_15 = arith.constant dense<0.000000e+00> : vector<64x64xf32>
    %dot_general3A_16 = tpu.matmul %get3A_14, %get3A_11, %dot_general3A_15 {dimension_numbers = #tpu.dot_dimension_numbers<[1], [0], [0], [1], [0, 0, 1, 1], [], []>, transpose_lhs_hint = false} : vector<64x2xf32>, vector<2x64xf32>, vector<64x64xf32> -> vector<64x64xf32>
    %add3A = vector.broadcast %slice3A : vector<64x1xf32> to vector<64x64xf32>
    %add3A_17 = arith.addf %dot_general3A_16, %add3A : vector<64x64xf32>
    %reduce_sum3A = arith.constant dense<0.000000e+00> : vector<64xf32>
    %reduce_sum3A_18 = vector.multi_reduction <add>, %add3A_17, %reduce_sum3A [0] : vector<64x64xf32> to vector<64xf32>
    %broadcast_in_dim3A = vector.shape_cast %reduce_sum3A_18 : vector<64xf32> to vector<1x64xf32>
    %div3A = arith.constant 6.400000e+01 : f32
    %div3A_19 = vector.broadcast %div3A : f32 to vector<1x64xf32>
    %div3A_20 = arith.divf %broadcast_in_dim3A, %div3A_19 : vector<1x64xf32>
    %sub3A = vector.broadcast %div3A_20 : vector<1x64xf32> to vector<64x64xf32>
    %sub3A_21 = arith.subf %add3A_17, %sub3A : vector<64x64xf32>
    %mul3A = arith.mulf %sub3A_21, %sub3A_21 : vector<64x64xf32>
    %reduce_sum3A_22 = arith.constant dense<0.000000e+00> : vector<64xf32>
    %reduce_sum3A_23 = vector.multi_reduction <add>, %mul3A, %reduce_sum3A_22 [0] : vector<64x64xf32> to vector<64xf32>
    %broadcast_in_dim3A_24 = vector.shape_cast %reduce_sum3A_23 : vector<64xf32> to vector<1x64xf32>
    %div3A_25 = arith.constant 6.400000e+01 : f32
    %div3A_26 = vector.broadcast %div3A_25 : f32 to vector<1x64xf32>
    %div3A_27 = arith.divf %broadcast_in_dim3A_24, %div3A_26 : vector<1x64xf32>
    %add3A_28 = arith.constant 9.99999974E-6 : f32
    %add3A_29 = vector.broadcast %add3A_28 : f32 to vector<1x64xf32>
    %add3A_30 = arith.addf %div3A_27, %add3A_29 : vector<1x64xf32>
    %sqrt3A = math.sqrt %add3A_30 : vector<1x64xf32>
    %div3A_31 = vector.broadcast %sqrt3A : vector<1x64xf32> to vector<64x64xf32>
    %div3A_32 = arith.divf %sub3A_21, %div3A_31 : vector<64x64xf32>
    %get3A_33 = arith.constant 0 : index
    %get3A_34 = arith.constant 0 : index
    %get3A_35 = vector.load %arg6[%get3A_33, %get3A_34] : memref<64x1xf32, #tpu.memory_space<vmem>>, vector<64x1xf32>
    %mul3A_36 = vector.broadcast %get3A_35 : vector<64x1xf32> to vector<64x64xf32>
    %mul3A_37 = arith.mulf %div3A_32, %mul3A_36 : vector<64x64xf32>
    %get3A_38 = arith.constant 0 : index
    %get3A_39 = arith.constant 0 : index
    %get3A_40 = vector.load %arg7[%get3A_38, %get3A_39] : memref<64x1xf32, #tpu.memory_space<vmem>>, vector<64x1xf32>
    %add3A_41 = vector.broadcast %get3A_40 : vector<64x1xf32> to vector<64x64xf32>
    %add3A_42 = arith.addf %mul3A_37, %add3A_41 : vector<64x64xf32>
    %ge3A = arith.constant 0.000000e+00 : f32
    %ge3A_43 = vector.broadcast %ge3A : f32 to vector<64x64xf32>
    %ge3A_44 = arith.cmpf oge, %add3A_42, %ge3A_43 : vector<64x64xf32>
    %mul3A_45 = arith.constant 0.00999999977 : f32
    %mul3A_46 = vector.broadcast %mul3A_45 : f32 to vector<64x64xf32>
    %mul3A_47 = arith.mulf %mul3A_46, %add3A_42 : vector<64x64xf32>
    %select_n3A = arith.select %ge3A_44, %add3A_42, %mul3A_47 : vector<64x64xi1>, vector<64x64xf32>
    %get3A_48 = arith.constant 0 : index
    %get3A_49 = arith.constant 0 : index
    %get3A_50 = vector.load %arg8[%get3A_48, %get3A_49] : memref<2x64xf32, #tpu.memory_space<vmem>>, vector<2x64xf32>
    %dot_general3A_51 = arith.constant dense<0.000000e+00> : vector<2x64xf32>
    %dot_general3A_52 = tpu.matmul %get3A_50, %select_n3A, %dot_general3A_51 {dimension_numbers = #tpu.dot_dimension_numbers<[1], [0], [0], [1], [0, 0, 1, 1], [], []>, transpose_lhs_hint = false} : vector<2x64xf32>, vector<64x64xf32>, vector<2x64xf32> -> vector<2x64xf32>
    %get3A_53 = arith.constant 0 : index
    %get3A_54 = arith.constant 0 : index
    %get3A_55 = arith.constant 0 : index
    %get3A_56 = vector.load %arg3[%get3A_53, %get3A_54, %get3A_55] : memref<32x2x64xf32, #tpu.memory_space<vmem>>, vector<1x2x64xf32>
    %get3A_57 = vector.shape_cast %get3A_56 : vector<1x2x64xf32> to vector<2x64xf32>
    %add3A_58 = arith.addf %dot_general3A_52, %get3A_57 : vector<2x64xf32>
    %swap3A = arith.constant 0 : index
    %swap3A_59 = arith.constant 0 : index
    %swap3A_60 = arith.constant 0 : index
    %swap3A_61 = vector.load %arg9[%swap3A, %swap3A_59, %swap3A_60] : memref<32x2x64xf32, #tpu.memory_space<vmem>>, vector<1x2x64xf32>
    %swap3A_62 = vector.shape_cast %swap3A_61 : vector<1x2x64xf32> to vector<2x64xf32>
    %swap3A_63 = vector.shape_cast %add3A_58 : vector<2x64xf32> to vector<1x2x64xf32>
    tpu.vector_store %arg9[%swap3A, %swap3A_59, %swap3A_60], %swap3A_63 {strides = array<i32>} : memref<32x2x64xf32, #tpu.memory_space<vmem>>, vector<1x2x64xf32>,
    %slice3A_64 = vector.extract_strided_slice %dot_general3A_6 {offsets = [0, 1], sizes = [64, 1], strides = [1, 1]} : vector<64x32xf32> to vector<64x1xf32>
    %get3A_65 = arith.constant 1 : index
    %get3A_66 = arith.constant 0 : index
    %get3A_67 = arith.constant 0 : index
    %get3A_68 = vector.load %arg2[%get3A_65, %get3A_66, %get3A_67] : memref<32x2x64xf32, #tpu.memory_space<vmem>>, vector<1x2x64xf32>
    %get3A_69 = vector.shape_cast %get3A_68 : vector<1x2x64xf32> to vector<2x64xf32>
    %get3A_70 = arith.constant 0 : index
    %get3A_71 = arith.constant 0 : index
    %get3A_72 = vector.load %arg5[%get3A_70, %get3A_71] : memref<64x2xf32, #tpu.memory_space<vmem>>, vector<64x2xf32>
    %dot_general3A_73 = arith.constant dense<0.000000e+00> : vector<64x64xf32>
    %dot_general3A_74 = tpu.matmul %get3A_72, %get3A_69, %dot_general3A_73 {dimension_numbers = #tpu.dot_dimension_numbers<[1], [0], [0], [1], [0, 0, 1, 1], [], []>, transpose_lhs_hint = false} : vector<64x2xf32>, vector<2x64xf32>, vector<64x64xf32> -> vector<64x64xf32>
    %add3A_75 = vector.broadcast %slice3A_64 : vector<64x1xf32> to vector<64x64xf32>
    %add3A_76 = arith.addf %dot_general3A_74, %add3A_75 : vector<64x64xf32>
    %reduce_sum3A_77 = arith.constant dense<0.000000e+00> : vector<64xf32>
    %reduce_sum3A_78 = vector.multi_reduction <add>, %add3A_76, %reduce_sum3A_77 [0] : vector<64x64xf32> to vector<64xf32>
    %broadcast_in_dim3A_79 = vector.shape_cast %reduce_sum3A_78 : vector<64xf32> to vector<1x64xf32>
    %div3A_80 = arith.constant 6.400000e+01 : f32
    %div3A_81 = vector.broadcast %div3A_80 : f32 to vector<1x64xf32>
    %div3A_82 = arith.divf %broadcast_in_dim3A_79, %div3A_81 : vector<1x64xf32>
    %sub3A_83 = vector.broadcast %div3A_82 : vector<1x64xf32> to vector<64x64xf32>
    %sub3A_84 = arith.subf %add3A_76, %sub3A_83 : vector<64x64xf32>
    %mul3A_85 = arith.mulf %sub3A_84, %sub3A_84 : vector<64x64xf32>
    %reduce_sum3A_86 = arith.constant dense<0.000000e+00> : vector<64xf32>
    %reduce_sum3A_87 = vector.multi_reduction <add>, %mul3A_85, %reduce_sum3A_86 [0] : vector<64x64xf32> to vector<64xf32>
    %broadcast_in_dim3A_88 = vector.shape_cast %reduce_sum3A_87 : vector<64xf32> to vector<1x64xf32>
    %div3A_89 = arith.constant 6.400000e+01 : f32
    %div3A_90 = vector.broadcast %div3A_89 : f32 to vector<1x64xf32>
    %div3A_91 = arith.divf %broadcast_in_dim3A_88, %div3A_90 : vector<1x64xf32>
    %add3A_92 = arith.constant 9.99999974E-6 : f32
    %add3A_93 = vector.broadcast %add3A_92 : f32 to vector<1x64xf32>
    %add3A_94 = arith.addf %div3A_91, %add3A_93 : vector<1x64xf32>
    %sqrt3A_95 = math.sqrt %add3A_94 : vector<1x64xf32>
    %div3A_96 = vector.broadcast %sqrt3A_95 : vector<1x64xf32> to vector<64x64xf32>
    %div3A_97 = arith.divf %sub3A_84, %div3A_96 : vector<64x64xf32>
    %get3A_98 = arith.constant 0 : index
    %get3A_99 = arith.constant 0 : index
    %get3A_100 = vector.load %arg6[%get3A_98, %get3A_99] : memref<64x1xf32, #tpu.memory_space<vmem>>, vector<64x1xf32>
    %mul3A_101 = vector.broadcast %get3A_100 : vector<64x1xf32> to vector<64x64xf32>
    %mul3A_102 = arith.mulf %div3A_97, %mul3A_101 : vector<64x64xf32>
    %get3A_103 = arith.constant 0 : index
    %get3A_104 = arith.constant 0 : index
    %get3A_105 = vector.load %arg7[%get3A_103, %get3A_104] : memref<64x1xf32, #tpu.memory_space<vmem>>, vector<64x1xf32>
    %add3A_106 = vector.broadcast %get3A_105 : vector<64x1xf32> to vector<64x64xf32>
    %add3A_107 = arith.addf %mul3A_102, %add3A_106 : vector<64x64xf32>
    %ge3A_108 = arith.constant 0.000000e+00 : f32
    %ge3A_109 = vector.broadcast %ge3A_108 : f32 to vector<64x64xf32>
    %ge3A_110 = arith.cmpf oge, %add3A_107, %ge3A_109 : vector<64x64xf32>
    %mul3A_111 = arith.constant 0.00999999977 : f32
    %mul3A_112 = vector.broadcast %mul3A_111 : f32 to vector<64x64xf32>
    %mul3A_113 = arith.mulf %mul3A_112, %add3A_107 : vector<64x64xf32>
    %select_n3A_114 = arith.select %ge3A_110, %add3A_107, %mul3A_113 : vector<64x64xi1>, vector<64x64xf32>
    %get3A_115 = arith.constant 0 : index
    %get3A_116 = arith.constant 0 : index
    %get3A_117 = vector.load %arg8[%get3A_115, %get3A_116] : memref<2x64xf32, #tpu.memory_space<vmem>>, vector<2x64xf32>
    %dot_general3A_118 = arith.constant dense<0.000000e+00> : vector<2x64xf32>
    %dot_general3A_119 = tpu.matmul %get3A_117, %select_n3A_114, %dot_general3A_118 {dimension_numbers = #tpu.dot_dimension_numbers<[1], [0], [0], [1], [0, 0, 1, 1], [], []>, transpose_lhs_hint = false} : vector<2x64xf32>, vector<64x64xf32>, vector<2x64xf32> -> vector<2x64xf32>
    %get3A_120 = arith.constant 1 : index
    %get3A_121 = arith.constant 0 : index
    %get3A_122 = arith.constant 0 : index
    %get3A_123 = vector.load %arg3[%get3A_120, %get3A_121, %get3A_122] : memref<32x2x64xf32, #tpu.memory_space<vmem>>, vector<1x2x64xf32>
    %get3A_124 = vector.shape_cast %get3A_123 : vector<1x2x64xf32> to vector<2x64xf32>
    %add3A_125 = arith.addf %dot_general3A_119, %get3A_124 : vector<2x64xf32>
    %swap3A_126 = arith.constant 1 : index
    %swap3A_127 = arith.constant 0 : index
    %swap3A_128 = arith.constant 0 : index
    %swap3A_129 = vector.load %arg9[%swap3A_126, %swap3A_127, %swap3A_128] : memref<32x2x64xf32, #tpu.memory_space<vmem>>, vector<1x2x64xf32>
    %swap3A_130 = vector.shape_cast %swap3A_129 : vector<1x2x64xf32> to vector<2x64xf32>
    %swap3A_131 = vector.shape_cast %add3A_125 : vector<2x64xf32> to vector<1x2x64xf32>
    tpu.vector_store %arg9[%swap3A_126, %swap3A_127, %swap3A_128], %swap3A_131 {strides = array<i32>} : memref<32x2x64xf32, #tpu.memory_space<vmem>>, vector<1x2x64xf32>,
    %slice3A_132 = vector.extract_strided_slice %dot_general3A_6 {offsets = [0, 2], sizes = [64, 1], strides = [1, 1]} : vector<64x32xf32> to vector<64x1xf32>
    %get3A_133 = arith.constant 2 : index
    %get3A_134 = arith.constant 0 : index
    %get3A_135 = arith.constant 0 : index
    %get3A_136 = vector.load %arg2[%get3A_133, %get3A_134, %get3A_135] : memref<32x2x64xf32, #tpu.memory_space<vmem>>, vector<1x2x64xf32>
    %get3A_137 = vector.shape_cast %get3A_136 : vector<1x2x64xf32> to vector<2x64xf32>
    %get3A_138 = arith.constant 0 : index
    %get3A_139 = arith.constant 0 : index
    %get3A_140 = vector.load %arg5[%get3A_138, %get3A_139] : memref<64x2xf32, #tpu.memory_space<vmem>>, vector<64x2xf32>
    %dot_general3A_141 = arith.constant dense<0.000000e+00> : vector<64x64xf32>
    %dot_general3A_142 = tpu.matmul %get3A_140, %get3A_137, %dot_general3A_141 {dimension_numbers = #tpu.dot_dimension_numbers<[1], [0], [0], [1], [0, 0, 1, 1], [], []>, transpose_lhs_hint = false} : vector<64x2xf32>, vector<2x64xf32>, vector<64x64xf32> -> vector<64x64xf32>
    %add3A_143 = vector.broadcast %slice3A_132 : vector<64x1xf32> to vector<64x64xf32>
    %add3A_144 = arith.addf %dot_general3A_142, %add3A_143 : vector<64x64xf32>
    %reduce_sum3A_145 = arith.constant dense<0.000000e+00> : vector<64xf32>
    %reduce_sum3A_146 = vector.multi_reduction <add>, %add3A_144, %reduce_sum3A_145 [0] : vector<64x64xf32> to vector<64xf32>
    %broadcast_in_dim3A_147 = vector.shape_cast %reduce_sum3A_146 : vector<64xf32> to vector<1x64xf32>
    %div3A_148 = arith.constant 6.400000e+01 : f32
    %div3A_149 = vector.broadcast %div3A_148 : f32 to vector<1x64xf32>
    %div3A_150 = arith.divf %broadcast_in_dim3A_147, %div3A_149 : vector<1x64xf32>
    %sub3A_151 = vector.broadcast %div3A_150 : vector<1x64xf32> to vector<64x64xf32>
    %sub3A_152 = arith.subf %add3A_144, %sub3A_151 : vector<64x64xf32>
    %mul3A_153 = arith.mulf %sub3A_152, %sub3A_152 : vector<64x64xf32>
    %reduce_sum3A_154 = arith.constant dense<0.000000e+00> : vector<64xf32>
    %reduce_sum3A_155 = vector.multi_reduction <add>, %mul3A_153, %reduce_sum3A_154 [0] : vector<64x64xf32> to vector<64xf32>
    %broadcast_in_dim3A_156 = vector.shape_cast %reduce_sum3A_155 : vector<64xf32> to vector<1x64xf32>
    %div3A_157 = arith.constant 6.400000e+01 : f32
    %div3A_158 = vector.broadcast %div3A_157 : f32 to vector<1x64xf32>
    %div3A_159 = arith.divf %broadcast_in_dim3A_156, %div3A_158 : vector<1x64xf32>
    %add3A_160 = arith.constant 9.99999974E-6 : f32
    %add3A_161 = vector.broadcast %add3A_160 : f32 to vector<1x64xf32>
    %add3A_162 = arith.addf %div3A_159, %add3A_161 : vector<1x64xf32>
    %sqrt3A_163 = math.sqrt %add3A_162 : vector<1x64xf32>
    %div3A_164 = vector.broadcast %sqrt3A_163 : vector<1x64xf32> to vector<64x64xf32>
    %div3A_165 = arith.divf %sub3A_152, %div3A_164 : vector<64x64xf32>
    %get3A_166 = arith.constant 0 : index
    %get3A_167 = arith.constant 0 : index
    %get3A_168 = vector.load %arg6[%get3A_166, %get3A_167] : memref<64x1xf32, #tpu.memory_space<vmem>>, vector<64x1xf32>
    %mul3A_169 = vector.broadcast %get3A_168 : vector<64x1xf32> to vector<64x64xf32>
    %mul3A_170 = arith.mulf %div3A_165, %mul3A_169 : vector<64x64xf32>
    %get3A_171 = arith.constant 0 : index
    %get3A_172 = arith.constant 0 : index
    %get3A_173 = vector.load %arg7[%get3A_171, %get3A_172] : memref<64x1xf32, #tpu.memory_space<vmem>>, vector<64x1xf32>
    %add3A_174 = vector.broadcast %get3A_173 : vector<64x1xf32> to vector<64x64xf32>
    %add3A_175 = arith.addf %mul3A_170, %add3A_174 : vector<64x64xf32>
    %ge3A_176 = arith.constant 0.000000e+00 : f32
    %ge3A_177 = vector.broadcast %ge3A_176 : f32 to vector<64x64xf32>
    %ge3A_178 = arith.cmpf oge, %add3A_175, %ge3A_177 : vector<64x64xf32>
    %mul3A_179 = arith.constant 0.00999999977 : f32
    %mul3A_180 = vector.broadcast %mul3A_179 : f32 to vector<64x64xf32>
    %mul3A_181 = arith.mulf %mul3A_180, %add3A_175 : vector<64x64xf32>
    %select_n3A_182 = arith.select %ge3A_178, %add3A_175, %mul3A_181 : vector<64x64xi1>, vector<64x64xf32>
    %get3A_183 = arith.constant 0 : index
    %get3A_184 = arith.constant 0 : index
    %get3A_185 = vector.load %arg8[%get3A_183, %get3A_184] : memref<2x64xf32, #tpu.memory_space<vmem>>, vector<2x64xf32>
    %dot_general3A_186 = arith.constant dense<0.000000e+00> : vector<2x64xf32>
    %dot_general3A_187 = tpu.matmul %get3A_185, %select_n3A_182, %dot_general3A_186 {dimension_numbers = #tpu.dot_dimension_numbers<[1], [0], [0], [1], [0, 0, 1, 1], [], []>, transpose_lhs_hint = false} : vector<2x64xf32>, vector<64x64xf32>, vector<2x64xf32> -> vector<2x64xf32>
    %get3A_188 = arith.constant 2 : index
    %get3A_189 = arith.constant 0 : index
    %get3A_190 = arith.constant 0 : index
    %get3A_191 = vector.load %arg3[%get3A_188, %get3A_189, %get3A_190] : memref<32x2x64xf32, #tpu.memory_space<vmem>>, vector<1x2x64xf32>
    %get3A_192 = vector.shape_cast %get3A_191 : vector<1x2x64xf32> to vector<2x64xf32>
    %add3A_193 = arith.addf %dot_general3A_187, %get3A_192 : vector<2x64xf32>
    %swap3A_194 = arith.constant 2 : index
    %swap3A_195 = arith.constant 0 : index
    %swap3A_196 = arith.constant 0 : index
    %swap3A_197 = vector.load %arg9[%swap3A_194, %swap3A_195, %swap3A_196] : memref<32x2x64xf32, #tpu.memory_space<vmem>>, vector<1x2x64xf32>
    %swap3A_198 = vector.shape_cast %swap3A_197 : vector<1x2x64xf32> to vector<2x64xf32>
    %swap3A_199 = vector.shape_cast %add3A_193 : vector<2x64xf32> to vector<1x2x64xf32>
    tpu.vector_store %arg9[%swap3A_194, %swap3A_195, %swap3A_196], %swap3A_199 {strides = array<i32>} : memref<32x2x64xf32, #tpu.memory_space<vmem>>, vector<1x2x64xf32>,
    %slice3A_200 = vector.extract_strided_slice %dot_general3A_6 {offsets = [0, 3], sizes = [64, 1], strides = [1, 1]} : vector<64x32xf32> to vector<64x1xf32>
    %get3A_201 = arith.constant 3 : index
    %get3A_202 = arith.constant 0 : index
    %get3A_203 = arith.constant 0 : index
    %get3A_204 = vector.load %arg2[%get3A_201, %get3A_202, %get3A_203] : memref<32x2x64xf32, #tpu.memory_space<vmem>>, vector<1x2x64xf32>
    %get3A_205 = vector.shape_cast %get3A_204 : vector<1x2x64xf32> to vector<2x64xf32>
    %get3A_206 = arith.constant 0 : index
    %get3A_207 = arith.constant 0 : index
    %get3A_208 = vector.load %arg5[%get3A_206, %get3A_207] : memref<64x2xf32, #tpu.memory_space<vmem>>, vector<64x2xf32>
    %dot_general3A_209 = arith.constant dense<0.000000e+00> : vector<64x64xf32>
    %dot_general3A_210 = tpu.matmul %get3A_208, %get3A_205, %dot_general3A_209 {dimension_numbers = #tpu.dot_dimension_numbers<[1], [0], [0], [1], [0, 0, 1, 1], [], []>, transpose_lhs_hint = false} : vector<64x2xf32>, vector<2x64xf32>, vector<64x64xf32> -> vector<64x64xf32>
    %add3A_211 = vector.broadcast %slice3A_200 : vector<64x1xf32> to vector<64x64xf32>
    %add3A_212 = arith.addf %dot_general3A_210, %add3A_211 : vector<64x64xf32>
    %reduce_sum3A_213 = arith.constant dense<0.000000e+00> : vector<64xf32>
    %reduce_sum3A_214 = vector.multi_reduction <add>, %add3A_212, %reduce_sum3A_213 [0] : vector<64x64xf32> to vector<64xf32>
    %broadcast_in_dim3A_215 = vector.shape_cast %reduce_sum3A_214 : vector<64xf32> to vector<1x64xf32>
    %div3A_216 = arith.constant 6.400000e+01 : f32
    %div3A_217 = vector.broadcast %div3A_216 : f32 to vector<1x64xf32>
    %div3A_218 = arith.divf %broadcast_in_dim3A_215, %div3A_217 : vector<1x64xf32>
    %sub3A_219 = vector.broadcast %div3A_218 : vector<1x64xf32> to vector<64x64xf32>
    %sub3A_220 = arith.subf %add3A_212, %sub3A_219 : vector<64x64xf32>
    %mul3A_221 = arith.mulf %sub3A_220, %sub3A_220 : vector<64x64xf32>
    %reduce_sum3A_222 = arith.constant dense<0.000000e+00> : vector<64xf32>
    %reduce_sum3A_223 = vector.multi_reduction <add>, %mul3A_221, %reduce_sum3A_222 [0] : vector<64x64xf32> to vector<64xf32>
    %broadcast_in_dim3A_224 = vector.shape_cast %reduce_sum3A_223 : vector<64xf32> to vector<1x64xf32>
    %div3A_225 = arith.constant 6.400000e+01 : f32
    %div3A_226 = vector.broadcast %div3A_225 : f32 to vector<1x64xf32>
    %div3A_227 = arith.divf %broadcast_in_dim3A_224, %div3A_226 : vector<1x64xf32>
    %add3A_228 = arith.constant 9.99999974E-6 : f32
    %add3A_229 = vector.broadcast %add3A_228 : f32 to vector<1x64xf32>
    %add3A_230 = arith.addf %div3A_227, %add3A_229 : vector<1x64xf32>
    %sqrt3A_231 = math.sqrt %add3A_230 : vector<1x64xf32>
    %div3A_232 = vector.broadcast %sqrt3A_231 : vector<1x64xf32> to vector<64x64xf32>
    %div3A_233 = arith.divf %sub3A_220, %div3A_232 : vector<64x64xf32>
    %get3A_234 = arith.constant 0 : index
    %get3A_235 = arith.constant 0 : index
    %get3A_236 = vector.load %arg6[%get3A_234, %get3A_235] : memref<64x1xf32, #tpu.memory_space<vmem>>, vector<64x1xf32>
    %mul3A_237 = vector.broadcast %get3A_236 : vector<64x1xf32> to vector<64x64xf32>
    %mul3A_238 = arith.mulf %div3A_233, %mul3A_237 : vector<64x64xf32>
    %get3A_239 = arith.constant 0 : index
    %get3A_240 = arith.constant 0 : index
    %get3A_241 = vector.load %arg7[%get3A_239, %get3A_240] : memref<64x1xf32, #tpu.memory_space<vmem>>, vector<64x1xf32>
    %add3A_242 = vector.broadcast %get3A_241 : vector<64x1xf32> to vector<64x64xf32>
    %add3A_243 = arith.addf %mul3A_238, %add3A_242 : vector<64x64xf32>
    %ge3A_244 = arith.constant 0.000000e+00 : f32
    %ge3A_245 = vector.broadcast %ge3A_244 : f32 to vector<64x64xf32>
    %ge3A_246 = arith.cmpf oge, %add3A_243, %ge3A_245 : vector<64x64xf32>
    %mul3A_247 = arith.constant 0.00999999977 : f32
    %mul3A_248 = vector.broadcast %mul3A_247 : f32 to vector<64x64xf32>
    %mul3A_249 = arith.mulf %mul3A_248, %add3A_243 : vector<64x64xf32>
    %select_n3A_250 = arith.select %ge3A_246, %add3A_243, %mul3A_249 : vector<64x64xi1>, vector<64x64xf32>
    %get3A_251 = arith.constant 0 : index
    %get3A_252 = arith.constant 0 : index
    %get3A_253 = vector.load %arg8[%get3A_251, %get3A_252] : memref<2x64xf32, #tpu.memory_space<vmem>>, vector<2x64xf32>
    %dot_general3A_254 = arith.constant dense<0.000000e+00> : vector<2x64xf32>
    %dot_general3A_255 = tpu.matmul %get3A_253, %select_n3A_250, %dot_general3A_254 {dimension_numbers = #tpu.dot_dimension_numbers<[1], [0], [0], [1], [0, 0, 1, 1], [], []>, transpose_lhs_hint = false} : vector<2x64xf32>, vector<64x64xf32>, vector<2x64xf32> -> vector<2x64xf32>
    %get3A_256 = arith.constant 3 : index
    %get3A_257 = arith.constant 0 : index
    %get3A_258 = arith.constant 0 : index
    %get3A_259 = vector.load %arg3[%get3A_256, %get3A_257, %get3A_258] : memref<32x2x64xf32, #tpu.memory_space<vmem>>, vector<1x2x64xf32>
    %get3A_260 = vector.shape_cast %get3A_259 : vector<1x2x64xf32> to vector<2x64xf32>
    %add3A_261 = arith.addf %dot_general3A_255, %get3A_260 : vector<2x64xf32>
    %swap3A_262 = arith.constant 3 : index
    %swap3A_263 = arith.constant 0 : index
    %swap3A_264 = arith.constant 0 : index
    %swap3A_265 = vector.load %arg9[%swap3A_262, %swap3A_263, %swap3A_264] : memref<32x2x64xf32, #tpu.memory_space<vmem>>, vector<1x2x64xf32>
    %swap3A_266 = vector.shape_cast %swap3A_265 : vector<1x2x64xf32> to vector<2x64xf32>
    %swap3A_267 = vector.shape_cast %add3A_261 : vector<2x64xf32> to vector<1x2x64xf32>
    tpu.vector_store %arg9[%swap3A_262, %swap3A_263, %swap3A_264], %swap3A_267 {strides = array<i32>} : memref<32x2x64xf32, #tpu.memory_space<vmem>>, vector<1x2x64xf32>,
    %slice3A_268 = vector.extract_strided_slice %dot_general3A_6 {offsets = [0, 4], sizes = [64, 1], strides = [1, 1]} : vector<64x32xf32> to vector<64x1xf32>
    %get3A_269 = arith.constant 4 : index
    %get3A_270 = arith.constant 0 : index
    %get3A_271 = arith.constant 0 : index
    %get3A_272 = vector.load %arg2[%get3A_269, %get3A_270, %get3A_271] : memref<32x2x64xf32, #tpu.memory_space<vmem>>, vector<1x2x64xf32>
    %get3A_273 = vector.shape_cast %get3A_272 : vector<1x2x64xf32> to vector<2x64xf32>
    %get3A_274 = arith.constant 0 : index
    %get3A_275 = arith.constant 0 : index
    %get3A_276 = vector.load %arg5[%get3A_274, %get3A_275] : memref<64x2xf32, #tpu.memory_space<vmem>>, vector<64x2xf32>
    %dot_general3A_277 = arith.constant dense<0.000000e+00> : vector<64x64xf32>
    %dot_general3A_278 = tpu.matmul %get3A_276, %get3A_273, %dot_general3A_277 {dimension_numbers = #tpu.dot_dimension_numbers<[1], [0], [0], [1], [0, 0, 1, 1], [], []>, transpose_lhs_hint = false} : vector<64x2xf32>, vector<2x64xf32>, vector<64x64xf32> -> vector<64x64xf32>
    %add3A_279 = vector.broadcast %slice3A_268 : vector<64x1xf32> to vector<64x64xf32>
    %add3A_280 = arith.addf %dot_general3A_278, %add3A_279 : vector<64x64xf32>
    %reduce_sum3A_281 = arith.constant dense<0.000000e+00> : vector<64xf32>
    %reduce_sum3A_282 = vector.multi_reduction <add>, %add3A_280, %reduce_sum3A_281 [0] : vector<64x64xf32> to vector<64xf32>
    %broadcast_in_dim3A_283 = vector.shape_cast %reduce_sum3A_282 : vector<64xf32> to vector<1x64xf32>
    %div3A_284 = arith.constant 6.400000e+01 : f32
    %div3A_285 = vector.broadcast %div3A_284 : f32 to vector<1x64xf32>
    %div3A_286 = arith.divf %broadcast_in_dim3A_283, %div3A_285 : vector<1x64xf32>
    %sub3A_287 = vector.broadcast %div3A_286 : vector<1x64xf32> to vector<64x64xf32>
    %sub3A_288 = arith.subf %add3A_280, %sub3A_287 : vector<64x64xf32>
    %mul3A_289 = arith.mulf %sub3A_288, %sub3A_288 : vector<64x64xf32>
    %reduce_sum3A_290 = arith.constant dense<0.000000e+00> : vector<64xf32>
    %reduce_sum3A_291 = vector.multi_reduction <add>, %mul3A_289, %reduce_sum3A_290 [0] : vector<64x64xf32> to vector<64xf32>
    %broadcast_in_dim3A_292 = vector.shape_cast %reduce_sum3A_291 : vector<64xf32> to vector<1x64xf32>
    %div3A_293 = arith.constant 6.400000e+01 : f32
    %div3A_294 = vector.broadcast %div3A_293 : f32 to vector<1x64xf32>
    %div3A_295 = arith.divf %broadcast_in_dim3A_292, %div3A_294 : vector<1x64xf32>
    %add3A_296 = arith.constant 9.99999974E-6 : f32
    %add3A_297 = vector.broadcast %add3A_296 : f32 to vector<1x64xf32>
    %add3A_298 = arith.addf %div3A_295, %add3A_297 : vector<1x64xf32>
    %sqrt3A_299 = math.sqrt %add3A_298 : vector<1x64xf32>
    %div3A_300 = vector.broadcast %sqrt3A_299 : vector<1x64xf32> to vector<64x64xf32>
    %div3A_301 = arith.divf %sub3A_288, %div3A_300 : vector<64x64xf32>
    %get3A_302 = arith.constant 0 : index
    %get3A_303 = arith.constant 0 : index
    %get3A_304 = vector.load %arg6[%get3A_302, %get3A_303] : memref<64x1xf32, #tpu.memory_space<vmem>>, vector<64x1xf32>
    %mul3A_305 = vector.broadcast %get3A_304 : vector<64x1xf32> to vector<64x64xf32>
    %mul3A_306 = arith.mulf %div3A_301, %mul3A_305 : vector<64x64xf32>
    %get3A_307 = arith.constant 0 : index
    %get3A_308 = arith.constant 0 : index
    %get3A_309 = vector.load %arg7[%get3A_307, %get3A_308] : memref<64x1xf32, #tpu.memory_space<vmem>>, vector<64x1xf32>
    %add3A_310 = vector.broadcast %get3A_309 : vector<64x1xf32> to vector<64x64xf32>
    %add3A_311 = arith.addf %mul3A_306, %add3A_310 : vector<64x64xf32>
    %ge3A_312 = arith.constant 0.000000e+00 : f32
    %ge3A_313 = vector.broadcast %ge3A_312 : f32 to vector<64x64xf32>
    %ge3A_314 = arith.cmpf oge, %add3A_311, %ge3A_313 : vector<64x64xf32>
    %mul3A_315 = arith.constant 0.00999999977 : f32
    %mul3A_316 = vector.broadcast %mul3A_315 : f32 to vector<64x64xf32>
    %mul3A_317 = arith.mulf %mul3A_316, %add3A_311 : vector<64x64xf32>
    %select_n3A_318 = arith.select %ge3A_314, %add3A_311, %mul3A_317 : vector<64x64xi1>, vector<64x64xf32>
    %get3A_319 = arith.constant 0 : index
    %get3A_320 = arith.constant 0 : index
    %get3A_321 = vector.load %arg8[%get3A_319, %get3A_320] : memref<2x64xf32, #tpu.memory_space<vmem>>, vector<2x64xf32>
    %dot_general3A_322 = arith.constant dense<0.000000e+00> : vector<2x64xf32>
    %dot_general3A_323 = tpu.matmul %get3A_321, %select_n3A_318, %dot_general3A_322 {dimension_numbers = #tpu.dot_dimension_numbers<[1], [0], [0], [1], [0, 0, 1, 1], [], []>, transpose_lhs_hint = false} : vector<2x64xf32>, vector<64x64xf32>, vector<2x64xf32> -> vector<2x64xf32>
    %get3A_324 = arith.constant 4 : index
    %get3A_325 = arith.constant 0 : index
    %get3A_326 = arith.constant 0 : index
    %get3A_327 = vector.load %arg3[%get3A_324, %get3A_325, %get3A_326] : memref<32x2x64xf32, #tpu.memory_space<vmem>>, vector<1x2x64xf32>
    %get3A_328 = vector.shape_cast %get3A_327 : vector<1x2x64xf32> to vector<2x64xf32>
    %add3A_329 = arith.addf %dot_general3A_323, %get3A_328 : vector<2x64xf32>
    %swap3A_330 = arith.constant 4 : index
    %swap3A_331 = arith.constant 0 : index
    %swap3A_332 = arith.constant 0 : index
    %swap3A_333 = vector.load %arg9[%swap3A_330, %swap3A_331, %swap3A_332] : memref<32x2x64xf32, #tpu.memory_space<vmem>>, vector<1x2x64xf32>
    %swap3A_334 = vector.shape_cast %swap3A_333 : vector<1x2x64xf32> to vector<2x64xf32>
    %swap3A_335 = vector.shape_cast %add3A_329 : vector<2x64xf32> to vector<1x2x64xf32>
    tpu.vector_store %arg9[%swap3A_330, %swap3A_331, %swap3A_332], %swap3A_335 {strides = array<i32>} : memref<32x2x64xf32, #tpu.memory_space<vmem>>, vector<1x2x64xf32>,
    %slice3A_336 = vector.extract_strided_slice %dot_general3A_6 {offsets = [0, 5], sizes = [64, 1], strides = [1, 1]} : vector<64x32xf32> to vector<64x1xf32>
    %get3A_337 = arith.constant 5 : index
    %get3A_338 = arith.constant 0 : index
    %get3A_339 = arith.constant 0 : index
    %get3A_340 = vector.load %arg2[%get3A_337, %get3A_338, %get3A_339] : memref<32x2x64xf32, #tpu.memory_space<vmem>>, vector<1x2x64xf32>
    %get3A_341 = vector.shape_cast %get3A_340 : vector<1x2x64xf32> to vector<2x64xf32>
    %get3A_342 = arith.constant 0 : index
    %get3A_343 = arith.constant 0 : index
    %get3A_344 = vector.load %arg5[%get3A_342, %get3A_343] : memref<64x2xf32, #tpu.memory_space<vmem>>, vector<64x2xf32>
    %dot_general3A_345 = arith.constant dense<0.000000e+00> : vector<64x64xf32>
    %dot_general3A_346 = tpu.matmul %get3A_344, %get3A_341, %dot_general3A_345 {dimension_numbers = #tpu.dot_dimension_numbers<[1], [0], [0], [1], [0, 0, 1, 1], [], []>, transpose_lhs_hint = false} : vector<64x2xf32>, vector<2x64xf32>, vector<64x64xf32> -> vector<64x64xf32>
    %add3A_347 = vector.broadcast %slice3A_336 : vector<64x1xf32> to vector<64x64xf32>
    %add3A_348 = arith.addf %dot_general3A_346, %add3A_347 : vector<64x64xf32>
    %reduce_sum3A_349 = arith.constant dense<0.000000e+00> : vector<64xf32>
    %reduce_sum3A_350 = vector.multi_reduction <add>, %add3A_348, %reduce_sum3A_349 [0] : vector<64x64xf32> to vector<64xf32>
    %broadcast_in_dim3A_351 = vector.shape_cast %reduce_sum3A_350 : vector<64xf32> to vector<1x64xf32>
    %div3A_352 = arith.constant 6.400000e+01 : f32
    %div3A_353 = vector.broadcast %div3A_352 : f32 to vector<1x64xf32>
    %div3A_354 = arith.divf %broadcast_in_dim3A_351, %div3A_353 : vector<1x64xf32>
    %sub3A_355 = vector.broadcast %div3A_354 : vector<1x64xf32> to vector<64x64xf32>
    %sub3A_356 = arith.subf %add3A_348, %sub3A_355 : vector<64x64xf32>
    %mul3A_357 = arith.mulf %sub3A_356, %sub3A_356 : vector<64x64xf32>
    %reduce_sum3A_358 = arith.constant dense<0.000000e+00> : vector<64xf32>
    %reduce_sum3A_359 = vector.multi_reduction <add>, %mul3A_357, %reduce_sum3A_358 [0] : vector<64x64xf32> to vector<64xf32>
    %broadcast_in_dim3A_360 = vector.shape_cast %reduce_sum3A_359 : vector<64xf32> to vector<1x64xf32>
    %div3A_361 = arith.constant 6.400000e+01 : f32
    %div3A_362 = vector.broadcast %div3A_361 : f32 to vector<1x64xf32>
    %div3A_363 = arith.divf %broadcast_in_dim3A_360, %div3A_362 : vector<1x64xf32>
    %add3A_364 = arith.constant 9.99999974E-6 : f32
    %add3A_365 = vector.broadcast %add3A_364 : f32 to vector<1x64xf32>
    %add3A_366 = arith.addf %div3A_363, %add3A_365 : vector<1x64xf32>
    %sqrt3A_367 = math.sqrt %add3A_366 : vector<1x64xf32>
    %div3A_368 = vector.broadcast %sqrt3A_367 : vector<1x64xf32> to vector<64x64xf32>
    %div3A_369 = arith.divf %sub3A_356, %div3A_368 : vector<64x64xf32>
    %get3A_370 = arith.constant 0 : index
    %get3A_371 = arith.constant 0 : index
    %get3A_372 = vector.load %arg6[%get3A_370, %get3A_371] : memref<64x1xf32, #tpu.memory_space<vmem>>, vector<64x1xf32>
    %mul3A_373 = vector.broadcast %get3A_372 : vector<64x1xf32> to vector<64x64xf32>
    %mul3A_374 = arith.mulf %div3A_369, %mul3A_373 : vector<64x64xf32>
    %get3A_375 = arith.constant 0 : index
    %get3A_376 = arith.constant 0 : index
    %get3A_377 = vector.load %arg7[%get3A_375, %get3A_376] : memref<64x1xf32, #tpu.memory_space<vmem>>, vector<64x1xf32>
    %add3A_378 = vector.broadcast %get3A_377 : vector<64x1xf32> to vector<64x64xf32>
    %add3A_379 = arith.addf %mul3A_374, %add3A_378 : vector<64x64xf32>
    %ge3A_380 = arith.constant 0.000000e+00 : f32
    %ge3A_381 = vector.broadcast %ge3A_380 : f32 to vector<64x64xf32>
    %ge3A_382 = arith.cmpf oge, %add3A_379, %ge3A_381 : vector<64x64xf32>
    %mul3A_383 = arith.constant 0.00999999977 : f32
    %mul3A_384 = vector.broadcast %mul3A_383 : f32 to vector<64x64xf32>
    %mul3A_385 = arith.mulf %mul3A_384, %add3A_379 : vector<64x64xf32>
    %select_n3A_386 = arith.select %ge3A_382, %add3A_379, %mul3A_385 : vector<64x64xi1>, vector<64x64xf32>
    %get3A_387 = arith.constant 0 : index
    %get3A_388 = arith.constant 0 : index
    %get3A_389 = vector.load %arg8[%get3A_387, %get3A_388] : memref<2x64xf32, #tpu.memory_space<vmem>>, vector<2x64xf32>
    %dot_general3A_390 = arith.constant dense<0.000000e+00> : vector<2x64xf32>
    %dot_general3A_391 = tpu.matmul %get3A_389, %select_n3A_386, %dot_general3A_390 {dimension_numbers = #tpu.dot_dimension_numbers<[1], [0], [0], [1], [0, 0, 1, 1], [], []>, transpose_lhs_hint = false} : vector<2x64xf32>, vector<64x64xf32>, vector<2x64xf32> -> vector<2x64xf32>
    %get3A_392 = arith.constant 5 : index
    %get3A_393 = arith.constant 0 : index
    %get3A_394 = arith.constant 0 : index
    %get3A_395 = vector.load %arg3[%get3A_392, %get3A_393, %get3A_394] : memref<32x2x64xf32, #tpu.memory_space<vmem>>, vector<1x2x64xf32>
    %get3A_396 = vector.shape_cast %get3A_395 : vector<1x2x64xf32> to vector<2x64xf32>
    %add3A_397 = arith.addf %dot_general3A_391, %get3A_396 : vector<2x64xf32>
    %swap3A_398 = arith.constant 5 : index
    %swap3A_399 = arith.constant 0 : index
    %swap3A_400 = arith.constant 0 : index
    %swap3A_401 = vector.load %arg9[%swap3A_398, %swap3A_399, %swap3A_400] : memref<32x2x64xf32, #tpu.memory_space<vmem>>, vector<1x2x64xf32>
    %swap3A_402 = vector.shape_cast %swap3A_401 : vector<1x2x64xf32> to vector<2x64xf32>
    %swap3A_403 = vector.shape_cast %add3A_397 : vector<2x64xf32> to vector<1x2x64xf32>
    tpu.vector_store %arg9[%swap3A_398, %swap3A_399, %swap3A_400], %swap3A_403 {strides = array<i32>} : memref<32x2x64xf32, #tpu.memory_space<vmem>>, vector<1x2x64xf32>,
    %slice3A_404 = vector.extract_strided_slice %dot_general3A_6 {offsets = [0, 6], sizes = [64, 1], strides = [1, 1]} : vector<64x32xf32> to vector<64x1xf32>
    %get3A_405 = arith.constant 6 : index
    %get3A_406 = arith.constant 0 : index
    %get3A_407 = arith.constant 0 : index
    %get3A_408 = vector.load %arg2[%get3A_405, %get3A_406, %get3A_407] : memref<32x2x64xf32, #tpu.memory_space<vmem>>, vector<1x2x64xf32>
    %get3A_409 = vector.shape_cast %get3A_408 : vector<1x2x64xf32> to vector<2x64xf32>
    %get3A_410 = arith.constant 0 : index
    %get3A_411 = arith.constant 0 : index
    %get3A_412 = vector.load %arg5[%get3A_410, %get3A_411] : memref<64x2xf32, #tpu.memory_space<vmem>>, vector<64x2xf32>
    %dot_general3A_413 = arith.constant dense<0.000000e+00> : vector<64x64xf32>
    %dot_general3A_414 = tpu.matmul %get3A_412, %get3A_409, %dot_general3A_413 {dimension_numbers = #tpu.dot_dimension_numbers<[1], [0], [0], [1], [0, 0, 1, 1], [], []>, transpose_lhs_hint = false} : vector<64x2xf32>, vector<2x64xf32>, vector<64x64xf32> -> vector<64x64xf32>
    %add3A_415 = vector.broadcast %slice3A_404 : vector<64x1xf32> to vector<64x64xf32>
    %add3A_416 = arith.addf %dot_general3A_414, %add3A_415 : vector<64x64xf32>
    %reduce_sum3A_417 = arith.constant dense<0.000000e+00> : vector<64xf32>
    %reduce_sum3A_418 = vector.multi_reduction <add>, %add3A_416, %reduce_sum3A_417 [0] : vector<64x64xf32> to vector<64xf32>
    %broadcast_in_dim3A_419 = vector.shape_cast %reduce_sum3A_418 : vector<64xf32> to vector<1x64xf32>
    %div3A_420 = arith.constant 6.400000e+01 : f32
    %div3A_421 = vector.broadcast %div3A_420 : f32 to vector<1x64xf32>
    %div3A_422 = arith.divf %broadcast_in_dim3A_419, %div3A_421 : vector<1x64xf32>
    %sub3A_423 = vector.broadcast %div3A_422 : vector<1x64xf32> to vector<64x64xf32>
    %sub3A_424 = arith.subf %add3A_416, %sub3A_423 : vector<64x64xf32>
    %mul3A_425 = arith.mulf %sub3A_424, %sub3A_424 : vector<64x64xf32>
    %reduce_sum3A_426 = arith.constant dense<0.000000e+00> : vector<64xf32>
    %reduce_sum3A_427 = vector.multi_reduction <add>, %mul3A_425, %reduce_sum3A_426 [0] : vector<64x64xf32> to vector<64xf32>
    %broadcast_in_dim3A_428 = vector.shape_cast %reduce_sum3A_427 : vector<64xf32> to vector<1x64xf32>
    %div3A_429 = arith.constant 6.400000e+01 : f32
    %div3A_430 = vector.broadcast %div3A_429 : f32 to vector<1x64xf32>
    %div3A_431 = arith.divf %broadcast_in_dim3A_428, %div3A_430 : vector<1x64xf32>
    %add3A_432 = arith.constant 9.99999974E-6 : f32
    %add3A_433 = vector.broadcast %add3A_432 : f32 to vector<1x64xf32>
    %add3A_434 = arith.addf %div3A_431, %add3A_433 : vector<1x64xf32>
    %sqrt3A_435 = math.sqrt %add3A_434 : vector<1x64xf32>
    %div3A_436 = vector.broadcast %sqrt3A_435 : vector<1x64xf32> to vector<64x64xf32>
    %div3A_437 = arith.divf %sub3A_424, %div3A_436 : vector<64x64xf32>
    %get3A_438 = arith.constant 0 : index
    %get3A_439 = arith.constant 0 : index
    %get3A_440 = vector.load %arg6[%get3A_438, %get3A_439] : memref<64x1xf32, #tpu.memory_space<vmem>>, vector<64x1xf32>
    %mul3A_441 = vector.broadcast %get3A_440 : vector<64x1xf32> to vector<64x64xf32>
    %mul3A_442 = arith.mulf %div3A_437, %mul3A_441 : vector<64x64xf32>
    %get3A_443 = arith.constant 0 : index
    %get3A_444 = arith.constant 0 : index
    %get3A_445 = vector.load %arg7[%get3A_443, %get3A_444] : memref<64x1xf32, #tpu.memory_space<vmem>>, vector<64x1xf32>
    %add3A_446 = vector.broadcast %get3A_445 : vector<64x1xf32> to vector<64x64xf32>
    %add3A_447 = arith.addf %mul3A_442, %add3A_446 : vector<64x64xf32>
    %ge3A_448 = arith.constant 0.000000e+00 : f32
    %ge3A_449 = vector.broadcast %ge3A_448 : f32 to vector<64x64xf32>
    %ge3A_450 = arith.cmpf oge, %add3A_447, %ge3A_449 : vector<64x64xf32>
    %mul3A_451 = arith.constant 0.00999999977 : f32
    %mul3A_452 = vector.broadcast %mul3A_451 : f32 to vector<64x64xf32>
    %mul3A_453 = arith.mulf %mul3A_452, %add3A_447 : vector<64x64xf32>
    %select_n3A_454 = arith.select %ge3A_450, %add3A_447, %mul3A_453 : vector<64x64xi1>, vector<64x64xf32>
    %get3A_455 = arith.constant 0 : index
    %get3A_456 = arith.constant 0 : index
    %get3A_457 = vector.load %arg8[%get3A_455, %get3A_456] : memref<2x64xf32, #tpu.memory_space<vmem>>, vector<2x64xf32>
    %dot_general3A_458 = arith.constant dense<0.000000e+00> : vector<2x64xf32>
    %dot_general3A_459 = tpu.matmul %get3A_457, %select_n3A_454, %dot_general3A_458 {dimension_numbers = #tpu.dot_dimension_numbers<[1], [0], [0], [1], [0, 0, 1, 1], [], []>, transpose_lhs_hint = false} : vector<2x64xf32>, vector<64x64xf32>, vector<2x64xf32> -> vector<2x64xf32>
    %get3A_460 = arith.constant 6 : index
    %get3A_461 = arith.constant 0 : index
    %get3A_462 = arith.constant 0 : index
    %get3A_463 = vector.load %arg3[%get3A_460, %get3A_461, %get3A_462] : memref<32x2x64xf32, #tpu.memory_space<vmem>>, vector<1x2x64xf32>
    %get3A_464 = vector.shape_cast %get3A_463 : vector<1x2x64xf32> to vector<2x64xf32>
    %add3A_465 = arith.addf %dot_general3A_459, %get3A_464 : vector<2x64xf32>
    %swap3A_466 = arith.constant 6 : index
    %swap3A_467 = arith.constant 0 : index
    %swap3A_468 = arith.constant 0 : index
    %swap3A_469 = vector.load %arg9[%swap3A_466, %swap3A_467, %swap3A_468] : memref<32x2x64xf32, #tpu.memory_space<vmem>>, vector<1x2x64xf32>
    %swap3A_470 = vector.shape_cast %swap3A_469 : vector<1x2x64xf32> to vector<2x64xf32>
    %swap3A_471 = vector.shape_cast %add3A_465 : vector<2x64xf32> to vector<1x2x64xf32>
    tpu.vector_store %arg9[%swap3A_466, %swap3A_467, %swap3A_468], %swap3A_471 {strides = array<i32>} : memref<32x2x64xf32, #tpu.memory_space<vmem>>, vector<1x2x64xf32>,
    %slice3A_472 = vector.extract_strided_slice %dot_general3A_6 {offsets = [0, 7], sizes = [64, 1], strides = [1, 1]} : vector<64x32xf32> to vector<64x1xf32>
    %get3A_473 = arith.constant 7 : index
    %get3A_474 = arith.constant 0 : index
    %get3A_475 = arith.constant 0 : index
    %get3A_476 = vector.load %arg2[%get3A_473, %get3A_474, %get3A_475] : memref<32x2x64xf32, #tpu.memory_space<vmem>>, vector<1x2x64xf32>
    %get3A_477 = vector.shape_cast %get3A_476 : vector<1x2x64xf32> to vector<2x64xf32>
    %get3A_478 = arith.constant 0 : index
    %get3A_479 = arith.constant 0 : index
    %get3A_480 = vector.load %arg5[%get3A_478, %get3A_479] : memref<64x2xf32, #tpu.memory_space<vmem>>, vector<64x2xf32>
    %dot_general3A_481 = arith.constant dense<0.000000e+00> : vector<64x64xf32>
    %dot_general3A_482 = tpu.matmul %get3A_480, %get3A_477, %dot_general3A_481 {dimension_numbers = #tpu.dot_dimension_numbers<[1], [0], [0], [1], [0, 0, 1, 1], [], []>, transpose_lhs_hint = false} : vector<64x2xf32>, vector<2x64xf32>, vector<64x64xf32> -> vector<64x64xf32>
    %add3A_483 = vector.broadcast %slice3A_472 : vector<64x1xf32> to vector<64x64xf32>
    %add3A_484 = arith.addf %dot_general3A_482, %add3A_483 : vector<64x64xf32>
    %reduce_sum3A_485 = arith.constant dense<0.000000e+00> : vector<64xf32>
    %reduce_sum3A_486 = vector.multi_reduction <add>, %add3A_484, %reduce_sum3A_485 [0] : vector<64x64xf32> to vector<64xf32>
    %broadcast_in_dim3A_487 = vector.shape_cast %reduce_sum3A_486 : vector<64xf32> to vector<1x64xf32>
    %div3A_488 = arith.constant 6.400000e+01 : f32
    %div3A_489 = vector.broadcast %div3A_488 : f32 to vector<1x64xf32>
    %div3A_490 = arith.divf %broadcast_in_dim3A_487, %div3A_489 : vector<1x64xf32>
    %sub3A_491 = vector.broadcast %div3A_490 : vector<1x64xf32> to vector<64x64xf32>
    %sub3A_492 = arith.subf %add3A_484, %sub3A_491 : vector<64x64xf32>
    %mul3A_493 = arith.mulf %sub3A_492, %sub3A_492 : vector<64x64xf32>
    %reduce_sum3A_494 = arith.constant dense<0.000000e+00> : vector<64xf32>
    %reduce_sum3A_495 = vector.multi_reduction <add>, %mul3A_493, %reduce_sum3A_494 [0] : vector<64x64xf32> to vector<64xf32>
    %broadcast_in_dim3A_496 = vector.shape_cast %reduce_sum3A_495 : vector<64xf32> to vector<1x64xf32>
    %div3A_497 = arith.constant 6.400000e+01 : f32
    %div3A_498 = vector.broadcast %div3A_497 : f32 to vector<1x64xf32>
    %div3A_499 = arith.divf %broadcast_in_dim3A_496, %div3A_498 : vector<1x64xf32>
    %add3A_500 = arith.constant 9.99999974E-6 : f32
    %add3A_501 = vector.broadcast %add3A_500 : f32 to vector<1x64xf32>
    %add3A_502 = arith.addf %div3A_499, %add3A_501 : vector<1x64xf32>
    %sqrt3A_503 = math.sqrt %add3A_502 : vector<1x64xf32>
    %div3A_504 = vector.broadcast %sqrt3A_503 : vector<1x64xf32> to vector<64x64xf32>
    %div3A_505 = arith.divf %sub3A_492, %div3A_504 : vector<64x64xf32>
    %get3A_506 = arith.constant 0 : index
    %get3A_507 = arith.constant 0 : index
    %get3A_508 = vector.load %arg6[%get3A_506, %get3A_507] : memref<64x1xf32, #tpu.memory_space<vmem>>, vector<64x1xf32>
    %mul3A_509 = vector.broadcast %get3A_508 : vector<64x1xf32> to vector<64x64xf32>
    %mul3A_510 = arith.mulf %div3A_505, %mul3A_509 : vector<64x64xf32>
    %get3A_511 = arith.constant 0 : index
    %get3A_512 = arith.constant 0 : index
    %get3A_513 = vector.load %arg7[%get3A_511, %get3A_512] : memref<64x1xf32, #tpu.memory_space<vmem>>, vector<64x1xf32>
    %add3A_514 = vector.broadcast %get3A_513 : vector<64x1xf32> to vector<64x64xf32>
    %add3A_515 = arith.addf %mul3A_510, %add3A_514 : vector<64x64xf32>
    %ge3A_516 = arith.constant 0.000000e+00 : f32
    %ge3A_517 = vector.broadcast %ge3A_516 : f32 to vector<64x64xf32>
    %ge3A_518 = arith.cmpf oge, %add3A_515, %ge3A_517 : vector<64x64xf32>
    %mul3A_519 = arith.constant 0.00999999977 : f32
    %mul3A_520 = vector.broadcast %mul3A_519 : f32 to vector<64x64xf32>
    %mul3A_521 = arith.mulf %mul3A_520, %add3A_515 : vector<64x64xf32>
    %select_n3A_522 = arith.select %ge3A_518, %add3A_515, %mul3A_521 : vector<64x64xi1>, vector<64x64xf32>
    %get3A_523 = arith.constant 0 : index
    %get3A_524 = arith.constant 0 : index
    %get3A_525 = vector.load %arg8[%get3A_523, %get3A_524] : memref<2x64xf32, #tpu.memory_space<vmem>>, vector<2x64xf32>
    %dot_general3A_526 = arith.constant dense<0.000000e+00> : vector<2x64xf32>
    %dot_general3A_527 = tpu.matmul %get3A_525, %select_n3A_522, %dot_general3A_526 {dimension_numbers = #tpu.dot_dimension_numbers<[1], [0], [0], [1], [0, 0, 1, 1], [], []>, transpose_lhs_hint = false} : vector<2x64xf32>, vector<64x64xf32>, vector<2x64xf32> -> vector<2x64xf32>
    %get3A_528 = arith.constant 7 : index
    %get3A_529 = arith.constant 0 : index
    %get3A_530 = arith.constant 0 : index
    %get3A_531 = vector.load %arg3[%get3A_528, %get3A_529, %get3A_530] : memref<32x2x64xf32, #tpu.memory_space<vmem>>, vector<1x2x64xf32>
    %get3A_532 = vector.shape_cast %get3A_531 : vector<1x2x64xf32> to vector<2x64xf32>
    %add3A_533 = arith.addf %dot_general3A_527, %get3A_532 : vector<2x64xf32>
    %swap3A_534 = arith.constant 7 : index
    %swap3A_535 = arith.constant 0 : index
    %swap3A_536 = arith.constant 0 : index
    %swap3A_537 = vector.load %arg9[%swap3A_534, %swap3A_535, %swap3A_536] : memref<32x2x64xf32, #tpu.memory_space<vmem>>, vector<1x2x64xf32>
    %swap3A_538 = vector.shape_cast %swap3A_537 : vector<1x2x64xf32> to vector<2x64xf32>
    %swap3A_539 = vector.shape_cast %add3A_533 : vector<2x64xf32> to vector<1x2x64xf32>
    tpu.vector_store %arg9[%swap3A_534, %swap3A_535, %swap3A_536], %swap3A_539 {strides = array<i32>} : memref<32x2x64xf32, #tpu.memory_space<vmem>>, vector<1x2x64xf32>,
    %slice3A_540 = vector.extract_strided_slice %dot_general3A_6 {offsets = [0, 8], sizes = [64, 1], strides = [1, 1]} : vector<64x32xf32> to vector<64x1xf32>
    %get3A_541 = arith.constant 8 : index
    %get3A_542 = arith.constant 0 : index
    %get3A_543 = arith.constant 0 : index
    %get3A_544 = vector.load %arg2[%get3A_541, %get3A_542, %get3A_543] : memref<32x2x64xf32, #tpu.memory_space<vmem>>, vector<1x2x64xf32>
    %get3A_545 = vector.shape_cast %get3A_544 : vector<1x2x64xf32> to vector<2x64xf32>
    %get3A_546 = arith.constant 0 : index
    %get3A_547 = arith.constant 0 : index
    %get3A_548 = vector.load %arg5[%get3A_546, %get3A_547] : memref<64x2xf32, #tpu.memory_space<vmem>>, vector<64x2xf32>
    %dot_general3A_549 = arith.constant dense<0.000000e+00> : vector<64x64xf32>
    %dot_general3A_550 = tpu.matmul %get3A_548, %get3A_545, %dot_general3A_549 {dimension_numbers = #tpu.dot_dimension_numbers<[1], [0], [0], [1], [0, 0, 1, 1], [], []>, transpose_lhs_hint = false} : vector<64x2xf32>, vector<2x64xf32>, vector<64x64xf32> -> vector<64x64xf32>
    %add3A_551 = vector.broadcast %slice3A_540 : vector<64x1xf32> to vector<64x64xf32>
    %add3A_552 = arith.addf %dot_general3A_550, %add3A_551 : vector<64x64xf32>
    %reduce_sum3A_553 = arith.constant dense<0.000000e+00> : vector<64xf32>
    %reduce_sum3A_554 = vector.multi_reduction <add>, %add3A_552, %reduce_sum3A_553 [0] : vector<64x64xf32> to vector<64xf32>
    %broadcast_in_dim3A_555 = vector.shape_cast %reduce_sum3A_554 : vector<64xf32> to vector<1x64xf32>
    %div3A_556 = arith.constant 6.400000e+01 : f32
    %div3A_557 = vector.broadcast %div3A_556 : f32 to vector<1x64xf32>
    %div3A_558 = arith.divf %broadcast_in_dim3A_555, %div3A_557 : vector<1x64xf32>
    %sub3A_559 = vector.broadcast %div3A_558 : vector<1x64xf32> to vector<64x64xf32>
    %sub3A_560 = arith.subf %add3A_552, %sub3A_559 : vector<64x64xf32>
    %mul3A_561 = arith.mulf %sub3A_560, %sub3A_560 : vector<64x64xf32>
    %reduce_sum3A_562 = arith.constant dense<0.000000e+00> : vector<64xf32>
    %reduce_sum3A_563 = vector.multi_reduction <add>, %mul3A_561, %reduce_sum3A_562 [0] : vector<64x64xf32> to vector<64xf32>
    %broadcast_in_dim3A_564 = vector.shape_cast %reduce_sum3A_563 : vector<64xf32> to vector<1x64xf32>
    %div3A_565 = arith.constant 6.400000e+01 : f32
    %div3A_566 = vector.broadcast %div3A_565 : f32 to vector<1x64xf32>
    %div3A_567 = arith.divf %broadcast_in_dim3A_564, %div3A_566 : vector<1x64xf32>
    %add3A_568 = arith.constant 9.99999974E-6 : f32
    %add3A_569 = vector.broadcast %add3A_568 : f32 to vector<1x64xf32>
    %add3A_570 = arith.addf %div3A_567, %add3A_569 : vector<1x64xf32>
    %sqrt3A_571 = math.sqrt %add3A_570 : vector<1x64xf32>
    %div3A_572 = vector.broadcast %sqrt3A_571 : vector<1x64xf32> to vector<64x64xf32>
    %div3A_573 = arith.divf %sub3A_560, %div3A_572 : vector<64x64xf32>
    %get3A_574 = arith.constant 0 : index
    %get3A_575 = arith.constant 0 : index
    %get3A_576 = vector.load %arg6[%get3A_574, %get3A_575] : memref<64x1xf32, #tpu.memory_space<vmem>>, vector<64x1xf32>
    %mul3A_577 = vector.broadcast %get3A_576 : vector<64x1xf32> to vector<64x64xf32>
    %mul3A_578 = arith.mulf %div3A_573, %mul3A_577 : vector<64x64xf32>
    %get3A_579 = arith.constant 0 : index
    %get3A_580 = arith.constant 0 : index
    %get3A_581 = vector.load %arg7[%get3A_579, %get3A_580] : memref<64x1xf32, #tpu.memory_space<vmem>>, vector<64x1xf32>
    %add3A_582 = vector.broadcast %get3A_581 : vector<64x1xf32> to vector<64x64xf32>
    %add3A_583 = arith.addf %mul3A_578, %add3A_582 : vector<64x64xf32>
    %ge3A_584 = arith.constant 0.000000e+00 : f32
    %ge3A_585 = vector.broadcast %ge3A_584 : f32 to vector<64x64xf32>
    %ge3A_586 = arith.cmpf oge, %add3A_583, %ge3A_585 : vector<64x64xf32>
    %mul3A_587 = arith.constant 0.00999999977 : f32
    %mul3A_588 = vector.broadcast %mul3A_587 : f32 to vector<64x64xf32>
    %mul3A_589 = arith.mulf %mul3A_588, %add3A_583 : vector<64x64xf32>
    %select_n3A_590 = arith.select %ge3A_586, %add3A_583, %mul3A_589 : vector<64x64xi1>, vector<64x64xf32>
    %get3A_591 = arith.constant 0 : index
    %get3A_592 = arith.constant 0 : index
    %get3A_593 = vector.load %arg8[%get3A_591, %get3A_592] : memref<2x64xf32, #tpu.memory_space<vmem>>, vector<2x64xf32>
    %dot_general3A_594 = arith.constant dense<0.000000e+00> : vector<2x64xf32>
    %dot_general3A_595 = tpu.matmul %get3A_593, %select_n3A_590, %dot_general3A_594 {dimension_numbers = #tpu.dot_dimension_numbers<[1], [0], [0], [1], [0, 0, 1, 1], [], []>, transpose_lhs_hint = false} : vector<2x64xf32>, vector<64x64xf32>, vector<2x64xf32> -> vector<2x64xf32>
    %get3A_596 = arith.constant 8 : index
    %get3A_597 = arith.constant 0 : index
    %get3A_598 = arith.constant 0 : index
    %get3A_599 = vector.load %arg3[%get3A_596, %get3A_597, %get3A_598] : memref<32x2x64xf32, #tpu.memory_space<vmem>>, vector<1x2x64xf32>
    %get3A_600 = vector.shape_cast %get3A_599 : vector<1x2x64xf32> to vector<2x64xf32>
    %add3A_601 = arith.addf %dot_general3A_595, %get3A_600 : vector<2x64xf32>
    %swap3A_602 = arith.constant 8 : index
    %swap3A_603 = arith.constant 0 : index
    %swap3A_604 = arith.constant 0 : index
    %swap3A_605 = vector.load %arg9[%swap3A_602, %swap3A_603, %swap3A_604] : memref<32x2x64xf32, #tpu.memory_space<vmem>>, vector<1x2x64xf32>
    %swap3A_606 = vector.shape_cast %swap3A_605 : vector<1x2x64xf32> to vector<2x64xf32>
    %swap3A_607 = vector.shape_cast %add3A_601 : vector<2x64xf32> to vector<1x2x64xf32>
    tpu.vector_store %arg9[%swap3A_602, %swap3A_603, %swap3A_604], %swap3A_607 {strides = array<i32>} : memref<32x2x64xf32, #tpu.memory_space<vmem>>, vector<1x2x64xf32>,
    %slice3A_608 = vector.extract_strided_slice %dot_general3A_6 {offsets = [0, 9], sizes = [64, 1], strides = [1, 1]} : vector<64x32xf32> to vector<64x1xf32>
    %get3A_609 = arith.constant 9 : index
    %get3A_610 = arith.constant 0 : index
    %get3A_611 = arith.constant 0 : index
    %get3A_612 = vector.load %arg2[%get3A_609, %get3A_610, %get3A_611] : memref<32x2x64xf32, #tpu.memory_space<vmem>>, vector<1x2x64xf32>
    %get3A_613 = vector.shape_cast %get3A_612 : vector<1x2x64xf32> to vector<2x64xf32>
    %get3A_614 = arith.constant 0 : index
    %get3A_615 = arith.constant 0 : index
    %get3A_616 = vector.load %arg5[%get3A_614, %get3A_615] : memref<64x2xf32, #tpu.memory_space<vmem>>, vector<64x2xf32>
    %dot_general3A_617 = arith.constant dense<0.000000e+00> : vector<64x64xf32>
    %dot_general3A_618 = tpu.matmul %get3A_616, %get3A_613, %dot_general3A_617 {dimension_numbers = #tpu.dot_dimension_numbers<[1], [0], [0], [1], [0, 0, 1, 1], [], []>, transpose_lhs_hint = false} : vector<64x2xf32>, vector<2x64xf32>, vector<64x64xf32> -> vector<64x64xf32>
    %add3A_619 = vector.broadcast %slice3A_608 : vector<64x1xf32> to vector<64x64xf32>
    %add3A_620 = arith.addf %dot_general3A_618, %add3A_619 : vector<64x64xf32>
    %reduce_sum3A_621 = arith.constant dense<0.000000e+00> : vector<64xf32>
    %reduce_sum3A_622 = vector.multi_reduction <add>, %add3A_620, %reduce_sum3A_621 [0] : vector<64x64xf32> to vector<64xf32>
    %broadcast_in_dim3A_623 = vector.shape_cast %reduce_sum3A_622 : vector<64xf32> to vector<1x64xf32>
    %div3A_624 = arith.constant 6.400000e+01 : f32
    %div3A_625 = vector.broadcast %div3A_624 : f32 to vector<1x64xf32>
    %div3A_626 = arith.divf %broadcast_in_dim3A_623, %div3A_625 : vector<1x64xf32>
    %sub3A_627 = vector.broadcast %div3A_626 : vector<1x64xf32> to vector<64x64xf32>
    %sub3A_628 = arith.subf %add3A_620, %sub3A_627 : vector<64x64xf32>
    %mul3A_629 = arith.mulf %sub3A_628, %sub3A_628 : vector<64x64xf32>
    %reduce_sum3A_630 = arith.constant dense<0.000000e+00> : vector<64xf32>
    %reduce_sum3A_631 = vector.multi_reduction <add>, %mul3A_629, %reduce_sum3A_630 [0] : vector<64x64xf32> to vector<64xf32>
    %broadcast_in_dim3A_632 = vector.shape_cast %reduce_sum3A_631 : vector<64xf32> to vector<1x64xf32>
    %div3A_633 = arith.constant 6.400000e+01 : f32
    %div3A_634 = vector.broadcast %div3A_633 : f32 to vector<1x64xf32>
    %div3A_635 = arith.divf %broadcast_in_dim3A_632, %div3A_634 : vector<1x64xf32>
    %add3A_636 = arith.constant 9.99999974E-6 : f32
    %add3A_637 = vector.broadcast %add3A_636 : f32 to vector<1x64xf32>
    %add3A_638 = arith.addf %div3A_635, %add3A_637 : vector<1x64xf32>
    %sqrt3A_639 = math.sqrt %add3A_638 : vector<1x64xf32>
    %div3A_640 = vector.broadcast %sqrt3A_639 : vector<1x64xf32> to vector<64x64xf32>
    %div3A_641 = arith.divf %sub3A_628, %div3A_640 : vector<64x64xf32>
    %get3A_642 = arith.constant 0 : index
    %get3A_643 = arith.constant 0 : index
    %get3A_644 = vector.load %arg6[%get3A_642, %get3A_643] : memref<64x1xf32, #tpu.memory_space<vmem>>, vector<64x1xf32>
    %mul3A_645 = vector.broadcast %get3A_644 : vector<64x1xf32> to vector<64x64xf32>
    %mul3A_646 = arith.mulf %div3A_641, %mul3A_645 : vector<64x64xf32>
    %get3A_647 = arith.constant 0 : index
    %get3A_648 = arith.constant 0 : index
    %get3A_649 = vector.load %arg7[%get3A_647, %get3A_648] : memref<64x1xf32, #tpu.memory_space<vmem>>, vector<64x1xf32>
    %add3A_650 = vector.broadcast %get3A_649 : vector<64x1xf32> to vector<64x64xf32>
    %add3A_651 = arith.addf %mul3A_646, %add3A_650 : vector<64x64xf32>
    %ge3A_652 = arith.constant 0.000000e+00 : f32
    %ge3A_653 = vector.broadcast %ge3A_652 : f32 to vector<64x64xf32>
    %ge3A_654 = arith.cmpf oge, %add3A_651, %ge3A_653 : vector<64x64xf32>
    %mul3A_655 = arith.constant 0.00999999977 : f32
    %mul3A_656 = vector.broadcast %mul3A_655 : f32 to vector<64x64xf32>
    %mul3A_657 = arith.mulf %mul3A_656, %add3A_651 : vector<64x64xf32>
    %select_n3A_658 = arith.select %ge3A_654, %add3A_651, %mul3A_657 : vector<64x64xi1>, vector<64x64xf32>
    %get3A_659 = arith.constant 0 : index
    %get3A_660 = arith.constant 0 : index
    %get3A_661 = vector.load %arg8[%get3A_659, %get3A_660] : memref<2x64xf32, #tpu.memory_space<vmem>>, vector<2x64xf32>
    %dot_general3A_662 = arith.constant dense<0.000000e+00> : vector<2x64xf32>
    %dot_general3A_663 = tpu.matmul %get3A_661, %select_n3A_658, %dot_general3A_662 {dimension_numbers = #tpu.dot_dimension_numbers<[1], [0], [0], [1], [0, 0, 1, 1], [], []>, transpose_lhs_hint = false} : vector<2x64xf32>, vector<64x64xf32>, vector<2x64xf32> -> vector<2x64xf32>
    %get3A_664 = arith.constant 9 : index
    %get3A_665 = arith.constant 0 : index
    %get3A_666 = arith.constant 0 : index
    %get3A_667 = vector.load %arg3[%get3A_664, %get3A_665, %get3A_666] : memref<32x2x64xf32, #tpu.memory_space<vmem>>, vector<1x2x64xf32>
    %get3A_668 = vector.shape_cast %get3A_667 : vector<1x2x64xf32> to vector<2x64xf32>
    %add3A_669 = arith.addf %dot_general3A_663, %get3A_668 : vector<2x64xf32>
    %swap3A_670 = arith.constant 9 : index
    %swap3A_671 = arith.constant 0 : index
    %swap3A_672 = arith.constant 0 : index
    %swap3A_673 = vector.load %arg9[%swap3A_670, %swap3A_671, %swap3A_672] : memref<32x2x64xf32, #tpu.memory_space<vmem>>, vector<1x2x64xf32>
    %swap3A_674 = vector.shape_cast %swap3A_673 : vector<1x2x64xf32> to vector<2x64xf32>
    %swap3A_675 = vector.shape_cast %add3A_669 : vector<2x64xf32> to vector<1x2x64xf32>
    tpu.vector_store %arg9[%swap3A_670, %swap3A_671, %swap3A_672], %swap3A_675 {strides = array<i32>} : memref<32x2x64xf32, #tpu.memory_space<vmem>>, vector<1x2x64xf32>,
    %slice3A_676 = vector.extract_strided_slice %dot_general3A_6 {offsets = [0, 10], sizes = [64, 1], strides = [1, 1]} : vector<64x32xf32> to vector<64x1xf32>
    %get3A_677 = arith.constant 10 : index
    %get3A_678 = arith.constant 0 : index
    %get3A_679 = arith.constant 0 : index
    %get3A_680 = vector.load %arg2[%get3A_677, %get3A_678, %get3A_679] : memref<32x2x64xf32, #tpu.memory_space<vmem>>, vector<1x2x64xf32>
    %get3A_681 = vector.shape_cast %get3A_680 : vector<1x2x64xf32> to vector<2x64xf32>
    %get3A_682 = arith.constant 0 : index
    %get3A_683 = arith.constant 0 : index
    %get3A_684 = vector.load %arg5[%get3A_682, %get3A_683] : memref<64x2xf32, #tpu.memory_space<vmem>>, vector<64x2xf32>
    %dot_general3A_685 = arith.constant dense<0.000000e+00> : vector<64x64xf32>
    %dot_general3A_686 = tpu.matmul %get3A_684, %get3A_681, %dot_general3A_685 {dimension_numbers = #tpu.dot_dimension_numbers<[1], [0], [0], [1], [0, 0, 1, 1], [], []>, transpose_lhs_hint = false} : vector<64x2xf32>, vector<2x64xf32>, vector<64x64xf32> -> vector<64x64xf32>
    %add3A_687 = vector.broadcast %slice3A_676 : vector<64x1xf32> to vector<64x64xf32>
    %add3A_688 = arith.addf %dot_general3A_686, %add3A_687 : vector<64x64xf32>
    %reduce_sum3A_689 = arith.constant dense<0.000000e+00> : vector<64xf32>
    %reduce_sum3A_690 = vector.multi_reduction <add>, %add3A_688, %reduce_sum3A_689 [0] : vector<64x64xf32> to vector<64xf32>
    %broadcast_in_dim3A_691 = vector.shape_cast %reduce_sum3A_690 : vector<64xf32> to vector<1x64xf32>
    %div3A_692 = arith.constant 6.400000e+01 : f32
    %div3A_693 = vector.broadcast %div3A_692 : f32 to vector<1x64xf32>
    %div3A_694 = arith.divf %broadcast_in_dim3A_691, %div3A_693 : vector<1x64xf32>
    %sub3A_695 = vector.broadcast %div3A_694 : vector<1x64xf32> to vector<64x64xf32>
    %sub3A_696 = arith.subf %add3A_688, %sub3A_695 : vector<64x64xf32>
    %mul3A_697 = arith.mulf %sub3A_696, %sub3A_696 : vector<64x64xf32>
    %reduce_sum3A_698 = arith.constant dense<0.000000e+00> : vector<64xf32>
    %reduce_sum3A_699 = vector.multi_reduction <add>, %mul3A_697, %reduce_sum3A_698 [0] : vector<64x64xf32> to vector<64xf32>
    %broadcast_in_dim3A_700 = vector.shape_cast %reduce_sum3A_699 : vector<64xf32> to vector<1x64xf32>
    %div3A_701 = arith.constant 6.400000e+01 : f32
    %div3A_702 = vector.broadcast %div3A_701 : f32 to vector<1x64xf32>
    %div3A_703 = arith.divf %broadcast_in_dim3A_700, %div3A_702 : vector<1x64xf32>
    %add3A_704 = arith.constant 9.99999974E-6 : f32
    %add3A_705 = vector.broadcast %add3A_704 : f32 to vector<1x64xf32>
    %add3A_706 = arith.addf %div3A_703, %add3A_705 : vector<1x64xf32>
    %sqrt3A_707 = math.sqrt %add3A_706 : vector<1x64xf32>
    %div3A_708 = vector.broadcast %sqrt3A_707 : vector<1x64xf32> to vector<64x64xf32>
    %div3A_709 = arith.divf %sub3A_696, %div3A_708 : vector<64x64xf32>
    %get3A_710 = arith.constant 0 : index
    %get3A_711 = arith.constant 0 : index
    %get3A_712 = vector.load %arg6[%get3A_710, %get3A_711] : memref<64x1xf32, #tpu.memory_space<vmem>>, vector<64x1xf32>
    %mul3A_713 = vector.broadcast %get3A_712 : vector<64x1xf32> to vector<64x64xf32>
    %mul3A_714 = arith.mulf %div3A_709, %mul3A_713 : vector<64x64xf32>
    %get3A_715 = arith.constant 0 : index
    %get3A_716 = arith.constant 0 : index
    %get3A_717 = vector.load %arg7[%get3A_715, %get3A_716] : memref<64x1xf32, #tpu.memory_space<vmem>>, vector<64x1xf32>
    %add3A_718 = vector.broadcast %get3A_717 : vector<64x1xf32> to vector<64x64xf32>
    %add3A_719 = arith.addf %mul3A_714, %add3A_718 : vector<64x64xf32>
    %ge3A_720 = arith.constant 0.000000e+00 : f32
    %ge3A_721 = vector.broadcast %ge3A_720 : f32 to vector<64x64xf32>
    %ge3A_722 = arith.cmpf oge, %add3A_719, %ge3A_721 : vector<64x64xf32>
    %mul3A_723 = arith.constant 0.00999999977 : f32
    %mul3A_724 = vector.broadcast %mul3A_723 : f32 to vector<64x64xf32>
    %mul3A_725 = arith.mulf %mul3A_724, %add3A_719 : vector<64x64xf32>
    %select_n3A_726 = arith.select %ge3A_722, %add3A_719, %mul3A_725 : vector<64x64xi1>, vector<64x64xf32>
    %get3A_727 = arith.constant 0 : index
    %get3A_728 = arith.constant 0 : index
    %get3A_729 = vector.load %arg8[%get3A_727, %get3A_728] : memref<2x64xf32, #tpu.memory_space<vmem>>, vector<2x64xf32>
    %dot_general3A_730 = arith.constant dense<0.000000e+00> : vector<2x64xf32>
    %dot_general3A_731 = tpu.matmul %get3A_729, %select_n3A_726, %dot_general3A_730 {dimension_numbers = #tpu.dot_dimension_numbers<[1], [0], [0], [1], [0, 0, 1, 1], [], []>, transpose_lhs_hint = false} : vector<2x64xf32>, vector<64x64xf32>, vector<2x64xf32> -> vector<2x64xf32>
    %get3A_732 = arith.constant 10 : index
    %get3A_733 = arith.constant 0 : index
    %get3A_734 = arith.constant 0 : index
    %get3A_735 = vector.load %arg3[%get3A_732, %get3A_733, %get3A_734] : memref<32x2x64xf32, #tpu.memory_space<vmem>>, vector<1x2x64xf32>
    %get3A_736 = vector.shape_cast %get3A_735 : vector<1x2x64xf32> to vector<2x64xf32>
    %add3A_737 = arith.addf %dot_general3A_731, %get3A_736 : vector<2x64xf32>
    %swap3A_738 = arith.constant 10 : index
    %swap3A_739 = arith.constant 0 : index
    %swap3A_740 = arith.constant 0 : index
    %swap3A_741 = vector.load %arg9[%swap3A_738, %swap3A_739, %swap3A_740] : memref<32x2x64xf32, #tpu.memory_space<vmem>>, vector<1x2x64xf32>
    %swap3A_742 = vector.shape_cast %swap3A_741 : vector<1x2x64xf32> to vector<2x64xf32>
    %swap3A_743 = vector.shape_cast %add3A_737 : vector<2x64xf32> to vector<1x2x64xf32>
    tpu.vector_store %arg9[%swap3A_738, %swap3A_739, %swap3A_740], %swap3A_743 {strides = array<i32>} : memref<32x2x64xf32, #tpu.memory_space<vmem>>, vector<1x2x64xf32>,
    %slice3A_744 = vector.extract_strided_slice %dot_general3A_6 {offsets = [0, 11], sizes = [64, 1], strides = [1, 1]} : vector<64x32xf32> to vector<64x1xf32>
    %get3A_745 = arith.constant 11 : index
    %get3A_746 = arith.constant 0 : index
    %get3A_747 = arith.constant 0 : index
    %get3A_748 = vector.load %arg2[%get3A_745, %get3A_746, %get3A_747] : memref<32x2x64xf32, #tpu.memory_space<vmem>>, vector<1x2x64xf32>
    %get3A_749 = vector.shape_cast %get3A_748 : vector<1x2x64xf32> to vector<2x64xf32>
    %get3A_750 = arith.constant 0 : index
    %get3A_751 = arith.constant 0 : index
    %get3A_752 = vector.load %arg5[%get3A_750, %get3A_751] : memref<64x2xf32, #tpu.memory_space<vmem>>, vector<64x2xf32>
    %dot_general3A_753 = arith.constant dense<0.000000e+00> : vector<64x64xf32>
    %dot_general3A_754 = tpu.matmul %get3A_752, %get3A_749, %dot_general3A_753 {dimension_numbers = #tpu.dot_dimension_numbers<[1], [0], [0], [1], [0, 0, 1, 1], [], []>, transpose_lhs_hint = false} : vector<64x2xf32>, vector<2x64xf32>, vector<64x64xf32> -> vector<64x64xf32>
    %add3A_755 = vector.broadcast %slice3A_744 : vector<64x1xf32> to vector<64x64xf32>
    %add3A_756 = arith.addf %dot_general3A_754, %add3A_755 : vector<64x64xf32>
    %reduce_sum3A_757 = arith.constant dense<0.000000e+00> : vector<64xf32>
    %reduce_sum3A_758 = vector.multi_reduction <add>, %add3A_756, %reduce_sum3A_757 [0] : vector<64x64xf32> to vector<64xf32>
    %broadcast_in_dim3A_759 = vector.shape_cast %reduce_sum3A_758 : vector<64xf32> to vector<1x64xf32>
    %div3A_760 = arith.constant 6.400000e+01 : f32
    %div3A_761 = vector.broadcast %div3A_760 : f32 to vector<1x64xf32>
    %div3A_762 = arith.divf %broadcast_in_dim3A_759, %div3A_761 : vector<1x64xf32>
    %sub3A_763 = vector.broadcast %div3A_762 : vector<1x64xf32> to vector<64x64xf32>
    %sub3A_764 = arith.subf %add3A_756, %sub3A_763 : vector<64x64xf32>
    %mul3A_765 = arith.mulf %sub3A_764, %sub3A_764 : vector<64x64xf32>
    %reduce_sum3A_766 = arith.constant dense<0.000000e+00> : vector<64xf32>
    %reduce_sum3A_767 = vector.multi_reduction <add>, %mul3A_765, %reduce_sum3A_766 [0] : vector<64x64xf32> to vector<64xf32>
    %broadcast_in_dim3A_768 = vector.shape_cast %reduce_sum3A_767 : vector<64xf32> to vector<1x64xf32>
    %div3A_769 = arith.constant 6.400000e+01 : f32
    %div3A_770 = vector.broadcast %div3A_769 : f32 to vector<1x64xf32>
    %div3A_771 = arith.divf %broadcast_in_dim3A_768, %div3A_770 : vector<1x64xf32>
    %add3A_772 = arith.constant 9.99999974E-6 : f32
    %add3A_773 = vector.broadcast %add3A_772 : f32 to vector<1x64xf32>
    %add3A_774 = arith.addf %div3A_771, %add3A_773 : vector<1x64xf32>
    %sqrt3A_775 = math.sqrt %add3A_774 : vector<1x64xf32>
    %div3A_776 = vector.broadcast %sqrt3A_775 : vector<1x64xf32> to vector<64x64xf32>
    %div3A_777 = arith.divf %sub3A_764, %div3A_776 : vector<64x64xf32>
    %get3A_778 = arith.constant 0 : index
    %get3A_779 = arith.constant 0 : index
    %get3A_780 = vector.load %arg6[%get3A_778, %get3A_779] : memref<64x1xf32, #tpu.memory_space<vmem>>, vector<64x1xf32>
    %mul3A_781 = vector.broadcast %get3A_780 : vector<64x1xf32> to vector<64x64xf32>
    %mul3A_782 = arith.mulf %div3A_777, %mul3A_781 : vector<64x64xf32>
    %get3A_783 = arith.constant 0 : index
    %get3A_784 = arith.constant 0 : index
    %get3A_785 = vector.load %arg7[%get3A_783, %get3A_784] : memref<64x1xf32, #tpu.memory_space<vmem>>, vector<64x1xf32>
    %add3A_786 = vector.broadcast %get3A_785 : vector<64x1xf32> to vector<64x64xf32>
    %add3A_787 = arith.addf %mul3A_782, %add3A_786 : vector<64x64xf32>
    %ge3A_788 = arith.constant 0.000000e+00 : f32
    %ge3A_789 = vector.broadcast %ge3A_788 : f32 to vector<64x64xf32>
    %ge3A_790 = arith.cmpf oge, %add3A_787, %ge3A_789 : vector<64x64xf32>
    %mul3A_791 = arith.constant 0.00999999977 : f32
    %mul3A_792 = vector.broadcast %mul3A_791 : f32 to vector<64x64xf32>
    %mul3A_793 = arith.mulf %mul3A_792, %add3A_787 : vector<64x64xf32>
    %select_n3A_794 = arith.select %ge3A_790, %add3A_787, %mul3A_793 : vector<64x64xi1>, vector<64x64xf32>
    %get3A_795 = arith.constant 0 : index
    %get3A_796 = arith.constant 0 : index
    %get3A_797 = vector.load %arg8[%get3A_795, %get3A_796] : memref<2x64xf32, #tpu.memory_space<vmem>>, vector<2x64xf32>
    %dot_general3A_798 = arith.constant dense<0.000000e+00> : vector<2x64xf32>
    %dot_general3A_799 = tpu.matmul %get3A_797, %select_n3A_794, %dot_general3A_798 {dimension_numbers = #tpu.dot_dimension_numbers<[1], [0], [0], [1], [0, 0, 1, 1], [], []>, transpose_lhs_hint = false} : vector<2x64xf32>, vector<64x64xf32>, vector<2x64xf32> -> vector<2x64xf32>
    %get3A_800 = arith.constant 11 : index
    %get3A_801 = arith.constant 0 : index
    %get3A_802 = arith.constant 0 : index
    %get3A_803 = vector.load %arg3[%get3A_800, %get3A_801, %get3A_802] : memref<32x2x64xf32, #tpu.memory_space<vmem>>, vector<1x2x64xf32>
    %get3A_804 = vector.shape_cast %get3A_803 : vector<1x2x64xf32> to vector<2x64xf32>
    %add3A_805 = arith.addf %dot_general3A_799, %get3A_804 : vector<2x64xf32>
    %swap3A_806 = arith.constant 11 : index
    %swap3A_807 = arith.constant 0 : index
    %swap3A_808 = arith.constant 0 : index
    %swap3A_809 = vector.load %arg9[%swap3A_806, %swap3A_807, %swap3A_808] : memref<32x2x64xf32, #tpu.memory_space<vmem>>, vector<1x2x64xf32>
    %swap3A_810 = vector.shape_cast %swap3A_809 : vector<1x2x64xf32> to vector<2x64xf32>
    %swap3A_811 = vector.shape_cast %add3A_805 : vector<2x64xf32> to vector<1x2x64xf32>
    tpu.vector_store %arg9[%swap3A_806, %swap3A_807, %swap3A_808], %swap3A_811 {strides = array<i32>} : memref<32x2x64xf32, #tpu.memory_space<vmem>>, vector<1x2x64xf32>,
    %slice3A_812 = vector.extract_strided_slice %dot_general3A_6 {offsets = [0, 12], sizes = [64, 1], strides = [1, 1]} : vector<64x32xf32> to vector<64x1xf32>
    %get3A_813 = arith.constant 12 : index
    %get3A_814 = arith.constant 0 : index
    %get3A_815 = arith.constant 0 : index
    %get3A_816 = vector.load %arg2[%get3A_813, %get3A_814, %get3A_815] : memref<32x2x64xf32, #tpu.memory_space<vmem>>, vector<1x2x64xf32>
    %get3A_817 = vector.shape_cast %get3A_816 : vector<1x2x64xf32> to vector<2x64xf32>
    %get3A_818 = arith.constant 0 : index
    %get3A_819 = arith.constant 0 : index
    %get3A_820 = vector.load %arg5[%get3A_818, %get3A_819] : memref<64x2xf32, #tpu.memory_space<vmem>>, vector<64x2xf32>
    %dot_general3A_821 = arith.constant dense<0.000000e+00> : vector<64x64xf32>
    %dot_general3A_822 = tpu.matmul %get3A_820, %get3A_817, %dot_general3A_821 {dimension_numbers = #tpu.dot_dimension_numbers<[1], [0], [0], [1], [0, 0, 1, 1], [], []>, transpose_lhs_hint = false} : vector<64x2xf32>, vector<2x64xf32>, vector<64x64xf32> -> vector<64x64xf32>
    %add3A_823 = vector.broadcast %slice3A_812 : vector<64x1xf32> to vector<64x64xf32>
    %add3A_824 = arith.addf %dot_general3A_822, %add3A_823 : vector<64x64xf32>
    %reduce_sum3A_825 = arith.constant dense<0.000000e+00> : vector<64xf32>
    %reduce_sum3A_826 = vector.multi_reduction <add>, %add3A_824, %reduce_sum3A_825 [0] : vector<64x64xf32> to vector<64xf32>
    %broadcast_in_dim3A_827 = vector.shape_cast %reduce_sum3A_826 : vector<64xf32> to vector<1x64xf32>
    %div3A_828 = arith.constant 6.400000e+01 : f32
    %div3A_829 = vector.broadcast %div3A_828 : f32 to vector<1x64xf32>
    %div3A_830 = arith.divf %broadcast_in_dim3A_827, %div3A_829 : vector<1x64xf32>
    %sub3A_831 = vector.broadcast %div3A_830 : vector<1x64xf32> to vector<64x64xf32>
    %sub3A_832 = arith.subf %add3A_824, %sub3A_831 : vector<64x64xf32>
    %mul3A_833 = arith.mulf %sub3A_832, %sub3A_832 : vector<64x64xf32>
    %reduce_sum3A_834 = arith.constant dense<0.000000e+00> : vector<64xf32>
    %reduce_sum3A_835 = vector.multi_reduction <add>, %mul3A_833, %reduce_sum3A_834 [0] : vector<64x64xf32> to vector<64xf32>
    %broadcast_in_dim3A_836 = vector.shape_cast %reduce_sum3A_835 : vector<64xf32> to vector<1x64xf32>
    %div3A_837 = arith.constant 6.400000e+01 : f32
    %div3A_838 = vector.broadcast %div3A_837 : f32 to vector<1x64xf32>
    %div3A_839 = arith.divf %broadcast_in_dim3A_836, %div3A_838 : vector<1x64xf32>
    %add3A_840 = arith.constant 9.99999974E-6 : f32
    %add3A_841 = vector.broadcast %add3A_840 : f32 to vector<1x64xf32>
    %add3A_842 = arith.addf %div3A_839, %add3A_841 : vector<1x64xf32>
    %sqrt3A_843 = math.sqrt %add3A_842 : vector<1x64xf32>
    %div3A_844 = vector.broadcast %sqrt3A_843 : vector<1x64xf32> to vector<64x64xf32>
    %div3A_845 = arith.divf %sub3A_832, %div3A_844 : vector<64x64xf32>
    %get3A_846 = arith.constant 0 : index
    %get3A_847 = arith.constant 0 : index
    %get3A_848 = vector.load %arg6[%get3A_846, %get3A_847] : memref<64x1xf32, #tpu.memory_space<vmem>>, vector<64x1xf32>
    %mul3A_849 = vector.broadcast %get3A_848 : vector<64x1xf32> to vector<64x64xf32>
    %mul3A_850 = arith.mulf %div3A_845, %mul3A_849 : vector<64x64xf32>
    %get3A_851 = arith.constant 0 : index
    %get3A_852 = arith.constant 0 : index
    %get3A_853 = vector.load %arg7[%get3A_851, %get3A_852] : memref<64x1xf32, #tpu.memory_space<vmem>>, vector<64x1xf32>
    %add3A_854 = vector.broadcast %get3A_853 : vector<64x1xf32> to vector<64x64xf32>
    %add3A_855 = arith.addf %mul3A_850, %add3A_854 : vector<64x64xf32>
    %ge3A_856 = arith.constant 0.000000e+00 : f32
    %ge3A_857 = vector.broadcast %ge3A_856 : f32 to vector<64x64xf32>
    %ge3A_858 = arith.cmpf oge, %add3A_855, %ge3A_857 : vector<64x64xf32>
    %mul3A_859 = arith.constant 0.00999999977 : f32
    %mul3A_860 = vector.broadcast %mul3A_859 : f32 to vector<64x64xf32>
    %mul3A_861 = arith.mulf %mul3A_860, %add3A_855 : vector<64x64xf32>
    %select_n3A_862 = arith.select %ge3A_858, %add3A_855, %mul3A_861 : vector<64x64xi1>, vector<64x64xf32>
    %get3A_863 = arith.constant 0 : index
    %get3A_864 = arith.constant 0 : index
    %get3A_865 = vector.load %arg8[%get3A_863, %get3A_864] : memref<2x64xf32, #tpu.memory_space<vmem>>, vector<2x64xf32>
    %dot_general3A_866 = arith.constant dense<0.000000e+00> : vector<2x64xf32>
    %dot_general3A_867 = tpu.matmul %get3A_865, %select_n3A_862, %dot_general3A_866 {dimension_numbers = #tpu.dot_dimension_numbers<[1], [0], [0], [1], [0, 0, 1, 1], [], []>, transpose_lhs_hint = false} : vector<2x64xf32>, vector<64x64xf32>, vector<2x64xf32> -> vector<2x64xf32>
    %get3A_868 = arith.constant 12 : index
    %get3A_869 = arith.constant 0 : index
    %get3A_870 = arith.constant 0 : index
    %get3A_871 = vector.load %arg3[%get3A_868, %get3A_869, %get3A_870] : memref<32x2x64xf32, #tpu.memory_space<vmem>>, vector<1x2x64xf32>
    %get3A_872 = vector.shape_cast %get3A_871 : vector<1x2x64xf32> to vector<2x64xf32>
    %add3A_873 = arith.addf %dot_general3A_867, %get3A_872 : vector<2x64xf32>
    %swap3A_874 = arith.constant 12 : index
    %swap3A_875 = arith.constant 0 : index
    %swap3A_876 = arith.constant 0 : index
    %swap3A_877 = vector.load %arg9[%swap3A_874, %swap3A_875, %swap3A_876] : memref<32x2x64xf32, #tpu.memory_space<vmem>>, vector<1x2x64xf32>
    %swap3A_878 = vector.shape_cast %swap3A_877 : vector<1x2x64xf32> to vector<2x64xf32>
    %swap3A_879 = vector.shape_cast %add3A_873 : vector<2x64xf32> to vector<1x2x64xf32>
    tpu.vector_store %arg9[%swap3A_874, %swap3A_875, %swap3A_876], %swap3A_879 {strides = array<i32>} : memref<32x2x64xf32, #tpu.memory_space<vmem>>, vector<1x2x64xf32>,
    %slice3A_880 = vector.extract_strided_slice %dot_general3A_6 {offsets = [0, 13], sizes = [64, 1], strides = [1, 1]} : vector<64x32xf32> to vector<64x1xf32>
    %get3A_881 = arith.constant 13 : index
    %get3A_882 = arith.constant 0 : index
    %get3A_883 = arith.constant 0 : index
    %get3A_884 = vector.load %arg2[%get3A_881, %get3A_882, %get3A_883] : memref<32x2x64xf32, #tpu.memory_space<vmem>>, vector<1x2x64xf32>
    %get3A_885 = vector.shape_cast %get3A_884 : vector<1x2x64xf32> to vector<2x64xf32>
    %get3A_886 = arith.constant 0 : index
    %get3A_887 = arith.constant 0 : index
    %get3A_888 = vector.load %arg5[%get3A_886, %get3A_887] : memref<64x2xf32, #tpu.memory_space<vmem>>, vector<64x2xf32>
    %dot_general3A_889 = arith.constant dense<0.000000e+00> : vector<64x64xf32>
    %dot_general3A_890 = tpu.matmul %get3A_888, %get3A_885, %dot_general3A_889 {dimension_numbers = #tpu.dot_dimension_numbers<[1], [0], [0], [1], [0, 0, 1, 1], [], []>, transpose_lhs_hint = false} : vector<64x2xf32>, vector<2x64xf32>, vector<64x64xf32> -> vector<64x64xf32>
    %add3A_891 = vector.broadcast %slice3A_880 : vector<64x1xf32> to vector<64x64xf32>
    %add3A_892 = arith.addf %dot_general3A_890, %add3A_891 : vector<64x64xf32>
    %reduce_sum3A_893 = arith.constant dense<0.000000e+00> : vector<64xf32>
    %reduce_sum3A_894 = vector.multi_reduction <add>, %add3A_892, %reduce_sum3A_893 [0] : vector<64x64xf32> to vector<64xf32>
    %broadcast_in_dim3A_895 = vector.shape_cast %reduce_sum3A_894 : vector<64xf32> to vector<1x64xf32>
    %div3A_896 = arith.constant 6.400000e+01 : f32
    %div3A_897 = vector.broadcast %div3A_896 : f32 to vector<1x64xf32>
    %div3A_898 = arith.divf %broadcast_in_dim3A_895, %div3A_897 : vector<1x64xf32>
    %sub3A_899 = vector.broadcast %div3A_898 : vector<1x64xf32> to vector<64x64xf32>
    %sub3A_900 = arith.subf %add3A_892, %sub3A_899 : vector<64x64xf32>
    %mul3A_901 = arith.mulf %sub3A_900, %sub3A_900 : vector<64x64xf32>
    %reduce_sum3A_902 = arith.constant dense<0.000000e+00> : vector<64xf32>
    %reduce_sum3A_903 = vector.multi_reduction <add>, %mul3A_901, %reduce_sum3A_902 [0] : vector<64x64xf32> to vector<64xf32>
    %broadcast_in_dim3A_904 = vector.shape_cast %reduce_sum3A_903 : vector<64xf32> to vector<1x64xf32>
    %div3A_905 = arith.constant 6.400000e+01 : f32
    %div3A_906 = vector.broadcast %div3A_905 : f32 to vector<1x64xf32>
    %div3A_907 = arith.divf %broadcast_in_dim3A_904, %div3A_906 : vector<1x64xf32>
    %add3A_908 = arith.constant 9.99999974E-6 : f32
    %add3A_909 = vector.broadcast %add3A_908 : f32 to vector<1x64xf32>
    %add3A_910 = arith.addf %div3A_907, %add3A_909 : vector<1x64xf32>
    %sqrt3A_911 = math.sqrt %add3A_910 : vector<1x64xf32>
    %div3A_912 = vector.broadcast %sqrt3A_911 : vector<1x64xf32> to vector<64x64xf32>
    %div3A_913 = arith.divf %sub3A_900, %div3A_912 : vector<64x64xf32>
    %get3A_914 = arith.constant 0 : index
    %get3A_915 = arith.constant 0 : index
    %get3A_916 = vector.load %arg6[%get3A_914, %get3A_915] : memref<64x1xf32, #tpu.memory_space<vmem>>, vector<64x1xf32>
    %mul3A_917 = vector.broadcast %get3A_916 : vector<64x1xf32> to vector<64x64xf32>
    %mul3A_918 = arith.mulf %div3A_913, %mul3A_917 : vector<64x64xf32>
    %get3A_919 = arith.constant 0 : index
    %get3A_920 = arith.constant 0 : index
    %get3A_921 = vector.load %arg7[%get3A_919, %get3A_920] : memref<64x1xf32, #tpu.memory_space<vmem>>, vector<64x1xf32>
    %add3A_922 = vector.broadcast %get3A_921 : vector<64x1xf32> to vector<64x64xf32>
    %add3A_923 = arith.addf %mul3A_918, %add3A_922 : vector<64x64xf32>
    %ge3A_924 = arith.constant 0.000000e+00 : f32
    %ge3A_925 = vector.broadcast %ge3A_924 : f32 to vector<64x64xf32>
    %ge3A_926 = arith.cmpf oge, %add3A_923, %ge3A_925 : vector<64x64xf32>
    %mul3A_927 = arith.constant 0.00999999977 : f32
    %mul3A_928 = vector.broadcast %mul3A_927 : f32 to vector<64x64xf32>
    %mul3A_929 = arith.mulf %mul3A_928, %add3A_923 : vector<64x64xf32>
    %select_n3A_930 = arith.select %ge3A_926, %add3A_923, %mul3A_929 : vector<64x64xi1>, vector<64x64xf32>
    %get3A_931 = arith.constant 0 : index
    %get3A_932 = arith.constant 0 : index
    %get3A_933 = vector.load %arg8[%get3A_931, %get3A_932] : memref<2x64xf32, #tpu.memory_space<vmem>>, vector<2x64xf32>
    %dot_general3A_934 = arith.constant dense<0.000000e+00> : vector<2x64xf32>
    %dot_general3A_935 = tpu.matmul %get3A_933, %select_n3A_930, %dot_general3A_934 {dimension_numbers = #tpu.dot_dimension_numbers<[1], [0], [0], [1], [0, 0, 1, 1], [], []>, transpose_lhs_hint = false} : vector<2x64xf32>, vector<64x64xf32>, vector<2x64xf32> -> vector<2x64xf32>
    %get3A_936 = arith.constant 13 : index
    %get3A_937 = arith.constant 0 : index
    %get3A_938 = arith.constant 0 : index
    %get3A_939 = vector.load %arg3[%get3A_936, %get3A_937, %get3A_938] : memref<32x2x64xf32, #tpu.memory_space<vmem>>, vector<1x2x64xf32>
    %get3A_940 = vector.shape_cast %get3A_939 : vector<1x2x64xf32> to vector<2x64xf32>
    %add3A_941 = arith.addf %dot_general3A_935, %get3A_940 : vector<2x64xf32>
    %swap3A_942 = arith.constant 13 : index
    %swap3A_943 = arith.constant 0 : index
    %swap3A_944 = arith.constant 0 : index
    %swap3A_945 = vector.load %arg9[%swap3A_942, %swap3A_943, %swap3A_944] : memref<32x2x64xf32, #tpu.memory_space<vmem>>, vector<1x2x64xf32>
    %swap3A_946 = vector.shape_cast %swap3A_945 : vector<1x2x64xf32> to vector<2x64xf32>
    %swap3A_947 = vector.shape_cast %add3A_941 : vector<2x64xf32> to vector<1x2x64xf32>
    tpu.vector_store %arg9[%swap3A_942, %swap3A_943, %swap3A_944], %swap3A_947 {strides = array<i32>} : memref<32x2x64xf32, #tpu.memory_space<vmem>>, vector<1x2x64xf32>,
    %slice3A_948 = vector.extract_strided_slice %dot_general3A_6 {offsets = [0, 14], sizes = [64, 1], strides = [1, 1]} : vector<64x32xf32> to vector<64x1xf32>
    %get3A_949 = arith.constant 14 : index
    %get3A_950 = arith.constant 0 : index
    %get3A_951 = arith.constant 0 : index
    %get3A_952 = vector.load %arg2[%get3A_949, %get3A_950, %get3A_951] : memref<32x2x64xf32, #tpu.memory_space<vmem>>, vector<1x2x64xf32>
    %get3A_953 = vector.shape_cast %get3A_952 : vector<1x2x64xf32> to vector<2x64xf32>
    %get3A_954 = arith.constant 0 : index
    %get3A_955 = arith.constant 0 : index
    %get3A_956 = vector.load %arg5[%get3A_954, %get3A_955] : memref<64x2xf32, #tpu.memory_space<vmem>>, vector<64x2xf32>
    %dot_general3A_957 = arith.constant dense<0.000000e+00> : vector<64x64xf32>
    %dot_general3A_958 = tpu.matmul %get3A_956, %get3A_953, %dot_general3A_957 {dimension_numbers = #tpu.dot_dimension_numbers<[1], [0], [0], [1], [0, 0, 1, 1], [], []>, transpose_lhs_hint = false} : vector<64x2xf32>, vector<2x64xf32>, vector<64x64xf32> -> vector<64x64xf32>
    %add3A_959 = vector.broadcast %slice3A_948 : vector<64x1xf32> to vector<64x64xf32>
    %add3A_960 = arith.addf %dot_general3A_958, %add3A_959 : vector<64x64xf32>
    %reduce_sum3A_961 = arith.constant dense<0.000000e+00> : vector<64xf32>
    %reduce_sum3A_962 = vector.multi_reduction <add>, %add3A_960, %reduce_sum3A_961 [0] : vector<64x64xf32> to vector<64xf32>
    %broadcast_in_dim3A_963 = vector.shape_cast %reduce_sum3A_962 : vector<64xf32> to vector<1x64xf32>
    %div3A_964 = arith.constant 6.400000e+01 : f32
    %div3A_965 = vector.broadcast %div3A_964 : f32 to vector<1x64xf32>
    %div3A_966 = arith.divf %broadcast_in_dim3A_963, %div3A_965 : vector<1x64xf32>
    %sub3A_967 = vector.broadcast %div3A_966 : vector<1x64xf32> to vector<64x64xf32>
    %sub3A_968 = arith.subf %add3A_960, %sub3A_967 : vector<64x64xf32>
    %mul3A_969 = arith.mulf %sub3A_968, %sub3A_968 : vector<64x64xf32>
    %reduce_sum3A_970 = arith.constant dense<0.000000e+00> : vector<64xf32>
    %reduce_sum3A_971 = vector.multi_reduction <add>, %mul3A_969, %reduce_sum3A_970 [0] : vector<64x64xf32> to vector<64xf32>
    %broadcast_in_dim3A_972 = vector.shape_cast %reduce_sum3A_971 : vector<64xf32> to vector<1x64xf32>
    %div3A_973 = arith.constant 6.400000e+01 : f32
    %div3A_974 = vector.broadcast %div3A_973 : f32 to vector<1x64xf32>
    %div3A_975 = arith.divf %broadcast_in_dim3A_972, %div3A_974 : vector<1x64xf32>
    %add3A_976 = arith.constant 9.99999974E-6 : f32
    %add3A_977 = vector.broadcast %add3A_976 : f32 to vector<1x64xf32>
    %add3A_978 = arith.addf %div3A_975, %add3A_977 : vector<1x64xf32>
    %sqrt3A_979 = math.sqrt %add3A_978 : vector<1x64xf32>
    %div3A_980 = vector.broadcast %sqrt3A_979 : vector<1x64xf32> to vector<64x64xf32>
    %div3A_981 = arith.divf %sub3A_968, %div3A_980 : vector<64x64xf32>
    %get3A_982 = arith.constant 0 : index
    %get3A_983 = arith.constant 0 : index
    %get3A_984 = vector.load %arg6[%get3A_982, %get3A_983] : memref<64x1xf32, #tpu.memory_space<vmem>>, vector<64x1xf32>
    %mul3A_985 = vector.broadcast %get3A_984 : vector<64x1xf32> to vector<64x64xf32>
    %mul3A_986 = arith.mulf %div3A_981, %mul3A_985 : vector<64x64xf32>
    %get3A_987 = arith.constant 0 : index
    %get3A_988 = arith.constant 0 : index
    %get3A_989 = vector.load %arg7[%get3A_987, %get3A_988] : memref<64x1xf32, #tpu.memory_space<vmem>>, vector<64x1xf32>
    %add3A_990 = vector.broadcast %get3A_989 : vector<64x1xf32> to vector<64x64xf32>
    %add3A_991 = arith.addf %mul3A_986, %add3A_990 : vector<64x64xf32>
    %ge3A_992 = arith.constant 0.000000e+00 : f32
    %ge3A_993 = vector.broadcast %ge3A_992 : f32 to vector<64x64xf32>
    %ge3A_994 = arith.cmpf oge, %add3A_991, %ge3A_993 : vector<64x64xf32>
    %mul3A_995 = arith.constant 0.00999999977 : f32
    %mul3A_996 = vector.broadcast %mul3A_995 : f32 to vector<64x64xf32>
    %mul3A_997 = arith.mulf %mul3A_996, %add3A_991 : vector<64x64xf32>
    %select_n3A_998 = arith.select %ge3A_994, %add3A_991, %mul3A_997 : vector<64x64xi1>, vector<64x64xf32>
    %get3A_999 = arith.constant 0 : index
    %get3A_1000 = arith.constant 0 : index
    %get3A_1001 = vector.load %arg8[%get3A_999, %get3A_1000] : memref<2x64xf32, #tpu.memory_space<vmem>>, vector<2x64xf32>
    %dot_general3A_1002 = arith.constant dense<0.000000e+00> : vector<2x64xf32>
    %dot_general3A_1003 = tpu.matmul %get3A_1001, %select_n3A_998, %dot_general3A_1002 {dimension_numbers = #tpu.dot_dimension_numbers<[1], [0], [0], [1], [0, 0, 1, 1], [], []>, transpose_lhs_hint = false} : vector<2x64xf32>, vector<64x64xf32>, vector<2x64xf32> -> vector<2x64xf32>
    %get3A_1004 = arith.constant 14 : index
    %get3A_1005 = arith.constant 0 : index
    %get3A_1006 = arith.constant 0 : index
    %get3A_1007 = vector.load %arg3[%get3A_1004, %get3A_1005, %get3A_1006] : memref<32x2x64xf32, #tpu.memory_space<vmem>>, vector<1x2x64xf32>
    %get3A_1008 = vector.shape_cast %get3A_1007 : vector<1x2x64xf32> to vector<2x64xf32>
    %add3A_1009 = arith.addf %dot_general3A_1003, %get3A_1008 : vector<2x64xf32>
    %swap3A_1010 = arith.constant 14 : index
    %swap3A_1011 = arith.constant 0 : index
    %swap3A_1012 = arith.constant 0 : index
    %swap3A_1013 = vector.load %arg9[%swap3A_1010, %swap3A_1011, %swap3A_1012] : memref<32x2x64xf32, #tpu.memory_space<vmem>>, vector<1x2x64xf32>
    %swap3A_1014 = vector.shape_cast %swap3A_1013 : vector<1x2x64xf32> to vector<2x64xf32>
    %swap3A_1015 = vector.shape_cast %add3A_1009 : vector<2x64xf32> to vector<1x2x64xf32>
    tpu.vector_store %arg9[%swap3A_1010, %swap3A_1011, %swap3A_1012], %swap3A_1015 {strides = array<i32>} : memref<32x2x64xf32, #tpu.memory_space<vmem>>, vector<1x2x64xf32>,
    %slice3A_1016 = vector.extract_strided_slice %dot_general3A_6 {offsets = [0, 15], sizes = [64, 1], strides = [1, 1]} : vector<64x32xf32> to vector<64x1xf32>
    %get3A_1017 = arith.constant 15 : index
    %get3A_1018 = arith.constant 0 : index
    %get3A_1019 = arith.constant 0 : index
    %get3A_1020 = vector.load %arg2[%get3A_1017, %get3A_1018, %get3A_1019] : memref<32x2x64xf32, #tpu.memory_space<vmem>>, vector<1x2x64xf32>
    %get3A_1021 = vector.shape_cast %get3A_1020 : vector<1x2x64xf32> to vector<2x64xf32>
    %get3A_1022 = arith.constant 0 : index
    %get3A_1023 = arith.constant 0 : index
    %get3A_1024 = vector.load %arg5[%get3A_1022, %get3A_1023] : memref<64x2xf32, #tpu.memory_space<vmem>>, vector<64x2xf32>
    %dot_general3A_1025 = arith.constant dense<0.000000e+00> : vector<64x64xf32>
    %dot_general3A_1026 = tpu.matmul %get3A_1024, %get3A_1021, %dot_general3A_1025 {dimension_numbers = #tpu.dot_dimension_numbers<[1], [0], [0], [1], [0, 0, 1, 1], [], []>, transpose_lhs_hint = false} : vector<64x2xf32>, vector<2x64xf32>, vector<64x64xf32> -> vector<64x64xf32>
    %add3A_1027 = vector.broadcast %slice3A_1016 : vector<64x1xf32> to vector<64x64xf32>
    %add3A_1028 = arith.addf %dot_general3A_1026, %add3A_1027 : vector<64x64xf32>
    %reduce_sum3A_1029 = arith.constant dense<0.000000e+00> : vector<64xf32>
    %reduce_sum3A_1030 = vector.multi_reduction <add>, %add3A_1028, %reduce_sum3A_1029 [0] : vector<64x64xf32> to vector<64xf32>
    %broadcast_in_dim3A_1031 = vector.shape_cast %reduce_sum3A_1030 : vector<64xf32> to vector<1x64xf32>
    %div3A_1032 = arith.constant 6.400000e+01 : f32
    %div3A_1033 = vector.broadcast %div3A_1032 : f32 to vector<1x64xf32>
    %div3A_1034 = arith.divf %broadcast_in_dim3A_1031, %div3A_1033 : vector<1x64xf32>
    %sub3A_1035 = vector.broadcast %div3A_1034 : vector<1x64xf32> to vector<64x64xf32>
    %sub3A_1036 = arith.subf %add3A_1028, %sub3A_1035 : vector<64x64xf32>
    %mul3A_1037 = arith.mulf %sub3A_1036, %sub3A_1036 : vector<64x64xf32>
    %reduce_sum3A_1038 = arith.constant dense<0.000000e+00> : vector<64xf32>
    %reduce_sum3A_1039 = vector.multi_reduction <add>, %mul3A_1037, %reduce_sum3A_1038 [0] : vector<64x64xf32> to vector<64xf32>
    %broadcast_in_dim3A_1040 = vector.shape_cast %reduce_sum3A_1039 : vector<64xf32> to vector<1x64xf32>
    %div3A_1041 = arith.constant 6.400000e+01 : f32
    %div3A_1042 = vector.broadcast %div3A_1041 : f32 to vector<1x64xf32>
    %div3A_1043 = arith.divf %broadcast_in_dim3A_1040, %div3A_1042 : vector<1x64xf32>
    %add3A_1044 = arith.constant 9.99999974E-6 : f32
    %add3A_1045 = vector.broadcast %add3A_1044 : f32 to vector<1x64xf32>
    %add3A_1046 = arith.addf %div3A_1043, %add3A_1045 : vector<1x64xf32>
    %sqrt3A_1047 = math.sqrt %add3A_1046 : vector<1x64xf32>
    %div3A_1048 = vector.broadcast %sqrt3A_1047 : vector<1x64xf32> to vector<64x64xf32>
    %div3A_1049 = arith.divf %sub3A_1036, %div3A_1048 : vector<64x64xf32>
    %get3A_1050 = arith.constant 0 : index
    %get3A_1051 = arith.constant 0 : index
    %get3A_1052 = vector.load %arg6[%get3A_1050, %get3A_1051] : memref<64x1xf32, #tpu.memory_space<vmem>>, vector<64x1xf32>
    %mul3A_1053 = vector.broadcast %get3A_1052 : vector<64x1xf32> to vector<64x64xf32>
    %mul3A_1054 = arith.mulf %div3A_1049, %mul3A_1053 : vector<64x64xf32>
    %get3A_1055 = arith.constant 0 : index
    %get3A_1056 = arith.constant 0 : index
    %get3A_1057 = vector.load %arg7[%get3A_1055, %get3A_1056] : memref<64x1xf32, #tpu.memory_space<vmem>>, vector<64x1xf32>
    %add3A_1058 = vector.broadcast %get3A_1057 : vector<64x1xf32> to vector<64x64xf32>
    %add3A_1059 = arith.addf %mul3A_1054, %add3A_1058 : vector<64x64xf32>
    %ge3A_1060 = arith.constant 0.000000e+00 : f32
    %ge3A_1061 = vector.broadcast %ge3A_1060 : f32 to vector<64x64xf32>
    %ge3A_1062 = arith.cmpf oge, %add3A_1059, %ge3A_1061 : vector<64x64xf32>
    %mul3A_1063 = arith.constant 0.00999999977 : f32
    %mul3A_1064 = vector.broadcast %mul3A_1063 : f32 to vector<64x64xf32>
    %mul3A_1065 = arith.mulf %mul3A_1064, %add3A_1059 : vector<64x64xf32>
    %select_n3A_1066 = arith.select %ge3A_1062, %add3A_1059, %mul3A_1065 : vector<64x64xi1>, vector<64x64xf32>
    %get3A_1067 = arith.constant 0 : index
    %get3A_1068 = arith.constant 0 : index
    %get3A_1069 = vector.load %arg8[%get3A_1067, %get3A_1068] : memref<2x64xf32, #tpu.memory_space<vmem>>, vector<2x64xf32>
    %dot_general3A_1070 = arith.constant dense<0.000000e+00> : vector<2x64xf32>
    %dot_general3A_1071 = tpu.matmul %get3A_1069, %select_n3A_1066, %dot_general3A_1070 {dimension_numbers = #tpu.dot_dimension_numbers<[1], [0], [0], [1], [0, 0, 1, 1], [], []>, transpose_lhs_hint = false} : vector<2x64xf32>, vector<64x64xf32>, vector<2x64xf32> -> vector<2x64xf32>
    %get3A_1072 = arith.constant 15 : index
    %get3A_1073 = arith.constant 0 : index
    %get3A_1074 = arith.constant 0 : index
    %get3A_1075 = vector.load %arg3[%get3A_1072, %get3A_1073, %get3A_1074] : memref<32x2x64xf32, #tpu.memory_space<vmem>>, vector<1x2x64xf32>
    %get3A_1076 = vector.shape_cast %get3A_1075 : vector<1x2x64xf32> to vector<2x64xf32>
    %add3A_1077 = arith.addf %dot_general3A_1071, %get3A_1076 : vector<2x64xf32>
    %swap3A_1078 = arith.constant 15 : index
    %swap3A_1079 = arith.constant 0 : index
    %swap3A_1080 = arith.constant 0 : index
    %swap3A_1081 = vector.load %arg9[%swap3A_1078, %swap3A_1079, %swap3A_1080] : memref<32x2x64xf32, #tpu.memory_space<vmem>>, vector<1x2x64xf32>
    %swap3A_1082 = vector.shape_cast %swap3A_1081 : vector<1x2x64xf32> to vector<2x64xf32>
    %swap3A_1083 = vector.shape_cast %add3A_1077 : vector<2x64xf32> to vector<1x2x64xf32>
    tpu.vector_store %arg9[%swap3A_1078, %swap3A_1079, %swap3A_1080], %swap3A_1083 {strides = array<i32>} : memref<32x2x64xf32, #tpu.memory_space<vmem>>, vector<1x2x64xf32>,
    %slice3A_1084 = vector.extract_strided_slice %dot_general3A_6 {offsets = [0, 16], sizes = [64, 1], strides = [1, 1]} : vector<64x32xf32> to vector<64x1xf32>
    %get3A_1085 = arith.constant 16 : index
    %get3A_1086 = arith.constant 0 : index
    %get3A_1087 = arith.constant 0 : index
    %get3A_1088 = vector.load %arg2[%get3A_1085, %get3A_1086, %get3A_1087] : memref<32x2x64xf32, #tpu.memory_space<vmem>>, vector<1x2x64xf32>
    %get3A_1089 = vector.shape_cast %get3A_1088 : vector<1x2x64xf32> to vector<2x64xf32>
    %get3A_1090 = arith.constant 0 : index
    %get3A_1091 = arith.constant 0 : index
    %get3A_1092 = vector.load %arg5[%get3A_1090, %get3A_1091] : memref<64x2xf32, #tpu.memory_space<vmem>>, vector<64x2xf32>
    %dot_general3A_1093 = arith.constant dense<0.000000e+00> : vector<64x64xf32>
    %dot_general3A_1094 = tpu.matmul %get3A_1092, %get3A_1089, %dot_general3A_1093 {dimension_numbers = #tpu.dot_dimension_numbers<[1], [0], [0], [1], [0, 0, 1, 1], [], []>, transpose_lhs_hint = false} : vector<64x2xf32>, vector<2x64xf32>, vector<64x64xf32> -> vector<64x64xf32>
    %add3A_1095 = vector.broadcast %slice3A_1084 : vector<64x1xf32> to vector<64x64xf32>
    %add3A_1096 = arith.addf %dot_general3A_1094, %add3A_1095 : vector<64x64xf32>
    %reduce_sum3A_1097 = arith.constant dense<0.000000e+00> : vector<64xf32>
    %reduce_sum3A_1098 = vector.multi_reduction <add>, %add3A_1096, %reduce_sum3A_1097 [0] : vector<64x64xf32> to vector<64xf32>
    %broadcast_in_dim3A_1099 = vector.shape_cast %reduce_sum3A_1098 : vector<64xf32> to vector<1x64xf32>
    %div3A_1100 = arith.constant 6.400000e+01 : f32
    %div3A_1101 = vector.broadcast %div3A_1100 : f32 to vector<1x64xf32>
    %div3A_1102 = arith.divf %broadcast_in_dim3A_1099, %div3A_1101 : vector<1x64xf32>
    %sub3A_1103 = vector.broadcast %div3A_1102 : vector<1x64xf32> to vector<64x64xf32>
    %sub3A_1104 = arith.subf %add3A_1096, %sub3A_1103 : vector<64x64xf32>
    %mul3A_1105 = arith.mulf %sub3A_1104, %sub3A_1104 : vector<64x64xf32>
    %reduce_sum3A_1106 = arith.constant dense<0.000000e+00> : vector<64xf32>
    %reduce_sum3A_1107 = vector.multi_reduction <add>, %mul3A_1105, %reduce_sum3A_1106 [0] : vector<64x64xf32> to vector<64xf32>
    %broadcast_in_dim3A_1108 = vector.shape_cast %reduce_sum3A_1107 : vector<64xf32> to vector<1x64xf32>
    %div3A_1109 = arith.constant 6.400000e+01 : f32
    %div3A_1110 = vector.broadcast %div3A_1109 : f32 to vector<1x64xf32>
    %div3A_1111 = arith.divf %broadcast_in_dim3A_1108, %div3A_1110 : vector<1x64xf32>
    %add3A_1112 = arith.constant 9.99999974E-6 : f32
    %add3A_1113 = vector.broadcast %add3A_1112 : f32 to vector<1x64xf32>
    %add3A_1114 = arith.addf %div3A_1111, %add3A_1113 : vector<1x64xf32>
    %sqrt3A_1115 = math.sqrt %add3A_1114 : vector<1x64xf32>
    %div3A_1116 = vector.broadcast %sqrt3A_1115 : vector<1x64xf32> to vector<64x64xf32>
    %div3A_1117 = arith.divf %sub3A_1104, %div3A_1116 : vector<64x64xf32>
    %get3A_1118 = arith.constant 0 : index
    %get3A_1119 = arith.constant 0 : index
    %get3A_1120 = vector.load %arg6[%get3A_1118, %get3A_1119] : memref<64x1xf32, #tpu.memory_space<vmem>>, vector<64x1xf32>
    %mul3A_1121 = vector.broadcast %get3A_1120 : vector<64x1xf32> to vector<64x64xf32>
    %mul3A_1122 = arith.mulf %div3A_1117, %mul3A_1121 : vector<64x64xf32>
    %get3A_1123 = arith.constant 0 : index
    %get3A_1124 = arith.constant 0 : index
    %get3A_1125 = vector.load %arg7[%get3A_1123, %get3A_1124] : memref<64x1xf32, #tpu.memory_space<vmem>>, vector<64x1xf32>
    %add3A_1126 = vector.broadcast %get3A_1125 : vector<64x1xf32> to vector<64x64xf32>
    %add3A_1127 = arith.addf %mul3A_1122, %add3A_1126 : vector<64x64xf32>
    %ge3A_1128 = arith.constant 0.000000e+00 : f32
    %ge3A_1129 = vector.broadcast %ge3A_1128 : f32 to vector<64x64xf32>
    %ge3A_1130 = arith.cmpf oge, %add3A_1127, %ge3A_1129 : vector<64x64xf32>
    %mul3A_1131 = arith.constant 0.00999999977 : f32
    %mul3A_1132 = vector.broadcast %mul3A_1131 : f32 to vector<64x64xf32>
    %mul3A_1133 = arith.mulf %mul3A_1132, %add3A_1127 : vector<64x64xf32>
    %select_n3A_1134 = arith.select %ge3A_1130, %add3A_1127, %mul3A_1133 : vector<64x64xi1>, vector<64x64xf32>
    %get3A_1135 = arith.constant 0 : index
    %get3A_1136 = arith.constant 0 : index
    %get3A_1137 = vector.load %arg8[%get3A_1135, %get3A_1136] : memref<2x64xf32, #tpu.memory_space<vmem>>, vector<2x64xf32>
    %dot_general3A_1138 = arith.constant dense<0.000000e+00> : vector<2x64xf32>
    %dot_general3A_1139 = tpu.matmul %get3A_1137, %select_n3A_1134, %dot_general3A_1138 {dimension_numbers = #tpu.dot_dimension_numbers<[1], [0], [0], [1], [0, 0, 1, 1], [], []>, transpose_lhs_hint = false} : vector<2x64xf32>, vector<64x64xf32>, vector<2x64xf32> -> vector<2x64xf32>
    %get3A_1140 = arith.constant 16 : index
    %get3A_1141 = arith.constant 0 : index
    %get3A_1142 = arith.constant 0 : index
    %get3A_1143 = vector.load %arg3[%get3A_1140, %get3A_1141, %get3A_1142] : memref<32x2x64xf32, #tpu.memory_space<vmem>>, vector<1x2x64xf32>
    %get3A_1144 = vector.shape_cast %get3A_1143 : vector<1x2x64xf32> to vector<2x64xf32>
    %add3A_1145 = arith.addf %dot_general3A_1139, %get3A_1144 : vector<2x64xf32>
    %swap3A_1146 = arith.constant 16 : index
    %swap3A_1147 = arith.constant 0 : index
    %swap3A_1148 = arith.constant 0 : index
    %swap3A_1149 = vector.load %arg9[%swap3A_1146, %swap3A_1147, %swap3A_1148] : memref<32x2x64xf32, #tpu.memory_space<vmem>>, vector<1x2x64xf32>
    %swap3A_1150 = vector.shape_cast %swap3A_1149 : vector<1x2x64xf32> to vector<2x64xf32>
    %swap3A_1151 = vector.shape_cast %add3A_1145 : vector<2x64xf32> to vector<1x2x64xf32>
    tpu.vector_store %arg9[%swap3A_1146, %swap3A_1147, %swap3A_1148], %swap3A_1151 {strides = array<i32>} : memref<32x2x64xf32, #tpu.memory_space<vmem>>, vector<1x2x64xf32>,
    %slice3A_1152 = vector.extract_strided_slice %dot_general3A_6 {offsets = [0, 17], sizes = [64, 1], strides = [1, 1]} : vector<64x32xf32> to vector<64x1xf32>
    %get3A_1153 = arith.constant 17 : index
    %get3A_1154 = arith.constant 0 : index
    %get3A_1155 = arith.constant 0 : index
    %get3A_1156 = vector.load %arg2[%get3A_1153, %get3A_1154, %get3A_1155] : memref<32x2x64xf32, #tpu.memory_space<vmem>>, vector<1x2x64xf32>
    %get3A_1157 = vector.shape_cast %get3A_1156 : vector<1x2x64xf32> to vector<2x64xf32>
    %get3A_1158 = arith.constant 0 : index
    %get3A_1159 = arith.constant 0 : index
    %get3A_1160 = vector.load %arg5[%get3A_1158, %get3A_1159] : memref<64x2xf32, #tpu.memory_space<vmem>>, vector<64x2xf32>
    %dot_general3A_1161 = arith.constant dense<0.000000e+00> : vector<64x64xf32>
    %dot_general3A_1162 = tpu.matmul %get3A_1160, %get3A_1157, %dot_general3A_1161 {dimension_numbers = #tpu.dot_dimension_numbers<[1], [0], [0], [1], [0, 0, 1, 1], [], []>, transpose_lhs_hint = false} : vector<64x2xf32>, vector<2x64xf32>, vector<64x64xf32> -> vector<64x64xf32>
    %add3A_1163 = vector.broadcast %slice3A_1152 : vector<64x1xf32> to vector<64x64xf32>
    %add3A_1164 = arith.addf %dot_general3A_1162, %add3A_1163 : vector<64x64xf32>
    %reduce_sum3A_1165 = arith.constant dense<0.000000e+00> : vector<64xf32>
    %reduce_sum3A_1166 = vector.multi_reduction <add>, %add3A_1164, %reduce_sum3A_1165 [0] : vector<64x64xf32> to vector<64xf32>
    %broadcast_in_dim3A_1167 = vector.shape_cast %reduce_sum3A_1166 : vector<64xf32> to vector<1x64xf32>
    %div3A_1168 = arith.constant 6.400000e+01 : f32
    %div3A_1169 = vector.broadcast %div3A_1168 : f32 to vector<1x64xf32>
    %div3A_1170 = arith.divf %broadcast_in_dim3A_1167, %div3A_1169 : vector<1x64xf32>
    %sub3A_1171 = vector.broadcast %div3A_1170 : vector<1x64xf32> to vector<64x64xf32>
    %sub3A_1172 = arith.subf %add3A_1164, %sub3A_1171 : vector<64x64xf32>
    %mul3A_1173 = arith.mulf %sub3A_1172, %sub3A_1172 : vector<64x64xf32>
    %reduce_sum3A_1174 = arith.constant dense<0.000000e+00> : vector<64xf32>
    %reduce_sum3A_1175 = vector.multi_reduction <add>, %mul3A_1173, %reduce_sum3A_1174 [0] : vector<64x64xf32> to vector<64xf32>
    %broadcast_in_dim3A_1176 = vector.shape_cast %reduce_sum3A_1175 : vector<64xf32> to vector<1x64xf32>
    %div3A_1177 = arith.constant 6.400000e+01 : f32
    %div3A_1178 = vector.broadcast %div3A_1177 : f32 to vector<1x64xf32>
    %div3A_1179 = arith.divf %broadcast_in_dim3A_1176, %div3A_1178 : vector<1x64xf32>
    %add3A_1180 = arith.constant 9.99999974E-6 : f32
    %add3A_1181 = vector.broadcast %add3A_1180 : f32 to vector<1x64xf32>
    %add3A_1182 = arith.addf %div3A_1179, %add3A_1181 : vector<1x64xf32>
    %sqrt3A_1183 = math.sqrt %add3A_1182 : vector<1x64xf32>
    %div3A_1184 = vector.broadcast %sqrt3A_1183 : vector<1x64xf32> to vector<64x64xf32>
    %div3A_1185 = arith.divf %sub3A_1172, %div3A_1184 : vector<64x64xf32>
    %get3A_1186 = arith.constant 0 : index
    %get3A_1187 = arith.constant 0 : index
    %get3A_1188 = vector.load %arg6[%get3A_1186, %get3A_1187] : memref<64x1xf32, #tpu.memory_space<vmem>>, vector<64x1xf32>
    %mul3A_1189 = vector.broadcast %get3A_1188 : vector<64x1xf32> to vector<64x64xf32>
    %mul3A_1190 = arith.mulf %div3A_1185, %mul3A_1189 : vector<64x64xf32>
    %get3A_1191 = arith.constant 0 : index
    %get3A_1192 = arith.constant 0 : index
    %get3A_1193 = vector.load %arg7[%get3A_1191, %get3A_1192] : memref<64x1xf32, #tpu.memory_space<vmem>>, vector<64x1xf32>
    %add3A_1194 = vector.broadcast %get3A_1193 : vector<64x1xf32> to vector<64x64xf32>
    %add3A_1195 = arith.addf %mul3A_1190, %add3A_1194 : vector<64x64xf32>
    %ge3A_1196 = arith.constant 0.000000e+00 : f32
    %ge3A_1197 = vector.broadcast %ge3A_1196 : f32 to vector<64x64xf32>
    %ge3A_1198 = arith.cmpf oge, %add3A_1195, %ge3A_1197 : vector<64x64xf32>
    %mul3A_1199 = arith.constant 0.00999999977 : f32
    %mul3A_1200 = vector.broadcast %mul3A_1199 : f32 to vector<64x64xf32>
    %mul3A_1201 = arith.mulf %mul3A_1200, %add3A_1195 : vector<64x64xf32>
    %select_n3A_1202 = arith.select %ge3A_1198, %add3A_1195, %mul3A_1201 : vector<64x64xi1>, vector<64x64xf32>
    %get3A_1203 = arith.constant 0 : index
    %get3A_1204 = arith.constant 0 : index
    %get3A_1205 = vector.load %arg8[%get3A_1203, %get3A_1204] : memref<2x64xf32, #tpu.memory_space<vmem>>, vector<2x64xf32>
    %dot_general3A_1206 = arith.constant dense<0.000000e+00> : vector<2x64xf32>
    %dot_general3A_1207 = tpu.matmul %get3A_1205, %select_n3A_1202, %dot_general3A_1206 {dimension_numbers = #tpu.dot_dimension_numbers<[1], [0], [0], [1], [0, 0, 1, 1], [], []>, transpose_lhs_hint = false} : vector<2x64xf32>, vector<64x64xf32>, vector<2x64xf32> -> vector<2x64xf32>
    %get3A_1208 = arith.constant 17 : index
    %get3A_1209 = arith.constant 0 : index
    %get3A_1210 = arith.constant 0 : index
    %get3A_1211 = vector.load %arg3[%get3A_1208, %get3A_1209, %get3A_1210] : memref<32x2x64xf32, #tpu.memory_space<vmem>>, vector<1x2x64xf32>
    %get3A_1212 = vector.shape_cast %get3A_1211 : vector<1x2x64xf32> to vector<2x64xf32>
    %add3A_1213 = arith.addf %dot_general3A_1207, %get3A_1212 : vector<2x64xf32>
    %swap3A_1214 = arith.constant 17 : index
    %swap3A_1215 = arith.constant 0 : index
    %swap3A_1216 = arith.constant 0 : index
    %swap3A_1217 = vector.load %arg9[%swap3A_1214, %swap3A_1215, %swap3A_1216] : memref<32x2x64xf32, #tpu.memory_space<vmem>>, vector<1x2x64xf32>
    %swap3A_1218 = vector.shape_cast %swap3A_1217 : vector<1x2x64xf32> to vector<2x64xf32>
    %swap3A_1219 = vector.shape_cast %add3A_1213 : vector<2x64xf32> to vector<1x2x64xf32>
    tpu.vector_store %arg9[%swap3A_1214, %swap3A_1215, %swap3A_1216], %swap3A_1219 {strides = array<i32>} : memref<32x2x64xf32, #tpu.memory_space<vmem>>, vector<1x2x64xf32>,
    %slice3A_1220 = vector.extract_strided_slice %dot_general3A_6 {offsets = [0, 18], sizes = [64, 1], strides = [1, 1]} : vector<64x32xf32> to vector<64x1xf32>
    %get3A_1221 = arith.constant 18 : index
    %get3A_1222 = arith.constant 0 : index
    %get3A_1223 = arith.constant 0 : index
    %get3A_1224 = vector.load %arg2[%get3A_1221, %get3A_1222, %get3A_1223] : memref<32x2x64xf32, #tpu.memory_space<vmem>>, vector<1x2x64xf32>
    %get3A_1225 = vector.shape_cast %get3A_1224 : vector<1x2x64xf32> to vector<2x64xf32>
    %get3A_1226 = arith.constant 0 : index
    %get3A_1227 = arith.constant 0 : index
    %get3A_1228 = vector.load %arg5[%get3A_1226, %get3A_1227] : memref<64x2xf32, #tpu.memory_space<vmem>>, vector<64x2xf32>
    %dot_general3A_1229 = arith.constant dense<0.000000e+00> : vector<64x64xf32>
    %dot_general3A_1230 = tpu.matmul %get3A_1228, %get3A_1225, %dot_general3A_1229 {dimension_numbers = #tpu.dot_dimension_numbers<[1], [0], [0], [1], [0, 0, 1, 1], [], []>, transpose_lhs_hint = false} : vector<64x2xf32>, vector<2x64xf32>, vector<64x64xf32> -> vector<64x64xf32>
    %add3A_1231 = vector.broadcast %slice3A_1220 : vector<64x1xf32> to vector<64x64xf32>
    %add3A_1232 = arith.addf %dot_general3A_1230, %add3A_1231 : vector<64x64xf32>
    %reduce_sum3A_1233 = arith.constant dense<0.000000e+00> : vector<64xf32>
    %reduce_sum3A_1234 = vector.multi_reduction <add>, %add3A_1232, %reduce_sum3A_1233 [0] : vector<64x64xf32> to vector<64xf32>
    %broadcast_in_dim3A_1235 = vector.shape_cast %reduce_sum3A_1234 : vector<64xf32> to vector<1x64xf32>
    %div3A_1236 = arith.constant 6.400000e+01 : f32
    %div3A_1237 = vector.broadcast %div3A_1236 : f32 to vector<1x64xf32>
    %div3A_1238 = arith.divf %broadcast_in_dim3A_1235, %div3A_1237 : vector<1x64xf32>
    %sub3A_1239 = vector.broadcast %div3A_1238 : vector<1x64xf32> to vector<64x64xf32>
    %sub3A_1240 = arith.subf %add3A_1232, %sub3A_1239 : vector<64x64xf32>
    %mul3A_1241 = arith.mulf %sub3A_1240, %sub3A_1240 : vector<64x64xf32>
    %reduce_sum3A_1242 = arith.constant dense<0.000000e+00> : vector<64xf32>
    %reduce_sum3A_1243 = vector.multi_reduction <add>, %mul3A_1241, %reduce_sum3A_1242 [0] : vector<64x64xf32> to vector<64xf32>
    %broadcast_in_dim3A_1244 = vector.shape_cast %reduce_sum3A_1243 : vector<64xf32> to vector<1x64xf32>
    %div3A_1245 = arith.constant 6.400000e+01 : f32
    %div3A_1246 = vector.broadcast %div3A_1245 : f32 to vector<1x64xf32>
    %div3A_1247 = arith.divf %broadcast_in_dim3A_1244, %div3A_1246 : vector<1x64xf32>
    %add3A_1248 = arith.constant 9.99999974E-6 : f32
    %add3A_1249 = vector.broadcast %add3A_1248 : f32 to vector<1x64xf32>
    %add3A_1250 = arith.addf %div3A_1247, %add3A_1249 : vector<1x64xf32>
    %sqrt3A_1251 = math.sqrt %add3A_1250 : vector<1x64xf32>
    %div3A_1252 = vector.broadcast %sqrt3A_1251 : vector<1x64xf32> to vector<64x64xf32>
    %div3A_1253 = arith.divf %sub3A_1240, %div3A_1252 : vector<64x64xf32>
    %get3A_1254 = arith.constant 0 : index
    %get3A_1255 = arith.constant 0 : index
    %get3A_1256 = vector.load %arg6[%get3A_1254, %get3A_1255] : memref<64x1xf32, #tpu.memory_space<vmem>>, vector<64x1xf32>
    %mul3A_1257 = vector.broadcast %get3A_1256 : vector<64x1xf32> to vector<64x64xf32>
    %mul3A_1258 = arith.mulf %div3A_1253, %mul3A_1257 : vector<64x64xf32>
    %get3A_1259 = arith.constant 0 : index
    %get3A_1260 = arith.constant 0 : index
    %get3A_1261 = vector.load %arg7[%get3A_1259, %get3A_1260] : memref<64x1xf32, #tpu.memory_space<vmem>>, vector<64x1xf32>
    %add3A_1262 = vector.broadcast %get3A_1261 : vector<64x1xf32> to vector<64x64xf32>
    %add3A_1263 = arith.addf %mul3A_1258, %add3A_1262 : vector<64x64xf32>
    %ge3A_1264 = arith.constant 0.000000e+00 : f32
    %ge3A_1265 = vector.broadcast %ge3A_1264 : f32 to vector<64x64xf32>
    %ge3A_1266 = arith.cmpf oge, %add3A_1263, %ge3A_1265 : vector<64x64xf32>
    %mul3A_1267 = arith.constant 0.00999999977 : f32
    %mul3A_1268 = vector.broadcast %mul3A_1267 : f32 to vector<64x64xf32>
    %mul3A_1269 = arith.mulf %mul3A_1268, %add3A_1263 : vector<64x64xf32>
    %select_n3A_1270 = arith.select %ge3A_1266, %add3A_1263, %mul3A_1269 : vector<64x64xi1>, vector<64x64xf32>
    %get3A_1271 = arith.constant 0 : index
    %get3A_1272 = arith.constant 0 : index
    %get3A_1273 = vector.load %arg8[%get3A_1271, %get3A_1272] : memref<2x64xf32, #tpu.memory_space<vmem>>, vector<2x64xf32>
    %dot_general3A_1274 = arith.constant dense<0.000000e+00> : vector<2x64xf32>
    %dot_general3A_1275 = tpu.matmul %get3A_1273, %select_n3A_1270, %dot_general3A_1274 {dimension_numbers = #tpu.dot_dimension_numbers<[1], [0], [0], [1], [0, 0, 1, 1], [], []>, transpose_lhs_hint = false} : vector<2x64xf32>, vector<64x64xf32>, vector<2x64xf32> -> vector<2x64xf32>
    %get3A_1276 = arith.constant 18 : index
    %get3A_1277 = arith.constant 0 : index
    %get3A_1278 = arith.constant 0 : index
    %get3A_1279 = vector.load %arg3[%get3A_1276, %get3A_1277, %get3A_1278] : memref<32x2x64xf32, #tpu.memory_space<vmem>>, vector<1x2x64xf32>
    %get3A_1280 = vector.shape_cast %get3A_1279 : vector<1x2x64xf32> to vector<2x64xf32>
    %add3A_1281 = arith.addf %dot_general3A_1275, %get3A_1280 : vector<2x64xf32>
    %swap3A_1282 = arith.constant 18 : index
    %swap3A_1283 = arith.constant 0 : index
    %swap3A_1284 = arith.constant 0 : index
    %swap3A_1285 = vector.load %arg9[%swap3A_1282, %swap3A_1283, %swap3A_1284] : memref<32x2x64xf32, #tpu.memory_space<vmem>>, vector<1x2x64xf32>
    %swap3A_1286 = vector.shape_cast %swap3A_1285 : vector<1x2x64xf32> to vector<2x64xf32>
    %swap3A_1287 = vector.shape_cast %add3A_1281 : vector<2x64xf32> to vector<1x2x64xf32>
    tpu.vector_store %arg9[%swap3A_1282, %swap3A_1283, %swap3A_1284], %swap3A_1287 {strides = array<i32>} : memref<32x2x64xf32, #tpu.memory_space<vmem>>, vector<1x2x64xf32>,
    %slice3A_1288 = vector.extract_strided_slice %dot_general3A_6 {offsets = [0, 19], sizes = [64, 1], strides = [1, 1]} : vector<64x32xf32> to vector<64x1xf32>
    %get3A_1289 = arith.constant 19 : index
    %get3A_1290 = arith.constant 0 : index
    %get3A_1291 = arith.constant 0 : index
    %get3A_1292 = vector.load %arg2[%get3A_1289, %get3A_1290, %get3A_1291] : memref<32x2x64xf32, #tpu.memory_space<vmem>>, vector<1x2x64xf32>
    %get3A_1293 = vector.shape_cast %get3A_1292 : vector<1x2x64xf32> to vector<2x64xf32>
    %get3A_1294 = arith.constant 0 : index
    %get3A_1295 = arith.constant 0 : index
    %get3A_1296 = vector.load %arg5[%get3A_1294, %get3A_1295] : memref<64x2xf32, #tpu.memory_space<vmem>>, vector<64x2xf32>
    %dot_general3A_1297 = arith.constant dense<0.000000e+00> : vector<64x64xf32>
    %dot_general3A_1298 = tpu.matmul %get3A_1296, %get3A_1293, %dot_general3A_1297 {dimension_numbers = #tpu.dot_dimension_numbers<[1], [0], [0], [1], [0, 0, 1, 1], [], []>, transpose_lhs_hint = false} : vector<64x2xf32>, vector<2x64xf32>, vector<64x64xf32> -> vector<64x64xf32>
    %add3A_1299 = vector.broadcast %slice3A_1288 : vector<64x1xf32> to vector<64x64xf32>
    %add3A_1300 = arith.addf %dot_general3A_1298, %add3A_1299 : vector<64x64xf32>
    %reduce_sum3A_1301 = arith.constant dense<0.000000e+00> : vector<64xf32>
    %reduce_sum3A_1302 = vector.multi_reduction <add>, %add3A_1300, %reduce_sum3A_1301 [0] : vector<64x64xf32> to vector<64xf32>
    %broadcast_in_dim3A_1303 = vector.shape_cast %reduce_sum3A_1302 : vector<64xf32> to vector<1x64xf32>
    %div3A_1304 = arith.constant 6.400000e+01 : f32
    %div3A_1305 = vector.broadcast %div3A_1304 : f32 to vector<1x64xf32>
    %div3A_1306 = arith.divf %broadcast_in_dim3A_1303, %div3A_1305 : vector<1x64xf32>
    %sub3A_1307 = vector.broadcast %div3A_1306 : vector<1x64xf32> to vector<64x64xf32>
    %sub3A_1308 = arith.subf %add3A_1300, %sub3A_1307 : vector<64x64xf32>
    %mul3A_1309 = arith.mulf %sub3A_1308, %sub3A_1308 : vector<64x64xf32>
    %reduce_sum3A_1310 = arith.constant dense<0.000000e+00> : vector<64xf32>
    %reduce_sum3A_1311 = vector.multi_reduction <add>, %mul3A_1309, %reduce_sum3A_1310 [0] : vector<64x64xf32> to vector<64xf32>
    %broadcast_in_dim3A_1312 = vector.shape_cast %reduce_sum3A_1311 : vector<64xf32> to vector<1x64xf32>
    %div3A_1313 = arith.constant 6.400000e+01 : f32
    %div3A_1314 = vector.broadcast %div3A_1313 : f32 to vector<1x64xf32>
    %div3A_1315 = arith.divf %broadcast_in_dim3A_1312, %div3A_1314 : vector<1x64xf32>
    %add3A_1316 = arith.constant 9.99999974E-6 : f32
    %add3A_1317 = vector.broadcast %add3A_1316 : f32 to vector<1x64xf32>
    %add3A_1318 = arith.addf %div3A_1315, %add3A_1317 : vector<1x64xf32>
    %sqrt3A_1319 = math.sqrt %add3A_1318 : vector<1x64xf32>
    %div3A_1320 = vector.broadcast %sqrt3A_1319 : vector<1x64xf32> to vector<64x64xf32>
    %div3A_1321 = arith.divf %sub3A_1308, %div3A_1320 : vector<64x64xf32>
    %get3A_1322 = arith.constant 0 : index
    %get3A_1323 = arith.constant 0 : index
    %get3A_1324 = vector.load %arg6[%get3A_1322, %get3A_1323] : memref<64x1xf32, #tpu.memory_space<vmem>>, vector<64x1xf32>
    %mul3A_1325 = vector.broadcast %get3A_1324 : vector<64x1xf32> to vector<64x64xf32>
    %mul3A_1326 = arith.mulf %div3A_1321, %mul3A_1325 : vector<64x64xf32>
    %get3A_1327 = arith.constant 0 : index
    %get3A_1328 = arith.constant 0 : index
    %get3A_1329 = vector.load %arg7[%get3A_1327, %get3A_1328] : memref<64x1xf32, #tpu.memory_space<vmem>>, vector<64x1xf32>
    %add3A_1330 = vector.broadcast %get3A_1329 : vector<64x1xf32> to vector<64x64xf32>
    %add3A_1331 = arith.addf %mul3A_1326, %add3A_1330 : vector<64x64xf32>
    %ge3A_1332 = arith.constant 0.000000e+00 : f32
    %ge3A_1333 = vector.broadcast %ge3A_1332 : f32 to vector<64x64xf32>
    %ge3A_1334 = arith.cmpf oge, %add3A_1331, %ge3A_1333 : vector<64x64xf32>
    %mul3A_1335 = arith.constant 0.00999999977 : f32
    %mul3A_1336 = vector.broadcast %mul3A_1335 : f32 to vector<64x64xf32>
    %mul3A_1337 = arith.mulf %mul3A_1336, %add3A_1331 : vector<64x64xf32>
    %select_n3A_1338 = arith.select %ge3A_1334, %add3A_1331, %mul3A_1337 : vector<64x64xi1>, vector<64x64xf32>
    %get3A_1339 = arith.constant 0 : index
    %get3A_1340 = arith.constant 0 : index
    %get3A_1341 = vector.load %arg8[%get3A_1339, %get3A_1340] : memref<2x64xf32, #tpu.memory_space<vmem>>, vector<2x64xf32>
    %dot_general3A_1342 = arith.constant dense<0.000000e+00> : vector<2x64xf32>
    %dot_general3A_1343 = tpu.matmul %get3A_1341, %select_n3A_1338, %dot_general3A_1342 {dimension_numbers = #tpu.dot_dimension_numbers<[1], [0], [0], [1], [0, 0, 1, 1], [], []>, transpose_lhs_hint = false} : vector<2x64xf32>, vector<64x64xf32>, vector<2x64xf32> -> vector<2x64xf32>
    %get3A_1344 = arith.constant 19 : index
    %get3A_1345 = arith.constant 0 : index
    %get3A_1346 = arith.constant 0 : index
    %get3A_1347 = vector.load %arg3[%get3A_1344, %get3A_1345, %get3A_1346] : memref<32x2x64xf32, #tpu.memory_space<vmem>>, vector<1x2x64xf32>
    %get3A_1348 = vector.shape_cast %get3A_1347 : vector<1x2x64xf32> to vector<2x64xf32>
    %add3A_1349 = arith.addf %dot_general3A_1343, %get3A_1348 : vector<2x64xf32>
    %swap3A_1350 = arith.constant 19 : index
    %swap3A_1351 = arith.constant 0 : index
    %swap3A_1352 = arith.constant 0 : index
    %swap3A_1353 = vector.load %arg9[%swap3A_1350, %swap3A_1351, %swap3A_1352] : memref<32x2x64xf32, #tpu.memory_space<vmem>>, vector<1x2x64xf32>
    %swap3A_1354 = vector.shape_cast %swap3A_1353 : vector<1x2x64xf32> to vector<2x64xf32>
    %swap3A_1355 = vector.shape_cast %add3A_1349 : vector<2x64xf32> to vector<1x2x64xf32>
    tpu.vector_store %arg9[%swap3A_1350, %swap3A_1351, %swap3A_1352], %swap3A_1355 {strides = array<i32>} : memref<32x2x64xf32, #tpu.memory_space<vmem>>, vector<1x2x64xf32>,
    %slice3A_1356 = vector.extract_strided_slice %dot_general3A_6 {offsets = [0, 20], sizes = [64, 1], strides = [1, 1]} : vector<64x32xf32> to vector<64x1xf32>
    %get3A_1357 = arith.constant 20 : index
    %get3A_1358 = arith.constant 0 : index
    %get3A_1359 = arith.constant 0 : index
    %get3A_1360 = vector.load %arg2[%get3A_1357, %get3A_1358, %get3A_1359] : memref<32x2x64xf32, #tpu.memory_space<vmem>>, vector<1x2x64xf32>
    %get3A_1361 = vector.shape_cast %get3A_1360 : vector<1x2x64xf32> to vector<2x64xf32>
    %get3A_1362 = arith.constant 0 : index
    %get3A_1363 = arith.constant 0 : index
    %get3A_1364 = vector.load %arg5[%get3A_1362, %get3A_1363] : memref<64x2xf32, #tpu.memory_space<vmem>>, vector<64x2xf32>
    %dot_general3A_1365 = arith.constant dense<0.000000e+00> : vector<64x64xf32>
    %dot_general3A_1366 = tpu.matmul %get3A_1364, %get3A_1361, %dot_general3A_1365 {dimension_numbers = #tpu.dot_dimension_numbers<[1], [0], [0], [1], [0, 0, 1, 1], [], []>, transpose_lhs_hint = false} : vector<64x2xf32>, vector<2x64xf32>, vector<64x64xf32> -> vector<64x64xf32>
    %add3A_1367 = vector.broadcast %slice3A_1356 : vector<64x1xf32> to vector<64x64xf32>
    %add3A_1368 = arith.addf %dot_general3A_1366, %add3A_1367 : vector<64x64xf32>
    %reduce_sum3A_1369 = arith.constant dense<0.000000e+00> : vector<64xf32>
    %reduce_sum3A_1370 = vector.multi_reduction <add>, %add3A_1368, %reduce_sum3A_1369 [0] : vector<64x64xf32> to vector<64xf32>
    %broadcast_in_dim3A_1371 = vector.shape_cast %reduce_sum3A_1370 : vector<64xf32> to vector<1x64xf32>
    %div3A_1372 = arith.constant 6.400000e+01 : f32
    %div3A_1373 = vector.broadcast %div3A_1372 : f32 to vector<1x64xf32>
    %div3A_1374 = arith.divf %broadcast_in_dim3A_1371, %div3A_1373 : vector<1x64xf32>
    %sub3A_1375 = vector.broadcast %div3A_1374 : vector<1x64xf32> to vector<64x64xf32>
    %sub3A_1376 = arith.subf %add3A_1368, %sub3A_1375 : vector<64x64xf32>
    %mul3A_1377 = arith.mulf %sub3A_1376, %sub3A_1376 : vector<64x64xf32>
    %reduce_sum3A_1378 = arith.constant dense<0.000000e+00> : vector<64xf32>
    %reduce_sum3A_1379 = vector.multi_reduction <add>, %mul3A_1377, %reduce_sum3A_1378 [0] : vector<64x64xf32> to vector<64xf32>
    %broadcast_in_dim3A_1380 = vector.shape_cast %reduce_sum3A_1379 : vector<64xf32> to vector<1x64xf32>
    %div3A_1381 = arith.constant 6.400000e+01 : f32
    %div3A_1382 = vector.broadcast %div3A_1381 : f32 to vector<1x64xf32>
    %div3A_1383 = arith.divf %broadcast_in_dim3A_1380, %div3A_1382 : vector<1x64xf32>
    %add3A_1384 = arith.constant 9.99999974E-6 : f32
    %add3A_1385 = vector.broadcast %add3A_1384 : f32 to vector<1x64xf32>
    %add3A_1386 = arith.addf %div3A_1383, %add3A_1385 : vector<1x64xf32>
    %sqrt3A_1387 = math.sqrt %add3A_1386 : vector<1x64xf32>
    %div3A_1388 = vector.broadcast %sqrt3A_1387 : vector<1x64xf32> to vector<64x64xf32>
    %div3A_1389 = arith.divf %sub3A_1376, %div3A_1388 : vector<64x64xf32>
    %get3A_1390 = arith.constant 0 : index
    %get3A_1391 = arith.constant 0 : index
    %get3A_1392 = vector.load %arg6[%get3A_1390, %get3A_1391] : memref<64x1xf32, #tpu.memory_space<vmem>>, vector<64x1xf32>
    %mul3A_1393 = vector.broadcast %get3A_1392 : vector<64x1xf32> to vector<64x64xf32>
    %mul3A_1394 = arith.mulf %div3A_1389, %mul3A_1393 : vector<64x64xf32>
    %get3A_1395 = arith.constant 0 : index
    %get3A_1396 = arith.constant 0 : index
    %get3A_1397 = vector.load %arg7[%get3A_1395, %get3A_1396] : memref<64x1xf32, #tpu.memory_space<vmem>>, vector<64x1xf32>
    %add3A_1398 = vector.broadcast %get3A_1397 : vector<64x1xf32> to vector<64x64xf32>
    %add3A_1399 = arith.addf %mul3A_1394, %add3A_1398 : vector<64x64xf32>
    %ge3A_1400 = arith.constant 0.000000e+00 : f32
    %ge3A_1401 = vector.broadcast %ge3A_1400 : f32 to vector<64x64xf32>
    %ge3A_1402 = arith.cmpf oge, %add3A_1399, %ge3A_1401 : vector<64x64xf32>
    %mul3A_1403 = arith.constant 0.00999999977 : f32
    %mul3A_1404 = vector.broadcast %mul3A_1403 : f32 to vector<64x64xf32>
    %mul3A_1405 = arith.mulf %mul3A_1404, %add3A_1399 : vector<64x64xf32>
    %select_n3A_1406 = arith.select %ge3A_1402, %add3A_1399, %mul3A_1405 : vector<64x64xi1>, vector<64x64xf32>
    %get3A_1407 = arith.constant 0 : index
    %get3A_1408 = arith.constant 0 : index
    %get3A_1409 = vector.load %arg8[%get3A_1407, %get3A_1408] : memref<2x64xf32, #tpu.memory_space<vmem>>, vector<2x64xf32>
    %dot_general3A_1410 = arith.constant dense<0.000000e+00> : vector<2x64xf32>
    %dot_general3A_1411 = tpu.matmul %get3A_1409, %select_n3A_1406, %dot_general3A_1410 {dimension_numbers = #tpu.dot_dimension_numbers<[1], [0], [0], [1], [0, 0, 1, 1], [], []>, transpose_lhs_hint = false} : vector<2x64xf32>, vector<64x64xf32>, vector<2x64xf32> -> vector<2x64xf32>
    %get3A_1412 = arith.constant 20 : index
    %get3A_1413 = arith.constant 0 : index
    %get3A_1414 = arith.constant 0 : index
    %get3A_1415 = vector.load %arg3[%get3A_1412, %get3A_1413, %get3A_1414] : memref<32x2x64xf32, #tpu.memory_space<vmem>>, vector<1x2x64xf32>
    %get3A_1416 = vector.shape_cast %get3A_1415 : vector<1x2x64xf32> to vector<2x64xf32>
    %add3A_1417 = arith.addf %dot_general3A_1411, %get3A_1416 : vector<2x64xf32>
    %swap3A_1418 = arith.constant 20 : index
    %swap3A_1419 = arith.constant 0 : index
    %swap3A_1420 = arith.constant 0 : index
    %swap3A_1421 = vector.load %arg9[%swap3A_1418, %swap3A_1419, %swap3A_1420] : memref<32x2x64xf32, #tpu.memory_space<vmem>>, vector<1x2x64xf32>
    %swap3A_1422 = vector.shape_cast %swap3A_1421 : vector<1x2x64xf32> to vector<2x64xf32>
    %swap3A_1423 = vector.shape_cast %add3A_1417 : vector<2x64xf32> to vector<1x2x64xf32>
    tpu.vector_store %arg9[%swap3A_1418, %swap3A_1419, %swap3A_1420], %swap3A_1423 {strides = array<i32>} : memref<32x2x64xf32, #tpu.memory_space<vmem>>, vector<1x2x64xf32>,
    %slice3A_1424 = vector.extract_strided_slice %dot_general3A_6 {offsets = [0, 21], sizes = [64, 1], strides = [1, 1]} : vector<64x32xf32> to vector<64x1xf32>
    %get3A_1425 = arith.constant 21 : index
    %get3A_1426 = arith.constant 0 : index
    %get3A_1427 = arith.constant 0 : index
    %get3A_1428 = vector.load %arg2[%get3A_1425, %get3A_1426, %get3A_1427] : memref<32x2x64xf32, #tpu.memory_space<vmem>>, vector<1x2x64xf32>
    %get3A_1429 = vector.shape_cast %get3A_1428 : vector<1x2x64xf32> to vector<2x64xf32>
    %get3A_1430 = arith.constant 0 : index
    %get3A_1431 = arith.constant 0 : index
    %get3A_1432 = vector.load %arg5[%get3A_1430, %get3A_1431] : memref<64x2xf32, #tpu.memory_space<vmem>>, vector<64x2xf32>
    %dot_general3A_1433 = arith.constant dense<0.000000e+00> : vector<64x64xf32>
    %dot_general3A_1434 = tpu.matmul %get3A_1432, %get3A_1429, %dot_general3A_1433 {dimension_numbers = #tpu.dot_dimension_numbers<[1], [0], [0], [1], [0, 0, 1, 1], [], []>, transpose_lhs_hint = false} : vector<64x2xf32>, vector<2x64xf32>, vector<64x64xf32> -> vector<64x64xf32>
    %add3A_1435 = vector.broadcast %slice3A_1424 : vector<64x1xf32> to vector<64x64xf32>
    %add3A_1436 = arith.addf %dot_general3A_1434, %add3A_1435 : vector<64x64xf32>
    %reduce_sum3A_1437 = arith.constant dense<0.000000e+00> : vector<64xf32>
    %reduce_sum3A_1438 = vector.multi_reduction <add>, %add3A_1436, %reduce_sum3A_1437 [0] : vector<64x64xf32> to vector<64xf32>
    %broadcast_in_dim3A_1439 = vector.shape_cast %reduce_sum3A_1438 : vector<64xf32> to vector<1x64xf32>
    %div3A_1440 = arith.constant 6.400000e+01 : f32
    %div3A_1441 = vector.broadcast %div3A_1440 : f32 to vector<1x64xf32>
    %div3A_1442 = arith.divf %broadcast_in_dim3A_1439, %div3A_1441 : vector<1x64xf32>
    %sub3A_1443 = vector.broadcast %div3A_1442 : vector<1x64xf32> to vector<64x64xf32>
    %sub3A_1444 = arith.subf %add3A_1436, %sub3A_1443 : vector<64x64xf32>
    %mul3A_1445 = arith.mulf %sub3A_1444, %sub3A_1444 : vector<64x64xf32>
    %reduce_sum3A_1446 = arith.constant dense<0.000000e+00> : vector<64xf32>
    %reduce_sum3A_1447 = vector.multi_reduction <add>, %mul3A_1445, %reduce_sum3A_1446 [0] : vector<64x64xf32> to vector<64xf32>
    %broadcast_in_dim3A_1448 = vector.shape_cast %reduce_sum3A_1447 : vector<64xf32> to vector<1x64xf32>
    %div3A_1449 = arith.constant 6.400000e+01 : f32
    %div3A_1450 = vector.broadcast %div3A_1449 : f32 to vector<1x64xf32>
    %div3A_1451 = arith.divf %broadcast_in_dim3A_1448, %div3A_1450 : vector<1x64xf32>
    %add3A_1452 = arith.constant 9.99999974E-6 : f32
    %add3A_1453 = vector.broadcast %add3A_1452 : f32 to vector<1x64xf32>
    %add3A_1454 = arith.addf %div3A_1451, %add3A_1453 : vector<1x64xf32>
    %sqrt3A_1455 = math.sqrt %add3A_1454 : vector<1x64xf32>
    %div3A_1456 = vector.broadcast %sqrt3A_1455 : vector<1x64xf32> to vector<64x64xf32>
    %div3A_1457 = arith.divf %sub3A_1444, %div3A_1456 : vector<64x64xf32>
    %get3A_1458 = arith.constant 0 : index
    %get3A_1459 = arith.constant 0 : index
    %get3A_1460 = vector.load %arg6[%get3A_1458, %get3A_1459] : memref<64x1xf32, #tpu.memory_space<vmem>>, vector<64x1xf32>
    %mul3A_1461 = vector.broadcast %get3A_1460 : vector<64x1xf32> to vector<64x64xf32>
    %mul3A_1462 = arith.mulf %div3A_1457, %mul3A_1461 : vector<64x64xf32>
    %get3A_1463 = arith.constant 0 : index
    %get3A_1464 = arith.constant 0 : index
    %get3A_1465 = vector.load %arg7[%get3A_1463, %get3A_1464] : memref<64x1xf32, #tpu.memory_space<vmem>>, vector<64x1xf32>
    %add3A_1466 = vector.broadcast %get3A_1465 : vector<64x1xf32> to vector<64x64xf32>
    %add3A_1467 = arith.addf %mul3A_1462, %add3A_1466 : vector<64x64xf32>
    %ge3A_1468 = arith.constant 0.000000e+00 : f32
    %ge3A_1469 = vector.broadcast %ge3A_1468 : f32 to vector<64x64xf32>
    %ge3A_1470 = arith.cmpf oge, %add3A_1467, %ge3A_1469 : vector<64x64xf32>
    %mul3A_1471 = arith.constant 0.00999999977 : f32
    %mul3A_1472 = vector.broadcast %mul3A_1471 : f32 to vector<64x64xf32>
    %mul3A_1473 = arith.mulf %mul3A_1472, %add3A_1467 : vector<64x64xf32>
    %select_n3A_1474 = arith.select %ge3A_1470, %add3A_1467, %mul3A_1473 : vector<64x64xi1>, vector<64x64xf32>
    %get3A_1475 = arith.constant 0 : index
    %get3A_1476 = arith.constant 0 : index
    %get3A_1477 = vector.load %arg8[%get3A_1475, %get3A_1476] : memref<2x64xf32, #tpu.memory_space<vmem>>, vector<2x64xf32>
    %dot_general3A_1478 = arith.constant dense<0.000000e+00> : vector<2x64xf32>
    %dot_general3A_1479 = tpu.matmul %get3A_1477, %select_n3A_1474, %dot_general3A_1478 {dimension_numbers = #tpu.dot_dimension_numbers<[1], [0], [0], [1], [0, 0, 1, 1], [], []>, transpose_lhs_hint = false} : vector<2x64xf32>, vector<64x64xf32>, vector<2x64xf32> -> vector<2x64xf32>
    %get3A_1480 = arith.constant 21 : index
    %get3A_1481 = arith.constant 0 : index
    %get3A_1482 = arith.constant 0 : index
    %get3A_1483 = vector.load %arg3[%get3A_1480, %get3A_1481, %get3A_1482] : memref<32x2x64xf32, #tpu.memory_space<vmem>>, vector<1x2x64xf32>
    %get3A_1484 = vector.shape_cast %get3A_1483 : vector<1x2x64xf32> to vector<2x64xf32>
    %add3A_1485 = arith.addf %dot_general3A_1479, %get3A_1484 : vector<2x64xf32>
    %swap3A_1486 = arith.constant 21 : index
    %swap3A_1487 = arith.constant 0 : index
    %swap3A_1488 = arith.constant 0 : index
    %swap3A_1489 = vector.load %arg9[%swap3A_1486, %swap3A_1487, %swap3A_1488] : memref<32x2x64xf32, #tpu.memory_space<vmem>>, vector<1x2x64xf32>
    %swap3A_1490 = vector.shape_cast %swap3A_1489 : vector<1x2x64xf32> to vector<2x64xf32>
    %swap3A_1491 = vector.shape_cast %add3A_1485 : vector<2x64xf32> to vector<1x2x64xf32>
    tpu.vector_store %arg9[%swap3A_1486, %swap3A_1487, %swap3A_1488], %swap3A_1491 {strides = array<i32>} : memref<32x2x64xf32, #tpu.memory_space<vmem>>, vector<1x2x64xf32>,
    %slice3A_1492 = vector.extract_strided_slice %dot_general3A_6 {offsets = [0, 22], sizes = [64, 1], strides = [1, 1]} : vector<64x32xf32> to vector<64x1xf32>
    %get3A_1493 = arith.constant 22 : index
    %get3A_1494 = arith.constant 0 : index
    %get3A_1495 = arith.constant 0 : index
    %get3A_1496 = vector.load %arg2[%get3A_1493, %get3A_1494, %get3A_1495] : memref<32x2x64xf32, #tpu.memory_space<vmem>>, vector<1x2x64xf32>
    %get3A_1497 = vector.shape_cast %get3A_1496 : vector<1x2x64xf32> to vector<2x64xf32>
    %get3A_1498 = arith.constant 0 : index
    %get3A_1499 = arith.constant 0 : index
    %get3A_1500 = vector.load %arg5[%get3A_1498, %get3A_1499] : memref<64x2xf32, #tpu.memory_space<vmem>>, vector<64x2xf32>
    %dot_general3A_1501 = arith.constant dense<0.000000e+00> : vector<64x64xf32>
    %dot_general3A_1502 = tpu.matmul %get3A_1500, %get3A_1497, %dot_general3A_1501 {dimension_numbers = #tpu.dot_dimension_numbers<[1], [0], [0], [1], [0, 0, 1, 1], [], []>, transpose_lhs_hint = false} : vector<64x2xf32>, vector<2x64xf32>, vector<64x64xf32> -> vector<64x64xf32>
    %add3A_1503 = vector.broadcast %slice3A_1492 : vector<64x1xf32> to vector<64x64xf32>
    %add3A_1504 = arith.addf %dot_general3A_1502, %add3A_1503 : vector<64x64xf32>
    %reduce_sum3A_1505 = arith.constant dense<0.000000e+00> : vector<64xf32>
    %reduce_sum3A_1506 = vector.multi_reduction <add>, %add3A_1504, %reduce_sum3A_1505 [0] : vector<64x64xf32> to vector<64xf32>
    %broadcast_in_dim3A_1507 = vector.shape_cast %reduce_sum3A_1506 : vector<64xf32> to vector<1x64xf32>
    %div3A_1508 = arith.constant 6.400000e+01 : f32
    %div3A_1509 = vector.broadcast %div3A_1508 : f32 to vector<1x64xf32>
    %div3A_1510 = arith.divf %broadcast_in_dim3A_1507, %div3A_1509 : vector<1x64xf32>
    %sub3A_1511 = vector.broadcast %div3A_1510 : vector<1x64xf32> to vector<64x64xf32>
    %sub3A_1512 = arith.subf %add3A_1504, %sub3A_1511 : vector<64x64xf32>
    %mul3A_1513 = arith.mulf %sub3A_1512, %sub3A_1512 : vector<64x64xf32>
    %reduce_sum3A_1514 = arith.constant dense<0.000000e+00> : vector<64xf32>
    %reduce_sum3A_1515 = vector.multi_reduction <add>, %mul3A_1513, %reduce_sum3A_1514 [0] : vector<64x64xf32> to vector<64xf32>
    %broadcast_in_dim3A_1516 = vector.shape_cast %reduce_sum3A_1515 : vector<64xf32> to vector<1x64xf32>
    %div3A_1517 = arith.constant 6.400000e+01 : f32
    %div3A_1518 = vector.broadcast %div3A_1517 : f32 to vector<1x64xf32>
    %div3A_1519 = arith.divf %broadcast_in_dim3A_1516, %div3A_1518 : vector<1x64xf32>
    %add3A_1520 = arith.constant 9.99999974E-6 : f32
    %add3A_1521 = vector.broadcast %add3A_1520 : f32 to vector<1x64xf32>
    %add3A_1522 = arith.addf %div3A_1519, %add3A_1521 : vector<1x64xf32>
    %sqrt3A_1523 = math.sqrt %add3A_1522 : vector<1x64xf32>
    %div3A_1524 = vector.broadcast %sqrt3A_1523 : vector<1x64xf32> to vector<64x64xf32>
    %div3A_1525 = arith.divf %sub3A_1512, %div3A_1524 : vector<64x64xf32>
    %get3A_1526 = arith.constant 0 : index
    %get3A_1527 = arith.constant 0 : index
    %get3A_1528 = vector.load %arg6[%get3A_1526, %get3A_1527] : memref<64x1xf32, #tpu.memory_space<vmem>>, vector<64x1xf32>
    %mul3A_1529 = vector.broadcast %get3A_1528 : vector<64x1xf32> to vector<64x64xf32>
    %mul3A_1530 = arith.mulf %div3A_1525, %mul3A_1529 : vector<64x64xf32>
    %get3A_1531 = arith.constant 0 : index
    %get3A_1532 = arith.constant 0 : index
    %get3A_1533 = vector.load %arg7[%get3A_1531, %get3A_1532] : memref<64x1xf32, #tpu.memory_space<vmem>>, vector<64x1xf32>
    %add3A_1534 = vector.broadcast %get3A_1533 : vector<64x1xf32> to vector<64x64xf32>
    %add3A_1535 = arith.addf %mul3A_1530, %add3A_1534 : vector<64x64xf32>
    %ge3A_1536 = arith.constant 0.000000e+00 : f32
    %ge3A_1537 = vector.broadcast %ge3A_1536 : f32 to vector<64x64xf32>
    %ge3A_1538 = arith.cmpf oge, %add3A_1535, %ge3A_1537 : vector<64x64xf32>
    %mul3A_1539 = arith.constant 0.00999999977 : f32
    %mul3A_1540 = vector.broadcast %mul3A_1539 : f32 to vector<64x64xf32>
    %mul3A_1541 = arith.mulf %mul3A_1540, %add3A_1535 : vector<64x64xf32>
    %select_n3A_1542 = arith.select %ge3A_1538, %add3A_1535, %mul3A_1541 : vector<64x64xi1>, vector<64x64xf32>
    %get3A_1543 = arith.constant 0 : index
    %get3A_1544 = arith.constant 0 : index
    %get3A_1545 = vector.load %arg8[%get3A_1543, %get3A_1544] : memref<2x64xf32, #tpu.memory_space<vmem>>, vector<2x64xf32>
    %dot_general3A_1546 = arith.constant dense<0.000000e+00> : vector<2x64xf32>
    %dot_general3A_1547 = tpu.matmul %get3A_1545, %select_n3A_1542, %dot_general3A_1546 {dimension_numbers = #tpu.dot_dimension_numbers<[1], [0], [0], [1], [0, 0, 1, 1], [], []>, transpose_lhs_hint = false} : vector<2x64xf32>, vector<64x64xf32>, vector<2x64xf32> -> vector<2x64xf32>
    %get3A_1548 = arith.constant 22 : index
    %get3A_1549 = arith.constant 0 : index
    %get3A_1550 = arith.constant 0 : index
    %get3A_1551 = vector.load %arg3[%get3A_1548, %get3A_1549, %get3A_1550] : memref<32x2x64xf32, #tpu.memory_space<vmem>>, vector<1x2x64xf32>
    %get3A_1552 = vector.shape_cast %get3A_1551 : vector<1x2x64xf32> to vector<2x64xf32>
    %add3A_1553 = arith.addf %dot_general3A_1547, %get3A_1552 : vector<2x64xf32>
    %swap3A_1554 = arith.constant 22 : index
    %swap3A_1555 = arith.constant 0 : index
    %swap3A_1556 = arith.constant 0 : index
    %swap3A_1557 = vector.load %arg9[%swap3A_1554, %swap3A_1555, %swap3A_1556] : memref<32x2x64xf32, #tpu.memory_space<vmem>>, vector<1x2x64xf32>
    %swap3A_1558 = vector.shape_cast %swap3A_1557 : vector<1x2x64xf32> to vector<2x64xf32>
    %swap3A_1559 = vector.shape_cast %add3A_1553 : vector<2x64xf32> to vector<1x2x64xf32>
    tpu.vector_store %arg9[%swap3A_1554, %swap3A_1555, %swap3A_1556], %swap3A_1559 {strides = array<i32>} : memref<32x2x64xf32, #tpu.memory_space<vmem>>, vector<1x2x64xf32>,
    %slice3A_1560 = vector.extract_strided_slice %dot_general3A_6 {offsets = [0, 23], sizes = [64, 1], strides = [1, 1]} : vector<64x32xf32> to vector<64x1xf32>
    %get3A_1561 = arith.constant 23 : index
    %get3A_1562 = arith.constant 0 : index
    %get3A_1563 = arith.constant 0 : index
    %get3A_1564 = vector.load %arg2[%get3A_1561, %get3A_1562, %get3A_1563] : memref<32x2x64xf32, #tpu.memory_space<vmem>>, vector<1x2x64xf32>
    %get3A_1565 = vector.shape_cast %get3A_1564 : vector<1x2x64xf32> to vector<2x64xf32>
    %get3A_1566 = arith.constant 0 : index
    %get3A_1567 = arith.constant 0 : index
    %get3A_1568 = vector.load %arg5[%get3A_1566, %get3A_1567] : memref<64x2xf32, #tpu.memory_space<vmem>>, vector<64x2xf32>
    %dot_general3A_1569 = arith.constant dense<0.000000e+00> : vector<64x64xf32>
    %dot_general3A_1570 = tpu.matmul %get3A_1568, %get3A_1565, %dot_general3A_1569 {dimension_numbers = #tpu.dot_dimension_numbers<[1], [0], [0], [1], [0, 0, 1, 1], [], []>, transpose_lhs_hint = false} : vector<64x2xf32>, vector<2x64xf32>, vector<64x64xf32> -> vector<64x64xf32>
    %add3A_1571 = vector.broadcast %slice3A_1560 : vector<64x1xf32> to vector<64x64xf32>
    %add3A_1572 = arith.addf %dot_general3A_1570, %add3A_1571 : vector<64x64xf32>
    %reduce_sum3A_1573 = arith.constant dense<0.000000e+00> : vector<64xf32>
    %reduce_sum3A_1574 = vector.multi_reduction <add>, %add3A_1572, %reduce_sum3A_1573 [0] : vector<64x64xf32> to vector<64xf32>
    %broadcast_in_dim3A_1575 = vector.shape_cast %reduce_sum3A_1574 : vector<64xf32> to vector<1x64xf32>
    %div3A_1576 = arith.constant 6.400000e+01 : f32
    %div3A_1577 = vector.broadcast %div3A_1576 : f32 to vector<1x64xf32>
    %div3A_1578 = arith.divf %broadcast_in_dim3A_1575, %div3A_1577 : vector<1x64xf32>
    %sub3A_1579 = vector.broadcast %div3A_1578 : vector<1x64xf32> to vector<64x64xf32>
    %sub3A_1580 = arith.subf %add3A_1572, %sub3A_1579 : vector<64x64xf32>
    %mul3A_1581 = arith.mulf %sub3A_1580, %sub3A_1580 : vector<64x64xf32>
    %reduce_sum3A_1582 = arith.constant dense<0.000000e+00> : vector<64xf32>
    %reduce_sum3A_1583 = vector.multi_reduction <add>, %mul3A_1581, %reduce_sum3A_1582 [0] : vector<64x64xf32> to vector<64xf32>
    %broadcast_in_dim3A_1584 = vector.shape_cast %reduce_sum3A_1583 : vector<64xf32> to vector<1x64xf32>
    %div3A_1585 = arith.constant 6.400000e+01 : f32
    %div3A_1586 = vector.broadcast %div3A_1585 : f32 to vector<1x64xf32>
    %div3A_1587 = arith.divf %broadcast_in_dim3A_1584, %div3A_1586 : vector<1x64xf32>
    %add3A_1588 = arith.constant 9.99999974E-6 : f32
    %add3A_1589 = vector.broadcast %add3A_1588 : f32 to vector<1x64xf32>
    %add3A_1590 = arith.addf %div3A_1587, %add3A_1589 : vector<1x64xf32>
    %sqrt3A_1591 = math.sqrt %add3A_1590 : vector<1x64xf32>
    %div3A_1592 = vector.broadcast %sqrt3A_1591 : vector<1x64xf32> to vector<64x64xf32>
    %div3A_1593 = arith.divf %sub3A_1580, %div3A_1592 : vector<64x64xf32>
    %get3A_1594 = arith.constant 0 : index
    %get3A_1595 = arith.constant 0 : index
    %get3A_1596 = vector.load %arg6[%get3A_1594, %get3A_1595] : memref<64x1xf32, #tpu.memory_space<vmem>>, vector<64x1xf32>
    %mul3A_1597 = vector.broadcast %get3A_1596 : vector<64x1xf32> to vector<64x64xf32>
    %mul3A_1598 = arith.mulf %div3A_1593, %mul3A_1597 : vector<64x64xf32>
    %get3A_1599 = arith.constant 0 : index
    %get3A_1600 = arith.constant 0 : index
    %get3A_1601 = vector.load %arg7[%get3A_1599, %get3A_1600] : memref<64x1xf32, #tpu.memory_space<vmem>>, vector<64x1xf32>
    %add3A_1602 = vector.broadcast %get3A_1601 : vector<64x1xf32> to vector<64x64xf32>
    %add3A_1603 = arith.addf %mul3A_1598, %add3A_1602 : vector<64x64xf32>
    %ge3A_1604 = arith.constant 0.000000e+00 : f32
    %ge3A_1605 = vector.broadcast %ge3A_1604 : f32 to vector<64x64xf32>
    %ge3A_1606 = arith.cmpf oge, %add3A_1603, %ge3A_1605 : vector<64x64xf32>
    %mul3A_1607 = arith.constant 0.00999999977 : f32
    %mul3A_1608 = vector.broadcast %mul3A_1607 : f32 to vector<64x64xf32>
    %mul3A_1609 = arith.mulf %mul3A_1608, %add3A_1603 : vector<64x64xf32>
    %select_n3A_1610 = arith.select %ge3A_1606, %add3A_1603, %mul3A_1609 : vector<64x64xi1>, vector<64x64xf32>
    %get3A_1611 = arith.constant 0 : index
    %get3A_1612 = arith.constant 0 : index
    %get3A_1613 = vector.load %arg8[%get3A_1611, %get3A_1612] : memref<2x64xf32, #tpu.memory_space<vmem>>, vector<2x64xf32>
    %dot_general3A_1614 = arith.constant dense<0.000000e+00> : vector<2x64xf32>
    %dot_general3A_1615 = tpu.matmul %get3A_1613, %select_n3A_1610, %dot_general3A_1614 {dimension_numbers = #tpu.dot_dimension_numbers<[1], [0], [0], [1], [0, 0, 1, 1], [], []>, transpose_lhs_hint = false} : vector<2x64xf32>, vector<64x64xf32>, vector<2x64xf32> -> vector<2x64xf32>
    %get3A_1616 = arith.constant 23 : index
    %get3A_1617 = arith.constant 0 : index
    %get3A_1618 = arith.constant 0 : index
    %get3A_1619 = vector.load %arg3[%get3A_1616, %get3A_1617, %get3A_1618] : memref<32x2x64xf32, #tpu.memory_space<vmem>>, vector<1x2x64xf32>
    %get3A_1620 = vector.shape_cast %get3A_1619 : vector<1x2x64xf32> to vector<2x64xf32>
    %add3A_1621 = arith.addf %dot_general3A_1615, %get3A_1620 : vector<2x64xf32>
    %swap3A_1622 = arith.constant 23 : index
    %swap3A_1623 = arith.constant 0 : index
    %swap3A_1624 = arith.constant 0 : index
    %swap3A_1625 = vector.load %arg9[%swap3A_1622, %swap3A_1623, %swap3A_1624] : memref<32x2x64xf32, #tpu.memory_space<vmem>>, vector<1x2x64xf32>
    %swap3A_1626 = vector.shape_cast %swap3A_1625 : vector<1x2x64xf32> to vector<2x64xf32>
    %swap3A_1627 = vector.shape_cast %add3A_1621 : vector<2x64xf32> to vector<1x2x64xf32>
    tpu.vector_store %arg9[%swap3A_1622, %swap3A_1623, %swap3A_1624], %swap3A_1627 {strides = array<i32>} : memref<32x2x64xf32, #tpu.memory_space<vmem>>, vector<1x2x64xf32>,
    %slice3A_1628 = vector.extract_strided_slice %dot_general3A_6 {offsets = [0, 24], sizes = [64, 1], strides = [1, 1]} : vector<64x32xf32> to vector<64x1xf32>
    %get3A_1629 = arith.constant 24 : index
    %get3A_1630 = arith.constant 0 : index
    %get3A_1631 = arith.constant 0 : index
    %get3A_1632 = vector.load %arg2[%get3A_1629, %get3A_1630, %get3A_1631] : memref<32x2x64xf32, #tpu.memory_space<vmem>>, vector<1x2x64xf32>
    %get3A_1633 = vector.shape_cast %get3A_1632 : vector<1x2x64xf32> to vector<2x64xf32>
    %get3A_1634 = arith.constant 0 : index
    %get3A_1635 = arith.constant 0 : index
    %get3A_1636 = vector.load %arg5[%get3A_1634, %get3A_1635] : memref<64x2xf32, #tpu.memory_space<vmem>>, vector<64x2xf32>
    %dot_general3A_1637 = arith.constant dense<0.000000e+00> : vector<64x64xf32>
    %dot_general3A_1638 = tpu.matmul %get3A_1636, %get3A_1633, %dot_general3A_1637 {dimension_numbers = #tpu.dot_dimension_numbers<[1], [0], [0], [1], [0, 0, 1, 1], [], []>, transpose_lhs_hint = false} : vector<64x2xf32>, vector<2x64xf32>, vector<64x64xf32> -> vector<64x64xf32>
    %add3A_1639 = vector.broadcast %slice3A_1628 : vector<64x1xf32> to vector<64x64xf32>
    %add3A_1640 = arith.addf %dot_general3A_1638, %add3A_1639 : vector<64x64xf32>
    %reduce_sum3A_1641 = arith.constant dense<0.000000e+00> : vector<64xf32>
    %reduce_sum3A_1642 = vector.multi_reduction <add>, %add3A_1640, %reduce_sum3A_1641 [0] : vector<64x64xf32> to vector<64xf32>
    %broadcast_in_dim3A_1643 = vector.shape_cast %reduce_sum3A_1642 : vector<64xf32> to vector<1x64xf32>
    %div3A_1644 = arith.constant 6.400000e+01 : f32
    %div3A_1645 = vector.broadcast %div3A_1644 : f32 to vector<1x64xf32>
    %div3A_1646 = arith.divf %broadcast_in_dim3A_1643, %div3A_1645 : vector<1x64xf32>
    %sub3A_1647 = vector.broadcast %div3A_1646 : vector<1x64xf32> to vector<64x64xf32>
    %sub3A_1648 = arith.subf %add3A_1640, %sub3A_1647 : vector<64x64xf32>
    %mul3A_1649 = arith.mulf %sub3A_1648, %sub3A_1648 : vector<64x64xf32>
    %reduce_sum3A_1650 = arith.constant dense<0.000000e+00> : vector<64xf32>
    %reduce_sum3A_1651 = vector.multi_reduction <add>, %mul3A_1649, %reduce_sum3A_1650 [0] : vector<64x64xf32> to vector<64xf32>
    %broadcast_in_dim3A_1652 = vector.shape_cast %reduce_sum3A_1651 : vector<64xf32> to vector<1x64xf32>
    %div3A_1653 = arith.constant 6.400000e+01 : f32
    %div3A_1654 = vector.broadcast %div3A_1653 : f32 to vector<1x64xf32>
    %div3A_1655 = arith.divf %broadcast_in_dim3A_1652, %div3A_1654 : vector<1x64xf32>
    %add3A_1656 = arith.constant 9.99999974E-6 : f32
    %add3A_1657 = vector.broadcast %add3A_1656 : f32 to vector<1x64xf32>
    %add3A_1658 = arith.addf %div3A_1655, %add3A_1657 : vector<1x64xf32>
    %sqrt3A_1659 = math.sqrt %add3A_1658 : vector<1x64xf32>
    %div3A_1660 = vector.broadcast %sqrt3A_1659 : vector<1x64xf32> to vector<64x64xf32>
    %div3A_1661 = arith.divf %sub3A_1648, %div3A_1660 : vector<64x64xf32>
    %get3A_1662 = arith.constant 0 : index
    %get3A_1663 = arith.constant 0 : index
    %get3A_1664 = vector.load %arg6[%get3A_1662, %get3A_1663] : memref<64x1xf32, #tpu.memory_space<vmem>>, vector<64x1xf32>
    %mul3A_1665 = vector.broadcast %get3A_1664 : vector<64x1xf32> to vector<64x64xf32>
    %mul3A_1666 = arith.mulf %div3A_1661, %mul3A_1665 : vector<64x64xf32>
    %get3A_1667 = arith.constant 0 : index
    %get3A_1668 = arith.constant 0 : index
    %get3A_1669 = vector.load %arg7[%get3A_1667, %get3A_1668] : memref<64x1xf32, #tpu.memory_space<vmem>>, vector<64x1xf32>
    %add3A_1670 = vector.broadcast %get3A_1669 : vector<64x1xf32> to vector<64x64xf32>
    %add3A_1671 = arith.addf %mul3A_1666, %add3A_1670 : vector<64x64xf32>
    %ge3A_1672 = arith.constant 0.000000e+00 : f32
    %ge3A_1673 = vector.broadcast %ge3A_1672 : f32 to vector<64x64xf32>
    %ge3A_1674 = arith.cmpf oge, %add3A_1671, %ge3A_1673 : vector<64x64xf32>
    %mul3A_1675 = arith.constant 0.00999999977 : f32
    %mul3A_1676 = vector.broadcast %mul3A_1675 : f32 to vector<64x64xf32>
    %mul3A_1677 = arith.mulf %mul3A_1676, %add3A_1671 : vector<64x64xf32>
    %select_n3A_1678 = arith.select %ge3A_1674, %add3A_1671, %mul3A_1677 : vector<64x64xi1>, vector<64x64xf32>
    %get3A_1679 = arith.constant 0 : index
    %get3A_1680 = arith.constant 0 : index
    %get3A_1681 = vector.load %arg8[%get3A_1679, %get3A_1680] : memref<2x64xf32, #tpu.memory_space<vmem>>, vector<2x64xf32>
    %dot_general3A_1682 = arith.constant dense<0.000000e+00> : vector<2x64xf32>
    %dot_general3A_1683 = tpu.matmul %get3A_1681, %select_n3A_1678, %dot_general3A_1682 {dimension_numbers = #tpu.dot_dimension_numbers<[1], [0], [0], [1], [0, 0, 1, 1], [], []>, transpose_lhs_hint = false} : vector<2x64xf32>, vector<64x64xf32>, vector<2x64xf32> -> vector<2x64xf32>
    %get3A_1684 = arith.constant 24 : index
    %get3A_1685 = arith.constant 0 : index
    %get3A_1686 = arith.constant 0 : index
    %get3A_1687 = vector.load %arg3[%get3A_1684, %get3A_1685, %get3A_1686] : memref<32x2x64xf32, #tpu.memory_space<vmem>>, vector<1x2x64xf32>
    %get3A_1688 = vector.shape_cast %get3A_1687 : vector<1x2x64xf32> to vector<2x64xf32>
    %add3A_1689 = arith.addf %dot_general3A_1683, %get3A_1688 : vector<2x64xf32>
    %swap3A_1690 = arith.constant 24 : index
    %swap3A_1691 = arith.constant 0 : index
    %swap3A_1692 = arith.constant 0 : index
    %swap3A_1693 = vector.load %arg9[%swap3A_1690, %swap3A_1691, %swap3A_1692] : memref<32x2x64xf32, #tpu.memory_space<vmem>>, vector<1x2x64xf32>
    %swap3A_1694 = vector.shape_cast %swap3A_1693 : vector<1x2x64xf32> to vector<2x64xf32>
    %swap3A_1695 = vector.shape_cast %add3A_1689 : vector<2x64xf32> to vector<1x2x64xf32>
    tpu.vector_store %arg9[%swap3A_1690, %swap3A_1691, %swap3A_1692], %swap3A_1695 {strides = array<i32>} : memref<32x2x64xf32, #tpu.memory_space<vmem>>, vector<1x2x64xf32>,
    %slice3A_1696 = vector.extract_strided_slice %dot_general3A_6 {offsets = [0, 25], sizes = [64, 1], strides = [1, 1]} : vector<64x32xf32> to vector<64x1xf32>
    %get3A_1697 = arith.constant 25 : index
    %get3A_1698 = arith.constant 0 : index
    %get3A_1699 = arith.constant 0 : index
    %get3A_1700 = vector.load %arg2[%get3A_1697, %get3A_1698, %get3A_1699] : memref<32x2x64xf32, #tpu.memory_space<vmem>>, vector<1x2x64xf32>
    %get3A_1701 = vector.shape_cast %get3A_1700 : vector<1x2x64xf32> to vector<2x64xf32>
    %get3A_1702 = arith.constant 0 : index
    %get3A_1703 = arith.constant 0 : index
    %get3A_1704 = vector.load %arg5[%get3A_1702, %get3A_1703] : memref<64x2xf32, #tpu.memory_space<vmem>>, vector<64x2xf32>
    %dot_general3A_1705 = arith.constant dense<0.000000e+00> : vector<64x64xf32>
    %dot_general3A_1706 = tpu.matmul %get3A_1704, %get3A_1701, %dot_general3A_1705 {dimension_numbers = #tpu.dot_dimension_numbers<[1], [0], [0], [1], [0, 0, 1, 1], [], []>, transpose_lhs_hint = false} : vector<64x2xf32>, vector<2x64xf32>, vector<64x64xf32> -> vector<64x64xf32>
    %add3A_1707 = vector.broadcast %slice3A_1696 : vector<64x1xf32> to vector<64x64xf32>
    %add3A_1708 = arith.addf %dot_general3A_1706, %add3A_1707 : vector<64x64xf32>
    %reduce_sum3A_1709 = arith.constant dense<0.000000e+00> : vector<64xf32>
    %reduce_sum3A_1710 = vector.multi_reduction <add>, %add3A_1708, %reduce_sum3A_1709 [0] : vector<64x64xf32> to vector<64xf32>
    %broadcast_in_dim3A_1711 = vector.shape_cast %reduce_sum3A_1710 : vector<64xf32> to vector<1x64xf32>
    %div3A_1712 = arith.constant 6.400000e+01 : f32
    %div3A_1713 = vector.broadcast %div3A_1712 : f32 to vector<1x64xf32>
    %div3A_1714 = arith.divf %broadcast_in_dim3A_1711, %div3A_1713 : vector<1x64xf32>
    %sub3A_1715 = vector.broadcast %div3A_1714 : vector<1x64xf32> to vector<64x64xf32>
    %sub3A_1716 = arith.subf %add3A_1708, %sub3A_1715 : vector<64x64xf32>
    %mul3A_1717 = arith.mulf %sub3A_1716, %sub3A_1716 : vector<64x64xf32>
    %reduce_sum3A_1718 = arith.constant dense<0.000000e+00> : vector<64xf32>
    %reduce_sum3A_1719 = vector.multi_reduction <add>, %mul3A_1717, %reduce_sum3A_1718 [0] : vector<64x64xf32> to vector<64xf32>
    %broadcast_in_dim3A_1720 = vector.shape_cast %reduce_sum3A_1719 : vector<64xf32> to vector<1x64xf32>
    %div3A_1721 = arith.constant 6.400000e+01 : f32
    %div3A_1722 = vector.broadcast %div3A_1721 : f32 to vector<1x64xf32>
    %div3A_1723 = arith.divf %broadcast_in_dim3A_1720, %div3A_1722 : vector<1x64xf32>
    %add3A_1724 = arith.constant 9.99999974E-6 : f32
    %add3A_1725 = vector.broadcast %add3A_1724 : f32 to vector<1x64xf32>
    %add3A_1726 = arith.addf %div3A_1723, %add3A_1725 : vector<1x64xf32>
    %sqrt3A_1727 = math.sqrt %add3A_1726 : vector<1x64xf32>
    %div3A_1728 = vector.broadcast %sqrt3A_1727 : vector<1x64xf32> to vector<64x64xf32>
    %div3A_1729 = arith.divf %sub3A_1716, %div3A_1728 : vector<64x64xf32>
    %get3A_1730 = arith.constant 0 : index
    %get3A_1731 = arith.constant 0 : index
    %get3A_1732 = vector.load %arg6[%get3A_1730, %get3A_1731] : memref<64x1xf32, #tpu.memory_space<vmem>>, vector<64x1xf32>
    %mul3A_1733 = vector.broadcast %get3A_1732 : vector<64x1xf32> to vector<64x64xf32>
    %mul3A_1734 = arith.mulf %div3A_1729, %mul3A_1733 : vector<64x64xf32>
    %get3A_1735 = arith.constant 0 : index
    %get3A_1736 = arith.constant 0 : index
    %get3A_1737 = vector.load %arg7[%get3A_1735, %get3A_1736] : memref<64x1xf32, #tpu.memory_space<vmem>>, vector<64x1xf32>
    %add3A_1738 = vector.broadcast %get3A_1737 : vector<64x1xf32> to vector<64x64xf32>
    %add3A_1739 = arith.addf %mul3A_1734, %add3A_1738 : vector<64x64xf32>
    %ge3A_1740 = arith.constant 0.000000e+00 : f32
    %ge3A_1741 = vector.broadcast %ge3A_1740 : f32 to vector<64x64xf32>
    %ge3A_1742 = arith.cmpf oge, %add3A_1739, %ge3A_1741 : vector<64x64xf32>
    %mul3A_1743 = arith.constant 0.00999999977 : f32
    %mul3A_1744 = vector.broadcast %mul3A_1743 : f32 to vector<64x64xf32>
    %mul3A_1745 = arith.mulf %mul3A_1744, %add3A_1739 : vector<64x64xf32>
    %select_n3A_1746 = arith.select %ge3A_1742, %add3A_1739, %mul3A_1745 : vector<64x64xi1>, vector<64x64xf32>
    %get3A_1747 = arith.constant 0 : index
    %get3A_1748 = arith.constant 0 : index
    %get3A_1749 = vector.load %arg8[%get3A_1747, %get3A_1748] : memref<2x64xf32, #tpu.memory_space<vmem>>, vector<2x64xf32>
    %dot_general3A_1750 = arith.constant dense<0.000000e+00> : vector<2x64xf32>
    %dot_general3A_1751 = tpu.matmul %get3A_1749, %select_n3A_1746, %dot_general3A_1750 {dimension_numbers = #tpu.dot_dimension_numbers<[1], [0], [0], [1], [0, 0, 1, 1], [], []>, transpose_lhs_hint = false} : vector<2x64xf32>, vector<64x64xf32>, vector<2x64xf32> -> vector<2x64xf32>
    %get3A_1752 = arith.constant 25 : index
    %get3A_1753 = arith.constant 0 : index
    %get3A_1754 = arith.constant 0 : index
    %get3A_1755 = vector.load %arg3[%get3A_1752, %get3A_1753, %get3A_1754] : memref<32x2x64xf32, #tpu.memory_space<vmem>>, vector<1x2x64xf32>
    %get3A_1756 = vector.shape_cast %get3A_1755 : vector<1x2x64xf32> to vector<2x64xf32>
    %add3A_1757 = arith.addf %dot_general3A_1751, %get3A_1756 : vector<2x64xf32>
    %swap3A_1758 = arith.constant 25 : index
    %swap3A_1759 = arith.constant 0 : index
    %swap3A_1760 = arith.constant 0 : index
    %swap3A_1761 = vector.load %arg9[%swap3A_1758, %swap3A_1759, %swap3A_1760] : memref<32x2x64xf32, #tpu.memory_space<vmem>>, vector<1x2x64xf32>
    %swap3A_1762 = vector.shape_cast %swap3A_1761 : vector<1x2x64xf32> to vector<2x64xf32>
    %swap3A_1763 = vector.shape_cast %add3A_1757 : vector<2x64xf32> to vector<1x2x64xf32>
    tpu.vector_store %arg9[%swap3A_1758, %swap3A_1759, %swap3A_1760], %swap3A_1763 {strides = array<i32>} : memref<32x2x64xf32, #tpu.memory_space<vmem>>, vector<1x2x64xf32>,
    %slice3A_1764 = vector.extract_strided_slice %dot_general3A_6 {offsets = [0, 26], sizes = [64, 1], strides = [1, 1]} : vector<64x32xf32> to vector<64x1xf32>
    %get3A_1765 = arith.constant 26 : index
    %get3A_1766 = arith.constant 0 : index
    %get3A_1767 = arith.constant 0 : index
    %get3A_1768 = vector.load %arg2[%get3A_1765, %get3A_1766, %get3A_1767] : memref<32x2x64xf32, #tpu.memory_space<vmem>>, vector<1x2x64xf32>
    %get3A_1769 = vector.shape_cast %get3A_1768 : vector<1x2x64xf32> to vector<2x64xf32>
    %get3A_1770 = arith.constant 0 : index
    %get3A_1771 = arith.constant 0 : index
    %get3A_1772 = vector.load %arg5[%get3A_1770, %get3A_1771] : memref<64x2xf32, #tpu.memory_space<vmem>>, vector<64x2xf32>
    %dot_general3A_1773 = arith.constant dense<0.000000e+00> : vector<64x64xf32>
    %dot_general3A_1774 = tpu.matmul %get3A_1772, %get3A_1769, %dot_general3A_1773 {dimension_numbers = #tpu.dot_dimension_numbers<[1], [0], [0], [1], [0, 0, 1, 1], [], []>, transpose_lhs_hint = false} : vector<64x2xf32>, vector<2x64xf32>, vector<64x64xf32> -> vector<64x64xf32>
    %add3A_1775 = vector.broadcast %slice3A_1764 : vector<64x1xf32> to vector<64x64xf32>
    %add3A_1776 = arith.addf %dot_general3A_1774, %add3A_1775 : vector<64x64xf32>
    %reduce_sum3A_1777 = arith.constant dense<0.000000e+00> : vector<64xf32>
    %reduce_sum3A_1778 = vector.multi_reduction <add>, %add3A_1776, %reduce_sum3A_1777 [0] : vector<64x64xf32> to vector<64xf32>
    %broadcast_in_dim3A_1779 = vector.shape_cast %reduce_sum3A_1778 : vector<64xf32> to vector<1x64xf32>
    %div3A_1780 = arith.constant 6.400000e+01 : f32
    %div3A_1781 = vector.broadcast %div3A_1780 : f32 to vector<1x64xf32>
    %div3A_1782 = arith.divf %broadcast_in_dim3A_1779, %div3A_1781 : vector<1x64xf32>
    %sub3A_1783 = vector.broadcast %div3A_1782 : vector<1x64xf32> to vector<64x64xf32>
    %sub3A_1784 = arith.subf %add3A_1776, %sub3A_1783 : vector<64x64xf32>
    %mul3A_1785 = arith.mulf %sub3A_1784, %sub3A_1784 : vector<64x64xf32>
    %reduce_sum3A_1786 = arith.constant dense<0.000000e+00> : vector<64xf32>
    %reduce_sum3A_1787 = vector.multi_reduction <add>, %mul3A_1785, %reduce_sum3A_1786 [0] : vector<64x64xf32> to vector<64xf32>
    %broadcast_in_dim3A_1788 = vector.shape_cast %reduce_sum3A_1787 : vector<64xf32> to vector<1x64xf32>
    %div3A_1789 = arith.constant 6.400000e+01 : f32
    %div3A_1790 = vector.broadcast %div3A_1789 : f32 to vector<1x64xf32>
    %div3A_1791 = arith.divf %broadcast_in_dim3A_1788, %div3A_1790 : vector<1x64xf32>
    %add3A_1792 = arith.constant 9.99999974E-6 : f32
    %add3A_1793 = vector.broadcast %add3A_1792 : f32 to vector<1x64xf32>
    %add3A_1794 = arith.addf %div3A_1791, %add3A_1793 : vector<1x64xf32>
    %sqrt3A_1795 = math.sqrt %add3A_1794 : vector<1x64xf32>
    %div3A_1796 = vector.broadcast %sqrt3A_1795 : vector<1x64xf32> to vector<64x64xf32>
    %div3A_1797 = arith.divf %sub3A_1784, %div3A_1796 : vector<64x64xf32>
    %get3A_1798 = arith.constant 0 : index
    %get3A_1799 = arith.constant 0 : index
    %get3A_1800 = vector.load %arg6[%get3A_1798, %get3A_1799] : memref<64x1xf32, #tpu.memory_space<vmem>>, vector<64x1xf32>
    %mul3A_1801 = vector.broadcast %get3A_1800 : vector<64x1xf32> to vector<64x64xf32>
    %mul3A_1802 = arith.mulf %div3A_1797, %mul3A_1801 : vector<64x64xf32>
    %get3A_1803 = arith.constant 0 : index
    %get3A_1804 = arith.constant 0 : index
    %get3A_1805 = vector.load %arg7[%get3A_1803, %get3A_1804] : memref<64x1xf32, #tpu.memory_space<vmem>>, vector<64x1xf32>
    %add3A_1806 = vector.broadcast %get3A_1805 : vector<64x1xf32> to vector<64x64xf32>
    %add3A_1807 = arith.addf %mul3A_1802, %add3A_1806 : vector<64x64xf32>
    %ge3A_1808 = arith.constant 0.000000e+00 : f32
    %ge3A_1809 = vector.broadcast %ge3A_1808 : f32 to vector<64x64xf32>
    %ge3A_1810 = arith.cmpf oge, %add3A_1807, %ge3A_1809 : vector<64x64xf32>
    %mul3A_1811 = arith.constant 0.00999999977 : f32
    %mul3A_1812 = vector.broadcast %mul3A_1811 : f32 to vector<64x64xf32>
    %mul3A_1813 = arith.mulf %mul3A_1812, %add3A_1807 : vector<64x64xf32>
    %select_n3A_1814 = arith.select %ge3A_1810, %add3A_1807, %mul3A_1813 : vector<64x64xi1>, vector<64x64xf32>
    %get3A_1815 = arith.constant 0 : index
    %get3A_1816 = arith.constant 0 : index
    %get3A_1817 = vector.load %arg8[%get3A_1815, %get3A_1816] : memref<2x64xf32, #tpu.memory_space<vmem>>, vector<2x64xf32>
    %dot_general3A_1818 = arith.constant dense<0.000000e+00> : vector<2x64xf32>
    %dot_general3A_1819 = tpu.matmul %get3A_1817, %select_n3A_1814, %dot_general3A_1818 {dimension_numbers = #tpu.dot_dimension_numbers<[1], [0], [0], [1], [0, 0, 1, 1], [], []>, transpose_lhs_hint = false} : vector<2x64xf32>, vector<64x64xf32>, vector<2x64xf32> -> vector<2x64xf32>
    %get3A_1820 = arith.constant 26 : index
    %get3A_1821 = arith.constant 0 : index
    %get3A_1822 = arith.constant 0 : index
    %get3A_1823 = vector.load %arg3[%get3A_1820, %get3A_1821, %get3A_1822] : memref<32x2x64xf32, #tpu.memory_space<vmem>>, vector<1x2x64xf32>
    %get3A_1824 = vector.shape_cast %get3A_1823 : vector<1x2x64xf32> to vector<2x64xf32>
    %add3A_1825 = arith.addf %dot_general3A_1819, %get3A_1824 : vector<2x64xf32>
    %swap3A_1826 = arith.constant 26 : index
    %swap3A_1827 = arith.constant 0 : index
    %swap3A_1828 = arith.constant 0 : index
    %swap3A_1829 = vector.load %arg9[%swap3A_1826, %swap3A_1827, %swap3A_1828] : memref<32x2x64xf32, #tpu.memory_space<vmem>>, vector<1x2x64xf32>
    %swap3A_1830 = vector.shape_cast %swap3A_1829 : vector<1x2x64xf32> to vector<2x64xf32>
    %swap3A_1831 = vector.shape_cast %add3A_1825 : vector<2x64xf32> to vector<1x2x64xf32>
    tpu.vector_store %arg9[%swap3A_1826, %swap3A_1827, %swap3A_1828], %swap3A_1831 {strides = array<i32>} : memref<32x2x64xf32, #tpu.memory_space<vmem>>, vector<1x2x64xf32>,
    %slice3A_1832 = vector.extract_strided_slice %dot_general3A_6 {offsets = [0, 27], sizes = [64, 1], strides = [1, 1]} : vector<64x32xf32> to vector<64x1xf32>
    %get3A_1833 = arith.constant 27 : index
    %get3A_1834 = arith.constant 0 : index
    %get3A_1835 = arith.constant 0 : index
    %get3A_1836 = vector.load %arg2[%get3A_1833, %get3A_1834, %get3A_1835] : memref<32x2x64xf32, #tpu.memory_space<vmem>>, vector<1x2x64xf32>
    %get3A_1837 = vector.shape_cast %get3A_1836 : vector<1x2x64xf32> to vector<2x64xf32>
    %get3A_1838 = arith.constant 0 : index
    %get3A_1839 = arith.constant 0 : index
    %get3A_1840 = vector.load %arg5[%get3A_1838, %get3A_1839] : memref<64x2xf32, #tpu.memory_space<vmem>>, vector<64x2xf32>
    %dot_general3A_1841 = arith.constant dense<0.000000e+00> : vector<64x64xf32>
    %dot_general3A_1842 = tpu.matmul %get3A_1840, %get3A_1837, %dot_general3A_1841 {dimension_numbers = #tpu.dot_dimension_numbers<[1], [0], [0], [1], [0, 0, 1, 1], [], []>, transpose_lhs_hint = false} : vector<64x2xf32>, vector<2x64xf32>, vector<64x64xf32> -> vector<64x64xf32>
    %add3A_1843 = vector.broadcast %slice3A_1832 : vector<64x1xf32> to vector<64x64xf32>
    %add3A_1844 = arith.addf %dot_general3A_1842, %add3A_1843 : vector<64x64xf32>
    %reduce_sum3A_1845 = arith.constant dense<0.000000e+00> : vector<64xf32>
    %reduce_sum3A_1846 = vector.multi_reduction <add>, %add3A_1844, %reduce_sum3A_1845 [0] : vector<64x64xf32> to vector<64xf32>
    %broadcast_in_dim3A_1847 = vector.shape_cast %reduce_sum3A_1846 : vector<64xf32> to vector<1x64xf32>
    %div3A_1848 = arith.constant 6.400000e+01 : f32
    %div3A_1849 = vector.broadcast %div3A_1848 : f32 to vector<1x64xf32>
    %div3A_1850 = arith.divf %broadcast_in_dim3A_1847, %div3A_1849 : vector<1x64xf32>
    %sub3A_1851 = vector.broadcast %div3A_1850 : vector<1x64xf32> to vector<64x64xf32>
    %sub3A_1852 = arith.subf %add3A_1844, %sub3A_1851 : vector<64x64xf32>
    %mul3A_1853 = arith.mulf %sub3A_1852, %sub3A_1852 : vector<64x64xf32>
    %reduce_sum3A_1854 = arith.constant dense<0.000000e+00> : vector<64xf32>
    %reduce_sum3A_1855 = vector.multi_reduction <add>, %mul3A_1853, %reduce_sum3A_1854 [0] : vector<64x64xf32> to vector<64xf32>
    %broadcast_in_dim3A_1856 = vector.shape_cast %reduce_sum3A_1855 : vector<64xf32> to vector<1x64xf32>
    %div3A_1857 = arith.constant 6.400000e+01 : f32
    %div3A_1858 = vector.broadcast %div3A_1857 : f32 to vector<1x64xf32>
    %div3A_1859 = arith.divf %broadcast_in_dim3A_1856, %div3A_1858 : vector<1x64xf32>
    %add3A_1860 = arith.constant 9.99999974E-6 : f32
    %add3A_1861 = vector.broadcast %add3A_1860 : f32 to vector<1x64xf32>
    %add3A_1862 = arith.addf %div3A_1859, %add3A_1861 : vector<1x64xf32>
    %sqrt3A_1863 = math.sqrt %add3A_1862 : vector<1x64xf32>
    %div3A_1864 = vector.broadcast %sqrt3A_1863 : vector<1x64xf32> to vector<64x64xf32>
    %div3A_1865 = arith.divf %sub3A_1852, %div3A_1864 : vector<64x64xf32>
    %get3A_1866 = arith.constant 0 : index
    %get3A_1867 = arith.constant 0 : index
    %get3A_1868 = vector.load %arg6[%get3A_1866, %get3A_1867] : memref<64x1xf32, #tpu.memory_space<vmem>>, vector<64x1xf32>
    %mul3A_1869 = vector.broadcast %get3A_1868 : vector<64x1xf32> to vector<64x64xf32>
    %mul3A_1870 = arith.mulf %div3A_1865, %mul3A_1869 : vector<64x64xf32>
    %get3A_1871 = arith.constant 0 : index
    %get3A_1872 = arith.constant 0 : index
    %get3A_1873 = vector.load %arg7[%get3A_1871, %get3A_1872] : memref<64x1xf32, #tpu.memory_space<vmem>>, vector<64x1xf32>
    %add3A_1874 = vector.broadcast %get3A_1873 : vector<64x1xf32> to vector<64x64xf32>
    %add3A_1875 = arith.addf %mul3A_1870, %add3A_1874 : vector<64x64xf32>
    %ge3A_1876 = arith.constant 0.000000e+00 : f32
    %ge3A_1877 = vector.broadcast %ge3A_1876 : f32 to vector<64x64xf32>
    %ge3A_1878 = arith.cmpf oge, %add3A_1875, %ge3A_1877 : vector<64x64xf32>
    %mul3A_1879 = arith.constant 0.00999999977 : f32
    %mul3A_1880 = vector.broadcast %mul3A_1879 : f32 to vector<64x64xf32>
    %mul3A_1881 = arith.mulf %mul3A_1880, %add3A_1875 : vector<64x64xf32>
    %select_n3A_1882 = arith.select %ge3A_1878, %add3A_1875, %mul3A_1881 : vector<64x64xi1>, vector<64x64xf32>
    %get3A_1883 = arith.constant 0 : index
    %get3A_1884 = arith.constant 0 : index
    %get3A_1885 = vector.load %arg8[%get3A_1883, %get3A_1884] : memref<2x64xf32, #tpu.memory_space<vmem>>, vector<2x64xf32>
    %dot_general3A_1886 = arith.constant dense<0.000000e+00> : vector<2x64xf32>
    %dot_general3A_1887 = tpu.matmul %get3A_1885, %select_n3A_1882, %dot_general3A_1886 {dimension_numbers = #tpu.dot_dimension_numbers<[1], [0], [0], [1], [0, 0, 1, 1], [], []>, transpose_lhs_hint = false} : vector<2x64xf32>, vector<64x64xf32>, vector<2x64xf32> -> vector<2x64xf32>
    %get3A_1888 = arith.constant 27 : index
    %get3A_1889 = arith.constant 0 : index
    %get3A_1890 = arith.constant 0 : index
    %get3A_1891 = vector.load %arg3[%get3A_1888, %get3A_1889, %get3A_1890] : memref<32x2x64xf32, #tpu.memory_space<vmem>>, vector<1x2x64xf32>
    %get3A_1892 = vector.shape_cast %get3A_1891 : vector<1x2x64xf32> to vector<2x64xf32>
    %add3A_1893 = arith.addf %dot_general3A_1887, %get3A_1892 : vector<2x64xf32>
    %swap3A_1894 = arith.constant 27 : index
    %swap3A_1895 = arith.constant 0 : index
    %swap3A_1896 = arith.constant 0 : index
    %swap3A_1897 = vector.load %arg9[%swap3A_1894, %swap3A_1895, %swap3A_1896] : memref<32x2x64xf32, #tpu.memory_space<vmem>>, vector<1x2x64xf32>
    %swap3A_1898 = vector.shape_cast %swap3A_1897 : vector<1x2x64xf32> to vector<2x64xf32>
    %swap3A_1899 = vector.shape_cast %add3A_1893 : vector<2x64xf32> to vector<1x2x64xf32>
    tpu.vector_store %arg9[%swap3A_1894, %swap3A_1895, %swap3A_1896], %swap3A_1899 {strides = array<i32>} : memref<32x2x64xf32, #tpu.memory_space<vmem>>, vector<1x2x64xf32>,
    %slice3A_1900 = vector.extract_strided_slice %dot_general3A_6 {offsets = [0, 28], sizes = [64, 1], strides = [1, 1]} : vector<64x32xf32> to vector<64x1xf32>
    %get3A_1901 = arith.constant 28 : index
    %get3A_1902 = arith.constant 0 : index
    %get3A_1903 = arith.constant 0 : index
    %get3A_1904 = vector.load %arg2[%get3A_1901, %get3A_1902, %get3A_1903] : memref<32x2x64xf32, #tpu.memory_space<vmem>>, vector<1x2x64xf32>
    %get3A_1905 = vector.shape_cast %get3A_1904 : vector<1x2x64xf32> to vector<2x64xf32>
    %get3A_1906 = arith.constant 0 : index
    %get3A_1907 = arith.constant 0 : index
    %get3A_1908 = vector.load %arg5[%get3A_1906, %get3A_1907] : memref<64x2xf32, #tpu.memory_space<vmem>>, vector<64x2xf32>
    %dot_general3A_1909 = arith.constant dense<0.000000e+00> : vector<64x64xf32>
    %dot_general3A_1910 = tpu.matmul %get3A_1908, %get3A_1905, %dot_general3A_1909 {dimension_numbers = #tpu.dot_dimension_numbers<[1], [0], [0], [1], [0, 0, 1, 1], [], []>, transpose_lhs_hint = false} : vector<64x2xf32>, vector<2x64xf32>, vector<64x64xf32> -> vector<64x64xf32>
    %add3A_1911 = vector.broadcast %slice3A_1900 : vector<64x1xf32> to vector<64x64xf32>
    %add3A_1912 = arith.addf %dot_general3A_1910, %add3A_1911 : vector<64x64xf32>
    %reduce_sum3A_1913 = arith.constant dense<0.000000e+00> : vector<64xf32>
    %reduce_sum3A_1914 = vector.multi_reduction <add>, %add3A_1912, %reduce_sum3A_1913 [0] : vector<64x64xf32> to vector<64xf32>
    %broadcast_in_dim3A_1915 = vector.shape_cast %reduce_sum3A_1914 : vector<64xf32> to vector<1x64xf32>
    %div3A_1916 = arith.constant 6.400000e+01 : f32
    %div3A_1917 = vector.broadcast %div3A_1916 : f32 to vector<1x64xf32>
    %div3A_1918 = arith.divf %broadcast_in_dim3A_1915, %div3A_1917 : vector<1x64xf32>
    %sub3A_1919 = vector.broadcast %div3A_1918 : vector<1x64xf32> to vector<64x64xf32>
    %sub3A_1920 = arith.subf %add3A_1912, %sub3A_1919 : vector<64x64xf32>
    %mul3A_1921 = arith.mulf %sub3A_1920, %sub3A_1920 : vector<64x64xf32>
    %reduce_sum3A_1922 = arith.constant dense<0.000000e+00> : vector<64xf32>
    %reduce_sum3A_1923 = vector.multi_reduction <add>, %mul3A_1921, %reduce_sum3A_1922 [0] : vector<64x64xf32> to vector<64xf32>
    %broadcast_in_dim3A_1924 = vector.shape_cast %reduce_sum3A_1923 : vector<64xf32> to vector<1x64xf32>
    %div3A_1925 = arith.constant 6.400000e+01 : f32
    %div3A_1926 = vector.broadcast %div3A_1925 : f32 to vector<1x64xf32>
    %div3A_1927 = arith.divf %broadcast_in_dim3A_1924, %div3A_1926 : vector<1x64xf32>
    %add3A_1928 = arith.constant 9.99999974E-6 : f32
    %add3A_1929 = vector.broadcast %add3A_1928 : f32 to vector<1x64xf32>
    %add3A_1930 = arith.addf %div3A_1927, %add3A_1929 : vector<1x64xf32>
    %sqrt3A_1931 = math.sqrt %add3A_1930 : vector<1x64xf32>
    %div3A_1932 = vector.broadcast %sqrt3A_1931 : vector<1x64xf32> to vector<64x64xf32>
    %div3A_1933 = arith.divf %sub3A_1920, %div3A_1932 : vector<64x64xf32>
    %get3A_1934 = arith.constant 0 : index
    %get3A_1935 = arith.constant 0 : index
    %get3A_1936 = vector.load %arg6[%get3A_1934, %get3A_1935] : memref<64x1xf32, #tpu.memory_space<vmem>>, vector<64x1xf32>
    %mul3A_1937 = vector.broadcast %get3A_1936 : vector<64x1xf32> to vector<64x64xf32>
    %mul3A_1938 = arith.mulf %div3A_1933, %mul3A_1937 : vector<64x64xf32>
    %get3A_1939 = arith.constant 0 : index
    %get3A_1940 = arith.constant 0 : index
    %get3A_1941 = vector.load %arg7[%get3A_1939, %get3A_1940] : memref<64x1xf32, #tpu.memory_space<vmem>>, vector<64x1xf32>
    %add3A_1942 = vector.broadcast %get3A_1941 : vector<64x1xf32> to vector<64x64xf32>
    %add3A_1943 = arith.addf %mul3A_1938, %add3A_1942 : vector<64x64xf32>
    %ge3A_1944 = arith.constant 0.000000e+00 : f32
    %ge3A_1945 = vector.broadcast %ge3A_1944 : f32 to vector<64x64xf32>
    %ge3A_1946 = arith.cmpf oge, %add3A_1943, %ge3A_1945 : vector<64x64xf32>
    %mul3A_1947 = arith.constant 0.00999999977 : f32
    %mul3A_1948 = vector.broadcast %mul3A_1947 : f32 to vector<64x64xf32>
    %mul3A_1949 = arith.mulf %mul3A_1948, %add3A_1943 : vector<64x64xf32>
    %select_n3A_1950 = arith.select %ge3A_1946, %add3A_1943, %mul3A_1949 : vector<64x64xi1>, vector<64x64xf32>
    %get3A_1951 = arith.constant 0 : index
    %get3A_1952 = arith.constant 0 : index
    %get3A_1953 = vector.load %arg8[%get3A_1951, %get3A_1952] : memref<2x64xf32, #tpu.memory_space<vmem>>, vector<2x64xf32>
    %dot_general3A_1954 = arith.constant dense<0.000000e+00> : vector<2x64xf32>
    %dot_general3A_1955 = tpu.matmul %get3A_1953, %select_n3A_1950, %dot_general3A_1954 {dimension_numbers = #tpu.dot_dimension_numbers<[1], [0], [0], [1], [0, 0, 1, 1], [], []>, transpose_lhs_hint = false} : vector<2x64xf32>, vector<64x64xf32>, vector<2x64xf32> -> vector<2x64xf32>
    %get3A_1956 = arith.constant 28 : index
    %get3A_1957 = arith.constant 0 : index
    %get3A_1958 = arith.constant 0 : index
    %get3A_1959 = vector.load %arg3[%get3A_1956, %get3A_1957, %get3A_1958] : memref<32x2x64xf32, #tpu.memory_space<vmem>>, vector<1x2x64xf32>
    %get3A_1960 = vector.shape_cast %get3A_1959 : vector<1x2x64xf32> to vector<2x64xf32>
    %add3A_1961 = arith.addf %dot_general3A_1955, %get3A_1960 : vector<2x64xf32>
    %swap3A_1962 = arith.constant 28 : index
    %swap3A_1963 = arith.constant 0 : index
    %swap3A_1964 = arith.constant 0 : index
    %swap3A_1965 = vector.load %arg9[%swap3A_1962, %swap3A_1963, %swap3A_1964] : memref<32x2x64xf32, #tpu.memory_space<vmem>>, vector<1x2x64xf32>
    %swap3A_1966 = vector.shape_cast %swap3A_1965 : vector<1x2x64xf32> to vector<2x64xf32>
    %swap3A_1967 = vector.shape_cast %add3A_1961 : vector<2x64xf32> to vector<1x2x64xf32>
    tpu.vector_store %arg9[%swap3A_1962, %swap3A_1963, %swap3A_1964], %swap3A_1967 {strides = array<i32>} : memref<32x2x64xf32, #tpu.memory_space<vmem>>, vector<1x2x64xf32>,
    %slice3A_1968 = vector.extract_strided_slice %dot_general3A_6 {offsets = [0, 29], sizes = [64, 1], strides = [1, 1]} : vector<64x32xf32> to vector<64x1xf32>
    %get3A_1969 = arith.constant 29 : index
    %get3A_1970 = arith.constant 0 : index
    %get3A_1971 = arith.constant 0 : index
    %get3A_1972 = vector.load %arg2[%get3A_1969, %get3A_1970, %get3A_1971] : memref<32x2x64xf32, #tpu.memory_space<vmem>>, vector<1x2x64xf32>
    %get3A_1973 = vector.shape_cast %get3A_1972 : vector<1x2x64xf32> to vector<2x64xf32>
    %get3A_1974 = arith.constant 0 : index
    %get3A_1975 = arith.constant 0 : index
    %get3A_1976 = vector.load %arg5[%get3A_1974, %get3A_1975] : memref<64x2xf32, #tpu.memory_space<vmem>>, vector<64x2xf32>
    %dot_general3A_1977 = arith.constant dense<0.000000e+00> : vector<64x64xf32>
    %dot_general3A_1978 = tpu.matmul %get3A_1976, %get3A_1973, %dot_general3A_1977 {dimension_numbers = #tpu.dot_dimension_numbers<[1], [0], [0], [1], [0, 0, 1, 1], [], []>, transpose_lhs_hint = false} : vector<64x2xf32>, vector<2x64xf32>, vector<64x64xf32> -> vector<64x64xf32>
    %add3A_1979 = vector.broadcast %slice3A_1968 : vector<64x1xf32> to vector<64x64xf32>
    %add3A_1980 = arith.addf %dot_general3A_1978, %add3A_1979 : vector<64x64xf32>
    %reduce_sum3A_1981 = arith.constant dense<0.000000e+00> : vector<64xf32>
    %reduce_sum3A_1982 = vector.multi_reduction <add>, %add3A_1980, %reduce_sum3A_1981 [0] : vector<64x64xf32> to vector<64xf32>
    %broadcast_in_dim3A_1983 = vector.shape_cast %reduce_sum3A_1982 : vector<64xf32> to vector<1x64xf32>
    %div3A_1984 = arith.constant 6.400000e+01 : f32
    %div3A_1985 = vector.broadcast %div3A_1984 : f32 to vector<1x64xf32>
    %div3A_1986 = arith.divf %broadcast_in_dim3A_1983, %div3A_1985 : vector<1x64xf32>
    %sub3A_1987 = vector.broadcast %div3A_1986 : vector<1x64xf32> to vector<64x64xf32>
    %sub3A_1988 = arith.subf %add3A_1980, %sub3A_1987 : vector<64x64xf32>
    %mul3A_1989 = arith.mulf %sub3A_1988, %sub3A_1988 : vector<64x64xf32>
    %reduce_sum3A_1990 = arith.constant dense<0.000000e+00> : vector<64xf32>
    %reduce_sum3A_1991 = vector.multi_reduction <add>, %mul3A_1989, %reduce_sum3A_1990 [0] : vector<64x64xf32> to vector<64xf32>
    %broadcast_in_dim3A_1992 = vector.shape_cast %reduce_sum3A_1991 : vector<64xf32> to vector<1x64xf32>
    %div3A_1993 = arith.constant 6.400000e+01 : f32
    %div3A_1994 = vector.broadcast %div3A_1993 : f32 to vector<1x64xf32>
    %div3A_1995 = arith.divf %broadcast_in_dim3A_1992, %div3A_1994 : vector<1x64xf32>
    %add3A_1996 = arith.constant 9.99999974E-6 : f32
    %add3A_1997 = vector.broadcast %add3A_1996 : f32 to vector<1x64xf32>
    %add3A_1998 = arith.addf %div3A_1995, %add3A_1997 : vector<1x64xf32>
    %sqrt3A_1999 = math.sqrt %add3A_1998 : vector<1x64xf32>
    %div3A_2000 = vector.broadcast %sqrt3A_1999 : vector<1x64xf32> to vector<64x64xf32>
    %div3A_2001 = arith.divf %sub3A_1988, %div3A_2000 : vector<64x64xf32>
    %get3A_2002 = arith.constant 0 : index
    %get3A_2003 = arith.constant 0 : index
    %get3A_2004 = vector.load %arg6[%get3A_2002, %get3A_2003] : memref<64x1xf32, #tpu.memory_space<vmem>>, vector<64x1xf32>
    %mul3A_2005 = vector.broadcast %get3A_2004 : vector<64x1xf32> to vector<64x64xf32>
    %mul3A_2006 = arith.mulf %div3A_2001, %mul3A_2005 : vector<64x64xf32>
    %get3A_2007 = arith.constant 0 : index
    %get3A_2008 = arith.constant 0 : index
    %get3A_2009 = vector.load %arg7[%get3A_2007, %get3A_2008] : memref<64x1xf32, #tpu.memory_space<vmem>>, vector<64x1xf32>
    %add3A_2010 = vector.broadcast %get3A_2009 : vector<64x1xf32> to vector<64x64xf32>
    %add3A_2011 = arith.addf %mul3A_2006, %add3A_2010 : vector<64x64xf32>
    %ge3A_2012 = arith.constant 0.000000e+00 : f32
    %ge3A_2013 = vector.broadcast %ge3A_2012 : f32 to vector<64x64xf32>
    %ge3A_2014 = arith.cmpf oge, %add3A_2011, %ge3A_2013 : vector<64x64xf32>
    %mul3A_2015 = arith.constant 0.00999999977 : f32
    %mul3A_2016 = vector.broadcast %mul3A_2015 : f32 to vector<64x64xf32>
    %mul3A_2017 = arith.mulf %mul3A_2016, %add3A_2011 : vector<64x64xf32>
    %select_n3A_2018 = arith.select %ge3A_2014, %add3A_2011, %mul3A_2017 : vector<64x64xi1>, vector<64x64xf32>
    %get3A_2019 = arith.constant 0 : index
    %get3A_2020 = arith.constant 0 : index
    %get3A_2021 = vector.load %arg8[%get3A_2019, %get3A_2020] : memref<2x64xf32, #tpu.memory_space<vmem>>, vector<2x64xf32>
    %dot_general3A_2022 = arith.constant dense<0.000000e+00> : vector<2x64xf32>
    %dot_general3A_2023 = tpu.matmul %get3A_2021, %select_n3A_2018, %dot_general3A_2022 {dimension_numbers = #tpu.dot_dimension_numbers<[1], [0], [0], [1], [0, 0, 1, 1], [], []>, transpose_lhs_hint = false} : vector<2x64xf32>, vector<64x64xf32>, vector<2x64xf32> -> vector<2x64xf32>
    %get3A_2024 = arith.constant 29 : index
    %get3A_2025 = arith.constant 0 : index
    %get3A_2026 = arith.constant 0 : index
    %get3A_2027 = vector.load %arg3[%get3A_2024, %get3A_2025, %get3A_2026] : memref<32x2x64xf32, #tpu.memory_space<vmem>>, vector<1x2x64xf32>
    %get3A_2028 = vector.shape_cast %get3A_2027 : vector<1x2x64xf32> to vector<2x64xf32>
    %add3A_2029 = arith.addf %dot_general3A_2023, %get3A_2028 : vector<2x64xf32>
    %swap3A_2030 = arith.constant 29 : index
    %swap3A_2031 = arith.constant 0 : index
    %swap3A_2032 = arith.constant 0 : index
    %swap3A_2033 = vector.load %arg9[%swap3A_2030, %swap3A_2031, %swap3A_2032] : memref<32x2x64xf32, #tpu.memory_space<vmem>>, vector<1x2x64xf32>
    %swap3A_2034 = vector.shape_cast %swap3A_2033 : vector<1x2x64xf32> to vector<2x64xf32>
    %swap3A_2035 = vector.shape_cast %add3A_2029 : vector<2x64xf32> to vector<1x2x64xf32>
    tpu.vector_store %arg9[%swap3A_2030, %swap3A_2031, %swap3A_2032], %swap3A_2035 {strides = array<i32>} : memref<32x2x64xf32, #tpu.memory_space<vmem>>, vector<1x2x64xf32>,
    %slice3A_2036 = vector.extract_strided_slice %dot_general3A_6 {offsets = [0, 30], sizes = [64, 1], strides = [1, 1]} : vector<64x32xf32> to vector<64x1xf32>
    %get3A_2037 = arith.constant 30 : index
    %get3A_2038 = arith.constant 0 : index
    %get3A_2039 = arith.constant 0 : index
    %get3A_2040 = vector.load %arg2[%get3A_2037, %get3A_2038, %get3A_2039] : memref<32x2x64xf32, #tpu.memory_space<vmem>>, vector<1x2x64xf32>
    %get3A_2041 = vector.shape_cast %get3A_2040 : vector<1x2x64xf32> to vector<2x64xf32>
    %get3A_2042 = arith.constant 0 : index
    %get3A_2043 = arith.constant 0 : index
    %get3A_2044 = vector.load %arg5[%get3A_2042, %get3A_2043] : memref<64x2xf32, #tpu.memory_space<vmem>>, vector<64x2xf32>
    %dot_general3A_2045 = arith.constant dense<0.000000e+00> : vector<64x64xf32>
    %dot_general3A_2046 = tpu.matmul %get3A_2044, %get3A_2041, %dot_general3A_2045 {dimension_numbers = #tpu.dot_dimension_numbers<[1], [0], [0], [1], [0, 0, 1, 1], [], []>, transpose_lhs_hint = false} : vector<64x2xf32>, vector<2x64xf32>, vector<64x64xf32> -> vector<64x64xf32>
    %add3A_2047 = vector.broadcast %slice3A_2036 : vector<64x1xf32> to vector<64x64xf32>
    %add3A_2048 = arith.addf %dot_general3A_2046, %add3A_2047 : vector<64x64xf32>
    %reduce_sum3A_2049 = arith.constant dense<0.000000e+00> : vector<64xf32>
    %reduce_sum3A_2050 = vector.multi_reduction <add>, %add3A_2048, %reduce_sum3A_2049 [0] : vector<64x64xf32> to vector<64xf32>
    %broadcast_in_dim3A_2051 = vector.shape_cast %reduce_sum3A_2050 : vector<64xf32> to vector<1x64xf32>
    %div3A_2052 = arith.constant 6.400000e+01 : f32
    %div3A_2053 = vector.broadcast %div3A_2052 : f32 to vector<1x64xf32>
    %div3A_2054 = arith.divf %broadcast_in_dim3A_2051, %div3A_2053 : vector<1x64xf32>
    %sub3A_2055 = vector.broadcast %div3A_2054 : vector<1x64xf32> to vector<64x64xf32>
    %sub3A_2056 = arith.subf %add3A_2048, %sub3A_2055 : vector<64x64xf32>
    %mul3A_2057 = arith.mulf %sub3A_2056, %sub3A_2056 : vector<64x64xf32>
    %reduce_sum3A_2058 = arith.constant dense<0.000000e+00> : vector<64xf32>
    %reduce_sum3A_2059 = vector.multi_reduction <add>, %mul3A_2057, %reduce_sum3A_2058 [0] : vector<64x64xf32> to vector<64xf32>
    %broadcast_in_dim3A_2060 = vector.shape_cast %reduce_sum3A_2059 : vector<64xf32> to vector<1x64xf32>
    %div3A_2061 = arith.constant 6.400000e+01 : f32
    %div3A_2062 = vector.broadcast %div3A_2061 : f32 to vector<1x64xf32>
    %div3A_2063 = arith.divf %broadcast_in_dim3A_2060, %div3A_2062 : vector<1x64xf32>
    %add3A_2064 = arith.constant 9.99999974E-6 : f32
    %add3A_2065 = vector.broadcast %add3A_2064 : f32 to vector<1x64xf32>
    %add3A_2066 = arith.addf %div3A_2063, %add3A_2065 : vector<1x64xf32>
    %sqrt3A_2067 = math.sqrt %add3A_2066 : vector<1x64xf32>
    %div3A_2068 = vector.broadcast %sqrt3A_2067 : vector<1x64xf32> to vector<64x64xf32>
    %div3A_2069 = arith.divf %sub3A_2056, %div3A_2068 : vector<64x64xf32>
    %get3A_2070 = arith.constant 0 : index
    %get3A_2071 = arith.constant 0 : index
    %get3A_2072 = vector.load %arg6[%get3A_2070, %get3A_2071] : memref<64x1xf32, #tpu.memory_space<vmem>>, vector<64x1xf32>
    %mul3A_2073 = vector.broadcast %get3A_2072 : vector<64x1xf32> to vector<64x64xf32>
    %mul3A_2074 = arith.mulf %div3A_2069, %mul3A_2073 : vector<64x64xf32>
    %get3A_2075 = arith.constant 0 : index
    %get3A_2076 = arith.constant 0 : index
    %get3A_2077 = vector.load %arg7[%get3A_2075, %get3A_2076] : memref<64x1xf32, #tpu.memory_space<vmem>>, vector<64x1xf32>
    %add3A_2078 = vector.broadcast %get3A_2077 : vector<64x1xf32> to vector<64x64xf32>
    %add3A_2079 = arith.addf %mul3A_2074, %add3A_2078 : vector<64x64xf32>
    %ge3A_2080 = arith.constant 0.000000e+00 : f32
    %ge3A_2081 = vector.broadcast %ge3A_2080 : f32 to vector<64x64xf32>
    %ge3A_2082 = arith.cmpf oge, %add3A_2079, %ge3A_2081 : vector<64x64xf32>
    %mul3A_2083 = arith.constant 0.00999999977 : f32
    %mul3A_2084 = vector.broadcast %mul3A_2083 : f32 to vector<64x64xf32>
    %mul3A_2085 = arith.mulf %mul3A_2084, %add3A_2079 : vector<64x64xf32>
    %select_n3A_2086 = arith.select %ge3A_2082, %add3A_2079, %mul3A_2085 : vector<64x64xi1>, vector<64x64xf32>
    %get3A_2087 = arith.constant 0 : index
    %get3A_2088 = arith.constant 0 : index
    %get3A_2089 = vector.load %arg8[%get3A_2087, %get3A_2088] : memref<2x64xf32, #tpu.memory_space<vmem>>, vector<2x64xf32>
    %dot_general3A_2090 = arith.constant dense<0.000000e+00> : vector<2x64xf32>
    %dot_general3A_2091 = tpu.matmul %get3A_2089, %select_n3A_2086, %dot_general3A_2090 {dimension_numbers = #tpu.dot_dimension_numbers<[1], [0], [0], [1], [0, 0, 1, 1], [], []>, transpose_lhs_hint = false} : vector<2x64xf32>, vector<64x64xf32>, vector<2x64xf32> -> vector<2x64xf32>
    %get3A_2092 = arith.constant 30 : index
    %get3A_2093 = arith.constant 0 : index
    %get3A_2094 = arith.constant 0 : index
    %get3A_2095 = vector.load %arg3[%get3A_2092, %get3A_2093, %get3A_2094] : memref<32x2x64xf32, #tpu.memory_space<vmem>>, vector<1x2x64xf32>
    %get3A_2096 = vector.shape_cast %get3A_2095 : vector<1x2x64xf32> to vector<2x64xf32>
    %add3A_2097 = arith.addf %dot_general3A_2091, %get3A_2096 : vector<2x64xf32>
    %swap3A_2098 = arith.constant 30 : index
    %swap3A_2099 = arith.constant 0 : index
    %swap3A_2100 = arith.constant 0 : index
    %swap3A_2101 = vector.load %arg9[%swap3A_2098, %swap3A_2099, %swap3A_2100] : memref<32x2x64xf32, #tpu.memory_space<vmem>>, vector<1x2x64xf32>
    %swap3A_2102 = vector.shape_cast %swap3A_2101 : vector<1x2x64xf32> to vector<2x64xf32>
    %swap3A_2103 = vector.shape_cast %add3A_2097 : vector<2x64xf32> to vector<1x2x64xf32>
    tpu.vector_store %arg9[%swap3A_2098, %swap3A_2099, %swap3A_2100], %swap3A_2103 {strides = array<i32>} : memref<32x2x64xf32, #tpu.memory_space<vmem>>, vector<1x2x64xf32>,
    %slice3A_2104 = vector.extract_strided_slice %dot_general3A_6 {offsets = [0, 31], sizes = [64, 1], strides = [1, 1]} : vector<64x32xf32> to vector<64x1xf32>
    %get3A_2105 = arith.constant 31 : index
    %get3A_2106 = arith.constant 0 : index
    %get3A_2107 = arith.constant 0 : index
    %get3A_2108 = vector.load %arg2[%get3A_2105, %get3A_2106, %get3A_2107] : memref<32x2x64xf32, #tpu.memory_space<vmem>>, vector<1x2x64xf32>
    %get3A_2109 = vector.shape_cast %get3A_2108 : vector<1x2x64xf32> to vector<2x64xf32>
    %get3A_2110 = arith.constant 0 : index
    %get3A_2111 = arith.constant 0 : index
    %get3A_2112 = vector.load %arg5[%get3A_2110, %get3A_2111] : memref<64x2xf32, #tpu.memory_space<vmem>>, vector<64x2xf32>
    %dot_general3A_2113 = arith.constant dense<0.000000e+00> : vector<64x64xf32>
    %dot_general3A_2114 = tpu.matmul %get3A_2112, %get3A_2109, %dot_general3A_2113 {dimension_numbers = #tpu.dot_dimension_numbers<[1], [0], [0], [1], [0, 0, 1, 1], [], []>, transpose_lhs_hint = false} : vector<64x2xf32>, vector<2x64xf32>, vector<64x64xf32> -> vector<64x64xf32>
    %add3A_2115 = vector.broadcast %slice3A_2104 : vector<64x1xf32> to vector<64x64xf32>
    %add3A_2116 = arith.addf %dot_general3A_2114, %add3A_2115 : vector<64x64xf32>
    %reduce_sum3A_2117 = arith.constant dense<0.000000e+00> : vector<64xf32>
    %reduce_sum3A_2118 = vector.multi_reduction <add>, %add3A_2116, %reduce_sum3A_2117 [0] : vector<64x64xf32> to vector<64xf32>
    %broadcast_in_dim3A_2119 = vector.shape_cast %reduce_sum3A_2118 : vector<64xf32> to vector<1x64xf32>
    %div3A_2120 = arith.constant 6.400000e+01 : f32
    %div3A_2121 = vector.broadcast %div3A_2120 : f32 to vector<1x64xf32>
    %div3A_2122 = arith.divf %broadcast_in_dim3A_2119, %div3A_2121 : vector<1x64xf32>
    %sub3A_2123 = vector.broadcast %div3A_2122 : vector<1x64xf32> to vector<64x64xf32>
    %sub3A_2124 = arith.subf %add3A_2116, %sub3A_2123 : vector<64x64xf32>
    %mul3A_2125 = arith.mulf %sub3A_2124, %sub3A_2124 : vector<64x64xf32>
    %reduce_sum3A_2126 = arith.constant dense<0.000000e+00> : vector<64xf32>
    %reduce_sum3A_2127 = vector.multi_reduction <add>, %mul3A_2125, %reduce_sum3A_2126 [0] : vector<64x64xf32> to vector<64xf32>
    %broadcast_in_dim3A_2128 = vector.shape_cast %reduce_sum3A_2127 : vector<64xf32> to vector<1x64xf32>
    %div3A_2129 = arith.constant 6.400000e+01 : f32
    %div3A_2130 = vector.broadcast %div3A_2129 : f32 to vector<1x64xf32>
    %div3A_2131 = arith.divf %broadcast_in_dim3A_2128, %div3A_2130 : vector<1x64xf32>
    %add3A_2132 = arith.constant 9.99999974E-6 : f32
    %add3A_2133 = vector.broadcast %add3A_2132 : f32 to vector<1x64xf32>
    %add3A_2134 = arith.addf %div3A_2131, %add3A_2133 : vector<1x64xf32>
    %sqrt3A_2135 = math.sqrt %add3A_2134 : vector<1x64xf32>
    %div3A_2136 = vector.broadcast %sqrt3A_2135 : vector<1x64xf32> to vector<64x64xf32>
    %div3A_2137 = arith.divf %sub3A_2124, %div3A_2136 : vector<64x64xf32>
    %get3A_2138 = arith.constant 0 : index
    %get3A_2139 = arith.constant 0 : index
    %get3A_2140 = vector.load %arg6[%get3A_2138, %get3A_2139] : memref<64x1xf32, #tpu.memory_space<vmem>>, vector<64x1xf32>
    %mul3A_2141 = vector.broadcast %get3A_2140 : vector<64x1xf32> to vector<64x64xf32>
    %mul3A_2142 = arith.mulf %div3A_2137, %mul3A_2141 : vector<64x64xf32>
    %get3A_2143 = arith.constant 0 : index
    %get3A_2144 = arith.constant 0 : index
    %get3A_2145 = vector.load %arg7[%get3A_2143, %get3A_2144] : memref<64x1xf32, #tpu.memory_space<vmem>>, vector<64x1xf32>
    %add3A_2146 = vector.broadcast %get3A_2145 : vector<64x1xf32> to vector<64x64xf32>
    %add3A_2147 = arith.addf %mul3A_2142, %add3A_2146 : vector<64x64xf32>
    %ge3A_2148 = arith.constant 0.000000e+00 : f32
    %ge3A_2149 = vector.broadcast %ge3A_2148 : f32 to vector<64x64xf32>
    %ge3A_2150 = arith.cmpf oge, %add3A_2147, %ge3A_2149 : vector<64x64xf32>
    %mul3A_2151 = arith.constant 0.00999999977 : f32
    %mul3A_2152 = vector.broadcast %mul3A_2151 : f32 to vector<64x64xf32>
    %mul3A_2153 = arith.mulf %mul3A_2152, %add3A_2147 : vector<64x64xf32>
    %select_n3A_2154 = arith.select %ge3A_2150, %add3A_2147, %mul3A_2153 : vector<64x64xi1>, vector<64x64xf32>
    %get3A_2155 = arith.constant 0 : index
    %get3A_2156 = arith.constant 0 : index
    %get3A_2157 = vector.load %arg8[%get3A_2155, %get3A_2156] : memref<2x64xf32, #tpu.memory_space<vmem>>, vector<2x64xf32>
    %dot_general3A_2158 = arith.constant dense<0.000000e+00> : vector<2x64xf32>
    %dot_general3A_2159 = tpu.matmul %get3A_2157, %select_n3A_2154, %dot_general3A_2158 {dimension_numbers = #tpu.dot_dimension_numbers<[1], [0], [0], [1], [0, 0, 1, 1], [], []>, transpose_lhs_hint = false} : vector<2x64xf32>, vector<64x64xf32>, vector<2x64xf32> -> vector<2x64xf32>
    %get3A_2160 = arith.constant 31 : index
    %get3A_2161 = arith.constant 0 : index
    %get3A_2162 = arith.constant 0 : index
    %get3A_2163 = vector.load %arg3[%get3A_2160, %get3A_2161, %get3A_2162] : memref<32x2x64xf32, #tpu.memory_space<vmem>>, vector<1x2x64xf32>
    %get3A_2164 = vector.shape_cast %get3A_2163 : vector<1x2x64xf32> to vector<2x64xf32>
    %add3A_2165 = arith.addf %dot_general3A_2159, %get3A_2164 : vector<2x64xf32>
    %swap3A_2166 = arith.constant 31 : index
    %swap3A_2167 = arith.constant 0 : index
    %swap3A_2168 = arith.constant 0 : index
    %swap3A_2169 = vector.load %arg9[%swap3A_2166, %swap3A_2167, %swap3A_2168] : memref<32x2x64xf32, #tpu.memory_space<vmem>>, vector<1x2x64xf32>
    %swap3A_2170 = vector.shape_cast %swap3A_2169 : vector<1x2x64xf32> to vector<2x64xf32>
    %swap3A_2171 = vector.shape_cast %add3A_2165 : vector<2x64xf32> to vector<1x2x64xf32>
    tpu.vector_store %arg9[%swap3A_2166, %swap3A_2167, %swap3A_2168], %swap3A_2171 {strides = array<i32>} : memref<32x2x64xf32, #tpu.memory_space<vmem>>, vector<1x2x64xf32>,
    return
  }
  func.func @transform_0(%arg0: i32) -> (i32, i32, i32) {
    %c0_i32 = arith.constant 0 : i32
    %c0_i32_0 = arith.constant 0 : i32
    %c0_i32_1 = arith.constant 0 : i32
    return %arg0, %c0_i32, %c0_i32_0 : i32, i32, i32
  }
  func.func @transform_1(%arg0: i32) -> (i32, i32, i32) {
    %c0_i32 = arith.constant 0 : i32
    %c0_i32_0 = arith.constant 0 : i32
    %c0_i32_1 = arith.constant 0 : i32
    return %arg0, %c0_i32, %c0_i32_0 : i32, i32, i32
  }
  func.func @transform_2(%arg0: i32) -> (i32, i32, i32) {
    %c0_i32 = arith.constant 0 : i32
    %c0_i32_0 = arith.constant 0 : i32
    %c0_i32_1 = arith.constant 0 : i32
    return %arg0, %c0_i32, %c0_i32_0 : i32, i32, i32
  }
  func.func @transform_3(%arg0: i32) -> (i32, i32) {
    %c0_i32 = arith.constant 0 : i32
    %c0_i32_0 = arith.constant 0 : i32
    %c0_i32_1 = arith.constant 0 : i32
    return %c0_i32, %c0_i32_0 : i32, i32
  }
  func.func @transform_4(%arg0: i32) -> (i32, i32) {
    %c0_i32 = arith.constant 0 : i32
    %c0_i32_0 = arith.constant 0 : i32
    %c0_i32_1 = arith.constant 0 : i32
    return %c0_i32, %c0_i32_0 : i32, i32
  }
  func.func @transform_5(%arg0: i32) -> (i32, i32) {
    %c0_i32 = arith.constant 0 : i32
    %c0_i32_0 = arith.constant 0 : i32
    %c0_i32_1 = arith.constant 0 : i32
    return %c0_i32, %c0_i32_0 : i32, i32
  }
  func.func @transform_6(%arg0: i32) -> (i32, i32) {
    %c0_i32 = arith.constant 0 : i32
    %c0_i32_0 = arith.constant 0 : i32
    %c0_i32_1 = arith.constant 0 : i32
    return %c0_i32, %c0_i32_0 : i32, i32
  }
  func.func @transform_7(%arg0: i32) -> (i32, i32) {
    %c0_i32 = arith.constant 0 : i32
    %c0_i32_0 = arith.constant 0 : i32
    %c0_i32_1 = arith.constant 0 : i32
    return %c0_i32, %c0_i32_0 : i32, i32
  }
  func.func @transform_8(%arg0: i32) -> (i32, i32, i32) {
    %c0_i32 = arith.constant 0 : i32
    %c0_i32_0 = arith.constant 0 : i32
    %c0_i32_1 = arith.constant 0 : i32
    return %arg0, %c0_i32, %c0_i32_0 : i32, i32, i32
  }
}

</mosaic_0001>

<sc_bundles>
// kernel: gather_offload_async_start.1
scs
__scs_entry_jumppad:
0x0: {  	(pc) =	sbr.rel $0x88, $3  }
0x1: {  	(tag) =	ssettag $0x0;
	lr =	simm.s32 $0x1  }
0x2: {  	[smem:$0x3F96] =	sst lr;
	_ =	strace $0xD0000000  }
0x3: {  	_ = 	snop  }
0x4: {  	_ = 	snop  }
0x5: {  	_ = 	snop  }
0x6: {  	_ = 	snop  }
0x7: {  	_ = 	snop  }
__scs_overlays_trampoline_lowered:
0x8: {  	[smem:$0x3FA5] =	sst s0  }
0x9: {  	[smem:$0x3FA6] =	sst s1  }
0xa: {  	[smem:$0x3FA7] =	sst s2  }
0xb: {  	[smem:$0x3FA8] =	sst s3  }
0xc: {  	[smem:$0x3FA9] =	sst s4  }
0xd: {  	[smem:$0x3FAA] =	sst s5  }
0xe: {  	[smem:$0x3FAB] =	sst s6  }
0xf: {  	[smem:$0x3FAC] =	sst s7  }
0x10: {  	[smem:$0x3FAD] =	sst s8  }
0x11: {  	[smem:$0x3FAE] =	sst s9;
	s0 =	simm.s32 @!p0 $0x0  }
0x12: {  	s1 =	sld [smem:$0x3F94];
	s0 =	simm.s32 @p0 $0x1  }
0x13: {  	[smem:$0x3FAF] =	sst s0;
	s0 =	simm.s32 @!p1 $0x0  }
0x14: {  	s2 =	sld [smem:$0x3F93];
	s0 =	simm.s32 @p1 $0x1  }
0x15: {  	[smem:$0x3FB0] =	sst s0;
	s0 =	simm.s32 @!p2 $0x0  }
0x16: {  	s3 =	sld [smem:$0x3FDB];
	s0 =	simm.s32 @p2 $0x1  }
0x17: {  	s4 =	simm.s32 $0x1BF5;
	[smem:$0x3FB2] =	sst s0  }
0x18: {  	s0 =	sld [smem:$0x3F95];
	_ =	swait.ge [sflag:s4], $0x0  }
0x19: {  	s7 =	sld [smem:$0x3F96]  }
0x1a: {  	s8 =	sadd.s32 $0xFFFFE003, lr  }
0x1b: {  	s9 =	sadd.s32 $0xFFFFFEF7, lr;
	s5 =	simm.s32 $0xFFFFFFFF;
	p2 =	slt.u32 s8, $0xFFFFF086  }
0x1c: {  	p1 =	slt.u32 s9, $0xF7A;
	s5 =	simm.s32 @!p2 $0x0  }
0x1d: {  	s5 =	simm.s32 @p1 $0x1;
	p0 =	seq.s32 s7, s2  }
0x1e: {  	s7 =	smul.u32 @!p0 $0xF7A, s2;
	p2 =	seq.s32 @!p0 s5, $0x0  }
0x1f: {  	s9 =	smul.u32 $0xF7A, s1;
	s8 =	simm.s32 @!p0 $0x1BF5;
	p2 =	por !p2, p0  }
0x20: {  	[sflag:s8] =	ssyncset.s32 @!p0 $0xFFFFF086;
	s6 =	sadd.s32 @!p0 s3, s7;
	s7 =	simm.s32 @!p0 $0x108  }
0x21: {  	s3 =	sadd.s32 s3, s9;
	s6 =	sadd.s32 @!p0 $0x88, s6;
	s7 =	simm.s32 @p2 $0x1082  }
0x22: {  	[simem:s7], [sflag:s8] =	dma.local @!p0 [hbm:s6], $0xF7A  }
0x23: {  	s9 =	sor.u32 $0xD0000000, s2;
	s6 =	simm.s32 $0x108;
	_ =	swait.ge @!p0 [sflag:s8], $0x0  }
0x24: {  	s3 =	sadd.s32 $0x88, s3;
	s6 =	simm.s32 @!p1 $0x1082;
	[sflag:s4] =	ssyncset.s32 $0xFFFFF086  }
0x25: {  	[simem:s6], [sflag:s4] =	dma.local [hbm:s3], $0xF7A  }
0x26: {  	[smem:$0x3F96] =	sst s1;
	(tag) =	ssettag s2;
	_ =	strace s9  }
0x27: {  	s1 =	sld [smem:$0x3FA6]  }
0x28: {  	s2 =	sld [smem:$0x3FA7]  }
0x29: {  	s4 =	sld [smem:$0x3FA9]  }
0x2a: {  	p0 =	seq.s32 s5, $0x0;
	s5 =	sld [smem:$0x3FAA]  }
0x2b: {  	s6 =	sld [smem:$0x3FAB]  }
0x2c: {  	s7 =	sld [smem:$0x3FAC]  }
0x2d: {  	s3 =	simm.s32 $0x108;
	s8 =	sld [smem:$0x3FAD]  }
0x2e: {  	s3 =	simm.s32 @!p0 $0x1082;
	s9 =	sld [smem:$0x3FAE]  }
0x2f: {  	lr =	sadd.s32 s0, s3;
	s0 =	sld [smem:$0x3FA5]  }
0x30: {  	s3 =	sld [smem:$0x3FA8]  }
0x31: {  	[smem:$0x3FB1] =	sst s10  }
0x32: {  	s10 =	sld [smem:$0x3FAF];
	_ =	sdelay $0x3  }
0x33: {  	p0 =	seq.s32 s10, $0x1;
	s10 =	sld [smem:$0x3FB1];
	_ =	sdelay $0x3  }
0x34: {  	[smem:$0x3FB1] =	sst s10  }
0x35: {  	s10 =	sld [smem:$0x3FB0];
	_ =	sdelay $0x3  }
0x36: {  	p1 =	seq.s32 s10, $0x1;
	s10 =	sld [smem:$0x3FB1];
	_ =	sdelay $0x3  }
0x37: {  	[smem:$0x3FB1] =	sst s10  }
0x38: {  	s10 =	sld [smem:$0x3FB2]  }
0x39: {  	_ = 	snop;
	(pc) =	sbr.ind lr, $3  }
0x3a: {  	_ = 	snop  }
0x3b: {  	_ = 	snop  }
0x3c: {  	p2 =	seq.s32 s10, $0x1;
	s10 =	sld [smem:$0x3FB1]  }
0x3d: {  	_ =	shalt  }
0x3e: {  	_ =	shalt  }
0x3f: {  	_ =	shalt  }
0x40: {  	_ =	shalt  }
0x41: {  	_ =	shalt  }
0x42: {  	_ =	shalt  }
0x43: {  	_ =	shalt  }
0x44: {  	_ =	shalt  }
0x45: {  	_ =	shalt  }
0x46: {  	_ =	shalt  }
0x47: {  	_ =	shalt  }
0x48: {  	_ =	shalt  }
0x49: {  	_ =	shalt  }
0x4a: {  	_ =	shalt  }
0x4b: {  	_ =	shalt  }
0x4c: {  	_ =	shalt  }
0x4d: {  	_ =	shalt  }
0x4e: {  	_ =	shalt  }
0x4f: {  	_ =	shalt  }
0x50: {  	_ =	shalt  }
0x51: {  	_ =	shalt  }
0x52: {  	_ =	shalt  }
0x53: {  	_ =	shalt  }
0x54: {  	_ =	shalt  }
0x55: {  	_ =	shalt  }
0x56: {  	_ =	shalt  }
0x57: {  	_ =	shalt  }
0x58: {  	_ =	shalt  }
0x59: {  	_ =	shalt  }
0x5a: {  	_ =	shalt  }
0x5b: {  	_ =	shalt  }
0x5c: {  	_ =	shalt  }
0x5d: {  	_ =	shalt  }
0x5e: {  	_ =	shalt  }
0x5f: {  	_ =	shalt  }
0x60: {  	_ =	shalt  }
0x61: {  	_ =	shalt  }
0x62: {  	_ =	shalt  }
0x63: {  	_ =	shalt  }
0x64: {  	_ =	shalt  }
0x65: {  	_ =	shalt  }
0x66: {  	_ =	shalt  }
0x67: {  	_ =	shalt  }
0x68: {  	_ =	shalt  }
0x69: {  	_ =	shalt  }
0x6a: {  	_ =	shalt  }
0x6b: {  	_ =	shalt  }
0x6c: {  	_ =	shalt  }
0x6d: {  	_ =	shalt  }
0x6e: {  	_ =	shalt  }
0x6f: {  	_ =	shalt  }
0x70: {  	_ =	shalt  }
0x71: {  	_ =	shalt  }
0x72: {  	_ =	shalt  }
0x73: {  	_ =	shalt  }
0x74: {  	_ =	shalt  }
0x75: {  	_ =	shalt  }
0x76: {  	_ =	shalt  }
0x77: {  	_ =	shalt  }
0x78: {  	_ =	shalt  }
0x79: {  	_ =	shalt  }
0x7a: {  	_ =	shalt  }
0x7b: {  	_ =	shalt  }
0x7c: {  	_ =	shalt  }
0x7d: {  	_ =	shalt  }
0x7e: {  	_ =	shalt  }
0x7f: {  	_ =	shalt  }
0x80: {  	_ =	shalt  }
0x81: {  	_ =	shalt  }
0x82: {  	_ =	shalt  }
0x83: {  	_ =	shalt  }
0x84: {  	_ =	shalt  }
0x85: {  	_ =	shalt  }
0x86: {  	_ =	shalt  }
0x87: {  	_ =	shalt  }
.Lfunc_end0:
.L_simem_size_0:
called_computation.1_lowered:
.L_overlay_start_0:
0x88: {  	s2 =	sld [smem:$0x3FD9]  }
0x89: {  	s3 =	sld [smem:$0x3FFE];
	_ =	sdelay $0x1  }
0x8a: {  	s1 =	srdreg.scid  }
0x8b: {  	s0 =	sand.u32 $0x1, s1  }
0x8c: {  	s15 =	sshll.u32 s0, $0xA;
	s2 =	sadd.s32 s3, s2  }
0x8d: {  	s2 =	sadd.s32 s2, s15  }
0x8e: {  	[smem:$0x3FBD] =	sst s2  }
0x8f: {  	_ = 	snop  }
0x90: {  	s16 =	sld [smem:$0x3FD0];
	_ =	sdelay $0x2  }
0x91: {  	s4 =	simm.s32 $0xB;
	s5 =	simm.s32 $0x10;
	s2 =	sld [smem:$0x3FBF]  }
0x92: {  	[smem:s5], [sflag:s4] =	dma.local [hbm:s16], $0x1  }
0x93: {  	_ =	swait.eq [sflag:s4], $0x1  }
0x94: {  	[sflag:s4] =	ssyncset.done $0x0  }
0x95: {  	[sflag:s4] =	ssyncadd.s32 $0xFFFFFFFF  }
0x96: {  	s17 =	sld [smem:$0x11];
	(tm) =	ssettm $0x1  }
0x97: {  	s18 =	sld [smem:$0x3FFB];
	_ =	sdelay $0x3  }
0x98: {  	_ =	strace s18  }
0x99: {  	s3 =	sld [smem:$0x3FFC];
	_ =	sdelay $0x3  }
0x9a: {  	_ =	strace s3  }
0x9b: {  	s3 =	sld [smem:$0x3FFD];
	_ =	sdelay $0x3  }
0x9c: {  	_ =	strace s3  }
0x9d: {  	_ =	strace $0x8FFFFFFF  }
0x9e: {  	s19 =	sld [smem:$0x3FDB];
	_ =	sdelay $0x1  }
0x9f: {  	s20 =	simm.s32 $_scs_section_size  }
0xa0: {  	s6 =	simm.s32 $_size__tile_overlayer_lowered;
	s7 =	simm.s32 $_tile_overlayer_lowered  }
0xa1: {  	s8 =	simm.s32 $0x1BFF;
	s21 =	sshll.u32 s7, $0x1;
	s5 =	sadd.s32 s20, s19  }
0xa2: {  	s22 =	simm.s32 $0x0;
	s6 =	sshll.u32 s6, $0x1;
	s7 =	sadd.s32 s21, s5  }
0xa3: {  	[timem:s22], [sflag:s8] =	dma.local [hbm:s7], s6  }
0xa4: {  	_ =	swait.ge [sflag:s8], s6  }
0xa5: {  	s6 =	ssub.s32 $0x0, s6;
	[sflag:s8] =	ssyncset.done $0x0  }
0xa6: {  	[sflag:s8] =	ssyncadd.s32 s6;
	_ =	sdelay $0x1  }
0xa7: {  	s23 =	simm.s32 $0x1B8B  }
0xa8: {  	_ =	swait.ge [sflag:s23], $0x1  }
0xa9: {  	[sflag:s23] =	ssyncset.done $0x0  }
0xaa: {  	[sflag:s23] =	ssyncadd.s32 $0xFFFFFFFF  }
0xab: {  	s6 =	sld [smem:$0x0]  }
0xac: {  	s7 =	sand.u32 $0xFFFFFFFE, s1  }
0xad: {  	p0 =	sne.s32 s1, s7  }
0xae: {  	s7 =	sshll.u32 @p0 s7, $0xE  }
0xaf: {  	s7 =	sadd.s32 @p0 $0x11B8D, s7;
	s8 =	sshll.u32 @p0 s6, $0x11  }
0xb0: {  	s7 =	sor.u32 @p0 s8, s7  }
0xb1: {  	[sflag:s7] =	ssyncadd.remote.s32 @p0 $0x1;
	_ =	sdelay $0x1  }
0xb2: {  	s7 =	simm.s32 @p0 $0x1B8D  }
0xb3: {  	_ =	swait.eq @p0 [sflag:s7], $0x1  }
0xb4: {  	[sflag:s7] =	ssyncadd.s32 @p0 $0xFFFFFFFF  }
0xb5: {  	s8 =	sshll.u32 @!p0 s1, $0xE  }
0xb6: {  	s8 =	sor.u32 @!p0 $0x4000, s8;
	s7 =	simm.s32 @!p0 $0x1B8D  }
0xb7: {  	s6 =	sshll.u32 @!p0 s6, $0x11;
	s8 =	sadd.s32 @!p0 $0x11B8D, s8;
	_ =	swait.eq @!p0 [sflag:s7], $0x1  }
0xb8: {  	s6 =	sor.u32 @!p0 s6, s8;
	[sflag:s7] =	ssyncadd.s32 @!p0 $0xFFFFFFFF  }
0xb9: {  	s25 =	simm.s32 $0x1B8E;
	s24 =	sld [smem:$0x3FFE];
	[sflag:s6] =	ssyncadd.remote.s32 @!p0 $0x1  }
0xba: {  	s26 =	simm.s32 $execute0_lowered;
	[smem:$0x3FD2] =	sst s25  }
0xbb: {  	s7 =	sshll.u32 s26, $0x1;
	_ =	strace $0x80000049;
	[dreg:$0x1] =	wrdreg $0xFFFFFFFF  }
0xbc: {  	s28 =	simm.s32 $_size_execute0_lowered;
	s5 =	sadd.s32 s5, s7;
	[dreg:$0x0] =	wrdreg $0x0  }
0xbd: {  	s7 =	sshll.u32 s28, $0x1;
	[dreg:$0x2] =	wrdreg s5  }
0xbe: {  	[dreg:$0x3] =	wrdreg s7  }
0xbf: {  	[dreg:$0x4] =	wrdreg $0xC0  }
0xc0: {  	_ =	task [dreg:s22], $0x5FFFF  }
0xc1: {  	[dreg:$0x1] =	wrdreg $0xFFFFFFFF  }
0xc2: {  	[dreg:$0x0] =	wrdreg $0x60  }
0xc3: {  	[dreg:$0x2] =	wrdreg s2  }
0xc4: {  	[dreg:$0x3] =	wrdreg s24  }
0xc5: {  	[dreg:$0x4] =	wrdreg s17  }
0xc6: {  	[dreg:$0x5] =	wrdreg $0xA  }
0xc7: {  	_ =	task.clear_ibuf [dreg:s22], $0x6FFFF;
	_ =	strace $0x90000049  }
0xc8: {  	s29 =	simm.s32 $0xA;
	_ =	strace $0x8000004B  }
0xc9: {  	_ =	swait.ge [sflag:s29], $0x1  }
0xca: {  	[sflag:s29] =	ssyncadd.s32 $0xFFFFFFFF  }
0xcb: {  	_ =	strace $0x9000004B  }
0xcc: {  	_ =	sfence  }
0xcd: {  	s30 =	sld [smem:$0x0];
	_ =	sdelay $0x2  }
0xce: {  	s31 =	sshll.u32 s1, $0xD;
	s1 =	sshrl.u32 s1, $0x2  }
0xcf: {  	s4 =	sand.u32 $0x4000, s31;
	s1 =	sadd.s32 s1, s30  }
0xd0: {  	s0 =	sor.u32 s4, s0;
	s1 =	sshll.u32 s1, $0x11  }
0xd1: {  	s0 =	sor.u32 s1, s0  }
0xd2: {  	s0 =	sadd.s32 $0x8F2B, s0  }
0xd3: {  	[sflag:s0] =	ssyncadd.remote.s32 $0x1  }
0xd4: {  	_ =	sfence.sel $0xFFFF  }
0xd5: {  	[dreg:$0x0] =	wrdreg $0xFFFFFFFF;
	(pc) =	sbr.abs _section_cstart, $3  }
0xd6: {  	[dreg:$0x1] =	wrdreg $0xFFFFFFFF  }
0xd7: {  	_ =	task.clear_ibuf [dreg:s22], $0x2FFFF;
	_ =	strace $0x9FFFFFFF  }
0xd8: {  	(tm) =	ssettm $0x7FFFFFFF  }
0xd9: {  	_ =	shalt  }
tec
execute0_lowered:
.L_overlay_start_1:
0x0: {  	(tag) =	ssettag $0x1  }
0x1: {  	s2 =	rddreg [dreg:$0x0]  }
0x2: {  	s1 =	srdreg.scid;
	s5 =	rddreg [dreg:$0x1]  }
0x3: {  	s0 =	stileid.u32;
	s3 =	rddreg [dreg:$0x2]  }
0x4: {  	s9 =	simm.s32 $0x1;
	s10 =	simm.s32 $0x3;
	s1 =	sshll.u32 s1, $0x8  }
0x5: {  	s13 =	simm.s32 $0x0;
	s4 =	sshll.u32 s0, $0x9;
	s6 =	sand.u32 $0x100, s1  }
0x6: {  	s12 =	simm.s32 $0x0;
	s5 =	sadd.s32 $0x90000, s5;
	s4 =	sor.u32 s4, s6  }
0x7: {  	s1 =	rddreg [dreg:$0x3];
	_ =	strace $0x8000004A;
	s8 =	ssub.s32 $0x3200, s4  }
.Ltmp0:
0x8: {  	s6 =	simm.s32 $0x1;
	s7 =	sand.u32 $0x1F00, s8;
	(pc) =	sbr.rel .LBB2_1-.Ltmp0, $4  }
0x9: {  	[sflag:s6] =	ssyncpa.u1 $0x0;
	s11 =	smov.u32 s4;
	p0 =	sne.s32 s7, $0x0  }
0xa: {  	s8 =	sshrl.u32 s8, $0xD;
	s7 =	simm.s32 $0x2;
	s9 =	simm.s32 @!p0 $0x0  }
0xb: {  	[sflag:s7] =	ssyncpa.u1 $0x0;
	p0 =	por $0x0, $0x0;
	s8 =	sadd.s32 s9, s8  }
0xc: {  	vm0 =	vmmov $0xffff;
	v0 =	vlaneseq.u32;
	[sflag:s10] =	ssyncpa.u1 $0x0;
	s10 =	simm.s32 $0x0;
	s9 =	sadd.s32 $0x1, s8  }
.LBB2_4:
0xd: {  	v2 =	vshrl.u32 v1, $0x8  }
0xe: {  	vm1 =	veq.s32 v1, $0x80000000;
	s15 =	sadd.s32 $0xFFFFFFF0, s15;
	v2 =	vand.u32 $0x7FF, v2  }
0xf: {  	v1 =	vshll.u32 v1, $0xC;
	p1 =	sgt.s32 s15, $0x0;
	v2 =	vsel vm1, $0xFFFFFFFF, v2  }
0x10: {  	v1 =	vand.u32 $0xFF000, v1;
	s15 =	simm.s32 @!p1 $0x0;
	v3 =	vshll.u32 v2, $0x1  }
0x11: {  	v1 =	vsel vm1, $0xFFFFF000, v1;
	s15 =	smin.u32 s15, $0x10;
	v3 =	vand.u32 $0xFFFFFF00, v3  }
0x12: {  	v2 =	vand.u32 $0x7F, v2;
	v1 =	vadd.s32 v1, v3;
	v3 =	vmov s15  }
0x13: {  	v1 =	vor.u32 v2, v1;
	vm1 =	vgt.u32 v3, v0  }
0x14: {  	v2 =	vnsel vm1, $0x7FFFFFFF, v1;
	_ =	sdelay $0x1  }
0x15: {  	s29 =	sand.u32 $0x100, s17;
	s16 =	sadd.s32 $0x10, s16;
	v1 =	vor.u32 $0x80, v1  }
0x16: {  	(ifvalue) =	ssetifvalue $0x7FFFFFFF;
	s16 =	sand.u32 $0x70, s16;
	s15 =	sadd.s32 s29, s14;
	v1 =	vnsel vm1, $0x7FFFFFFF, v1  }
0x17: {  	(ifvalue) =	ssetifvalue $0x7FFFFFFF;
	s15 =	sadd.s32 s16, s15  }
0x18: {  	[tilespmem:s15], [sflag:$0x1] =	stream.indirect_vreg.gather [hbm4b:s2+s10], $0x1, v2, vm0, $0x4038;
	[tilespmem:$0x600] =	vst v63  }
0x19: {  	(ifvalue) =	ssetifvalue $0x7FFFFFFF  }
0x1a: {  	s30 =	sshll.u32 s13, $0x1;
	s15 =	sadd.s32 $0x80, s15;
	(ifvalue) =	ssetifvalue $0x7FFFFFFF  }
0x1b: {  	[tilespmem:s15], [sflag:$0x1] =	stream.indirect_vreg.gather [hbm4b:s2+s10], $0x1, v1, vm0, $0x4038;
	[tilespmem:$0x600] =	vst v63  }
0x1c: {  	s31 =	sand.u32 $0x78, s13;
	s15 =	sand.u32 $0xFFFFFF00, s30  }
0x1d: {  	_ =	swait.ge [sflag:s6], $0x200;
	s13 =	sor.u32 s31, s15  }
0x1e: {  	[sflag:s6] =	ssyncset.done $0x0;
	s13 =	sshrl.u32 s13, $0x3  }
0x1f: {  	[sflag:s6] =	ssyncadd.s32 $0xFFFFFE00;
	s13 =	sadd.s32 s3, s13  }
0x20: {  	[hbm:s13] =	stream.linear.scatter [tilespmem:s14], [sflag:$0x3], $0x200, $0x38;
	[tilespmem:$0x600] =	vst v63  }
.LBB2_5:
0x21: {  	s15 =	sadd.s32 $0x2000, s11  }
0x22: {  	p2 =	sgt.s32 s15, $0x31FF  }
0x23: {  	s15 =	smov.u32 @p2 s4;
	p2 =	sne.s32 s12, s9  }
.Ltmp1:
0x24: {  	p1 =	slt.u32 s12, $0x2;
	(pc) =	sbr.rel @!p2 .LBB2_6-.Ltmp1, $4  }
0x25: {  	s14 =	simm.s32 @!p1 $0x3  }
0x26: {  	s16 =	sadd.s32 $0x1, s12;
	_ =	swait.ge @!p1 [sflag:s14], $0x200  }
0x27: {  	s13 =	smov.u32 s11;
	p0 =	por !p0, !p0;
	[sflag:s14] =	ssyncset.done @!p1 $0x0  }
0x28: {  	s12 =	smov.u32 s16;
	s11 =	smov.u32 s15;
	[sflag:s14] =	ssyncadd.s32 @!p1 $0xFFFFFE00  }
.LBB2_1:
0x29: {  	p1 =	sge.u32 s12, s8  }
0x2a: {  	s14 =	sxor.u32 @!p1 $0xFFFFFFFF, s12  }
0x2b: {  	s31 =	sadd.s32 $0xFFFFFFFF, s12;
	s15 =	sshrl.u32 @!p1 s11, $0x3;
	s14 =	sshll.u32 @!p1 s14, $0x8  }
0x2c: {  	s16 =	sand.u32 @!p1 $0x7, s11;
	s15 =	sadd.s32 @!p1 s5, s15;
	s14 =	sand.u32 @!p1 $0x100, s14  }
0x2d: {  	[tilespmem:s14], [sflag:$0x2] =	stream.linear.gather @!p1 [hbm4b:s15+s16], $0x100, $0x38;
	[tilespmem:$0x600] =	vst v63  }
0x2e: {  	p1 =	sge.u32 s31, s8  }
.Ltmp2:
0x2f: {  	_ = 	snop;
	(pc) =	sbr.rel @p1 .LBB2_5-.Ltmp2, $1  }
0x30: {  	_ =	sdelay $0x3  }
0x31: {  	s14 =	simm.s32 $0x1;
	_ =	swait.ge [sflag:s7], $0x100  }
0x32: {  	s14 =	simm.s32 @!p0 $0x0;
	[sflag:s7] =	ssyncset.done $0x0  }
0x33: {  	s17 =	sshll.u32 s14, $0x8;
	[sflag:s7] =	ssyncadd.s32 $0xFFFFFF00  }
0x34: {  	v1 =	vld.msk [tilespmem:s17+$0x0 ss:$0x1], $0xffff;
	_ =	sdelay $0x3  }
0x35: {  	s15 =	ssub.s32 $0x3200, s13  }
0x36: {  	p1 =	slt.s32 s15, $0x100;
	v2 =	vshrl.u32 v1, $0x8  }
0x37: {  	s15 =	simm.s32 @!p1 $0x100;
	vm1 =	veq.s32 v1, $0x80000000;
	v2 =	vand.u32 $0x7FF, v2  }
0x38: {  	p1 =	sgt.s32 s15, $0x0;
	s14 =	smov.u32 s15;
	v1 =	vshll.u32 v1, $0xC;
	v2 =	vsel vm1, $0xFFFFFFFF, v2  }
0x39: {  	s14 =	simm.s32 @!p1 $0x0;
	v1 =	vand.u32 $0xFF000, v1;
	v3 =	vshll.u32 v2, $0x1  }
0x3a: {  	s14 =	smin.u32 s14, $0x10;
	v1 =	vsel vm1, $0xFFFFF000, v1;
	v3 =	vand.u32 $0xFFFFFF00, v3  }
0x3b: {  	v2 =	vand.u32 $0x7F, v2;
	v1 =	vadd.s32 v1, v3;
	v3 =	vmov s14  }
0x3c: {  	v1 =	vor.u32 v2, v1;
	vm1 =	vgt.u32 v3, v0  }
0x3d: {  	s31 =	sand.u32 $0x1, s12;
	v2 =	vnsel vm1, $0x7FFFFFFF, v1  }
0x3e: {  	s16 =	simm.s32 $0x0;
	s14 =	sshll.u32 s31, $0x9  }
0x3f: {  	s18 =	sand.u32 $0x100, s16;
	s14 =	sadd.s32 $0x200, s14;
	v1 =	vor.u32 $0x80, v1  }
0x40: {  	s19 =	sand.u32 $0x70, s16;
	(ifvalue) =	ssetifvalue $0x7FFFFFFF;
	s18 =	sadd.s32 s18, s14;
	v1 =	vnsel vm1, $0x7FFFFFFF, v1  }
0x41: {  	(ifvalue) =	ssetifvalue $0x7FFFFFFF;
	s18 =	sadd.s32 s19, s18  }
0x42: {  	[tilespmem:s18], [sflag:$0x1] =	stream.indirect_vreg.gather [hbm4b:s2+s10], $0x1, v2, vm0, $0x4038;
	[tilespmem:$0x600] =	vst v63  }
0x43: {  	(ifvalue) =	ssetifvalue $0x7FFFFFFF  }
0x44: {  	s18 =	sadd.s32 $0x80, s18;
	(ifvalue) =	ssetifvalue $0x7FFFFFFF  }
0x45: {  	[tilespmem:s18], [sflag:$0x1] =	stream.indirect_vreg.gather [hbm4b:s2+s10], $0x1, v1, vm0, $0x4038;
	[tilespmem:$0x600] =	vst v63  }
0x46: {  	s18 =	sadd.s32 $0x10, s17  }
0x47: {  	v1 =	vld.msk [tilespmem:s18+$0x0 ss:$0x1], $0xffff  }
0x48: {  	s19 =	simm.s32 $0x40;
	s17 =	simm.s32 $0x20  }
.LBB2_3:
0x49: {  	p1 =	sne.s32 s19, $0x1E0;
	_ =	sdelay $0x2  }
0x4a: {  	v2 =	vshrl.u32 v1, $0x8  }
0x4b: {  	vm1 =	veq.s32 v1, $0x80000000;
	s15 =	sadd.s32 $0xFFFFFFF0, s15;
	v2 =	vand.u32 $0x7FF, v2  }
0x4c: {  	v1 =	vshll.u32 v1, $0xC;
	p2 =	sgt.s32 s15, $0x0;
	s20 =	smov.u32 s15;
	v2 =	vsel vm1, $0xFFFFFFFF, v2  }
0x4d: {  	v1 =	vand.u32 $0xFF000, v1;
	s20 =	simm.s32 @!p2 $0x0;
	v3 =	vshll.u32 v2, $0x1  }
0x4e: {  	v1 =	vsel vm1, $0xFFFFF000, v1;
	s20 =	smin.u32 s20, $0x10;
	v3 =	vand.u32 $0xFFFFFF00, v3  }
0x4f: {  	v2 =	vand.u32 $0x7F, v2;
	v1 =	vadd.s32 v1, v3;
	v3 =	vmov s20  }
0x50: {  	v1 =	vor.u32 v2, v1;
	vm1 =	vgt.u32 v3, v0  }
0x51: {  	v2 =	vnsel vm1, $0x7FFFFFFF, v1;
	_ =	sdelay $0x1  }
0x52: {  	s16 =	sadd.s32 $0x10, s16;
	s20 =	sand.u32 $0x100, s17;
	s17 =	smov.u32 s19;
	v1 =	vor.u32 $0x80, v1  }
0x53: {  	s21 =	sand.u32 $0x70, s16;
	s20 =	sadd.s32 s20, s14;
	v1 =	vnsel vm1, $0x7FFFFFFF, v1;
	(ifvalue) =	ssetifvalue $0x7FFFFFFF  }
0x54: {  	s20 =	sadd.s32 s21, s20;
	(ifvalue) =	ssetifvalue $0x7FFFFFFF  }
0x55: {  	[tilespmem:s20], [sflag:$0x1] =	stream.indirect_vreg.gather [hbm4b:s2+s10], $0x1, v2, vm0, $0x4038;
	[tilespmem:$0x600] =	vst v63  }
0x56: {  	s18 =	sadd.s32 $0x10, s18;
	(ifvalue) =	ssetifvalue $0x7FFFFFFF  }
.Ltmp3:
0x57: {  	s20 =	sadd.s32 $0x80, s20;
	(ifvalue) =	ssetifvalue $0x7FFFFFFF;
	(pc) =	sbr.rel @p1 .LBB2_3-.Ltmp3, $3  }
0x58: {  	[tilespmem:s20], [sflag:$0x1] =	stream.indirect_vreg.gather [hbm4b:s2+s10], $0x1, v1, vm0, $0x4038;
	[tilespmem:$0x600] =	vst v63  }
0x59: {  	v1 =	vld.msk [tilespmem:s18+$0x0 ss:$0x1], $0xffff;
	_ =	sdelay $0x1  }
0x5a: {  	s19 =	sadd.s32 $0x20, s19  }
.Ltmp4:
0x5b: {  	_ = 	snop;
	(pc) =	sbr.rel .LBB2_4-.Ltmp4, $1  }
0x5c: {  	_ =	sdelay $0x3  }
.LBB2_6:
0x5d: {  	_ =	sfence.sel $0x180000  }
0x5e: {  	s2 =	simm.s32 $0x2;
	[bflag:$0x0] =	sbarrier.arrive $0xFFFF  }
0x5f: {  	s30 =	simm.s32 $0x3;
	[sflag:s2] =	ssyncpa.u1 $0x1  }
0x60: {  	s31 =	simm.s32 $0x1;
	[sflag:s30] =	ssyncpa.u1 $0x1  }
0x61: {  	[sflag:s31] =	ssyncpa.u1 $0x1  }
0x62: {  	p0 =	sne.s32 s0, $0x0;
	_ =	strace $0x9000004A  }
0x63: {  	s0 =	sadd.s32 @!p0 $0x100000, s1;
	[bflag:$0x2] =	sbarrier.arrive $0xFFFF  }
0x64: {  	[sflag:s0] =	ssyncadd.tile.s32 @!p0 $0x1;
	_ =	shalt  }
.Lfunc_end2:
_tile_overlayer_lowered:
.L_overlay_start_2:
0x65: {  	(tag) =	ssettag $0x2  }
0x66: {  	s0 =	rddreg [dreg:$0x0];
	s2 =	stileid.u32  }
0x67: {  	s1 =	rddreg [dreg:$0x1];
	p0 =	sne.s32 s2, $0x0  }
0x68: {  	s3 =	rddreg [dreg:$0x2];
	[bflag:$0x3] =	sbarrier.arrive $0xFFFF;
	s2 =	simm.s32 @!p0 $0x1C01  }
0x69: {  	[timem:s3], [sflag:s2] =	dma.local @!p0 [hbm:s0], s1  }
0x6a: {  	s0 =	simm.s32 @!p0 $0x1  }
0x6b: {  	_ =	swait.ge @!p0 [sflag:s0], s1  }
0x6c: {  	s1 =	ssub.s32 @!p0 $0x0, s1;
	[sflag:s0] =	ssyncset.done @!p0 $0x0  }
0x6d: {  	[sflag:s0] =	ssyncadd.s32 @!p0 s1  }
0x6e: {  	[bflag:$0x3] =	sbarrier.arrive $0xFFFF  }
0x6f: {  	_ =	shalt  }

// kernel: gather_offload_async_start
scs
__scs_entry_jumppad:
0x0: {  	(pc) =	sbr.rel $0x88, $3  }
0x1: {  	(tag) =	ssettag $0x0;
	lr =	simm.s32 $0x1  }
0x2: {  	[smem:$0x3F96] =	sst lr;
	_ =	strace $0xD0000000  }
0x3: {  	_ = 	snop  }
0x4: {  	_ = 	snop  }
0x5: {  	_ = 	snop  }
0x6: {  	_ = 	snop  }
0x7: {  	_ = 	snop  }
__scs_overlays_trampoline_lowered:
0x8: {  	[smem:$0x3FA5] =	sst s0  }
0x9: {  	[smem:$0x3FA6] =	sst s1  }
0xa: {  	[smem:$0x3FA7] =	sst s2  }
0xb: {  	[smem:$0x3FA8] =	sst s3  }
0xc: {  	[smem:$0x3FA9] =	sst s4  }
0xd: {  	[smem:$0x3FAA] =	sst s5  }
0xe: {  	[smem:$0x3FAB] =	sst s6  }
0xf: {  	[smem:$0x3FAC] =	sst s7  }
0x10: {  	[smem:$0x3FAD] =	sst s8  }
0x11: {  	[smem:$0x3FAE] =	sst s9;
	s0 =	simm.s32 @!p0 $0x0  }
0x12: {  	s1 =	sld [smem:$0x3F94];
	s0 =	simm.s32 @p0 $0x1  }
0x13: {  	[smem:$0x3FAF] =	sst s0;
	s0 =	simm.s32 @!p1 $0x0  }
0x14: {  	s2 =	sld [smem:$0x3F93];
	s0 =	simm.s32 @p1 $0x1  }
0x15: {  	[smem:$0x3FB0] =	sst s0;
	s0 =	simm.s32 @!p2 $0x0  }
0x16: {  	s3 =	sld [smem:$0x3FDB];
	s0 =	simm.s32 @p2 $0x1  }
0x17: {  	s4 =	simm.s32 $0x1BF5;
	[smem:$0x3FB2] =	sst s0  }
0x18: {  	s0 =	sld [smem:$0x3F95];
	_ =	swait.ge [sflag:s4], $0x0  }
0x19: {  	s7 =	sld [smem:$0x3F96]  }
0x1a: {  	s8 =	sadd.s32 $0xFFFFE003, lr  }
0x1b: {  	s9 =	sadd.s32 $0xFFFFFEF7, lr;
	s5 =	simm.s32 $0xFFFFFFFF;
	p2 =	slt.u32 s8, $0xFFFFF086  }
0x1c: {  	p1 =	slt.u32 s9, $0xF7A;
	s5 =	simm.s32 @!p2 $0x0  }
0x1d: {  	s5 =	simm.s32 @p1 $0x1;
	p0 =	seq.s32 s7, s2  }
0x1e: {  	s7 =	smul.u32 @!p0 $0xF7A, s2;
	p2 =	seq.s32 @!p0 s5, $0x0  }
0x1f: {  	s9 =	smul.u32 $0xF7A, s1;
	s8 =	simm.s32 @!p0 $0x1BF5;
	p2 =	por !p2, p0  }
0x20: {  	[sflag:s8] =	ssyncset.s32 @!p0 $0xFFFFF086;
	s6 =	sadd.s32 @!p0 s3, s7;
	s7 =	simm.s32 @!p0 $0x108  }
0x21: {  	s3 =	sadd.s32 s3, s9;
	s6 =	sadd.s32 @!p0 $0x88, s6;
	s7 =	simm.s32 @p2 $0x1082  }
0x22: {  	[simem:s7], [sflag:s8] =	dma.local @!p0 [hbm:s6], $0xF7A  }
0x23: {  	s9 =	sor.u32 $0xD0000000, s2;
	s6 =	simm.s32 $0x108;
	_ =	swait.ge @!p0 [sflag:s8], $0x0  }
0x24: {  	s3 =	sadd.s32 $0x88, s3;
	s6 =	simm.s32 @!p1 $0x1082;
	[sflag:s4] =	ssyncset.s32 $0xFFFFF086  }
0x25: {  	[simem:s6], [sflag:s4] =	dma.local [hbm:s3], $0xF7A  }
0x26: {  	[smem:$0x3F96] =	sst s1;
	(tag) =	ssettag s2;
	_ =	strace s9  }
0x27: {  	s1 =	sld [smem:$0x3FA6]  }
0x28: {  	s2 =	sld [smem:$0x3FA7]  }
0x29: {  	s4 =	sld [smem:$0x3FA9]  }
0x2a: {  	p0 =	seq.s32 s5, $0x0;
	s5 =	sld [smem:$0x3FAA]  }
0x2b: {  	s6 =	sld [smem:$0x3FAB]  }
0x2c: {  	s7 =	sld [smem:$0x3FAC]  }
0x2d: {  	s3 =	simm.s32 $0x108;
	s8 =	sld [smem:$0x3FAD]  }
0x2e: {  	s3 =	simm.s32 @!p0 $0x1082;
	s9 =	sld [smem:$0x3FAE]  }
0x2f: {  	lr =	sadd.s32 s0, s3;
	s0 =	sld [smem:$0x3FA5]  }
0x30: {  	s3 =	sld [smem:$0x3FA8]  }
0x31: {  	[smem:$0x3FB1] =	sst s10  }
0x32: {  	s10 =	sld [smem:$0x3FAF];
	_ =	sdelay $0x3  }
0x33: {  	p0 =	seq.s32 s10, $0x1;
	s10 =	sld [smem:$0x3FB1];
	_ =	sdelay $0x3  }
0x34: {  	[smem:$0x3FB1] =	sst s10  }
0x35: {  	s10 =	sld [smem:$0x3FB0];
	_ =	sdelay $0x3  }
0x36: {  	p1 =	seq.s32 s10, $0x1;
	s10 =	sld [smem:$0x3FB1];
	_ =	sdelay $0x3  }
0x37: {  	[smem:$0x3FB1] =	sst s10  }
0x38: {  	s10 =	sld [smem:$0x3FB2]  }
0x39: {  	_ = 	snop;
	(pc) =	sbr.ind lr, $3  }
0x3a: {  	_ = 	snop  }
0x3b: {  	_ = 	snop  }
0x3c: {  	p2 =	seq.s32 s10, $0x1;
	s10 =	sld [smem:$0x3FB1]  }
0x3d: {  	_ =	shalt  }
0x3e: {  	_ =	shalt  }
0x3f: {  	_ =	shalt  }
0x40: {  	_ =	shalt  }
0x41: {  	_ =	shalt  }
0x42: {  	_ =	shalt  }
0x43: {  	_ =	shalt  }
0x44: {  	_ =	shalt  }
0x45: {  	_ =	shalt  }
0x46: {  	_ =	shalt  }
0x47: {  	_ =	shalt  }
0x48: {  	_ =	shalt  }
0x49: {  	_ =	shalt  }
0x4a: {  	_ =	shalt  }
0x4b: {  	_ =	shalt  }
0x4c: {  	_ =	shalt  }
0x4d: {  	_ =	shalt  }
0x4e: {  	_ =	shalt  }
0x4f: {  	_ =	shalt  }
0x50: {  	_ =	shalt  }
0x51: {  	_ =	shalt  }
0x52: {  	_ =	shalt  }
0x53: {  	_ =	shalt  }
0x54: {  	_ =	shalt  }
0x55: {  	_ =	shalt  }
0x56: {  	_ =	shalt  }
0x57: {  	_ =	shalt  }
0x58: {  	_ =	shalt  }
0x59: {  	_ =	shalt  }
0x5a: {  	_ =	shalt  }
0x5b: {  	_ =	shalt  }
0x5c: {  	_ =	shalt  }
0x5d: {  	_ =	shalt  }
0x5e: {  	_ =	shalt  }
0x5f: {  	_ =	shalt  }
0x60: {  	_ =	shalt  }
0x61: {  	_ =	shalt  }
0x62: {  	_ =	shalt  }
0x63: {  	_ =	shalt  }
0x64: {  	_ =	shalt  }
0x65: {  	_ =	shalt  }
0x66: {  	_ =	shalt  }
0x67: {  	_ =	shalt  }
0x68: {  	_ =	shalt  }
0x69: {  	_ =	shalt  }
0x6a: {  	_ =	shalt  }
0x6b: {  	_ =	shalt  }
0x6c: {  	_ =	shalt  }
0x6d: {  	_ =	shalt  }
0x6e: {  	_ =	shalt  }
0x6f: {  	_ =	shalt  }
0x70: {  	_ =	shalt  }
0x71: {  	_ =	shalt  }
0x72: {  	_ =	shalt  }
0x73: {  	_ =	shalt  }
0x74: {  	_ =	shalt  }
0x75: {  	_ =	shalt  }
0x76: {  	_ =	shalt  }
0x77: {  	_ =	shalt  }
0x78: {  	_ =	shalt  }
0x79: {  	_ =	shalt  }
0x7a: {  	_ =	shalt  }
0x7b: {  	_ =	shalt  }
0x7c: {  	_ =	shalt  }
0x7d: {  	_ =	shalt  }
0x7e: {  	_ =	shalt  }
0x7f: {  	_ =	shalt  }
0x80: {  	_ =	shalt  }
0x81: {  	_ =	shalt  }
0x82: {  	_ =	shalt  }
0x83: {  	_ =	shalt  }
0x84: {  	_ =	shalt  }
0x85: {  	_ =	shalt  }
0x86: {  	_ =	shalt  }
0x87: {  	_ =	shalt  }
.Lfunc_end0:
.L_simem_size_0:
called_computation_lowered:
.L_overlay_start_0:
0x88: {  	s2 =	sld [smem:$0x3FD9]  }
0x89: {  	s3 =	sld [smem:$0x3FFE];
	_ =	sdelay $0x1  }
0x8a: {  	s1 =	srdreg.scid  }
0x8b: {  	s0 =	sand.u32 $0x1, s1  }
0x8c: {  	s14 =	sshll.u32 s0, $0xA;
	s2 =	sadd.s32 s3, s2  }
0x8d: {  	s2 =	sadd.s32 s2, s14  }
0x8e: {  	[smem:$0x3FBD] =	sst s2  }
0x8f: {  	_ = 	snop  }
0x90: {  	s2 =	sld [smem:$0x3FD0];
	_ =	sdelay $0x2  }
0x91: {  	s4 =	simm.s32 $0xB;
	s5 =	simm.s32 $0x10;
	s15 =	sld [smem:$0x3FC8]  }
0x92: {  	[smem:s5], [sflag:s4] =	dma.local [hbm:s2], $0x1  }
0x93: {  	_ =	swait.eq [sflag:s4], $0x1  }
0x94: {  	[sflag:s4] =	ssyncset.done $0x0  }
0x95: {  	[sflag:s4] =	ssyncadd.s32 $0xFFFFFFFF  }
0x96: {  	s16 =	sld [smem:$0x10];
	(tm) =	ssettm $0x1  }
0x97: {  	s17 =	sld [smem:$0x3FFB];
	_ =	sdelay $0x3  }
0x98: {  	_ =	strace s17  }
0x99: {  	s4 =	sld [smem:$0x3FFC];
	_ =	sdelay $0x3  }
0x9a: {  	_ =	strace s4  }
0x9b: {  	s4 =	sld [smem:$0x3FFD];
	_ =	sdelay $0x3  }
0x9c: {  	_ =	strace s4  }
0x9d: {  	_ =	strace $0x8FFFFFFF  }
0x9e: {  	s18 =	sld [smem:$0x3FDB];
	_ =	sdelay $0x1  }
0x9f: {  	s19 =	simm.s32 $_scs_section_size  }
0xa0: {  	s6 =	simm.s32 $_size__tile_overlayer_lowered;
	s7 =	simm.s32 $_tile_overlayer_lowered  }
0xa1: {  	s22 =	simm.s32 $0x1BFF;
	s21 =	sshll.u32 s7, $0x1;
	s4 =	sadd.s32 s19, s18  }
0xa2: {  	s8 =	simm.s32 $0x0;
	s20 =	sshll.u32 s6, $0x1;
	s6 =	sadd.s32 s21, s4  }
0xa3: {  	[timem:s8], [sflag:s22] =	dma.local [hbm:s6], s20  }
0xa4: {  	_ =	swait.ge [sflag:s22], s20  }
0xa5: {  	s5 =	ssub.s32 $0x0, s20;
	[sflag:s22] =	ssyncset.done $0x0  }
0xa6: {  	[sflag:s22] =	ssyncadd.s32 s5;
	_ =	sdelay $0x1  }
0xa7: {  	s23 =	simm.s32 $0x1B8B  }
0xa8: {  	_ =	swait.ge [sflag:s23], $0x1  }
0xa9: {  	[sflag:s23] =	ssyncset.done $0x0  }
0xaa: {  	s25 =	simm.s32 $0x1B8E;
	s24 =	sld [smem:$0x3FFE];
	[sflag:s23] =	ssyncadd.s32 $0xFFFFFFFF  }
0xab: {  	s26 =	simm.s32 $execute0_lowered;
	[smem:$0x3FD2] =	sst s25  }
0xac: {  	s6 =	sshll.u32 s26, $0x1;
	_ =	strace $0x80000046;
	[dreg:$0x1] =	wrdreg $0xFFFFFFFF  }
0xad: {  	s28 =	simm.s32 $_size_execute0_lowered;
	s4 =	sadd.s32 s4, s6;
	[dreg:$0x0] =	wrdreg $0x0  }
0xae: {  	s6 =	sshll.u32 s28, $0x1;
	[dreg:$0x2] =	wrdreg s4  }
0xaf: {  	[dreg:$0x3] =	wrdreg s6  }
0xb0: {  	[dreg:$0x4] =	wrdreg $0xC0  }
0xb1: {  	_ =	task [dreg:s8], $0x5FFFF  }
0xb2: {  	[dreg:$0x1] =	wrdreg $0xFFFFFFFF  }
0xb3: {  	[dreg:$0x0] =	wrdreg $0x60  }
0xb4: {  	[dreg:$0x2] =	wrdreg s15  }
0xb5: {  	[dreg:$0x3] =	wrdreg s24  }
0xb6: {  	[dreg:$0x4] =	wrdreg s16  }
0xb7: {  	[dreg:$0x5] =	wrdreg $0x9  }
0xb8: {  	_ =	task.clear_ibuf [dreg:s8], $0x6FFFF;
	_ =	strace $0x90000046  }
0xb9: {  	s29 =	simm.s32 $0x9;
	_ =	strace $0x80000048  }
0xba: {  	_ =	swait.ge [sflag:s29], $0x1  }
0xbb: {  	[sflag:s29] =	ssyncadd.s32 $0xFFFFFFFF  }
0xbc: {  	_ =	strace $0x90000048  }
0xbd: {  	_ =	sfence  }
0xbe: {  	s30 =	sld [smem:$0x0];
	_ =	sdelay $0x2  }
0xbf: {  	s31 =	sshll.u32 s1, $0xD;
	s1 =	sshrl.u32 s1, $0x2  }
0xc0: {  	s3 =	sand.u32 $0x4000, s31;
	s1 =	sadd.s32 s1, s30  }
0xc1: {  	s0 =	sor.u32 s3, s0;
	s1 =	sshll.u32 s1, $0x11  }
0xc2: {  	s0 =	sor.u32 s1, s0  }
0xc3: {  	s0 =	sadd.s32 $0x8F2B, s0  }
0xc4: {  	[sflag:s0] =	ssyncadd.remote.s32 $0x1  }
0xc5: {  	_ =	sfence.sel $0xFFFF  }
0xc6: {  	[dreg:$0x0] =	wrdreg $0xFFFFFFFF;
	(pc) =	sbr.abs _section_cstart, $3  }
0xc7: {  	[dreg:$0x1] =	wrdreg $0xFFFFFFFF  }
0xc8: {  	_ =	task.clear_ibuf [dreg:s8], $0x2FFFF;
	_ =	strace $0x9FFFFFFF  }
0xc9: {  	(tm) =	ssettm $0x7FFFFFFF  }
tec
execute0_lowered:
.L_overlay_start_1:
0x0: {  	(tag) =	ssettag $0x1  }
0x1: {  	s2 =	rddreg [dreg:$0x0]  }
0x2: {  	s1 =	srdreg.scid;
	s5 =	rddreg [dreg:$0x1]  }
0x3: {  	s0 =	stileid.u32;
	s3 =	rddreg [dreg:$0x2]  }
0x4: {  	s9 =	simm.s32 $0x1;
	s10 =	simm.s32 $0x3;
	s1 =	sshll.u32 s1, $0x8  }
0x5: {  	s13 =	simm.s32 $0x0;
	s4 =	sshll.u32 s0, $0x9;
	s6 =	sand.u32 $0x100, s1  }
0x6: {  	s12 =	simm.s32 $0x0;
	s5 =	sadd.s32 $0x90000, s5;
	s4 =	sor.u32 s4, s6  }
0x7: {  	s1 =	rddreg [dreg:$0x3];
	_ =	strace $0x80000047;
	s8 =	ssub.s32 $0x3200, s4  }
.Ltmp0:
0x8: {  	s6 =	simm.s32 $0x1;
	s7 =	sand.u32 $0x1F00, s8;
	(pc) =	sbr.rel .LBB2_1-.Ltmp0, $4  }
0x9: {  	[sflag:s6] =	ssyncpa.u1 $0x0;
	s11 =	smov.u32 s4;
	p0 =	sne.s32 s7, $0x0  }
0xa: {  	s8 =	sshrl.u32 s8, $0xD;
	s7 =	simm.s32 $0x2;
	s9 =	simm.s32 @!p0 $0x0  }
0xb: {  	[sflag:s7] =	ssyncpa.u1 $0x0;
	p0 =	por $0x0, $0x0;
	s8 =	sadd.s32 s9, s8  }
0xc: {  	vm0 =	vmmov $0xffff;
	v0 =	vlaneseq.u32;
	[sflag:s10] =	ssyncpa.u1 $0x0;
	s10 =	simm.s32 $0x0;
	s9 =	sadd.s32 $0x1, s8  }
.LBB2_4:
0xd: {  	v2 =	vshrl.u32 v1, $0x8  }
0xe: {  	vm1 =	veq.s32 v1, $0x80000000;
	s15 =	sadd.s32 $0xFFFFFFF0, s15;
	v2 =	vand.u32 $0x7FF, v2  }
0xf: {  	v1 =	vshll.u32 v1, $0xC;
	p1 =	sgt.s32 s15, $0x0;
	v2 =	vsel vm1, $0xFFFFFFFF, v2  }
0x10: {  	v1 =	vand.u32 $0xFF000, v1;
	s15 =	simm.s32 @!p1 $0x0;
	v3 =	vshll.u32 v2, $0x1  }
0x11: {  	v1 =	vsel vm1, $0xFFFFF000, v1;
	s15 =	smin.u32 s15, $0x10;
	v3 =	vand.u32 $0xFFFFFF00, v3  }
0x12: {  	v2 =	vand.u32 $0x7F, v2;
	v1 =	vadd.s32 v1, v3;
	v3 =	vmov s15  }
0x13: {  	v1 =	vor.u32 v2, v1;
	vm1 =	vgt.u32 v3, v0  }
0x14: {  	v2 =	vnsel vm1, $0x7FFFFFFF, v1;
	_ =	sdelay $0x1  }
0x15: {  	s29 =	sand.u32 $0x100, s17;
	s16 =	sadd.s32 $0x10, s16;
	v1 =	vor.u32 $0x80, v1  }
0x16: {  	(ifvalue) =	ssetifvalue $0x7FFFFFFF;
	s16 =	sand.u32 $0x70, s16;
	s15 =	sadd.s32 s29, s14;
	v1 =	vnsel vm1, $0x7FFFFFFF, v1  }
0x17: {  	(ifvalue) =	ssetifvalue $0x7FFFFFFF;
	s15 =	sadd.s32 s16, s15  }
0x18: {  	[tilespmem:s15], [sflag:$0x1] =	stream.indirect_vreg.gather [hbm4b:s2+s10], $0x1, v2, vm0, $0x4038;
	[tilespmem:$0x600] =	vst v63  }
0x19: {  	(ifvalue) =	ssetifvalue $0x7FFFFFFF  }
0x1a: {  	s30 =	sshll.u32 s13, $0x1;
	s15 =	sadd.s32 $0x80, s15;
	(ifvalue) =	ssetifvalue $0x7FFFFFFF  }
0x1b: {  	[tilespmem:s15], [sflag:$0x1] =	stream.indirect_vreg.gather [hbm4b:s2+s10], $0x1, v1, vm0, $0x4038;
	[tilespmem:$0x600] =	vst v63  }
0x1c: {  	s31 =	sand.u32 $0x78, s13;
	s15 =	sand.u32 $0xFFFFFF00, s30  }
0x1d: {  	_ =	swait.ge [sflag:s6], $0x200;
	s13 =	sor.u32 s31, s15  }
0x1e: {  	[sflag:s6] =	ssyncset.done $0x0;
	s13 =	sshrl.u32 s13, $0x3  }
0x1f: {  	[sflag:s6] =	ssyncadd.s32 $0xFFFFFE00;
	s13 =	sadd.s32 s3, s13  }
0x20: {  	[hbm:s13] =	stream.linear.scatter [tilespmem:s14], [sflag:$0x3], $0x200, $0x38;
	[tilespmem:$0x600] =	vst v63  }
.LBB2_5:
0x21: {  	s15 =	sadd.s32 $0x2000, s11  }
0x22: {  	p2 =	sgt.s32 s15, $0x31FF  }
0x23: {  	s15 =	smov.u32 @p2 s4;
	p2 =	sne.s32 s12, s9  }
.Ltmp1:
0x24: {  	p1 =	slt.u32 s12, $0x2;
	(pc) =	sbr.rel @!p2 .LBB2_6-.Ltmp1, $4  }
0x25: {  	s14 =	simm.s32 @!p1 $0x3  }
0x26: {  	s16 =	sadd.s32 $0x1, s12;
	_ =	swait.ge @!p1 [sflag:s14], $0x200  }
0x27: {  	s13 =	smov.u32 s11;
	p0 =	por !p0, !p0;
	[sflag:s14] =	ssyncset.done @!p1 $0x0  }
0x28: {  	s12 =	smov.u32 s16;
	s11 =	smov.u32 s15;
	[sflag:s14] =	ssyncadd.s32 @!p1 $0xFFFFFE00  }
.LBB2_1:
0x29: {  	p1 =	sge.u32 s12, s8  }
0x2a: {  	s14 =	sxor.u32 @!p1 $0xFFFFFFFF, s12  }
0x2b: {  	s31 =	sadd.s32 $0xFFFFFFFF, s12;
	s15 =	sshrl.u32 @!p1 s11, $0x3;
	s14 =	sshll.u32 @!p1 s14, $0x8  }
0x2c: {  	s16 =	sand.u32 @!p1 $0x7, s11;
	s15 =	sadd.s32 @!p1 s5, s15;
	s14 =	sand.u32 @!p1 $0x100, s14  }
0x2d: {  	[tilespmem:s14], [sflag:$0x2] =	stream.linear.gather @!p1 [hbm4b:s15+s16], $0x100, $0x38;
	[tilespmem:$0x600] =	vst v63  }
0x2e: {  	p1 =	sge.u32 s31, s8  }
.Ltmp2:
0x2f: {  	_ = 	snop;
	(pc) =	sbr.rel @p1 .LBB2_5-.Ltmp2, $1  }
0x30: {  	_ =	sdelay $0x3  }
0x31: {  	s14 =	simm.s32 $0x1;
	_ =	swait.ge [sflag:s7], $0x100  }
0x32: {  	s14 =	simm.s32 @!p0 $0x0;
	[sflag:s7] =	ssyncset.done $0x0  }
0x33: {  	s17 =	sshll.u32 s14, $0x8;
	[sflag:s7] =	ssyncadd.s32 $0xFFFFFF00  }
0x34: {  	v1 =	vld.msk [tilespmem:s17+$0x0 ss:$0x1], $0xffff;
	_ =	sdelay $0x3  }
0x35: {  	s15 =	ssub.s32 $0x3200, s13  }
0x36: {  	p1 =	slt.s32 s15, $0x100;
	v2 =	vshrl.u32 v1, $0x8  }
0x37: {  	s15 =	simm.s32 @!p1 $0x100;
	vm1 =	veq.s32 v1, $0x80000000;
	v2 =	vand.u32 $0x7FF, v2  }
0x38: {  	p1 =	sgt.s32 s15, $0x0;
	s14 =	smov.u32 s15;
	v1 =	vshll.u32 v1, $0xC;
	v2 =	vsel vm1, $0xFFFFFFFF, v2  }
0x39: {  	s14 =	simm.s32 @!p1 $0x0;
	v1 =	vand.u32 $0xFF000, v1;
	v3 =	vshll.u32 v2, $0x1  }
0x3a: {  	s14 =	smin.u32 s14, $0x10;
	v1 =	vsel vm1, $0xFFFFF000, v1;
	v3 =	vand.u32 $0xFFFFFF00, v3  }
0x3b: {  	v2 =	vand.u32 $0x7F, v2;
	v1 =	vadd.s32 v1, v3;
	v3 =	vmov s14  }
0x3c: {  	v1 =	vor.u32 v2, v1;
	vm1 =	vgt.u32 v3, v0  }
0x3d: {  	s31 =	sand.u32 $0x1, s12;
	v2 =	vnsel vm1, $0x7FFFFFFF, v1  }
0x3e: {  	s16 =	simm.s32 $0x0;
	s14 =	sshll.u32 s31, $0x9  }
0x3f: {  	s18 =	sand.u32 $0x100, s16;
	s14 =	sadd.s32 $0x200, s14;
	v1 =	vor.u32 $0x80, v1  }
0x40: {  	s19 =	sand.u32 $0x70, s16;
	(ifvalue) =	ssetifvalue $0x7FFFFFFF;
	s18 =	sadd.s32 s18, s14;
	v1 =	vnsel vm1, $0x7FFFFFFF, v1  }
0x41: {  	(ifvalue) =	ssetifvalue $0x7FFFFFFF;
	s18 =	sadd.s32 s19, s18  }
0x42: {  	[tilespmem:s18], [sflag:$0x1] =	stream.indirect_vreg.gather [hbm4b:s2+s10], $0x1, v2, vm0, $0x4038;
	[tilespmem:$0x600] =	vst v63  }
0x43: {  	(ifvalue) =	ssetifvalue $0x7FFFFFFF  }
0x44: {  	s18 =	sadd.s32 $0x80, s18;
	(ifvalue) =	ssetifvalue $0x7FFFFFFF  }
0x45: {  	[tilespmem:s18], [sflag:$0x1] =	stream.indirect_vreg.gather [hbm4b:s2+s10], $0x1, v1, vm0, $0x4038;
	[tilespmem:$0x600] =	vst v63  }
0x46: {  	s18 =	sadd.s32 $0x10, s17  }
0x47: {  	v1 =	vld.msk [tilespmem:s18+$0x0 ss:$0x1], $0xffff  }
0x48: {  	s19 =	simm.s32 $0x40;
	s17 =	simm.s32 $0x20  }
.LBB2_3:
0x49: {  	p1 =	sne.s32 s19, $0x1E0;
	_ =	sdelay $0x2  }
0x4a: {  	v2 =	vshrl.u32 v1, $0x8  }
0x4b: {  	vm1 =	veq.s32 v1, $0x80000000;
	s15 =	sadd.s32 $0xFFFFFFF0, s15;
	v2 =	vand.u32 $0x7FF, v2  }
0x4c: {  	v1 =	vshll.u32 v1, $0xC;
	p2 =	sgt.s32 s15, $0x0;
	s20 =	smov.u32 s15;
	v2 =	vsel vm1, $0xFFFFFFFF, v2  }
0x4d: {  	v1 =	vand.u32 $0xFF000, v1;
	s20 =	simm.s32 @!p2 $0x0;
	v3 =	vshll.u32 v2, $0x1  }
0x4e: {  	v1 =	vsel vm1, $0xFFFFF000, v1;
	s20 =	smin.u32 s20, $0x10;
	v3 =	vand.u32 $0xFFFFFF00, v3  }
0x4f: {  	v2 =	vand.u32 $0x7F, v2;
	v1 =	vadd.s32 v1, v3;
	v3 =	vmov s20  }
0x50: {  	v1 =	vor.u32 v2, v1;
	vm1 =	vgt.u32 v3, v0  }
0x51: {  	v2 =	vnsel vm1, $0x7FFFFFFF, v1;
	_ =	sdelay $0x1  }
0x52: {  	s16 =	sadd.s32 $0x10, s16;
	s20 =	sand.u32 $0x100, s17;
	s17 =	smov.u32 s19;
	v1 =	vor.u32 $0x80, v1  }
0x53: {  	s21 =	sand.u32 $0x70, s16;
	s20 =	sadd.s32 s20, s14;
	v1 =	vnsel vm1, $0x7FFFFFFF, v1;
	(ifvalue) =	ssetifvalue $0x7FFFFFFF  }
0x54: {  	s20 =	sadd.s32 s21, s20;
	(ifvalue) =	ssetifvalue $0x7FFFFFFF  }
0x55: {  	[tilespmem:s20], [sflag:$0x1] =	stream.indirect_vreg.gather [hbm4b:s2+s10], $0x1, v2, vm0, $0x4038;
	[tilespmem:$0x600] =	vst v63  }
0x56: {  	s18 =	sadd.s32 $0x10, s18;
	(ifvalue) =	ssetifvalue $0x7FFFFFFF  }
.Ltmp3:
0x57: {  	s20 =	sadd.s32 $0x80, s20;
	(ifvalue) =	ssetifvalue $0x7FFFFFFF;
	(pc) =	sbr.rel @p1 .LBB2_3-.Ltmp3, $3  }
0x58: {  	[tilespmem:s20], [sflag:$0x1] =	stream.indirect_vreg.gather [hbm4b:s2+s10], $0x1, v1, vm0, $0x4038;
	[tilespmem:$0x600] =	vst v63  }
0x59: {  	v1 =	vld.msk [tilespmem:s18+$0x0 ss:$0x1], $0xffff;
	_ =	sdelay $0x1  }
0x5a: {  	s19 =	sadd.s32 $0x20, s19  }
.Ltmp4:
0x5b: {  	_ = 	snop;
	(pc) =	sbr.rel .LBB2_4-.Ltmp4, $1  }
0x5c: {  	_ =	sdelay $0x3  }
.LBB2_6:
0x5d: {  	_ =	sfence.sel $0x180000  }
0x5e: {  	s2 =	simm.s32 $0x2;
	[bflag:$0x0] =	sbarrier.arrive $0xFFFF  }
0x5f: {  	s30 =	simm.s32 $0x3;
	[sflag:s2] =	ssyncpa.u1 $0x1  }
0x60: {  	s31 =	simm.s32 $0x1;
	[sflag:s30] =	ssyncpa.u1 $0x1  }
0x61: {  	[sflag:s31] =	ssyncpa.u1 $0x1  }
0x62: {  	p0 =	sne.s32 s0, $0x0;
	_ =	strace $0x90000047  }
0x63: {  	s0 =	sadd.s32 @!p0 $0x100000, s1;
	[bflag:$0x2] =	sbarrier.arrive $0xFFFF  }
0x64: {  	[sflag:s0] =	ssyncadd.tile.s32 @!p0 $0x1;
	_ =	shalt  }
.Lfunc_end2:
_tile_overlayer_lowered:
.L_overlay_start_2:
0x65: {  	(tag) =	ssettag $0x2  }
0x66: {  	s0 =	rddreg [dreg:$0x0];
	s2 =	stileid.u32  }
0x67: {  	s1 =	rddreg [dreg:$0x1];
	p0 =	sne.s32 s2, $0x0  }
0x68: {  	s3 =	rddreg [dreg:$0x2];
	[bflag:$0x3] =	sbarrier.arrive $0xFFFF;
	s2 =	simm.s32 @!p0 $0x1C01  }
0x69: {  	[timem:s3], [sflag:s2] =	dma.local @!p0 [hbm:s0], s1  }
0x6a: {  	s0 =	simm.s32 @!p0 $0x1  }
0x6b: {  	_ =	swait.ge @!p0 [sflag:s0], s1  }
0x6c: {  	s1 =	ssub.s32 @!p0 $0x0, s1;
	[sflag:s0] =	ssyncset.done @!p0 $0x0  }
0x6d: {  	[sflag:s0] =	ssyncadd.s32 @!p0 s1  }
0x6e: {  	[bflag:$0x3] =	sbarrier.arrive $0xFFFF  }
0x6f: {  	_ =	shalt  }

</sc_bundles>
